<compile_context>
chip_gen: v7x
topology: tpu7x:2x2x1
jax: 0.10.2.dev20260603
libtpu: 0.0.44.dev20260713+nightly
codegen_flags: <defaults>
</compile_context>

<pallas_src>
import jax
import jax.numpy as jnp
from jax import lax
from jax.experimental import pallas as pl
from jax.experimental.pallas import tpu as pltpu
from jax.experimental.pallas import tpu_sc as plsc

_B = 8
_N = 4096
_D = 64
_K = 16
_R = _B * _N * _K
_NW = 32
_ROWS_PER_W = _R // _NW
_PTS_PER_W = _B * _N // _NW
_CH_PTS = 16
_CH = _CH_PTS * _K
_NGATH = _CH // 128
_ITERS = _PTS_PER_W // _CH_PTS


def _edge_body(x_hbm, idx_hbm, out_hbm,
               idx_v0, idx_v1, cen_v0, cen_v1, chf_v0, chf_v1,
               dhf_v0, dhf_v1,
               i_sem0, i_sem1, c_sem0, c_sem1, g_sem0, g_sem1,
               oc_sem0, oc_sem1, od_sem0, od_sem1):
    nc = 2
    wid = lax.axis_index("s") * nc + lax.axis_index("c")
    tab_base = (wid // (_N // _PTS_PER_W)) * _N

    idx_v = (idx_v0, idx_v1)
    cen_v = (cen_v0, cen_v1)
    chf_v = (chf_v0, chf_v1)
    dhf_v = (dhf_v0, dhf_v1)
    i_sem = (i_sem0, i_sem1)
    c_sem = (c_sem0, c_sem1)
    g_sem = (g_sem0, g_sem1)
    oc_sem = (oc_sem0, oc_sem1)
    od_sem = (od_sem0, od_sem1)

    def idx_slice(t):
        return idx_hbm.at[pl.ds(wid * (_ROWS_PER_W // 128) + t * _NGATH,
                                _NGATH)]

    def cen_slice(t):
        return x_hbm.at[pl.ds(wid * _PTS_PER_W + t * _CH_PTS, _CH_PTS)]

    def outc_slice(t):
        return out_hbm.at[pl.ds(wid * _ROWS_PER_W + t * _CH, _CH), 0]

    def outd_slice(t):
        return out_hbm.at[pl.ds(wid * _ROWS_PER_W + t * _CH, _CH), 1]

    def gath_descr(t, b, g):
        return pltpu.make_async_copy(
            x_hbm.at[idx_v[b].at[g]],
            dhf_v[b].at[pl.ds(g * 128, 128)], g_sem[b])

    def issue_inputs(t, b):
        pltpu.async_copy(idx_slice(t), idx_v[b], i_sem[b])
        pltpu.async_copy(cen_slice(t), cen_v[b], c_sem[b])

    def process(t, b):
        nb = 1 - b

        @pl.when(t >= 2)
        def _():
            pltpu.make_async_copy(chf_v[b], outc_slice(t - 2), oc_sem[b]).wait()
            pltpu.make_async_copy(dhf_v[b], outd_slice(t - 2), od_sem[b]).wait()

        pltpu.make_async_copy(idx_slice(t), idx_v[b], i_sem[b]).wait()
        for g in range(_NGATH):
            for j in range(128 // 16):
                sl = pl.ds(j * 16, 16)
                idx_v[b][g, sl] = idx_v[b][g, sl] + tab_base

        pltpu.make_async_copy(cen_slice(t), cen_v[b], c_sem[b]).wait()
        zero = jnp.zeros((16,), jnp.float32)

        def pbody(p, c2):
            cs = [cen_v[b][p, pl.ds(dch * 16, 16)] for dch in range(_D // 16)]
            ns = [zero - c for c in cs]
            r0 = p * _K
            for kk in range(_K):
                for dch in range(_D // 16):
                    sl = pl.ds(dch * 16, 16)
                    chf_v[b][r0 + kk, sl] = cs[dch]
                    dhf_v[b][r0 + kk, sl] = ns[dch]
            return c2

        lax.fori_loop(0, _CH_PTS, pbody, 0)

        for g in range(_NGATH):
            pltpu.async_copy(x_hbm.at[idx_v[b].at[g]],
                             dhf_v[b].at[pl.ds(g * 128, 128)], g_sem[b],
                             add=True)

        @pl.when(t >= 1)
        def _():
            for g in range(_NGATH):
                gath_descr(t - 1, nb, g).wait()
            pltpu.async_copy(chf_v[nb], outc_slice(t - 1), oc_sem[nb])
            pltpu.async_copy(dhf_v[nb], outd_slice(t - 1), od_sem[nb])

            @pl.when(t + 1 < _ITERS)
            def _():
                issue_inputs(t + 1, nb)

    issue_inputs(0, 0)
    issue_inputs(1, 1)

    def body(u, carry):
        process(2 * u, 0)
        process(2 * u + 1, 1)
        return carry

    lax.fori_loop(0, _ITERS // 2, body, 0)

    last = _ITERS - 1
    for g in range(_NGATH):
        gath_descr(last, 1, g).wait()
    pltpu.async_copy(chf_v[1], outc_slice(last), oc_sem[1])
    pltpu.async_copy(dhf_v[1], outd_slice(last), od_sem[1])
    pltpu.make_async_copy(chf_v[0], outc_slice(last - 1), oc_sem[0]).wait()
    pltpu.make_async_copy(dhf_v[0], outd_slice(last - 1), od_sem[0]).wait()
    pltpu.make_async_copy(chf_v[1], outc_slice(last), oc_sem[1]).wait()
    pltpu.make_async_copy(dhf_v[1], outd_slice(last), od_sem[1]).wait()


_run = pl.kernel(
    _edge_body,
    out_type=jax.ShapeDtypeStruct((_R, 2, _D), jnp.float32),
    mesh=plsc.VectorSubcoreMesh(core_axis_name="c", subcore_axis_name="s"),
    scratch_types=[
        pltpu.VMEM((_NGATH, 128), jnp.int32),
        pltpu.VMEM((_NGATH, 128), jnp.int32),
        pltpu.VMEM((_CH_PTS, _D), jnp.float32),
        pltpu.VMEM((_CH_PTS, _D), jnp.float32),
        pltpu.VMEM((_CH, _D), jnp.float32),
        pltpu.VMEM((_CH, _D), jnp.float32),
        pltpu.VMEM((_CH, _D), jnp.float32),
        pltpu.VMEM((_CH, _D), jnp.float32),
        pltpu.SemaphoreType.DMA,
        pltpu.SemaphoreType.DMA,
        pltpu.SemaphoreType.DMA,
        pltpu.SemaphoreType.DMA,
        pltpu.SemaphoreType.DMA,
        pltpu.SemaphoreType.DMA,
        pltpu.SemaphoreType.DMA,
        pltpu.SemaphoreType.DMA,
        pltpu.SemaphoreType.DMA,
        pltpu.SemaphoreType.DMA,
    ],
    compiler_params=pltpu.CompilerParams(use_tc_tiling_on_sc=False),
)


def kernel(X_inputs, nn_idx):
    x_flat = X_inputs.reshape(_B * _N, _D)
    idx_flat = nn_idx.astype(jnp.int32).reshape(_R // 128, 128)
    out = _run(x_flat, idx_flat)
    return out.reshape(_B, _N, _K, 2 * _D)

# --- scband reference (transcript-rebuilt; emitter-appended) ---
"""Pipeline reference for scband-edge-feature-layer-39444979647063 (READ-ONLY COPY).

The authoritative reference and input builder live on the scoring server;
editing this copy changes nothing except your own understanding.
"""

import jax, jax.numpy as jnp
import numpy as np

K = 16

def setup_inputs(seed: int = 0) -> dict:
    key = jax.random.key(seed)
    k1, k2 = jax.random.split(key)
    X_inputs = jax.random.normal(k1, (8, 4096, 64), dtype=jnp.float32)
    nn_idx = jax.random.randint(k2, (8, 4096, 16), 0, 4096, dtype=jnp.int64 if jax.config.jax_enable_x64 else jnp.int32)
    return {"X_inputs": X_inputs, "nn_idx": nn_idx}

def reference(X_inputs, nn_idx):
    batch_size, num_points, num_dims = X_inputs.shape
    idx_ = jnp.arange(batch_size).reshape(-1, 1, 1) * num_points
    flat = X_inputs.reshape(-1, num_dims)
    mesh_neighbors = flat[nn_idx + idx_]
    mesh_central = jnp.broadcast_to(X_inputs[:, :, None, :], (batch_size, num_points, K, num_dims))
    edge_feature = jnp.concatenate([mesh_central, mesh_neighbors - mesh_central], axis=-1)
    return edge_feature

if __name__ == "__main__":
    import jax
    _d = setup_inputs()
    print(jax.jit(kernel)(*tuple(_d.values())))

</pallas_src>

<mosaic_0001>
#map = affine_map<(d0, d1) -> (0, 0)>
#map1 = affine_map<(d0, d1) -> (0, 0, 0)>
module attributes {stable_mosaic.version = 14 : i64} {
  func.func @_edge_body(%arg0: i32, %arg1: i32, %arg2: memref<32768x64xf32, #tpu.memory_space<hbm>>, %arg3: memref<4096x128xi32, #tpu.memory_space<hbm>>, %arg4: memref<524288x2x64xf32, #tpu.memory_space<hbm>>, %arg5: memref<2x128xi32, #tpu.memory_space<vmem>>, %arg6: memref<2x128xi32, #tpu.memory_space<vmem>>, %arg7: memref<16x64xf32, #tpu.memory_space<vmem>>, %arg8: memref<16x64xf32, #tpu.memory_space<vmem>>, %arg9: memref<256x64xf32, #tpu.memory_space<vmem>>, %arg10: memref<256x64xf32, #tpu.memory_space<vmem>>, %arg11: memref<256x64xf32, #tpu.memory_space<vmem>>, %arg12: memref<256x64xf32, #tpu.memory_space<vmem>>, %arg13: memref<!tpu.dma_semaphore, #tpu.memory_space<semaphore_mem>>, %arg14: memref<!tpu.dma_semaphore, #tpu.memory_space<semaphore_mem>>, %arg15: memref<!tpu.dma_semaphore, #tpu.memory_space<semaphore_mem>>, %arg16: memref<!tpu.dma_semaphore, #tpu.memory_space<semaphore_mem>>, %arg17: memref<!tpu.dma_semaphore, #tpu.memory_space<semaphore_mem>>, %arg18: memref<!tpu.dma_semaphore, #tpu.memory_space<semaphore_mem>>, %arg19: memref<!tpu.dma_semaphore, #tpu.memory_space<semaphore_mem>>, %arg20: memref<!tpu.dma_semaphore, #tpu.memory_space<semaphore_mem>>, %arg21: memref<!tpu.dma_semaphore, #tpu.memory_space<semaphore_mem>>, %arg22: memref<!tpu.dma_semaphore, #tpu.memory_space<semaphore_mem>>) attributes {dimension_semantics = [#tpu.dimension_semantics<core_parallel>, #tpu.dimension_semantics<subcore_parallel>], iteration_bounds = array<i64: 2, 16>, scalar_prefetch = 0 : i64, scratch_operands = 18 : i64, tpu.core_type = #tpu.core_type<sc_vector_subcore>, window_params = [{transform_indices = #map}, {transform_indices = #map}, {transform_indices = #map1}]} {
    %mul3A = arith.constant 2 : i32
    %mul3A_0 = arith.muli %arg1, %mul3A : i32
    %add3A = arith.addi %mul3A_0, %arg0 : i32
    %jit3A = arith.constant 4 : i32
    %div3A = arith.divsi %add3A, %jit3A : i32
    %sign3A = arith.constant 0 : i32
    %sign3A_1 = arith.cmpi sgt, %add3A, %sign3A : i32
    %sign3A_2 = arith.extui %sign3A_1 : i1 to i32
    %sign3A_3 = arith.constant 0 : i32
    %sign3A_4 = arith.cmpi slt, %add3A, %sign3A_3 : i32
    %sign3A_5 = arith.extui %sign3A_4 : i1 to i32
    %sign3A_6 = arith.subi %sign3A_2, %sign3A_5 : i32
    %sign3A_7 = arith.constant 0 : i32
    %sign3A_8 = arith.cmpi sgt, %jit3A, %sign3A_7 : i32
    %sign3A_9 = arith.extui %sign3A_8 : i1 to i32
    %sign3A_10 = arith.constant 0 : i32
    %sign3A_11 = arith.cmpi slt, %jit3A, %sign3A_10 : i32
    %sign3A_12 = arith.extui %sign3A_11 : i1 to i32
    %sign3A_13 = arith.subi %sign3A_9, %sign3A_12 : i32
    %ne3A = arith.cmpi ne, %sign3A_6, %sign3A_13 : i32
    %rem3A = arith.remsi %add3A, %jit3A : i32
    %ne3A_14 = arith.constant 0 : i32
    %ne3A_15 = arith.cmpi ne, %rem3A, %ne3A_14 : i32
    %and3A = arith.andi %ne3A, %ne3A_15 : i1
    %sub3A = arith.constant 1 : i32
    %sub3A_16 = arith.subi %div3A, %sub3A : i32
    %select_n3A = arith.select %and3A, %sub3A_16, %div3A : i32
    %mul3A_17 = arith.constant 4096 : i32
    %mul3A_18 = arith.muli %select_n3A, %mul3A_17 : i32
    %mul3A_19 = arith.constant 128 : i32
    %mul3A_20 = arith.muli %add3A, %mul3A_19 : i32
    %add3A_21 = arith.constant 0 : i32
    %add3A_22 = arith.addi %mul3A_20, %add3A_21 : i32
    %dma_start3A = arith.constant 0 : i32
    %dma_start3A_23 = tpu.memref_slice %arg3[%add3A_22, %dma_start3A] : memref<4096x128xi32, #tpu.memory_space<hbm>> -> memref<2x128xi32, #tpu.memory_space<hbm>>
    %dma_start3A_24 = arith.constant 0 : i32
    %dma_start3A_25 = tpu.memref_slice %arg3[%add3A_22, %dma_start3A_24] : memref<4096x128xi32, #tpu.memory_space<hbm>> -> memref<2x128xi32, #tpu.memory_space<hbm>>
    tpu.enqueue_dma source(%dma_start3A_25 : memref<2x128xi32, #tpu.memory_space<hbm>>) target(%arg5 : memref<2x128xi32, #tpu.memory_space<vmem>>) target_semaphore(%arg13 : memref<!tpu.dma_semaphore, #tpu.memory_space<semaphore_mem>>)
    %mul3A_26 = arith.constant 1024 : i32
    %mul3A_27 = arith.muli %add3A, %mul3A_26 : i32
    %add3A_28 = arith.constant 0 : i32
    %add3A_29 = arith.addi %mul3A_27, %add3A_28 : i32
    %dma_start3A_30 = arith.constant 0 : i32
    %dma_start3A_31 = tpu.memref_slice %arg2[%add3A_29, %dma_start3A_30] : memref<32768x64xf32, #tpu.memory_space<hbm>> -> memref<16x64xf32, #tpu.memory_space<hbm>>
    %dma_start3A_32 = arith.constant 0 : i32
    %dma_start3A_33 = tpu.memref_slice %arg2[%add3A_29, %dma_start3A_32] : memref<32768x64xf32, #tpu.memory_space<hbm>> -> memref<16x64xf32, #tpu.memory_space<hbm>>
    tpu.enqueue_dma source(%dma_start3A_33 : memref<16x64xf32, #tpu.memory_space<hbm>>) target(%arg7 : memref<16x64xf32, #tpu.memory_space<vmem>>) target_semaphore(%arg15 : memref<!tpu.dma_semaphore, #tpu.memory_space<semaphore_mem>>)
    %mul3A_34 = arith.constant 128 : i32
    %mul3A_35 = arith.muli %add3A, %mul3A_34 : i32
    %add3A_36 = arith.constant 2 : i32
    %add3A_37 = arith.addi %mul3A_35, %add3A_36 : i32
    %dma_start3A_38 = arith.constant 0 : i32
    %dma_start3A_39 = tpu.memref_slice %arg3[%add3A_37, %dma_start3A_38] : memref<4096x128xi32, #tpu.memory_space<hbm>> -> memref<2x128xi32, #tpu.memory_space<hbm>>
    %dma_start3A_40 = arith.constant 0 : i32
    %dma_start3A_41 = tpu.memref_slice %arg3[%add3A_37, %dma_start3A_40] : memref<4096x128xi32, #tpu.memory_space<hbm>> -> memref<2x128xi32, #tpu.memory_space<hbm>>
    tpu.enqueue_dma source(%dma_start3A_41 : memref<2x128xi32, #tpu.memory_space<hbm>>) target(%arg6 : memref<2x128xi32, #tpu.memory_space<vmem>>) target_semaphore(%arg14 : memref<!tpu.dma_semaphore, #tpu.memory_space<semaphore_mem>>)
    %mul3A_42 = arith.constant 1024 : i32
    %mul3A_43 = arith.muli %add3A, %mul3A_42 : i32
    %add3A_44 = arith.constant 16 : i32
    %add3A_45 = arith.addi %mul3A_43, %add3A_44 : i32
    %dma_start3A_46 = arith.constant 0 : i32
    %dma_start3A_47 = tpu.memref_slice %arg2[%add3A_45, %dma_start3A_46] : memref<32768x64xf32, #tpu.memory_space<hbm>> -> memref<16x64xf32, #tpu.memory_space<hbm>>
    %dma_start3A_48 = arith.constant 0 : i32
    %dma_start3A_49 = tpu.memref_slice %arg2[%add3A_45, %dma_start3A_48] : memref<32768x64xf32, #tpu.memory_space<hbm>> -> memref<16x64xf32, #tpu.memory_space<hbm>>
    tpu.enqueue_dma source(%dma_start3A_49 : memref<16x64xf32, #tpu.memory_space<hbm>>) target(%arg8 : memref<16x64xf32, #tpu.memory_space<vmem>>) target_semaphore(%arg16 : memref<!tpu.dma_semaphore, #tpu.memory_space<semaphore_mem>>)
    %scan3A = arith.constant 0 : i32
    %scan3A_50 = arith.constant 0 : i32
    %scan3A_51 = arith.constant 32 : i32
    %scan3A_52 = arith.addi %scan3A_50, %scan3A_51 : i32
    %scan3A_53 = arith.constant 1 : i32
    scf.for %scan3A_140 = %scan3A_50 to %scan3A_52 step %scan3A_53  : i32 {
      %mul3A_141 = arith.constant 2 : i32
      %mul3A_142 = arith.muli %mul3A_141, %scan3A_140 : i32
      %ge3A = arith.constant 2 : i32
      %ge3A_143 = arith.cmpi sge, %mul3A_142, %ge3A : i32
      %convert_element_type3A = arith.extui %ge3A_143 : i1 to i32
      %cond3A = arith.constant 0 : i32
      %cond3A_144 = arith.cmpi ne, %convert_element_type3A, %cond3A : i32
      scf.if %cond3A_144 {
        %sub3A_669 = arith.constant 2 : i32
        %sub3A_670 = arith.subi %mul3A_142, %sub3A_669 : i32
        %mul3A_671 = arith.constant 16384 : i32
        %mul3A_672 = arith.muli %add3A, %mul3A_671 : i32
        %mul3A_673 = arith.constant 256 : i32
        %mul3A_674 = arith.muli %sub3A_670, %mul3A_673 : i32
        %add3A_675 = arith.addi %mul3A_672, %mul3A_674 : i32
        %dma_wait3A_676 = arith.constant 0 : i32
        %dma_wait3A_677 = arith.constant 0 : i32
        %dma_wait3A_678 = tpu.memref_slice %arg4[%add3A_675, %dma_wait3A_676, %dma_wait3A_677] : memref<524288x2x64xf32, #tpu.memory_space<hbm>> -> memref<256x1x64xf32, #tpu.memory_space<hbm>>
        %dma_wait3A_679 = tpu.memref_squeeze %dma_wait3A_678 : memref<256x1x64xf32, #tpu.memory_space<hbm>> -> memref<256x64xf32, #tpu.memory_space<hbm>>
        %dma_wait3A_680 = arith.constant 0 : i32
        %dma_wait3A_681 = tpu.memref_slice %arg4[%add3A_675, %dma_wait3A_676, %dma_wait3A_680] : memref<524288x2x64xf32, #tpu.memory_space<hbm>> -> memref<256x1x64xf32, #tpu.memory_space<hbm>>
        %dma_wait3A_682 = tpu.memref_squeeze %dma_wait3A_681 : memref<256x1x64xf32, #tpu.memory_space<hbm>> -> memref<256x64xf32, #tpu.memory_space<hbm>>
        tpu.wait_dma2 semaphore(%arg19 : memref<!tpu.dma_semaphore, #tpu.memory_space<semaphore_mem>>) src(%arg9 : memref<256x64xf32, #tpu.memory_space<vmem>>) dst(%dma_wait3A_682 : memref<256x64xf32, #tpu.memory_space<hbm>>)
        %sub3A_683 = arith.constant 2 : i32
        %sub3A_684 = arith.subi %mul3A_142, %sub3A_683 : i32
        %mul3A_685 = arith.constant 16384 : i32
        %mul3A_686 = arith.muli %add3A, %mul3A_685 : i32
        %mul3A_687 = arith.constant 256 : i32
        %mul3A_688 = arith.muli %sub3A_684, %mul3A_687 : i32
        %add3A_689 = arith.addi %mul3A_686, %mul3A_688 : i32
        %dma_wait3A_690 = arith.constant 1 : i32
        %dma_wait3A_691 = arith.constant 0 : i32
        %dma_wait3A_692 = tpu.memref_slice %arg4[%add3A_689, %dma_wait3A_690, %dma_wait3A_691] : memref<524288x2x64xf32, #tpu.memory_space<hbm>> -> memref<256x1x64xf32, #tpu.memory_space<hbm>>
        %dma_wait3A_693 = tpu.memref_squeeze %dma_wait3A_692 : memref<256x1x64xf32, #tpu.memory_space<hbm>> -> memref<256x64xf32, #tpu.memory_space<hbm>>
        %dma_wait3A_694 = arith.constant 0 : i32
        %dma_wait3A_695 = tpu.memref_slice %arg4[%add3A_689, %dma_wait3A_690, %dma_wait3A_694] : memref<524288x2x64xf32, #tpu.memory_space<hbm>> -> memref<256x1x64xf32, #tpu.memory_space<hbm>>
        %dma_wait3A_696 = tpu.memref_squeeze %dma_wait3A_695 : memref<256x1x64xf32, #tpu.memory_space<hbm>> -> memref<256x64xf32, #tpu.memory_space<hbm>>
        tpu.wait_dma2 semaphore(%arg21 : memref<!tpu.dma_semaphore, #tpu.memory_space<semaphore_mem>>) src(%arg11 : memref<256x64xf32, #tpu.memory_space<vmem>>) dst(%dma_wait3A_696 : memref<256x64xf32, #tpu.memory_space<hbm>>)
      } else {
      }
      %mul3A_145 = arith.constant 128 : i32
      %mul3A_146 = arith.muli %add3A, %mul3A_145 : i32
      %mul3A_147 = arith.constant 2 : i32
      %mul3A_148 = arith.muli %mul3A_142, %mul3A_147 : i32
      %add3A_149 = arith.addi %mul3A_146, %mul3A_148 : i32
      %dma_wait3A_150 = arith.constant 0 : i32
      %dma_wait3A_151 = tpu.memref_slice %arg3[%add3A_149, %dma_wait3A_150] : memref<4096x128xi32, #tpu.memory_space<hbm>> -> memref<2x128xi32, #tpu.memory_space<hbm>>
      %dma_wait3A_152 = arith.constant 0 : i32
      %dma_wait3A_153 = tpu.memref_slice %arg3[%add3A_149, %dma_wait3A_152] : memref<4096x128xi32, #tpu.memory_space<hbm>> -> memref<2x128xi32, #tpu.memory_space<hbm>>
      tpu.wait_dma2 semaphore(%arg13 : memref<!tpu.dma_semaphore, #tpu.memory_space<semaphore_mem>>) src(%dma_wait3A_153 : memref<2x128xi32, #tpu.memory_space<hbm>>) dst(%arg5 : memref<2x128xi32, #tpu.memory_space<vmem>>)
      %get3A = arith.constant 0 : i32
      %get3A_154 = arith.index_cast %get3A : i32 to index
      %get3A_155 = arith.constant 0 : index
      %get3A_156 = tpu.vector_load %arg5[%get3A_154, %get3A_155] {strides = array<i32>} : memref<2x128xi32, #tpu.memory_space<vmem>>, vector<1x16xi32>,
      %get3A_157 = vector.shape_cast %get3A_156 : vector<1x16xi32> to vector<16xi32>
      %add3A_158 = vector.broadcast %mul3A_18 : i32 to vector<16xi32>
      %add3A_159 = arith.addi %get3A_157, %add3A_158 : vector<16xi32>
      %swap3A = arith.constant 0 : i32
      %swap3A_160 = arith.index_cast %swap3A : i32 to index
      %swap3A_161 = arith.constant 0 : index
      %swap3A_162 = tpu.vector_load %arg5[%swap3A_160, %swap3A_161] {strides = array<i32>} : memref<2x128xi32, #tpu.memory_space<vmem>>, vector<1x16xi32>,
      %swap3A_163 = vector.shape_cast %swap3A_162 : vector<1x16xi32> to vector<16xi32>
      %swap3A_164 = vector.shape_cast %add3A_159 : vector<16xi32> to vector<1x16xi32>
      tpu.vector_store %arg5[%swap3A_160, %swap3A_161], %swap3A_164 {strides = array<i32>} : memref<2x128xi32, #tpu.memory_space<vmem>>, vector<1x16xi32>,
      %get3A_165 = arith.constant 0 : i32
      %get3A_166 = arith.index_cast %get3A_165 : i32 to index
      %get3A_167 = arith.constant 16 : index
      %get3A_168 = tpu.vector_load %arg5[%get3A_166, %get3A_167] {strides = array<i32>} : memref<2x128xi32, #tpu.memory_space<vmem>>, vector<1x16xi32>,
      %get3A_169 = vector.shape_cast %get3A_168 : vector<1x16xi32> to vector<16xi32>
      %add3A_170 = vector.broadcast %mul3A_18 : i32 to vector<16xi32>
      %add3A_171 = arith.addi %get3A_169, %add3A_170 : vector<16xi32>
      %swap3A_172 = arith.constant 0 : i32
      %swap3A_173 = arith.index_cast %swap3A_172 : i32 to index
      %swap3A_174 = arith.constant 16 : index
      %swap3A_175 = tpu.vector_load %arg5[%swap3A_173, %swap3A_174] {strides = array<i32>} : memref<2x128xi32, #tpu.memory_space<vmem>>, vector<1x16xi32>,
      %swap3A_176 = vector.shape_cast %swap3A_175 : vector<1x16xi32> to vector<16xi32>
      %swap3A_177 = vector.shape_cast %add3A_171 : vector<16xi32> to vector<1x16xi32>
      tpu.vector_store %arg5[%swap3A_173, %swap3A_174], %swap3A_177 {strides = array<i32>} : memref<2x128xi32, #tpu.memory_space<vmem>>, vector<1x16xi32>,
      %get3A_178 = arith.constant 0 : i32
      %get3A_179 = arith.index_cast %get3A_178 : i32 to index
      %get3A_180 = arith.constant 32 : index
      %get3A_181 = tpu.vector_load %arg5[%get3A_179, %get3A_180] {strides = array<i32>} : memref<2x128xi32, #tpu.memory_space<vmem>>, vector<1x16xi32>,
      %get3A_182 = vector.shape_cast %get3A_181 : vector<1x16xi32> to vector<16xi32>
      %add3A_183 = vector.broadcast %mul3A_18 : i32 to vector<16xi32>
      %add3A_184 = arith.addi %get3A_182, %add3A_183 : vector<16xi32>
      %swap3A_185 = arith.constant 0 : i32
      %swap3A_186 = arith.index_cast %swap3A_185 : i32 to index
      %swap3A_187 = arith.constant 32 : index
      %swap3A_188 = tpu.vector_load %arg5[%swap3A_186, %swap3A_187] {strides = array<i32>} : memref<2x128xi32, #tpu.memory_space<vmem>>, vector<1x16xi32>,
      %swap3A_189 = vector.shape_cast %swap3A_188 : vector<1x16xi32> to vector<16xi32>
      %swap3A_190 = vector.shape_cast %add3A_184 : vector<16xi32> to vector<1x16xi32>
      tpu.vector_store %arg5[%swap3A_186, %swap3A_187], %swap3A_190 {strides = array<i32>} : memref<2x128xi32, #tpu.memory_space<vmem>>, vector<1x16xi32>,
      %get3A_191 = arith.constant 0 : i32
      %get3A_192 = arith.index_cast %get3A_191 : i32 to index
      %get3A_193 = arith.constant 48 : index
      %get3A_194 = tpu.vector_load %arg5[%get3A_192, %get3A_193] {strides = array<i32>} : memref<2x128xi32, #tpu.memory_space<vmem>>, vector<1x16xi32>,
      %get3A_195 = vector.shape_cast %get3A_194 : vector<1x16xi32> to vector<16xi32>
      %add3A_196 = vector.broadcast %mul3A_18 : i32 to vector<16xi32>
      %add3A_197 = arith.addi %get3A_195, %add3A_196 : vector<16xi32>
      %swap3A_198 = arith.constant 0 : i32
      %swap3A_199 = arith.index_cast %swap3A_198 : i32 to index
      %swap3A_200 = arith.constant 48 : index
      %swap3A_201 = tpu.vector_load %arg5[%swap3A_199, %swap3A_200] {strides = array<i32>} : memref<2x128xi32, #tpu.memory_space<vmem>>, vector<1x16xi32>,
      %swap3A_202 = vector.shape_cast %swap3A_201 : vector<1x16xi32> to vector<16xi32>
      %swap3A_203 = vector.shape_cast %add3A_197 : vector<16xi32> to vector<1x16xi32>
      tpu.vector_store %arg5[%swap3A_199, %swap3A_200], %swap3A_203 {strides = array<i32>} : memref<2x128xi32, #tpu.memory_space<vmem>>, vector<1x16xi32>,
      %get3A_204 = arith.constant 0 : i32
      %get3A_205 = arith.index_cast %get3A_204 : i32 to index
      %get3A_206 = arith.constant 64 : index
      %get3A_207 = tpu.vector_load %arg5[%get3A_205, %get3A_206] {strides = array<i32>} : memref<2x128xi32, #tpu.memory_space<vmem>>, vector<1x16xi32>,
      %get3A_208 = vector.shape_cast %get3A_207 : vector<1x16xi32> to vector<16xi32>
      %add3A_209 = vector.broadcast %mul3A_18 : i32 to vector<16xi32>
      %add3A_210 = arith.addi %get3A_208, %add3A_209 : vector<16xi32>
      %swap3A_211 = arith.constant 0 : i32
      %swap3A_212 = arith.index_cast %swap3A_211 : i32 to index
      %swap3A_213 = arith.constant 64 : index
      %swap3A_214 = tpu.vector_load %arg5[%swap3A_212, %swap3A_213] {strides = array<i32>} : memref<2x128xi32, #tpu.memory_space<vmem>>, vector<1x16xi32>,
      %swap3A_215 = vector.shape_cast %swap3A_214 : vector<1x16xi32> to vector<16xi32>
      %swap3A_216 = vector.shape_cast %add3A_210 : vector<16xi32> to vector<1x16xi32>
      tpu.vector_store %arg5[%swap3A_212, %swap3A_213], %swap3A_216 {strides = array<i32>} : memref<2x128xi32, #tpu.memory_space<vmem>>, vector<1x16xi32>,
      %get3A_217 = arith.constant 0 : i32
      %get3A_218 = arith.index_cast %get3A_217 : i32 to index
      %get3A_219 = arith.constant 80 : index
      %get3A_220 = tpu.vector_load %arg5[%get3A_218, %get3A_219] {strides = array<i32>} : memref<2x128xi32, #tpu.memory_space<vmem>>, vector<1x16xi32>,
      %get3A_221 = vector.shape_cast %get3A_220 : vector<1x16xi32> to vector<16xi32>
      %add3A_222 = vector.broadcast %mul3A_18 : i32 to vector<16xi32>
      %add3A_223 = arith.addi %get3A_221, %add3A_222 : vector<16xi32>
      %swap3A_224 = arith.constant 0 : i32
      %swap3A_225 = arith.index_cast %swap3A_224 : i32 to index
      %swap3A_226 = arith.constant 80 : index
      %swap3A_227 = tpu.vector_load %arg5[%swap3A_225, %swap3A_226] {strides = array<i32>} : memref<2x128xi32, #tpu.memory_space<vmem>>, vector<1x16xi32>,
      %swap3A_228 = vector.shape_cast %swap3A_227 : vector<1x16xi32> to vector<16xi32>
      %swap3A_229 = vector.shape_cast %add3A_223 : vector<16xi32> to vector<1x16xi32>
      tpu.vector_store %arg5[%swap3A_225, %swap3A_226], %swap3A_229 {strides = array<i32>} : memref<2x128xi32, #tpu.memory_space<vmem>>, vector<1x16xi32>,
      %get3A_230 = arith.constant 0 : i32
      %get3A_231 = arith.index_cast %get3A_230 : i32 to index
      %get3A_232 = arith.constant 96 : index
      %get3A_233 = tpu.vector_load %arg5[%get3A_231, %get3A_232] {strides = array<i32>} : memref<2x128xi32, #tpu.memory_space<vmem>>, vector<1x16xi32>,
      %get3A_234 = vector.shape_cast %get3A_233 : vector<1x16xi32> to vector<16xi32>
      %add3A_235 = vector.broadcast %mul3A_18 : i32 to vector<16xi32>
      %add3A_236 = arith.addi %get3A_234, %add3A_235 : vector<16xi32>
      %swap3A_237 = arith.constant 0 : i32
      %swap3A_238 = arith.index_cast %swap3A_237 : i32 to index
      %swap3A_239 = arith.constant 96 : index
      %swap3A_240 = tpu.vector_load %arg5[%swap3A_238, %swap3A_239] {strides = array<i32>} : memref<2x128xi32, #tpu.memory_space<vmem>>, vector<1x16xi32>,
      %swap3A_241 = vector.shape_cast %swap3A_240 : vector<1x16xi32> to vector<16xi32>
      %swap3A_242 = vector.shape_cast %add3A_236 : vector<16xi32> to vector<1x16xi32>
      tpu.vector_store %arg5[%swap3A_238, %swap3A_239], %swap3A_242 {strides = array<i32>} : memref<2x128xi32, #tpu.memory_space<vmem>>, vector<1x16xi32>,
      %get3A_243 = arith.constant 0 : i32
      %get3A_244 = arith.index_cast %get3A_243 : i32 to index
      %get3A_245 = arith.constant 112 : index
      %get3A_246 = tpu.vector_load %arg5[%get3A_244, %get3A_245] {strides = array<i32>} : memref<2x128xi32, #tpu.memory_space<vmem>>, vector<1x16xi32>,
      %get3A_247 = vector.shape_cast %get3A_246 : vector<1x16xi32> to vector<16xi32>
      %add3A_248 = vector.broadcast %mul3A_18 : i32 to vector<16xi32>
      %add3A_249 = arith.addi %get3A_247, %add3A_248 : vector<16xi32>
      %swap3A_250 = arith.constant 0 : i32
      %swap3A_251 = arith.index_cast %swap3A_250 : i32 to index
      %swap3A_252 = arith.constant 112 : index
      %swap3A_253 = tpu.vector_load %arg5[%swap3A_251, %swap3A_252] {strides = array<i32>} : memref<2x128xi32, #tpu.memory_space<vmem>>, vector<1x16xi32>,
      %swap3A_254 = vector.shape_cast %swap3A_253 : vector<1x16xi32> to vector<16xi32>
      %swap3A_255 = vector.shape_cast %add3A_249 : vector<16xi32> to vector<1x16xi32>
      tpu.vector_store %arg5[%swap3A_251, %swap3A_252], %swap3A_255 {strides = array<i32>} : memref<2x128xi32, #tpu.memory_space<vmem>>, vector<1x16xi32>,
      %get3A_256 = arith.constant 1 : i32
      %get3A_257 = arith.index_cast %get3A_256 : i32 to index
      %get3A_258 = arith.constant 0 : index
      %get3A_259 = tpu.vector_load %arg5[%get3A_257, %get3A_258] {strides = array<i32>} : memref<2x128xi32, #tpu.memory_space<vmem>>, vector<1x16xi32>,
      %get3A_260 = vector.shape_cast %get3A_259 : vector<1x16xi32> to vector<16xi32>
      %add3A_261 = vector.broadcast %mul3A_18 : i32 to vector<16xi32>
      %add3A_262 = arith.addi %get3A_260, %add3A_261 : vector<16xi32>
      %swap3A_263 = arith.constant 1 : i32
      %swap3A_264 = arith.index_cast %swap3A_263 : i32 to index
      %swap3A_265 = arith.constant 0 : index
      %swap3A_266 = tpu.vector_load %arg5[%swap3A_264, %swap3A_265] {strides = array<i32>} : memref<2x128xi32, #tpu.memory_space<vmem>>, vector<1x16xi32>,
      %swap3A_267 = vector.shape_cast %swap3A_266 : vector<1x16xi32> to vector<16xi32>
      %swap3A_268 = vector.shape_cast %add3A_262 : vector<16xi32> to vector<1x16xi32>
      tpu.vector_store %arg5[%swap3A_264, %swap3A_265], %swap3A_268 {strides = array<i32>} : memref<2x128xi32, #tpu.memory_space<vmem>>, vector<1x16xi32>,
      %get3A_269 = arith.constant 1 : i32
      %get3A_270 = arith.index_cast %get3A_269 : i32 to index
      %get3A_271 = arith.constant 16 : index
      %get3A_272 = tpu.vector_load %arg5[%get3A_270, %get3A_271] {strides = array<i32>} : memref<2x128xi32, #tpu.memory_space<vmem>>, vector<1x16xi32>,
      %get3A_273 = vector.shape_cast %get3A_272 : vector<1x16xi32> to vector<16xi32>
      %add3A_274 = vector.broadcast %mul3A_18 : i32 to vector<16xi32>
      %add3A_275 = arith.addi %get3A_273, %add3A_274 : vector<16xi32>
      %swap3A_276 = arith.constant 1 : i32
      %swap3A_277 = arith.index_cast %swap3A_276 : i32 to index
      %swap3A_278 = arith.constant 16 : index
      %swap3A_279 = tpu.vector_load %arg5[%swap3A_277, %swap3A_278] {strides = array<i32>} : memref<2x128xi32, #tpu.memory_space<vmem>>, vector<1x16xi32>,
      %swap3A_280 = vector.shape_cast %swap3A_279 : vector<1x16xi32> to vector<16xi32>
      %swap3A_281 = vector.shape_cast %add3A_275 : vector<16xi32> to vector<1x16xi32>
      tpu.vector_store %arg5[%swap3A_277, %swap3A_278], %swap3A_281 {strides = array<i32>} : memref<2x128xi32, #tpu.memory_space<vmem>>, vector<1x16xi32>,
      %get3A_282 = arith.constant 1 : i32
      %get3A_283 = arith.index_cast %get3A_282 : i32 to index
      %get3A_284 = arith.constant 32 : index
      %get3A_285 = tpu.vector_load %arg5[%get3A_283, %get3A_284] {strides = array<i32>} : memref<2x128xi32, #tpu.memory_space<vmem>>, vector<1x16xi32>,
      %get3A_286 = vector.shape_cast %get3A_285 : vector<1x16xi32> to vector<16xi32>
      %add3A_287 = vector.broadcast %mul3A_18 : i32 to vector<16xi32>
      %add3A_288 = arith.addi %get3A_286, %add3A_287 : vector<16xi32>
      %swap3A_289 = arith.constant 1 : i32
      %swap3A_290 = arith.index_cast %swap3A_289 : i32 to index
      %swap3A_291 = arith.constant 32 : index
      %swap3A_292 = tpu.vector_load %arg5[%swap3A_290, %swap3A_291] {strides = array<i32>} : memref<2x128xi32, #tpu.memory_space<vmem>>, vector<1x16xi32>,
      %swap3A_293 = vector.shape_cast %swap3A_292 : vector<1x16xi32> to vector<16xi32>
      %swap3A_294 = vector.shape_cast %add3A_288 : vector<16xi32> to vector<1x16xi32>
      tpu.vector_store %arg5[%swap3A_290, %swap3A_291], %swap3A_294 {strides = array<i32>} : memref<2x128xi32, #tpu.memory_space<vmem>>, vector<1x16xi32>,
      %get3A_295 = arith.constant 1 : i32
      %get3A_296 = arith.index_cast %get3A_295 : i32 to index
      %get3A_297 = arith.constant 48 : index
      %get3A_298 = tpu.vector_load %arg5[%get3A_296, %get3A_297] {strides = array<i32>} : memref<2x128xi32, #tpu.memory_space<vmem>>, vector<1x16xi32>,
      %get3A_299 = vector.shape_cast %get3A_298 : vector<1x16xi32> to vector<16xi32>
      %add3A_300 = vector.broadcast %mul3A_18 : i32 to vector<16xi32>
      %add3A_301 = arith.addi %get3A_299, %add3A_300 : vector<16xi32>
      %swap3A_302 = arith.constant 1 : i32
      %swap3A_303 = arith.index_cast %swap3A_302 : i32 to index
      %swap3A_304 = arith.constant 48 : index
      %swap3A_305 = tpu.vector_load %arg5[%swap3A_303, %swap3A_304] {strides = array<i32>} : memref<2x128xi32, #tpu.memory_space<vmem>>, vector<1x16xi32>,
      %swap3A_306 = vector.shape_cast %swap3A_305 : vector<1x16xi32> to vector<16xi32>
      %swap3A_307 = vector.shape_cast %add3A_301 : vector<16xi32> to vector<1x16xi32>
      tpu.vector_store %arg5[%swap3A_303, %swap3A_304], %swap3A_307 {strides = array<i32>} : memref<2x128xi32, #tpu.memory_space<vmem>>, vector<1x16xi32>,
      %get3A_308 = arith.constant 1 : i32
      %get3A_309 = arith.index_cast %get3A_308 : i32 to index
      %get3A_310 = arith.constant 64 : index
      %get3A_311 = tpu.vector_load %arg5[%get3A_309, %get3A_310] {strides = array<i32>} : memref<2x128xi32, #tpu.memory_space<vmem>>, vector<1x16xi32>,
      %get3A_312 = vector.shape_cast %get3A_311 : vector<1x16xi32> to vector<16xi32>
      %add3A_313 = vector.broadcast %mul3A_18 : i32 to vector<16xi32>
      %add3A_314 = arith.addi %get3A_312, %add3A_313 : vector<16xi32>
      %swap3A_315 = arith.constant 1 : i32
      %swap3A_316 = arith.index_cast %swap3A_315 : i32 to index
      %swap3A_317 = arith.constant 64 : index
      %swap3A_318 = tpu.vector_load %arg5[%swap3A_316, %swap3A_317] {strides = array<i32>} : memref<2x128xi32, #tpu.memory_space<vmem>>, vector<1x16xi32>,
      %swap3A_319 = vector.shape_cast %swap3A_318 : vector<1x16xi32> to vector<16xi32>
      %swap3A_320 = vector.shape_cast %add3A_314 : vector<16xi32> to vector<1x16xi32>
      tpu.vector_store %arg5[%swap3A_316, %swap3A_317], %swap3A_320 {strides = array<i32>} : memref<2x128xi32, #tpu.memory_space<vmem>>, vector<1x16xi32>,
      %get3A_321 = arith.constant 1 : i32
      %get3A_322 = arith.index_cast %get3A_321 : i32 to index
      %get3A_323 = arith.constant 80 : index
      %get3A_324 = tpu.vector_load %arg5[%get3A_322, %get3A_323] {strides = array<i32>} : memref<2x128xi32, #tpu.memory_space<vmem>>, vector<1x16xi32>,
      %get3A_325 = vector.shape_cast %get3A_324 : vector<1x16xi32> to vector<16xi32>
      %add3A_326 = vector.broadcast %mul3A_18 : i32 to vector<16xi32>
      %add3A_327 = arith.addi %get3A_325, %add3A_326 : vector<16xi32>
      %swap3A_328 = arith.constant 1 : i32
      %swap3A_329 = arith.index_cast %swap3A_328 : i32 to index
      %swap3A_330 = arith.constant 80 : index
      %swap3A_331 = tpu.vector_load %arg5[%swap3A_329, %swap3A_330] {strides = array<i32>} : memref<2x128xi32, #tpu.memory_space<vmem>>, vector<1x16xi32>,
      %swap3A_332 = vector.shape_cast %swap3A_331 : vector<1x16xi32> to vector<16xi32>
      %swap3A_333 = vector.shape_cast %add3A_327 : vector<16xi32> to vector<1x16xi32>
      tpu.vector_store %arg5[%swap3A_329, %swap3A_330], %swap3A_333 {strides = array<i32>} : memref<2x128xi32, #tpu.memory_space<vmem>>, vector<1x16xi32>,
      %get3A_334 = arith.constant 1 : i32
      %get3A_335 = arith.index_cast %get3A_334 : i32 to index
      %get3A_336 = arith.constant 96 : index
      %get3A_337 = tpu.vector_load %arg5[%get3A_335, %get3A_336] {strides = array<i32>} : memref<2x128xi32, #tpu.memory_space<vmem>>, vector<1x16xi32>,
      %get3A_338 = vector.shape_cast %get3A_337 : vector<1x16xi32> to vector<16xi32>
      %add3A_339 = vector.broadcast %mul3A_18 : i32 to vector<16xi32>
      %add3A_340 = arith.addi %get3A_338, %add3A_339 : vector<16xi32>
      %swap3A_341 = arith.constant 1 : i32
      %swap3A_342 = arith.index_cast %swap3A_341 : i32 to index
      %swap3A_343 = arith.constant 96 : index
      %swap3A_344 = tpu.vector_load %arg5[%swap3A_342, %swap3A_343] {strides = array<i32>} : memref<2x128xi32, #tpu.memory_space<vmem>>, vector<1x16xi32>,
      %swap3A_345 = vector.shape_cast %swap3A_344 : vector<1x16xi32> to vector<16xi32>
      %swap3A_346 = vector.shape_cast %add3A_340 : vector<16xi32> to vector<1x16xi32>
      tpu.vector_store %arg5[%swap3A_342, %swap3A_343], %swap3A_346 {strides = array<i32>} : memref<2x128xi32, #tpu.memory_space<vmem>>, vector<1x16xi32>,
      %get3A_347 = arith.constant 1 : i32
      %get3A_348 = arith.index_cast %get3A_347 : i32 to index
      %get3A_349 = arith.constant 112 : index
      %get3A_350 = tpu.vector_load %arg5[%get3A_348, %get3A_349] {strides = array<i32>} : memref<2x128xi32, #tpu.memory_space<vmem>>, vector<1x16xi32>,
      %get3A_351 = vector.shape_cast %get3A_350 : vector<1x16xi32> to vector<16xi32>
      %add3A_352 = vector.broadcast %mul3A_18 : i32 to vector<16xi32>
      %add3A_353 = arith.addi %get3A_351, %add3A_352 : vector<16xi32>
      %swap3A_354 = arith.constant 1 : i32
      %swap3A_355 = arith.index_cast %swap3A_354 : i32 to index
      %swap3A_356 = arith.constant 112 : index
      %swap3A_357 = tpu.vector_load %arg5[%swap3A_355, %swap3A_356] {strides = array<i32>} : memref<2x128xi32, #tpu.memory_space<vmem>>, vector<1x16xi32>,
      %swap3A_358 = vector.shape_cast %swap3A_357 : vector<1x16xi32> to vector<16xi32>
      %swap3A_359 = vector.shape_cast %add3A_353 : vector<16xi32> to vector<1x16xi32>
      tpu.vector_store %arg5[%swap3A_355, %swap3A_356], %swap3A_359 {strides = array<i32>} : memref<2x128xi32, #tpu.memory_space<vmem>>, vector<1x16xi32>,
      %mul3A_360 = arith.constant 1024 : i32
      %mul3A_361 = arith.muli %add3A, %mul3A_360 : i32
      %mul3A_362 = arith.constant 16 : i32
      %mul3A_363 = arith.muli %mul3A_142, %mul3A_362 : i32
      %add3A_364 = arith.addi %mul3A_361, %mul3A_363 : i32
      %dma_wait3A_365 = arith.constant 0 : i32
      %dma_wait3A_366 = tpu.memref_slice %arg2[%add3A_364, %dma_wait3A_365] : memref<32768x64xf32, #tpu.memory_space<hbm>> -> memref<16x64xf32, #tpu.memory_space<hbm>>
      %dma_wait3A_367 = arith.constant 0 : i32
      %dma_wait3A_368 = tpu.memref_slice %arg2[%add3A_364, %dma_wait3A_367] : memref<32768x64xf32, #tpu.memory_space<hbm>> -> memref<16x64xf32, #tpu.memory_space<hbm>>
      tpu.wait_dma2 semaphore(%arg15 : memref<!tpu.dma_semaphore, #tpu.memory_space<semaphore_mem>>) src(%dma_wait3A_368 : memref<16x64xf32, #tpu.memory_space<hbm>>) dst(%arg7 : memref<16x64xf32, #tpu.memory_space<vmem>>)
      %broadcast_in_dim3A = arith.constant 0.000000e+00 : f32
      %broadcast_in_dim3A_369 = vector.broadcast %broadcast_in_dim3A : f32 to vector<16xf32>
      %scan3A_370 = arith.constant 0 : i32
      %scan3A_371 = arith.constant 0 : i32
      %scan3A_372 = arith.constant 16 : i32
      %scan3A_373 = arith.addi %scan3A_371, %scan3A_372 : i32
      %scan3A_374 = arith.constant 1 : i32
      scf.for %scan3A_669 = %scan3A_371 to %scan3A_373 step %scan3A_374  : i32 {
        %get3A_670 = arith.index_cast %scan3A_669 : i32 to index
        %get3A_671 = arith.constant 0 : index
        %get3A_672 = tpu.vector_load %arg7[%get3A_670, %get3A_671] {strides = array<i32>} : memref<16x64xf32, #tpu.memory_space<vmem>>, vector<1x16xf32>,
        %get3A_673 = vector.shape_cast %get3A_672 : vector<1x16xf32> to vector<16xf32>
        %get3A_674 = arith.index_cast %scan3A_669 : i32 to index
        %get3A_675 = arith.constant 16 : index
        %get3A_676 = tpu.vector_load %arg7[%get3A_674, %get3A_675] {strides = array<i32>} : memref<16x64xf32, #tpu.memory_space<vmem>>, vector<1x16xf32>,
        %get3A_677 = vector.shape_cast %get3A_676 : vector<1x16xf32> to vector<16xf32>
        %get3A_678 = arith.index_cast %scan3A_669 : i32 to index
        %get3A_679 = arith.constant 32 : index
        %get3A_680 = tpu.vector_load %arg7[%get3A_678, %get3A_679] {strides = array<i32>} : memref<16x64xf32, #tpu.memory_space<vmem>>, vector<1x16xf32>,
        %get3A_681 = vector.shape_cast %get3A_680 : vector<1x16xf32> to vector<16xf32>
        %get3A_682 = arith.index_cast %scan3A_669 : i32 to index
        %get3A_683 = arith.constant 48 : index
        %get3A_684 = tpu.vector_load %arg7[%get3A_682, %get3A_683] {strides = array<i32>} : memref<16x64xf32, #tpu.memory_space<vmem>>, vector<1x16xf32>,
        %get3A_685 = vector.shape_cast %get3A_684 : vector<1x16xf32> to vector<16xf32>
        %sub3A_686 = arith.subf %broadcast_in_dim3A_369, %get3A_673 : vector<16xf32>
        %sub3A_687 = arith.subf %broadcast_in_dim3A_369, %get3A_677 : vector<16xf32>
        %sub3A_688 = arith.subf %broadcast_in_dim3A_369, %get3A_681 : vector<16xf32>
        %sub3A_689 = arith.subf %broadcast_in_dim3A_369, %get3A_685 : vector<16xf32>
        %mul3A_690 = arith.constant 16 : i32
        %mul3A_691 = arith.muli %scan3A_669, %mul3A_690 : i32
        %add3A_692 = arith.constant 0 : i32
        %add3A_693 = arith.addi %mul3A_691, %add3A_692 : i32
        %swap3A_694 = arith.index_cast %add3A_693 : i32 to index
        %swap3A_695 = arith.constant 0 : index
        %swap3A_696 = tpu.vector_load %arg9[%swap3A_694, %swap3A_695] {strides = array<i32>} : memref<256x64xf32, #tpu.memory_space<vmem>>, vector<1x16xf32>,
        %swap3A_697 = vector.shape_cast %swap3A_696 : vector<1x16xf32> to vector<16xf32>
        %swap3A_698 = vector.shape_cast %get3A_673 : vector<16xf32> to vector<1x16xf32>
        tpu.vector_store %arg9[%swap3A_694, %swap3A_695], %swap3A_698 {strides = array<i32>} : memref<256x64xf32, #tpu.memory_space<vmem>>, vector<1x16xf32>,
        %add3A_699 = arith.constant 0 : i32
        %add3A_700 = arith.addi %mul3A_691, %add3A_699 : i32
        %swap3A_701 = arith.index_cast %add3A_700 : i32 to index
        %swap3A_702 = arith.constant 0 : index
        %swap3A_703 = tpu.vector_load %arg11[%swap3A_701, %swap3A_702] {strides = array<i32>} : memref<256x64xf32, #tpu.memory_space<vmem>>, vector<1x16xf32>,
        %swap3A_704 = vector.shape_cast %swap3A_703 : vector<1x16xf32> to vector<16xf32>
        %swap3A_705 = vector.shape_cast %sub3A_686 : vector<16xf32> to vector<1x16xf32>
        tpu.vector_store %arg11[%swap3A_701, %swap3A_702], %swap3A_705 {strides = array<i32>} : memref<256x64xf32, #tpu.memory_space<vmem>>, vector<1x16xf32>,
        %add3A_706 = arith.constant 0 : i32
        %add3A_707 = arith.addi %mul3A_691, %add3A_706 : i32
        %swap3A_708 = arith.index_cast %add3A_707 : i32 to index
        %swap3A_709 = arith.constant 16 : index
        %swap3A_710 = tpu.vector_load %arg9[%swap3A_708, %swap3A_709] {strides = array<i32>} : memref<256x64xf32, #tpu.memory_space<vmem>>, vector<1x16xf32>,
        %swap3A_711 = vector.shape_cast %swap3A_710 : vector<1x16xf32> to vector<16xf32>
        %swap3A_712 = vector.shape_cast %get3A_677 : vector<16xf32> to vector<1x16xf32>
        tpu.vector_store %arg9[%swap3A_708, %swap3A_709], %swap3A_712 {strides = array<i32>} : memref<256x64xf32, #tpu.memory_space<vmem>>, vector<1x16xf32>,
        %add3A_713 = arith.constant 0 : i32
        %add3A_714 = arith.addi %mul3A_691, %add3A_713 : i32
        %swap3A_715 = arith.index_cast %add3A_714 : i32 to index
        %swap3A_716 = arith.constant 16 : index
        %swap3A_717 = tpu.vector_load %arg11[%swap3A_715, %swap3A_716] {strides = array<i32>} : memref<256x64xf32, #tpu.memory_space<vmem>>, vector<1x16xf32>,
        %swap3A_718 = vector.shape_cast %swap3A_717 : vector<1x16xf32> to vector<16xf32>
        %swap3A_719 = vector.shape_cast %sub3A_687 : vector<16xf32> to vector<1x16xf32>
        tpu.vector_store %arg11[%swap3A_715, %swap3A_716], %swap3A_719 {strides = array<i32>} : memref<256x64xf32, #tpu.memory_space<vmem>>, vector<1x16xf32>,
        %add3A_720 = arith.constant 0 : i32
        %add3A_721 = arith.addi %mul3A_691, %add3A_720 : i32
        %swap3A_722 = arith.index_cast %add3A_721 : i32 to index
        %swap3A_723 = arith.constant 32 : index
        %swap3A_724 = tpu.vector_load %arg9[%swap3A_722, %swap3A_723] {strides = array<i32>} : memref<256x64xf32, #tpu.memory_space<vmem>>, vector<1x16xf32>,
        %swap3A_725 = vector.shape_cast %swap3A_724 : vector<1x16xf32> to vector<16xf32>
        %swap3A_726 = vector.shape_cast %get3A_681 : vector<16xf32> to vector<1x16xf32>
        tpu.vector_store %arg9[%swap3A_722, %swap3A_723], %swap3A_726 {strides = array<i32>} : memref<256x64xf32, #tpu.memory_space<vmem>>, vector<1x16xf32>,
        %add3A_727 = arith.constant 0 : i32
        %add3A_728 = arith.addi %mul3A_691, %add3A_727 : i32
        %swap3A_729 = arith.index_cast %add3A_728 : i32 to index
        %swap3A_730 = arith.constant 32 : index
        %swap3A_731 = tpu.vector_load %arg11[%swap3A_729, %swap3A_730] {strides = array<i32>} : memref<256x64xf32, #tpu.memory_space<vmem>>, vector<1x16xf32>,
        %swap3A_732 = vector.shape_cast %swap3A_731 : vector<1x16xf32> to vector<16xf32>
        %swap3A_733 = vector.shape_cast %sub3A_688 : vector<16xf32> to vector<1x16xf32>
        tpu.vector_store %arg11[%swap3A_729, %swap3A_730], %swap3A_733 {strides = array<i32>} : memref<256x64xf32, #tpu.memory_space<vmem>>, vector<1x16xf32>,
        %add3A_734 = arith.constant 0 : i32
        %add3A_735 = arith.addi %mul3A_691, %add3A_734 : i32
        %swap3A_736 = arith.index_cast %add3A_735 : i32 to index
        %swap3A_737 = arith.constant 48 : index
        %swap3A_738 = tpu.vector_load %arg9[%swap3A_736, %swap3A_737] {strides = array<i32>} : memref<256x64xf32, #tpu.memory_space<vmem>>, vector<1x16xf32>,
        %swap3A_739 = vector.shape_cast %swap3A_738 : vector<1x16xf32> to vector<16xf32>
        %swap3A_740 = vector.shape_cast %get3A_685 : vector<16xf32> to vector<1x16xf32>
        tpu.vector_store %arg9[%swap3A_736, %swap3A_737], %swap3A_740 {strides = array<i32>} : memref<256x64xf32, #tpu.memory_space<vmem>>, vector<1x16xf32>,
        %add3A_741 = arith.constant 0 : i32
        %add3A_742 = arith.addi %mul3A_691, %add3A_741 : i32
        %swap3A_743 = arith.index_cast %add3A_742 : i32 to index
        %swap3A_744 = arith.constant 48 : index
        %swap3A_745 = tpu.vector_load %arg11[%swap3A_743, %swap3A_744] {strides = array<i32>} : memref<256x64xf32, #tpu.memory_space<vmem>>, vector<1x16xf32>,
        %swap3A_746 = vector.shape_cast %swap3A_745 : vector<1x16xf32> to vector<16xf32>
        %swap3A_747 = vector.shape_cast %sub3A_689 : vector<16xf32> to vector<1x16xf32>
        tpu.vector_store %arg11[%swap3A_743, %swap3A_744], %swap3A_747 {strides = array<i32>} : memref<256x64xf32, #tpu.memory_space<vmem>>, vector<1x16xf32>,
        %add3A_748 = arith.constant 1 : i32
        %add3A_749 = arith.addi %mul3A_691, %add3A_748 : i32
        %swap3A_750 = arith.index_cast %add3A_749 : i32 to index
        %swap3A_751 = arith.constant 0 : index
        %swap3A_752 = tpu.vector_load %arg9[%swap3A_750, %swap3A_751] {strides = array<i32>} : memref<256x64xf32, #tpu.memory_space<vmem>>, vector<1x16xf32>,
        %swap3A_753 = vector.shape_cast %swap3A_752 : vector<1x16xf32> to vector<16xf32>
        %swap3A_754 = vector.shape_cast %get3A_673 : vector<16xf32> to vector<1x16xf32>
        tpu.vector_store %arg9[%swap3A_750, %swap3A_751], %swap3A_754 {strides = array<i32>} : memref<256x64xf32, #tpu.memory_space<vmem>>, vector<1x16xf32>,
        %add3A_755 = arith.constant 1 : i32
        %add3A_756 = arith.addi %mul3A_691, %add3A_755 : i32
        %swap3A_757 = arith.index_cast %add3A_756 : i32 to index
        %swap3A_758 = arith.constant 0 : index
        %swap3A_759 = tpu.vector_load %arg11[%swap3A_757, %swap3A_758] {strides = array<i32>} : memref<256x64xf32, #tpu.memory_space<vmem>>, vector<1x16xf32>,
        %swap3A_760 = vector.shape_cast %swap3A_759 : vector<1x16xf32> to vector<16xf32>
        %swap3A_761 = vector.shape_cast %sub3A_686 : vector<16xf32> to vector<1x16xf32>
        tpu.vector_store %arg11[%swap3A_757, %swap3A_758], %swap3A_761 {strides = array<i32>} : memref<256x64xf32, #tpu.memory_space<vmem>>, vector<1x16xf32>,
        %add3A_762 = arith.constant 1 : i32
        %add3A_763 = arith.addi %mul3A_691, %add3A_762 : i32
        %swap3A_764 = arith.index_cast %add3A_763 : i32 to index
        %swap3A_765 = arith.constant 16 : index
        %swap3A_766 = tpu.vector_load %arg9[%swap3A_764, %swap3A_765] {strides = array<i32>} : memref<256x64xf32, #tpu.memory_space<vmem>>, vector<1x16xf32>,
        %swap3A_767 = vector.shape_cast %swap3A_766 : vector<1x16xf32> to vector<16xf32>
        %swap3A_768 = vector.shape_cast %get3A_677 : vector<16xf32> to vector<1x16xf32>
        tpu.vector_store %arg9[%swap3A_764, %swap3A_765], %swap3A_768 {strides = array<i32>} : memref<256x64xf32, #tpu.memory_space<vmem>>, vector<1x16xf32>,
        %add3A_769 = arith.constant 1 : i32
        %add3A_770 = arith.addi %mul3A_691, %add3A_769 : i32
        %swap3A_771 = arith.index_cast %add3A_770 : i32 to index
        %swap3A_772 = arith.constant 16 : index
        %swap3A_773 = tpu.vector_load %arg11[%swap3A_771, %swap3A_772] {strides = array<i32>} : memref<256x64xf32, #tpu.memory_space<vmem>>, vector<1x16xf32>,
        %swap3A_774 = vector.shape_cast %swap3A_773 : vector<1x16xf32> to vector<16xf32>
        %swap3A_775 = vector.shape_cast %sub3A_687 : vector<16xf32> to vector<1x16xf32>
        tpu.vector_store %arg11[%swap3A_771, %swap3A_772], %swap3A_775 {strides = array<i32>} : memref<256x64xf32, #tpu.memory_space<vmem>>, vector<1x16xf32>,
        %add3A_776 = arith.constant 1 : i32
        %add3A_777 = arith.addi %mul3A_691, %add3A_776 : i32
        %swap3A_778 = arith.index_cast %add3A_777 : i32 to index
        %swap3A_779 = arith.constant 32 : index
        %swap3A_780 = tpu.vector_load %arg9[%swap3A_778, %swap3A_779] {strides = array<i32>} : memref<256x64xf32, #tpu.memory_space<vmem>>, vector<1x16xf32>,
        %swap3A_781 = vector.shape_cast %swap3A_780 : vector<1x16xf32> to vector<16xf32>
        %swap3A_782 = vector.shape_cast %get3A_681 : vector<16xf32> to vector<1x16xf32>
        tpu.vector_store %arg9[%swap3A_778, %swap3A_779], %swap3A_782 {strides = array<i32>} : memref<256x64xf32, #tpu.memory_space<vmem>>, vector<1x16xf32>,
        %add3A_783 = arith.constant 1 : i32
        %add3A_784 = arith.addi %mul3A_691, %add3A_783 : i32
        %swap3A_785 = arith.index_cast %add3A_784 : i32 to index
        %swap3A_786 = arith.constant 32 : index
        %swap3A_787 = tpu.vector_load %arg11[%swap3A_785, %swap3A_786] {strides = array<i32>} : memref<256x64xf32, #tpu.memory_space<vmem>>, vector<1x16xf32>,
        %swap3A_788 = vector.shape_cast %swap3A_787 : vector<1x16xf32> to vector<16xf32>
        %swap3A_789 = vector.shape_cast %sub3A_688 : vector<16xf32> to vector<1x16xf32>
        tpu.vector_store %arg11[%swap3A_785, %swap3A_786], %swap3A_789 {strides = array<i32>} : memref<256x64xf32, #tpu.memory_space<vmem>>, vector<1x16xf32>,
        %add3A_790 = arith.constant 1 : i32
        %add3A_791 = arith.addi %mul3A_691, %add3A_790 : i32
        %swap3A_792 = arith.index_cast %add3A_791 : i32 to index
        %swap3A_793 = arith.constant 48 : index
        %swap3A_794 = tpu.vector_load %arg9[%swap3A_792, %swap3A_793] {strides = array<i32>} : memref<256x64xf32, #tpu.memory_space<vmem>>, vector<1x16xf32>,
        %swap3A_795 = vector.shape_cast %swap3A_794 : vector<1x16xf32> to vector<16xf32>
        %swap3A_796 = vector.shape_cast %get3A_685 : vector<16xf32> to vector<1x16xf32>
        tpu.vector_store %arg9[%swap3A_792, %swap3A_793], %swap3A_796 {strides = array<i32>} : memref<256x64xf32, #tpu.memory_space<vmem>>, vector<1x16xf32>,
        %add3A_797 = arith.constant 1 : i32
        %add3A_798 = arith.addi %mul3A_691, %add3A_797 : i32
        %swap3A_799 = arith.index_cast %add3A_798 : i32 to index
        %swap3A_800 = arith.constant 48 : index
        %swap3A_801 = tpu.vector_load %arg11[%swap3A_799, %swap3A_800] {strides = array<i32>} : memref<256x64xf32, #tpu.memory_space<vmem>>, vector<1x16xf32>,
        %swap3A_802 = vector.shape_cast %swap3A_801 : vector<1x16xf32> to vector<16xf32>
        %swap3A_803 = vector.shape_cast %sub3A_689 : vector<16xf32> to vector<1x16xf32>
        tpu.vector_store %arg11[%swap3A_799, %swap3A_800], %swap3A_803 {strides = array<i32>} : memref<256x64xf32, #tpu.memory_space<vmem>>, vector<1x16xf32>,
        %add3A_804 = arith.constant 2 : i32
        %add3A_805 = arith.addi %mul3A_691, %add3A_804 : i32
        %swap3A_806 = arith.index_cast %add3A_805 : i32 to index
        %swap3A_807 = arith.constant 0 : index
        %swap3A_808 = tpu.vector_load %arg9[%swap3A_806, %swap3A_807] {strides = array<i32>} : memref<256x64xf32, #tpu.memory_space<vmem>>, vector<1x16xf32>,
        %swap3A_809 = vector.shape_cast %swap3A_808 : vector<1x16xf32> to vector<16xf32>
        %swap3A_810 = vector.shape_cast %get3A_673 : vector<16xf32> to vector<1x16xf32>
        tpu.vector_store %arg9[%swap3A_806, %swap3A_807], %swap3A_810 {strides = array<i32>} : memref<256x64xf32, #tpu.memory_space<vmem>>, vector<1x16xf32>,
        %add3A_811 = arith.constant 2 : i32
        %add3A_812 = arith.addi %mul3A_691, %add3A_811 : i32
        %swap3A_813 = arith.index_cast %add3A_812 : i32 to index
        %swap3A_814 = arith.constant 0 : index
        %swap3A_815 = tpu.vector_load %arg11[%swap3A_813, %swap3A_814] {strides = array<i32>} : memref<256x64xf32, #tpu.memory_space<vmem>>, vector<1x16xf32>,
        %swap3A_816 = vector.shape_cast %swap3A_815 : vector<1x16xf32> to vector<16xf32>
        %swap3A_817 = vector.shape_cast %sub3A_686 : vector<16xf32> to vector<1x16xf32>
        tpu.vector_store %arg11[%swap3A_813, %swap3A_814], %swap3A_817 {strides = array<i32>} : memref<256x64xf32, #tpu.memory_space<vmem>>, vector<1x16xf32>,
        %add3A_818 = arith.constant 2 : i32
        %add3A_819 = arith.addi %mul3A_691, %add3A_818 : i32
        %swap3A_820 = arith.index_cast %add3A_819 : i32 to index
        %swap3A_821 = arith.constant 16 : index
        %swap3A_822 = tpu.vector_load %arg9[%swap3A_820, %swap3A_821] {strides = array<i32>} : memref<256x64xf32, #tpu.memory_space<vmem>>, vector<1x16xf32>,
        %swap3A_823 = vector.shape_cast %swap3A_822 : vector<1x16xf32> to vector<16xf32>
        %swap3A_824 = vector.shape_cast %get3A_677 : vector<16xf32> to vector<1x16xf32>
        tpu.vector_store %arg9[%swap3A_820, %swap3A_821], %swap3A_824 {strides = array<i32>} : memref<256x64xf32, #tpu.memory_space<vmem>>, vector<1x16xf32>,
        %add3A_825 = arith.constant 2 : i32
        %add3A_826 = arith.addi %mul3A_691, %add3A_825 : i32
        %swap3A_827 = arith.index_cast %add3A_826 : i32 to index
        %swap3A_828 = arith.constant 16 : index
        %swap3A_829 = tpu.vector_load %arg11[%swap3A_827, %swap3A_828] {strides = array<i32>} : memref<256x64xf32, #tpu.memory_space<vmem>>, vector<1x16xf32>,
        %swap3A_830 = vector.shape_cast %swap3A_829 : vector<1x16xf32> to vector<16xf32>
        %swap3A_831 = vector.shape_cast %sub3A_687 : vector<16xf32> to vector<1x16xf32>
        tpu.vector_store %arg11[%swap3A_827, %swap3A_828], %swap3A_831 {strides = array<i32>} : memref<256x64xf32, #tpu.memory_space<vmem>>, vector<1x16xf32>,
        %add3A_832 = arith.constant 2 : i32
        %add3A_833 = arith.addi %mul3A_691, %add3A_832 : i32
        %swap3A_834 = arith.index_cast %add3A_833 : i32 to index
        %swap3A_835 = arith.constant 32 : index
        %swap3A_836 = tpu.vector_load %arg9[%swap3A_834, %swap3A_835] {strides = array<i32>} : memref<256x64xf32, #tpu.memory_space<vmem>>, vector<1x16xf32>,
        %swap3A_837 = vector.shape_cast %swap3A_836 : vector<1x16xf32> to vector<16xf32>
        %swap3A_838 = vector.shape_cast %get3A_681 : vector<16xf32> to vector<1x16xf32>
        tpu.vector_store %arg9[%swap3A_834, %swap3A_835], %swap3A_838 {strides = array<i32>} : memref<256x64xf32, #tpu.memory_space<vmem>>, vector<1x16xf32>,
        %add3A_839 = arith.constant 2 : i32
        %add3A_840 = arith.addi %mul3A_691, %add3A_839 : i32
        %swap3A_841 = arith.index_cast %add3A_840 : i32 to index
        %swap3A_842 = arith.constant 32 : index
        %swap3A_843 = tpu.vector_load %arg11[%swap3A_841, %swap3A_842] {strides = array<i32>} : memref<256x64xf32, #tpu.memory_space<vmem>>, vector<1x16xf32>,
        %swap3A_844 = vector.shape_cast %swap3A_843 : vector<1x16xf32> to vector<16xf32>
        %swap3A_845 = vector.shape_cast %sub3A_688 : vector<16xf32> to vector<1x16xf32>
        tpu.vector_store %arg11[%swap3A_841, %swap3A_842], %swap3A_845 {strides = array<i32>} : memref<256x64xf32, #tpu.memory_space<vmem>>, vector<1x16xf32>,
        %add3A_846 = arith.constant 2 : i32
        %add3A_847 = arith.addi %mul3A_691, %add3A_846 : i32
        %swap3A_848 = arith.index_cast %add3A_847 : i32 to index
        %swap3A_849 = arith.constant 48 : index
        %swap3A_850 = tpu.vector_load %arg9[%swap3A_848, %swap3A_849] {strides = array<i32>} : memref<256x64xf32, #tpu.memory_space<vmem>>, vector<1x16xf32>,
        %swap3A_851 = vector.shape_cast %swap3A_850 : vector<1x16xf32> to vector<16xf32>
        %swap3A_852 = vector.shape_cast %get3A_685 : vector<16xf32> to vector<1x16xf32>
        tpu.vector_store %arg9[%swap3A_848, %swap3A_849], %swap3A_852 {strides = array<i32>} : memref<256x64xf32, #tpu.memory_space<vmem>>, vector<1x16xf32>,
        %add3A_853 = arith.constant 2 : i32
        %add3A_854 = arith.addi %mul3A_691, %add3A_853 : i32
        %swap3A_855 = arith.index_cast %add3A_854 : i32 to index
        %swap3A_856 = arith.constant 48 : index
        %swap3A_857 = tpu.vector_load %arg11[%swap3A_855, %swap3A_856] {strides = array<i32>} : memref<256x64xf32, #tpu.memory_space<vmem>>, vector<1x16xf32>,
        %swap3A_858 = vector.shape_cast %swap3A_857 : vector<1x16xf32> to vector<16xf32>
        %swap3A_859 = vector.shape_cast %sub3A_689 : vector<16xf32> to vector<1x16xf32>
        tpu.vector_store %arg11[%swap3A_855, %swap3A_856], %swap3A_859 {strides = array<i32>} : memref<256x64xf32, #tpu.memory_space<vmem>>, vector<1x16xf32>,
        %add3A_860 = arith.constant 3 : i32
        %add3A_861 = arith.addi %mul3A_691, %add3A_860 : i32
        %swap3A_862 = arith.index_cast %add3A_861 : i32 to index
        %swap3A_863 = arith.constant 0 : index
        %swap3A_864 = tpu.vector_load %arg9[%swap3A_862, %swap3A_863] {strides = array<i32>} : memref<256x64xf32, #tpu.memory_space<vmem>>, vector<1x16xf32>,
        %swap3A_865 = vector.shape_cast %swap3A_864 : vector<1x16xf32> to vector<16xf32>
        %swap3A_866 = vector.shape_cast %get3A_673 : vector<16xf32> to vector<1x16xf32>
        tpu.vector_store %arg9[%swap3A_862, %swap3A_863], %swap3A_866 {strides = array<i32>} : memref<256x64xf32, #tpu.memory_space<vmem>>, vector<1x16xf32>,
        %add3A_867 = arith.constant 3 : i32
        %add3A_868 = arith.addi %mul3A_691, %add3A_867 : i32
        %swap3A_869 = arith.index_cast %add3A_868 : i32 to index
        %swap3A_870 = arith.constant 0 : index
        %swap3A_871 = tpu.vector_load %arg11[%swap3A_869, %swap3A_870] {strides = array<i32>} : memref<256x64xf32, #tpu.memory_space<vmem>>, vector<1x16xf32>,
        %swap3A_872 = vector.shape_cast %swap3A_871 : vector<1x16xf32> to vector<16xf32>
        %swap3A_873 = vector.shape_cast %sub3A_686 : vector<16xf32> to vector<1x16xf32>
        tpu.vector_store %arg11[%swap3A_869, %swap3A_870], %swap3A_873 {strides = array<i32>} : memref<256x64xf32, #tpu.memory_space<vmem>>, vector<1x16xf32>,
        %add3A_874 = arith.constant 3 : i32
        %add3A_875 = arith.addi %mul3A_691, %add3A_874 : i32
        %swap3A_876 = arith.index_cast %add3A_875 : i32 to index
        %swap3A_877 = arith.constant 16 : index
        %swap3A_878 = tpu.vector_load %arg9[%swap3A_876, %swap3A_877] {strides = array<i32>} : memref<256x64xf32, #tpu.memory_space<vmem>>, vector<1x16xf32>,
        %swap3A_879 = vector.shape_cast %swap3A_878 : vector<1x16xf32> to vector<16xf32>
        %swap3A_880 = vector.shape_cast %get3A_677 : vector<16xf32> to vector<1x16xf32>
        tpu.vector_store %arg9[%swap3A_876, %swap3A_877], %swap3A_880 {strides = array<i32>} : memref<256x64xf32, #tpu.memory_space<vmem>>, vector<1x16xf32>,
        %add3A_881 = arith.constant 3 : i32
        %add3A_882 = arith.addi %mul3A_691, %add3A_881 : i32
        %swap3A_883 = arith.index_cast %add3A_882 : i32 to index
        %swap3A_884 = arith.constant 16 : index
        %swap3A_885 = tpu.vector_load %arg11[%swap3A_883, %swap3A_884] {strides = array<i32>} : memref<256x64xf32, #tpu.memory_space<vmem>>, vector<1x16xf32>,
        %swap3A_886 = vector.shape_cast %swap3A_885 : vector<1x16xf32> to vector<16xf32>
        %swap3A_887 = vector.shape_cast %sub3A_687 : vector<16xf32> to vector<1x16xf32>
        tpu.vector_store %arg11[%swap3A_883, %swap3A_884], %swap3A_887 {strides = array<i32>} : memref<256x64xf32, #tpu.memory_space<vmem>>, vector<1x16xf32>,
        %add3A_888 = arith.constant 3 : i32
        %add3A_889 = arith.addi %mul3A_691, %add3A_888 : i32
        %swap3A_890 = arith.index_cast %add3A_889 : i32 to index
        %swap3A_891 = arith.constant 32 : index
        %swap3A_892 = tpu.vector_load %arg9[%swap3A_890, %swap3A_891] {strides = array<i32>} : memref<256x64xf32, #tpu.memory_space<vmem>>, vector<1x16xf32>,
        %swap3A_893 = vector.shape_cast %swap3A_892 : vector<1x16xf32> to vector<16xf32>
        %swap3A_894 = vector.shape_cast %get3A_681 : vector<16xf32> to vector<1x16xf32>
        tpu.vector_store %arg9[%swap3A_890, %swap3A_891], %swap3A_894 {strides = array<i32>} : memref<256x64xf32, #tpu.memory_space<vmem>>, vector<1x16xf32>,
        %add3A_895 = arith.constant 3 : i32
        %add3A_896 = arith.addi %mul3A_691, %add3A_895 : i32
        %swap3A_897 = arith.index_cast %add3A_896 : i32 to index
        %swap3A_898 = arith.constant 32 : index
        %swap3A_899 = tpu.vector_load %arg11[%swap3A_897, %swap3A_898] {strides = array<i32>} : memref<256x64xf32, #tpu.memory_space<vmem>>, vector<1x16xf32>,
        %swap3A_900 = vector.shape_cast %swap3A_899 : vector<1x16xf32> to vector<16xf32>
        %swap3A_901 = vector.shape_cast %sub3A_688 : vector<16xf32> to vector<1x16xf32>
        tpu.vector_store %arg11[%swap3A_897, %swap3A_898], %swap3A_901 {strides = array<i32>} : memref<256x64xf32, #tpu.memory_space<vmem>>, vector<1x16xf32>,
        %add3A_902 = arith.constant 3 : i32
        %add3A_903 = arith.addi %mul3A_691, %add3A_902 : i32
        %swap3A_904 = arith.index_cast %add3A_903 : i32 to index
        %swap3A_905 = arith.constant 48 : index
        %swap3A_906 = tpu.vector_load %arg9[%swap3A_904, %swap3A_905] {strides = array<i32>} : memref<256x64xf32, #tpu.memory_space<vmem>>, vector<1x16xf32>,
        %swap3A_907 = vector.shape_cast %swap3A_906 : vector<1x16xf32> to vector<16xf32>
        %swap3A_908 = vector.shape_cast %get3A_685 : vector<16xf32> to vector<1x16xf32>
        tpu.vector_store %arg9[%swap3A_904, %swap3A_905], %swap3A_908 {strides = array<i32>} : memref<256x64xf32, #tpu.memory_space<vmem>>, vector<1x16xf32>,
        %add3A_909 = arith.constant 3 : i32
        %add3A_910 = arith.addi %mul3A_691, %add3A_909 : i32
        %swap3A_911 = arith.index_cast %add3A_910 : i32 to index
        %swap3A_912 = arith.constant 48 : index
        %swap3A_913 = tpu.vector_load %arg11[%swap3A_911, %swap3A_912] {strides = array<i32>} : memref<256x64xf32, #tpu.memory_space<vmem>>, vector<1x16xf32>,
        %swap3A_914 = vector.shape_cast %swap3A_913 : vector<1x16xf32> to vector<16xf32>
        %swap3A_915 = vector.shape_cast %sub3A_689 : vector<16xf32> to vector<1x16xf32>
        tpu.vector_store %arg11[%swap3A_911, %swap3A_912], %swap3A_915 {strides = array<i32>} : memref<256x64xf32, #tpu.memory_space<vmem>>, vector<1x16xf32>,
        %add3A_916 = arith.constant 4 : i32
        %add3A_917 = arith.addi %mul3A_691, %add3A_916 : i32
        %swap3A_918 = arith.index_cast %add3A_917 : i32 to index
        %swap3A_919 = arith.constant 0 : index
        %swap3A_920 = tpu.vector_load %arg9[%swap3A_918, %swap3A_919] {strides = array<i32>} : memref<256x64xf32, #tpu.memory_space<vmem>>, vector<1x16xf32>,
        %swap3A_921 = vector.shape_cast %swap3A_920 : vector<1x16xf32> to vector<16xf32>
        %swap3A_922 = vector.shape_cast %get3A_673 : vector<16xf32> to vector<1x16xf32>
        tpu.vector_store %arg9[%swap3A_918, %swap3A_919], %swap3A_922 {strides = array<i32>} : memref<256x64xf32, #tpu.memory_space<vmem>>, vector<1x16xf32>,
        %add3A_923 = arith.constant 4 : i32
        %add3A_924 = arith.addi %mul3A_691, %add3A_923 : i32
        %swap3A_925 = arith.index_cast %add3A_924 : i32 to index
        %swap3A_926 = arith.constant 0 : index
        %swap3A_927 = tpu.vector_load %arg11[%swap3A_925, %swap3A_926] {strides = array<i32>} : memref<256x64xf32, #tpu.memory_space<vmem>>, vector<1x16xf32>,
        %swap3A_928 = vector.shape_cast %swap3A_927 : vector<1x16xf32> to vector<16xf32>
        %swap3A_929 = vector.shape_cast %sub3A_686 : vector<16xf32> to vector<1x16xf32>
        tpu.vector_store %arg11[%swap3A_925, %swap3A_926], %swap3A_929 {strides = array<i32>} : memref<256x64xf32, #tpu.memory_space<vmem>>, vector<1x16xf32>,
        %add3A_930 = arith.constant 4 : i32
        %add3A_931 = arith.addi %mul3A_691, %add3A_930 : i32
        %swap3A_932 = arith.index_cast %add3A_931 : i32 to index
        %swap3A_933 = arith.constant 16 : index
        %swap3A_934 = tpu.vector_load %arg9[%swap3A_932, %swap3A_933] {strides = array<i32>} : memref<256x64xf32, #tpu.memory_space<vmem>>, vector<1x16xf32>,
        %swap3A_935 = vector.shape_cast %swap3A_934 : vector<1x16xf32> to vector<16xf32>
        %swap3A_936 = vector.shape_cast %get3A_677 : vector<16xf32> to vector<1x16xf32>
        tpu.vector_store %arg9[%swap3A_932, %swap3A_933], %swap3A_936 {strides = array<i32>} : memref<256x64xf32, #tpu.memory_space<vmem>>, vector<1x16xf32>,
        %add3A_937 = arith.constant 4 : i32
        %add3A_938 = arith.addi %mul3A_691, %add3A_937 : i32
        %swap3A_939 = arith.index_cast %add3A_938 : i32 to index
        %swap3A_940 = arith.constant 16 : index
        %swap3A_941 = tpu.vector_load %arg11[%swap3A_939, %swap3A_940] {strides = array<i32>} : memref<256x64xf32, #tpu.memory_space<vmem>>, vector<1x16xf32>,
        %swap3A_942 = vector.shape_cast %swap3A_941 : vector<1x16xf32> to vector<16xf32>
        %swap3A_943 = vector.shape_cast %sub3A_687 : vector<16xf32> to vector<1x16xf32>
        tpu.vector_store %arg11[%swap3A_939, %swap3A_940], %swap3A_943 {strides = array<i32>} : memref<256x64xf32, #tpu.memory_space<vmem>>, vector<1x16xf32>,
        %add3A_944 = arith.constant 4 : i32
        %add3A_945 = arith.addi %mul3A_691, %add3A_944 : i32
        %swap3A_946 = arith.index_cast %add3A_945 : i32 to index
        %swap3A_947 = arith.constant 32 : index
        %swap3A_948 = tpu.vector_load %arg9[%swap3A_946, %swap3A_947] {strides = array<i32>} : memref<256x64xf32, #tpu.memory_space<vmem>>, vector<1x16xf32>,
        %swap3A_949 = vector.shape_cast %swap3A_948 : vector<1x16xf32> to vector<16xf32>
        %swap3A_950 = vector.shape_cast %get3A_681 : vector<16xf32> to vector<1x16xf32>
        tpu.vector_store %arg9[%swap3A_946, %swap3A_947], %swap3A_950 {strides = array<i32>} : memref<256x64xf32, #tpu.memory_space<vmem>>, vector<1x16xf32>,
        %add3A_951 = arith.constant 4 : i32
        %add3A_952 = arith.addi %mul3A_691, %add3A_951 : i32
        %swap3A_953 = arith.index_cast %add3A_952 : i32 to index
        %swap3A_954 = arith.constant 32 : index
        %swap3A_955 = tpu.vector_load %arg11[%swap3A_953, %swap3A_954] {strides = array<i32>} : memref<256x64xf32, #tpu.memory_space<vmem>>, vector<1x16xf32>,
        %swap3A_956 = vector.shape_cast %swap3A_955 : vector<1x16xf32> to vector<16xf32>
        %swap3A_957 = vector.shape_cast %sub3A_688 : vector<16xf32> to vector<1x16xf32>
        tpu.vector_store %arg11[%swap3A_953, %swap3A_954], %swap3A_957 {strides = array<i32>} : memref<256x64xf32, #tpu.memory_space<vmem>>, vector<1x16xf32>,
        %add3A_958 = arith.constant 4 : i32
        %add3A_959 = arith.addi %mul3A_691, %add3A_958 : i32
        %swap3A_960 = arith.index_cast %add3A_959 : i32 to index
        %swap3A_961 = arith.constant 48 : index
        %swap3A_962 = tpu.vector_load %arg9[%swap3A_960, %swap3A_961] {strides = array<i32>} : memref<256x64xf32, #tpu.memory_space<vmem>>, vector<1x16xf32>,
        %swap3A_963 = vector.shape_cast %swap3A_962 : vector<1x16xf32> to vector<16xf32>
        %swap3A_964 = vector.shape_cast %get3A_685 : vector<16xf32> to vector<1x16xf32>
        tpu.vector_store %arg9[%swap3A_960, %swap3A_961], %swap3A_964 {strides = array<i32>} : memref<256x64xf32, #tpu.memory_space<vmem>>, vector<1x16xf32>,
        %add3A_965 = arith.constant 4 : i32
        %add3A_966 = arith.addi %mul3A_691, %add3A_965 : i32
        %swap3A_967 = arith.index_cast %add3A_966 : i32 to index
        %swap3A_968 = arith.constant 48 : index
        %swap3A_969 = tpu.vector_load %arg11[%swap3A_967, %swap3A_968] {strides = array<i32>} : memref<256x64xf32, #tpu.memory_space<vmem>>, vector<1x16xf32>,
        %swap3A_970 = vector.shape_cast %swap3A_969 : vector<1x16xf32> to vector<16xf32>
        %swap3A_971 = vector.shape_cast %sub3A_689 : vector<16xf32> to vector<1x16xf32>
        tpu.vector_store %arg11[%swap3A_967, %swap3A_968], %swap3A_971 {strides = array<i32>} : memref<256x64xf32, #tpu.memory_space<vmem>>, vector<1x16xf32>,
        %add3A_972 = arith.constant 5 : i32
        %add3A_973 = arith.addi %mul3A_691, %add3A_972 : i32
        %swap3A_974 = arith.index_cast %add3A_973 : i32 to index
        %swap3A_975 = arith.constant 0 : index
        %swap3A_976 = tpu.vector_load %arg9[%swap3A_974, %swap3A_975] {strides = array<i32>} : memref<256x64xf32, #tpu.memory_space<vmem>>, vector<1x16xf32>,
        %swap3A_977 = vector.shape_cast %swap3A_976 : vector<1x16xf32> to vector<16xf32>
        %swap3A_978 = vector.shape_cast %get3A_673 : vector<16xf32> to vector<1x16xf32>
        tpu.vector_store %arg9[%swap3A_974, %swap3A_975], %swap3A_978 {strides = array<i32>} : memref<256x64xf32, #tpu.memory_space<vmem>>, vector<1x16xf32>,
        %add3A_979 = arith.constant 5 : i32
        %add3A_980 = arith.addi %mul3A_691, %add3A_979 : i32
        %swap3A_981 = arith.index_cast %add3A_980 : i32 to index
        %swap3A_982 = arith.constant 0 : index
        %swap3A_983 = tpu.vector_load %arg11[%swap3A_981, %swap3A_982] {strides = array<i32>} : memref<256x64xf32, #tpu.memory_space<vmem>>, vector<1x16xf32>,
        %swap3A_984 = vector.shape_cast %swap3A_983 : vector<1x16xf32> to vector<16xf32>
        %swap3A_985 = vector.shape_cast %sub3A_686 : vector<16xf32> to vector<1x16xf32>
        tpu.vector_store %arg11[%swap3A_981, %swap3A_982], %swap3A_985 {strides = array<i32>} : memref<256x64xf32, #tpu.memory_space<vmem>>, vector<1x16xf32>,
        %add3A_986 = arith.constant 5 : i32
        %add3A_987 = arith.addi %mul3A_691, %add3A_986 : i32
        %swap3A_988 = arith.index_cast %add3A_987 : i32 to index
        %swap3A_989 = arith.constant 16 : index
        %swap3A_990 = tpu.vector_load %arg9[%swap3A_988, %swap3A_989] {strides = array<i32>} : memref<256x64xf32, #tpu.memory_space<vmem>>, vector<1x16xf32>,
        %swap3A_991 = vector.shape_cast %swap3A_990 : vector<1x16xf32> to vector<16xf32>
        %swap3A_992 = vector.shape_cast %get3A_677 : vector<16xf32> to vector<1x16xf32>
        tpu.vector_store %arg9[%swap3A_988, %swap3A_989], %swap3A_992 {strides = array<i32>} : memref<256x64xf32, #tpu.memory_space<vmem>>, vector<1x16xf32>,
        %add3A_993 = arith.constant 5 : i32
        %add3A_994 = arith.addi %mul3A_691, %add3A_993 : i32
        %swap3A_995 = arith.index_cast %add3A_994 : i32 to index
        %swap3A_996 = arith.constant 16 : index
        %swap3A_997 = tpu.vector_load %arg11[%swap3A_995, %swap3A_996] {strides = array<i32>} : memref<256x64xf32, #tpu.memory_space<vmem>>, vector<1x16xf32>,
        %swap3A_998 = vector.shape_cast %swap3A_997 : vector<1x16xf32> to vector<16xf32>
        %swap3A_999 = vector.shape_cast %sub3A_687 : vector<16xf32> to vector<1x16xf32>
        tpu.vector_store %arg11[%swap3A_995, %swap3A_996], %swap3A_999 {strides = array<i32>} : memref<256x64xf32, #tpu.memory_space<vmem>>, vector<1x16xf32>,
        %add3A_1000 = arith.constant 5 : i32
        %add3A_1001 = arith.addi %mul3A_691, %add3A_1000 : i32
        %swap3A_1002 = arith.index_cast %add3A_1001 : i32 to index
        %swap3A_1003 = arith.constant 32 : index
        %swap3A_1004 = tpu.vector_load %arg9[%swap3A_1002, %swap3A_1003] {strides = array<i32>} : memref<256x64xf32, #tpu.memory_space<vmem>>, vector<1x16xf32>,
        %swap3A_1005 = vector.shape_cast %swap3A_1004 : vector<1x16xf32> to vector<16xf32>
        %swap3A_1006 = vector.shape_cast %get3A_681 : vector<16xf32> to vector<1x16xf32>
        tpu.vector_store %arg9[%swap3A_1002, %swap3A_1003], %swap3A_1006 {strides = array<i32>} : memref<256x64xf32, #tpu.memory_space<vmem>>, vector<1x16xf32>,
        %add3A_1007 = arith.constant 5 : i32
        %add3A_1008 = arith.addi %mul3A_691, %add3A_1007 : i32
        %swap3A_1009 = arith.index_cast %add3A_1008 : i32 to index
        %swap3A_1010 = arith.constant 32 : index
        %swap3A_1011 = tpu.vector_load %arg11[%swap3A_1009, %swap3A_1010] {strides = array<i32>} : memref<256x64xf32, #tpu.memory_space<vmem>>, vector<1x16xf32>,
        %swap3A_1012 = vector.shape_cast %swap3A_1011 : vector<1x16xf32> to vector<16xf32>
        %swap3A_1013 = vector.shape_cast %sub3A_688 : vector<16xf32> to vector<1x16xf32>
        tpu.vector_store %arg11[%swap3A_1009, %swap3A_1010], %swap3A_1013 {strides = array<i32>} : memref<256x64xf32, #tpu.memory_space<vmem>>, vector<1x16xf32>,
        %add3A_1014 = arith.constant 5 : i32
        %add3A_1015 = arith.addi %mul3A_691, %add3A_1014 : i32
        %swap3A_1016 = arith.index_cast %add3A_1015 : i32 to index
        %swap3A_1017 = arith.constant 48 : index
        %swap3A_1018 = tpu.vector_load %arg9[%swap3A_1016, %swap3A_1017] {strides = array<i32>} : memref<256x64xf32, #tpu.memory_space<vmem>>, vector<1x16xf32>,
        %swap3A_1019 = vector.shape_cast %swap3A_1018 : vector<1x16xf32> to vector<16xf32>
        %swap3A_1020 = vector.shape_cast %get3A_685 : vector<16xf32> to vector<1x16xf32>
        tpu.vector_store %arg9[%swap3A_1016, %swap3A_1017], %swap3A_1020 {strides = array<i32>} : memref<256x64xf32, #tpu.memory_space<vmem>>, vector<1x16xf32>,
        %add3A_1021 = arith.constant 5 : i32
        %add3A_1022 = arith.addi %mul3A_691, %add3A_1021 : i32
        %swap3A_1023 = arith.index_cast %add3A_1022 : i32 to index
        %swap3A_1024 = arith.constant 48 : index
        %swap3A_1025 = tpu.vector_load %arg11[%swap3A_1023, %swap3A_1024] {strides = array<i32>} : memref<256x64xf32, #tpu.memory_space<vmem>>, vector<1x16xf32>,
        %swap3A_1026 = vector.shape_cast %swap3A_1025 : vector<1x16xf32> to vector<16xf32>
        %swap3A_1027 = vector.shape_cast %sub3A_689 : vector<16xf32> to vector<1x16xf32>
        tpu.vector_store %arg11[%swap3A_1023, %swap3A_1024], %swap3A_1027 {strides = array<i32>} : memref<256x64xf32, #tpu.memory_space<vmem>>, vector<1x16xf32>,
        %add3A_1028 = arith.constant 6 : i32
        %add3A_1029 = arith.addi %mul3A_691, %add3A_1028 : i32
        %swap3A_1030 = arith.index_cast %add3A_1029 : i32 to index
        %swap3A_1031 = arith.constant 0 : index
        %swap3A_1032 = tpu.vector_load %arg9[%swap3A_1030, %swap3A_1031] {strides = array<i32>} : memref<256x64xf32, #tpu.memory_space<vmem>>, vector<1x16xf32>,
        %swap3A_1033 = vector.shape_cast %swap3A_1032 : vector<1x16xf32> to vector<16xf32>
        %swap3A_1034 = vector.shape_cast %get3A_673 : vector<16xf32> to vector<1x16xf32>
        tpu.vector_store %arg9[%swap3A_1030, %swap3A_1031], %swap3A_1034 {strides = array<i32>} : memref<256x64xf32, #tpu.memory_space<vmem>>, vector<1x16xf32>,
        %add3A_1035 = arith.constant 6 : i32
        %add3A_1036 = arith.addi %mul3A_691, %add3A_1035 : i32
        %swap3A_1037 = arith.index_cast %add3A_1036 : i32 to index
        %swap3A_1038 = arith.constant 0 : index
        %swap3A_1039 = tpu.vector_load %arg11[%swap3A_1037, %swap3A_1038] {strides = array<i32>} : memref<256x64xf32, #tpu.memory_space<vmem>>, vector<1x16xf32>,
        %swap3A_1040 = vector.shape_cast %swap3A_1039 : vector<1x16xf32> to vector<16xf32>
        %swap3A_1041 = vector.shape_cast %sub3A_686 : vector<16xf32> to vector<1x16xf32>
        tpu.vector_store %arg11[%swap3A_1037, %swap3A_1038], %swap3A_1041 {strides = array<i32>} : memref<256x64xf32, #tpu.memory_space<vmem>>, vector<1x16xf32>,
        %add3A_1042 = arith.constant 6 : i32
        %add3A_1043 = arith.addi %mul3A_691, %add3A_1042 : i32
        %swap3A_1044 = arith.index_cast %add3A_1043 : i32 to index
        %swap3A_1045 = arith.constant 16 : index
        %swap3A_1046 = tpu.vector_load %arg9[%swap3A_1044, %swap3A_1045] {strides = array<i32>} : memref<256x64xf32, #tpu.memory_space<vmem>>, vector<1x16xf32>,
        %swap3A_1047 = vector.shape_cast %swap3A_1046 : vector<1x16xf32> to vector<16xf32>
        %swap3A_1048 = vector.shape_cast %get3A_677 : vector<16xf32> to vector<1x16xf32>
        tpu.vector_store %arg9[%swap3A_1044, %swap3A_1045], %swap3A_1048 {strides = array<i32>} : memref<256x64xf32, #tpu.memory_space<vmem>>, vector<1x16xf32>,
        %add3A_1049 = arith.constant 6 : i32
        %add3A_1050 = arith.addi %mul3A_691, %add3A_1049 : i32
        %swap3A_1051 = arith.index_cast %add3A_1050 : i32 to index
        %swap3A_1052 = arith.constant 16 : index
        %swap3A_1053 = tpu.vector_load %arg11[%swap3A_1051, %swap3A_1052] {strides = array<i32>} : memref<256x64xf32, #tpu.memory_space<vmem>>, vector<1x16xf32>,
        %swap3A_1054 = vector.shape_cast %swap3A_1053 : vector<1x16xf32> to vector<16xf32>
        %swap3A_1055 = vector.shape_cast %sub3A_687 : vector<16xf32> to vector<1x16xf32>
        tpu.vector_store %arg11[%swap3A_1051, %swap3A_1052], %swap3A_1055 {strides = array<i32>} : memref<256x64xf32, #tpu.memory_space<vmem>>, vector<1x16xf32>,
        %add3A_1056 = arith.constant 6 : i32
        %add3A_1057 = arith.addi %mul3A_691, %add3A_1056 : i32
        %swap3A_1058 = arith.index_cast %add3A_1057 : i32 to index
        %swap3A_1059 = arith.constant 32 : index
        %swap3A_1060 = tpu.vector_load %arg9[%swap3A_1058, %swap3A_1059] {strides = array<i32>} : memref<256x64xf32, #tpu.memory_space<vmem>>, vector<1x16xf32>,
        %swap3A_1061 = vector.shape_cast %swap3A_1060 : vector<1x16xf32> to vector<16xf32>
        %swap3A_1062 = vector.shape_cast %get3A_681 : vector<16xf32> to vector<1x16xf32>
        tpu.vector_store %arg9[%swap3A_1058, %swap3A_1059], %swap3A_1062 {strides = array<i32>} : memref<256x64xf32, #tpu.memory_space<vmem>>, vector<1x16xf32>,
        %add3A_1063 = arith.constant 6 : i32
        %add3A_1064 = arith.addi %mul3A_691, %add3A_1063 : i32
        %swap3A_1065 = arith.index_cast %add3A_1064 : i32 to index
        %swap3A_1066 = arith.constant 32 : index
        %swap3A_1067 = tpu.vector_load %arg11[%swap3A_1065, %swap3A_1066] {strides = array<i32>} : memref<256x64xf32, #tpu.memory_space<vmem>>, vector<1x16xf32>,
        %swap3A_1068 = vector.shape_cast %swap3A_1067 : vector<1x16xf32> to vector<16xf32>
        %swap3A_1069 = vector.shape_cast %sub3A_688 : vector<16xf32> to vector<1x16xf32>
        tpu.vector_store %arg11[%swap3A_1065, %swap3A_1066], %swap3A_1069 {strides = array<i32>} : memref<256x64xf32, #tpu.memory_space<vmem>>, vector<1x16xf32>,
        %add3A_1070 = arith.constant 6 : i32
        %add3A_1071 = arith.addi %mul3A_691, %add3A_1070 : i32
        %swap3A_1072 = arith.index_cast %add3A_1071 : i32 to index
        %swap3A_1073 = arith.constant 48 : index
        %swap3A_1074 = tpu.vector_load %arg9[%swap3A_1072, %swap3A_1073] {strides = array<i32>} : memref<256x64xf32, #tpu.memory_space<vmem>>, vector<1x16xf32>,
        %swap3A_1075 = vector.shape_cast %swap3A_1074 : vector<1x16xf32> to vector<16xf32>
        %swap3A_1076 = vector.shape_cast %get3A_685 : vector<16xf32> to vector<1x16xf32>
        tpu.vector_store %arg9[%swap3A_1072, %swap3A_1073], %swap3A_1076 {strides = array<i32>} : memref<256x64xf32, #tpu.memory_space<vmem>>, vector<1x16xf32>,
        %add3A_1077 = arith.constant 6 : i32
        %add3A_1078 = arith.addi %mul3A_691, %add3A_1077 : i32
        %swap3A_1079 = arith.index_cast %add3A_1078 : i32 to index
        %swap3A_1080 = arith.constant 48 : index
        %swap3A_1081 = tpu.vector_load %arg11[%swap3A_1079, %swap3A_1080] {strides = array<i32>} : memref<256x64xf32, #tpu.memory_space<vmem>>, vector<1x16xf32>,
        %swap3A_1082 = vector.shape_cast %swap3A_1081 : vector<1x16xf32> to vector<16xf32>
        %swap3A_1083 = vector.shape_cast %sub3A_689 : vector<16xf32> to vector<1x16xf32>
        tpu.vector_store %arg11[%swap3A_1079, %swap3A_1080], %swap3A_1083 {strides = array<i32>} : memref<256x64xf32, #tpu.memory_space<vmem>>, vector<1x16xf32>,
        %add3A_1084 = arith.constant 7 : i32
        %add3A_1085 = arith.addi %mul3A_691, %add3A_1084 : i32
        %swap3A_1086 = arith.index_cast %add3A_1085 : i32 to index
        %swap3A_1087 = arith.constant 0 : index
        %swap3A_1088 = tpu.vector_load %arg9[%swap3A_1086, %swap3A_1087] {strides = array<i32>} : memref<256x64xf32, #tpu.memory_space<vmem>>, vector<1x16xf32>,
        %swap3A_1089 = vector.shape_cast %swap3A_1088 : vector<1x16xf32> to vector<16xf32>
        %swap3A_1090 = vector.shape_cast %get3A_673 : vector<16xf32> to vector<1x16xf32>
        tpu.vector_store %arg9[%swap3A_1086, %swap3A_1087], %swap3A_1090 {strides = array<i32>} : memref<256x64xf32, #tpu.memory_space<vmem>>, vector<1x16xf32>,
        %add3A_1091 = arith.constant 7 : i32
        %add3A_1092 = arith.addi %mul3A_691, %add3A_1091 : i32
        %swap3A_1093 = arith.index_cast %add3A_1092 : i32 to index
        %swap3A_1094 = arith.constant 0 : index
        %swap3A_1095 = tpu.vector_load %arg11[%swap3A_1093, %swap3A_1094] {strides = array<i32>} : memref<256x64xf32, #tpu.memory_space<vmem>>, vector<1x16xf32>,
        %swap3A_1096 = vector.shape_cast %swap3A_1095 : vector<1x16xf32> to vector<16xf32>
        %swap3A_1097 = vector.shape_cast %sub3A_686 : vector<16xf32> to vector<1x16xf32>
        tpu.vector_store %arg11[%swap3A_1093, %swap3A_1094], %swap3A_1097 {strides = array<i32>} : memref<256x64xf32, #tpu.memory_space<vmem>>, vector<1x16xf32>,
        %add3A_1098 = arith.constant 7 : i32
        %add3A_1099 = arith.addi %mul3A_691, %add3A_1098 : i32
        %swap3A_1100 = arith.index_cast %add3A_1099 : i32 to index
        %swap3A_1101 = arith.constant 16 : index
        %swap3A_1102 = tpu.vector_load %arg9[%swap3A_1100, %swap3A_1101] {strides = array<i32>} : memref<256x64xf32, #tpu.memory_space<vmem>>, vector<1x16xf32>,
        %swap3A_1103 = vector.shape_cast %swap3A_1102 : vector<1x16xf32> to vector<16xf32>
        %swap3A_1104 = vector.shape_cast %get3A_677 : vector<16xf32> to vector<1x16xf32>
        tpu.vector_store %arg9[%swap3A_1100, %swap3A_1101], %swap3A_1104 {strides = array<i32>} : memref<256x64xf32, #tpu.memory_space<vmem>>, vector<1x16xf32>,
        %add3A_1105 = arith.constant 7 : i32
        %add3A_1106 = arith.addi %mul3A_691, %add3A_1105 : i32
        %swap3A_1107 = arith.index_cast %add3A_1106 : i32 to index
        %swap3A_1108 = arith.constant 16 : index
        %swap3A_1109 = tpu.vector_load %arg11[%swap3A_1107, %swap3A_1108] {strides = array<i32>} : memref<256x64xf32, #tpu.memory_space<vmem>>, vector<1x16xf32>,
        %swap3A_1110 = vector.shape_cast %swap3A_1109 : vector<1x16xf32> to vector<16xf32>
        %swap3A_1111 = vector.shape_cast %sub3A_687 : vector<16xf32> to vector<1x16xf32>
        tpu.vector_store %arg11[%swap3A_1107, %swap3A_1108], %swap3A_1111 {strides = array<i32>} : memref<256x64xf32, #tpu.memory_space<vmem>>, vector<1x16xf32>,
        %add3A_1112 = arith.constant 7 : i32
        %add3A_1113 = arith.addi %mul3A_691, %add3A_1112 : i32
        %swap3A_1114 = arith.index_cast %add3A_1113 : i32 to index
        %swap3A_1115 = arith.constant 32 : index
        %swap3A_1116 = tpu.vector_load %arg9[%swap3A_1114, %swap3A_1115] {strides = array<i32>} : memref<256x64xf32, #tpu.memory_space<vmem>>, vector<1x16xf32>,
        %swap3A_1117 = vector.shape_cast %swap3A_1116 : vector<1x16xf32> to vector<16xf32>
        %swap3A_1118 = vector.shape_cast %get3A_681 : vector<16xf32> to vector<1x16xf32>
        tpu.vector_store %arg9[%swap3A_1114, %swap3A_1115], %swap3A_1118 {strides = array<i32>} : memref<256x64xf32, #tpu.memory_space<vmem>>, vector<1x16xf32>,
        %add3A_1119 = arith.constant 7 : i32
        %add3A_1120 = arith.addi %mul3A_691, %add3A_1119 : i32
        %swap3A_1121 = arith.index_cast %add3A_1120 : i32 to index
        %swap3A_1122 = arith.constant 32 : index
        %swap3A_1123 = tpu.vector_load %arg11[%swap3A_1121, %swap3A_1122] {strides = array<i32>} : memref<256x64xf32, #tpu.memory_space<vmem>>, vector<1x16xf32>,
        %swap3A_1124 = vector.shape_cast %swap3A_1123 : vector<1x16xf32> to vector<16xf32>
        %swap3A_1125 = vector.shape_cast %sub3A_688 : vector<16xf32> to vector<1x16xf32>
        tpu.vector_store %arg11[%swap3A_1121, %swap3A_1122], %swap3A_1125 {strides = array<i32>} : memref<256x64xf32, #tpu.memory_space<vmem>>, vector<1x16xf32>,
        %add3A_1126 = arith.constant 7 : i32
        %add3A_1127 = arith.addi %mul3A_691, %add3A_1126 : i32
        %swap3A_1128 = arith.index_cast %add3A_1127 : i32 to index
        %swap3A_1129 = arith.constant 48 : index
        %swap3A_1130 = tpu.vector_load %arg9[%swap3A_1128, %swap3A_1129] {strides = array<i32>} : memref<256x64xf32, #tpu.memory_space<vmem>>, vector<1x16xf32>,
        %swap3A_1131 = vector.shape_cast %swap3A_1130 : vector<1x16xf32> to vector<16xf32>
        %swap3A_1132 = vector.shape_cast %get3A_685 : vector<16xf32> to vector<1x16xf32>
        tpu.vector_store %arg9[%swap3A_1128, %swap3A_1129], %swap3A_1132 {strides = array<i32>} : memref<256x64xf32, #tpu.memory_space<vmem>>, vector<1x16xf32>,
        %add3A_1133 = arith.constant 7 : i32
        %add3A_1134 = arith.addi %mul3A_691, %add3A_1133 : i32
        %swap3A_1135 = arith.index_cast %add3A_1134 : i32 to index
        %swap3A_1136 = arith.constant 48 : index
        %swap3A_1137 = tpu.vector_load %arg11[%swap3A_1135, %swap3A_1136] {strides = array<i32>} : memref<256x64xf32, #tpu.memory_space<vmem>>, vector<1x16xf32>,
        %swap3A_1138 = vector.shape_cast %swap3A_1137 : vector<1x16xf32> to vector<16xf32>
        %swap3A_1139 = vector.shape_cast %sub3A_689 : vector<16xf32> to vector<1x16xf32>
        tpu.vector_store %arg11[%swap3A_1135, %swap3A_1136], %swap3A_1139 {strides = array<i32>} : memref<256x64xf32, #tpu.memory_space<vmem>>, vector<1x16xf32>,
        %add3A_1140 = arith.constant 8 : i32
        %add3A_1141 = arith.addi %mul3A_691, %add3A_1140 : i32
        %swap3A_1142 = arith.index_cast %add3A_1141 : i32 to index
        %swap3A_1143 = arith.constant 0 : index
        %swap3A_1144 = tpu.vector_load %arg9[%swap3A_1142, %swap3A_1143] {strides = array<i32>} : memref<256x64xf32, #tpu.memory_space<vmem>>, vector<1x16xf32>,
        %swap3A_1145 = vector.shape_cast %swap3A_1144 : vector<1x16xf32> to vector<16xf32>
        %swap3A_1146 = vector.shape_cast %get3A_673 : vector<16xf32> to vector<1x16xf32>
        tpu.vector_store %arg9[%swap3A_1142, %swap3A_1143], %swap3A_1146 {strides = array<i32>} : memref<256x64xf32, #tpu.memory_space<vmem>>, vector<1x16xf32>,
        %add3A_1147 = arith.constant 8 : i32
        %add3A_1148 = arith.addi %mul3A_691, %add3A_1147 : i32
        %swap3A_1149 = arith.index_cast %add3A_1148 : i32 to index
        %swap3A_1150 = arith.constant 0 : index
        %swap3A_1151 = tpu.vector_load %arg11[%swap3A_1149, %swap3A_1150] {strides = array<i32>} : memref<256x64xf32, #tpu.memory_space<vmem>>, vector<1x16xf32>,
        %swap3A_1152 = vector.shape_cast %swap3A_1151 : vector<1x16xf32> to vector<16xf32>
        %swap3A_1153 = vector.shape_cast %sub3A_686 : vector<16xf32> to vector<1x16xf32>
        tpu.vector_store %arg11[%swap3A_1149, %swap3A_1150], %swap3A_1153 {strides = array<i32>} : memref<256x64xf32, #tpu.memory_space<vmem>>, vector<1x16xf32>,
        %add3A_1154 = arith.constant 8 : i32
        %add3A_1155 = arith.addi %mul3A_691, %add3A_1154 : i32
        %swap3A_1156 = arith.index_cast %add3A_1155 : i32 to index
        %swap3A_1157 = arith.constant 16 : index
        %swap3A_1158 = tpu.vector_load %arg9[%swap3A_1156, %swap3A_1157] {strides = array<i32>} : memref<256x64xf32, #tpu.memory_space<vmem>>, vector<1x16xf32>,
        %swap3A_1159 = vector.shape_cast %swap3A_1158 : vector<1x16xf32> to vector<16xf32>
        %swap3A_1160 = vector.shape_cast %get3A_677 : vector<16xf32> to vector<1x16xf32>
        tpu.vector_store %arg9[%swap3A_1156, %swap3A_1157], %swap3A_1160 {strides = array<i32>} : memref<256x64xf32, #tpu.memory_space<vmem>>, vector<1x16xf32>,
        %add3A_1161 = arith.constant 8 : i32
        %add3A_1162 = arith.addi %mul3A_691, %add3A_1161 : i32
        %swap3A_1163 = arith.index_cast %add3A_1162 : i32 to index
        %swap3A_1164 = arith.constant 16 : index
        %swap3A_1165 = tpu.vector_load %arg11[%swap3A_1163, %swap3A_1164] {strides = array<i32>} : memref<256x64xf32, #tpu.memory_space<vmem>>, vector<1x16xf32>,
        %swap3A_1166 = vector.shape_cast %swap3A_1165 : vector<1x16xf32> to vector<16xf32>
        %swap3A_1167 = vector.shape_cast %sub3A_687 : vector<16xf32> to vector<1x16xf32>
        tpu.vector_store %arg11[%swap3A_1163, %swap3A_1164], %swap3A_1167 {strides = array<i32>} : memref<256x64xf32, #tpu.memory_space<vmem>>, vector<1x16xf32>,
        %add3A_1168 = arith.constant 8 : i32
        %add3A_1169 = arith.addi %mul3A_691, %add3A_1168 : i32
        %swap3A_1170 = arith.index_cast %add3A_1169 : i32 to index
        %swap3A_1171 = arith.constant 32 : index
        %swap3A_1172 = tpu.vector_load %arg9[%swap3A_1170, %swap3A_1171] {strides = array<i32>} : memref<256x64xf32, #tpu.memory_space<vmem>>, vector<1x16xf32>,
        %swap3A_1173 = vector.shape_cast %swap3A_1172 : vector<1x16xf32> to vector<16xf32>
        %swap3A_1174 = vector.shape_cast %get3A_681 : vector<16xf32> to vector<1x16xf32>
        tpu.vector_store %arg9[%swap3A_1170, %swap3A_1171], %swap3A_1174 {strides = array<i32>} : memref<256x64xf32, #tpu.memory_space<vmem>>, vector<1x16xf32>,
        %add3A_1175 = arith.constant 8 : i32
        %add3A_1176 = arith.addi %mul3A_691, %add3A_1175 : i32
        %swap3A_1177 = arith.index_cast %add3A_1176 : i32 to index
        %swap3A_1178 = arith.constant 32 : index
        %swap3A_1179 = tpu.vector_load %arg11[%swap3A_1177, %swap3A_1178] {strides = array<i32>} : memref<256x64xf32, #tpu.memory_space<vmem>>, vector<1x16xf32>,
        %swap3A_1180 = vector.shape_cast %swap3A_1179 : vector<1x16xf32> to vector<16xf32>
        %swap3A_1181 = vector.shape_cast %sub3A_688 : vector<16xf32> to vector<1x16xf32>
        tpu.vector_store %arg11[%swap3A_1177, %swap3A_1178], %swap3A_1181 {strides = array<i32>} : memref<256x64xf32, #tpu.memory_space<vmem>>, vector<1x16xf32>,
        %add3A_1182 = arith.constant 8 : i32
        %add3A_1183 = arith.addi %mul3A_691, %add3A_1182 : i32
        %swap3A_1184 = arith.index_cast %add3A_1183 : i32 to index
        %swap3A_1185 = arith.constant 48 : index
        %swap3A_1186 = tpu.vector_load %arg9[%swap3A_1184, %swap3A_1185] {strides = array<i32>} : memref<256x64xf32, #tpu.memory_space<vmem>>, vector<1x16xf32>,
        %swap3A_1187 = vector.shape_cast %swap3A_1186 : vector<1x16xf32> to vector<16xf32>
        %swap3A_1188 = vector.shape_cast %get3A_685 : vector<16xf32> to vector<1x16xf32>
        tpu.vector_store %arg9[%swap3A_1184, %swap3A_1185], %swap3A_1188 {strides = array<i32>} : memref<256x64xf32, #tpu.memory_space<vmem>>, vector<1x16xf32>,
        %add3A_1189 = arith.constant 8 : i32
        %add3A_1190 = arith.addi %mul3A_691, %add3A_1189 : i32
        %swap3A_1191 = arith.index_cast %add3A_1190 : i32 to index
        %swap3A_1192 = arith.constant 48 : index
        %swap3A_1193 = tpu.vector_load %arg11[%swap3A_1191, %swap3A_1192] {strides = array<i32>} : memref<256x64xf32, #tpu.memory_space<vmem>>, vector<1x16xf32>,
        %swap3A_1194 = vector.shape_cast %swap3A_1193 : vector<1x16xf32> to vector<16xf32>
        %swap3A_1195 = vector.shape_cast %sub3A_689 : vector<16xf32> to vector<1x16xf32>
        tpu.vector_store %arg11[%swap3A_1191, %swap3A_1192], %swap3A_1195 {strides = array<i32>} : memref<256x64xf32, #tpu.memory_space<vmem>>, vector<1x16xf32>,
        %add3A_1196 = arith.constant 9 : i32
        %add3A_1197 = arith.addi %mul3A_691, %add3A_1196 : i32
        %swap3A_1198 = arith.index_cast %add3A_1197 : i32 to index
        %swap3A_1199 = arith.constant 0 : index
        %swap3A_1200 = tpu.vector_load %arg9[%swap3A_1198, %swap3A_1199] {strides = array<i32>} : memref<256x64xf32, #tpu.memory_space<vmem>>, vector<1x16xf32>,
        %swap3A_1201 = vector.shape_cast %swap3A_1200 : vector<1x16xf32> to vector<16xf32>
        %swap3A_1202 = vector.shape_cast %get3A_673 : vector<16xf32> to vector<1x16xf32>
        tpu.vector_store %arg9[%swap3A_1198, %swap3A_1199], %swap3A_1202 {strides = array<i32>} : memref<256x64xf32, #tpu.memory_space<vmem>>, vector<1x16xf32>,
        %add3A_1203 = arith.constant 9 : i32
        %add3A_1204 = arith.addi %mul3A_691, %add3A_1203 : i32
        %swap3A_1205 = arith.index_cast %add3A_1204 : i32 to index
        %swap3A_1206 = arith.constant 0 : index
        %swap3A_1207 = tpu.vector_load %arg11[%swap3A_1205, %swap3A_1206] {strides = array<i32>} : memref<256x64xf32, #tpu.memory_space<vmem>>, vector<1x16xf32>,
        %swap3A_1208 = vector.shape_cast %swap3A_1207 : vector<1x16xf32> to vector<16xf32>
        %swap3A_1209 = vector.shape_cast %sub3A_686 : vector<16xf32> to vector<1x16xf32>
        tpu.vector_store %arg11[%swap3A_1205, %swap3A_1206], %swap3A_1209 {strides = array<i32>} : memref<256x64xf32, #tpu.memory_space<vmem>>, vector<1x16xf32>,
        %add3A_1210 = arith.constant 9 : i32
        %add3A_1211 = arith.addi %mul3A_691, %add3A_1210 : i32
        %swap3A_1212 = arith.index_cast %add3A_1211 : i32 to index
        %swap3A_1213 = arith.constant 16 : index
        %swap3A_1214 = tpu.vector_load %arg9[%swap3A_1212, %swap3A_1213] {strides = array<i32>} : memref<256x64xf32, #tpu.memory_space<vmem>>, vector<1x16xf32>,
        %swap3A_1215 = vector.shape_cast %swap3A_1214 : vector<1x16xf32> to vector<16xf32>
        %swap3A_1216 = vector.shape_cast %get3A_677 : vector<16xf32> to vector<1x16xf32>
        tpu.vector_store %arg9[%swap3A_1212, %swap3A_1213], %swap3A_1216 {strides = array<i32>} : memref<256x64xf32, #tpu.memory_space<vmem>>, vector<1x16xf32>,
        %add3A_1217 = arith.constant 9 : i32
        %add3A_1218 = arith.addi %mul3A_691, %add3A_1217 : i32
        %swap3A_1219 = arith.index_cast %add3A_1218 : i32 to index
        %swap3A_1220 = arith.constant 16 : index
        %swap3A_1221 = tpu.vector_load %arg11[%swap3A_1219, %swap3A_1220] {strides = array<i32>} : memref<256x64xf32, #tpu.memory_space<vmem>>, vector<1x16xf32>,
        %swap3A_1222 = vector.shape_cast %swap3A_1221 : vector<1x16xf32> to vector<16xf32>
        %swap3A_1223 = vector.shape_cast %sub3A_687 : vector<16xf32> to vector<1x16xf32>
        tpu.vector_store %arg11[%swap3A_1219, %swap3A_1220], %swap3A_1223 {strides = array<i32>} : memref<256x64xf32, #tpu.memory_space<vmem>>, vector<1x16xf32>,
        %add3A_1224 = arith.constant 9 : i32
        %add3A_1225 = arith.addi %mul3A_691, %add3A_1224 : i32
        %swap3A_1226 = arith.index_cast %add3A_1225 : i32 to index
        %swap3A_1227 = arith.constant 32 : index
        %swap3A_1228 = tpu.vector_load %arg9[%swap3A_1226, %swap3A_1227] {strides = array<i32>} : memref<256x64xf32, #tpu.memory_space<vmem>>, vector<1x16xf32>,
        %swap3A_1229 = vector.shape_cast %swap3A_1228 : vector<1x16xf32> to vector<16xf32>
        %swap3A_1230 = vector.shape_cast %get3A_681 : vector<16xf32> to vector<1x16xf32>
        tpu.vector_store %arg9[%swap3A_1226, %swap3A_1227], %swap3A_1230 {strides = array<i32>} : memref<256x64xf32, #tpu.memory_space<vmem>>, vector<1x16xf32>,
        %add3A_1231 = arith.constant 9 : i32
        %add3A_1232 = arith.addi %mul3A_691, %add3A_1231 : i32
        %swap3A_1233 = arith.index_cast %add3A_1232 : i32 to index
        %swap3A_1234 = arith.constant 32 : index
        %swap3A_1235 = tpu.vector_load %arg11[%swap3A_1233, %swap3A_1234] {strides = array<i32>} : memref<256x64xf32, #tpu.memory_space<vmem>>, vector<1x16xf32>,
        %swap3A_1236 = vector.shape_cast %swap3A_1235 : vector<1x16xf32> to vector<16xf32>
        %swap3A_1237 = vector.shape_cast %sub3A_688 : vector<16xf32> to vector<1x16xf32>
        tpu.vector_store %arg11[%swap3A_1233, %swap3A_1234], %swap3A_1237 {strides = array<i32>} : memref<256x64xf32, #tpu.memory_space<vmem>>, vector<1x16xf32>,
        %add3A_1238 = arith.constant 9 : i32
        %add3A_1239 = arith.addi %mul3A_691, %add3A_1238 : i32
        %swap3A_1240 = arith.index_cast %add3A_1239 : i32 to index
        %swap3A_1241 = arith.constant 48 : index
        %swap3A_1242 = tpu.vector_load %arg9[%swap3A_1240, %swap3A_1241] {strides = array<i32>} : memref<256x64xf32, #tpu.memory_space<vmem>>, vector<1x16xf32>,
        %swap3A_1243 = vector.shape_cast %swap3A_1242 : vector<1x16xf32> to vector<16xf32>
        %swap3A_1244 = vector.shape_cast %get3A_685 : vector<16xf32> to vector<1x16xf32>
        tpu.vector_store %arg9[%swap3A_1240, %swap3A_1241], %swap3A_1244 {strides = array<i32>} : memref<256x64xf32, #tpu.memory_space<vmem>>, vector<1x16xf32>,
        %add3A_1245 = arith.constant 9 : i32
        %add3A_1246 = arith.addi %mul3A_691, %add3A_1245 : i32
        %swap3A_1247 = arith.index_cast %add3A_1246 : i32 to index
        %swap3A_1248 = arith.constant 48 : index
        %swap3A_1249 = tpu.vector_load %arg11[%swap3A_1247, %swap3A_1248] {strides = array<i32>} : memref<256x64xf32, #tpu.memory_space<vmem>>, vector<1x16xf32>,
        %swap3A_1250 = vector.shape_cast %swap3A_1249 : vector<1x16xf32> to vector<16xf32>
        %swap3A_1251 = vector.shape_cast %sub3A_689 : vector<16xf32> to vector<1x16xf32>
        tpu.vector_store %arg11[%swap3A_1247, %swap3A_1248], %swap3A_1251 {strides = array<i32>} : memref<256x64xf32, #tpu.memory_space<vmem>>, vector<1x16xf32>,
        %add3A_1252 = arith.constant 10 : i32
        %add3A_1253 = arith.addi %mul3A_691, %add3A_1252 : i32
        %swap3A_1254 = arith.index_cast %add3A_1253 : i32 to index
        %swap3A_1255 = arith.constant 0 : index
        %swap3A_1256 = tpu.vector_load %arg9[%swap3A_1254, %swap3A_1255] {strides = array<i32>} : memref<256x64xf32, #tpu.memory_space<vmem>>, vector<1x16xf32>,
        %swap3A_1257 = vector.shape_cast %swap3A_1256 : vector<1x16xf32> to vector<16xf32>
        %swap3A_1258 = vector.shape_cast %get3A_673 : vector<16xf32> to vector<1x16xf32>
        tpu.vector_store %arg9[%swap3A_1254, %swap3A_1255], %swap3A_1258 {strides = array<i32>} : memref<256x64xf32, #tpu.memory_space<vmem>>, vector<1x16xf32>,
        %add3A_1259 = arith.constant 10 : i32
        %add3A_1260 = arith.addi %mul3A_691, %add3A_1259 : i32
        %swap3A_1261 = arith.index_cast %add3A_1260 : i32 to index
        %swap3A_1262 = arith.constant 0 : index
        %swap3A_1263 = tpu.vector_load %arg11[%swap3A_1261, %swap3A_1262] {strides = array<i32>} : memref<256x64xf32, #tpu.memory_space<vmem>>, vector<1x16xf32>,
        %swap3A_1264 = vector.shape_cast %swap3A_1263 : vector<1x16xf32> to vector<16xf32>
        %swap3A_1265 = vector.shape_cast %sub3A_686 : vector<16xf32> to vector<1x16xf32>
        tpu.vector_store %arg11[%swap3A_1261, %swap3A_1262], %swap3A_1265 {strides = array<i32>} : memref<256x64xf32, #tpu.memory_space<vmem>>, vector<1x16xf32>,
        %add3A_1266 = arith.constant 10 : i32
        %add3A_1267 = arith.addi %mul3A_691, %add3A_1266 : i32
        %swap3A_1268 = arith.index_cast %add3A_1267 : i32 to index
        %swap3A_1269 = arith.constant 16 : index
        %swap3A_1270 = tpu.vector_load %arg9[%swap3A_1268, %swap3A_1269] {strides = array<i32>} : memref<256x64xf32, #tpu.memory_space<vmem>>, vector<1x16xf32>,
        %swap3A_1271 = vector.shape_cast %swap3A_1270 : vector<1x16xf32> to vector<16xf32>
        %swap3A_1272 = vector.shape_cast %get3A_677 : vector<16xf32> to vector<1x16xf32>
        tpu.vector_store %arg9[%swap3A_1268, %swap3A_1269], %swap3A_1272 {strides = array<i32>} : memref<256x64xf32, #tpu.memory_space<vmem>>, vector<1x16xf32>,
        %add3A_1273 = arith.constant 10 : i32
        %add3A_1274 = arith.addi %mul3A_691, %add3A_1273 : i32
        %swap3A_1275 = arith.index_cast %add3A_1274 : i32 to index
        %swap3A_1276 = arith.constant 16 : index
        %swap3A_1277 = tpu.vector_load %arg11[%swap3A_1275, %swap3A_1276] {strides = array<i32>} : memref<256x64xf32, #tpu.memory_space<vmem>>, vector<1x16xf32>,
        %swap3A_1278 = vector.shape_cast %swap3A_1277 : vector<1x16xf32> to vector<16xf32>
        %swap3A_1279 = vector.shape_cast %sub3A_687 : vector<16xf32> to vector<1x16xf32>
        tpu.vector_store %arg11[%swap3A_1275, %swap3A_1276], %swap3A_1279 {strides = array<i32>} : memref<256x64xf32, #tpu.memory_space<vmem>>, vector<1x16xf32>,
        %add3A_1280 = arith.constant 10 : i32
        %add3A_1281 = arith.addi %mul3A_691, %add3A_1280 : i32
        %swap3A_1282 = arith.index_cast %add3A_1281 : i32 to index
        %swap3A_1283 = arith.constant 32 : index
        %swap3A_1284 = tpu.vector_load %arg9[%swap3A_1282, %swap3A_1283] {strides = array<i32>} : memref<256x64xf32, #tpu.memory_space<vmem>>, vector<1x16xf32>,
        %swap3A_1285 = vector.shape_cast %swap3A_1284 : vector<1x16xf32> to vector<16xf32>
        %swap3A_1286 = vector.shape_cast %get3A_681 : vector<16xf32> to vector<1x16xf32>
        tpu.vector_store %arg9[%swap3A_1282, %swap3A_1283], %swap3A_1286 {strides = array<i32>} : memref<256x64xf32, #tpu.memory_space<vmem>>, vector<1x16xf32>,
        %add3A_1287 = arith.constant 10 : i32
        %add3A_1288 = arith.addi %mul3A_691, %add3A_1287 : i32
        %swap3A_1289 = arith.index_cast %add3A_1288 : i32 to index
        %swap3A_1290 = arith.constant 32 : index
        %swap3A_1291 = tpu.vector_load %arg11[%swap3A_1289, %swap3A_1290] {strides = array<i32>} : memref<256x64xf32, #tpu.memory_space<vmem>>, vector<1x16xf32>,
        %swap3A_1292 = vector.shape_cast %swap3A_1291 : vector<1x16xf32> to vector<16xf32>
        %swap3A_1293 = vector.shape_cast %sub3A_688 : vector<16xf32> to vector<1x16xf32>
        tpu.vector_store %arg11[%swap3A_1289, %swap3A_1290], %swap3A_1293 {strides = array<i32>} : memref<256x64xf32, #tpu.memory_space<vmem>>, vector<1x16xf32>,
        %add3A_1294 = arith.constant 10 : i32
        %add3A_1295 = arith.addi %mul3A_691, %add3A_1294 : i32
        %swap3A_1296 = arith.index_cast %add3A_1295 : i32 to index
        %swap3A_1297 = arith.constant 48 : index
        %swap3A_1298 = tpu.vector_load %arg9[%swap3A_1296, %swap3A_1297] {strides = array<i32>} : memref<256x64xf32, #tpu.memory_space<vmem>>, vector<1x16xf32>,
        %swap3A_1299 = vector.shape_cast %swap3A_1298 : vector<1x16xf32> to vector<16xf32>
        %swap3A_1300 = vector.shape_cast %get3A_685 : vector<16xf32> to vector<1x16xf32>
        tpu.vector_store %arg9[%swap3A_1296, %swap3A_1297], %swap3A_1300 {strides = array<i32>} : memref<256x64xf32, #tpu.memory_space<vmem>>, vector<1x16xf32>,
        %add3A_1301 = arith.constant 10 : i32
        %add3A_1302 = arith.addi %mul3A_691, %add3A_1301 : i32
        %swap3A_1303 = arith.index_cast %add3A_1302 : i32 to index
        %swap3A_1304 = arith.constant 48 : index
        %swap3A_1305 = tpu.vector_load %arg11[%swap3A_1303, %swap3A_1304] {strides = array<i32>} : memref<256x64xf32, #tpu.memory_space<vmem>>, vector<1x16xf32>,
        %swap3A_1306 = vector.shape_cast %swap3A_1305 : vector<1x16xf32> to vector<16xf32>
        %swap3A_1307 = vector.shape_cast %sub3A_689 : vector<16xf32> to vector<1x16xf32>
        tpu.vector_store %arg11[%swap3A_1303, %swap3A_1304], %swap3A_1307 {strides = array<i32>} : memref<256x64xf32, #tpu.memory_space<vmem>>, vector<1x16xf32>,
        %add3A_1308 = arith.constant 11 : i32
        %add3A_1309 = arith.addi %mul3A_691, %add3A_1308 : i32
        %swap3A_1310 = arith.index_cast %add3A_1309 : i32 to index
        %swap3A_1311 = arith.constant 0 : index
        %swap3A_1312 = tpu.vector_load %arg9[%swap3A_1310, %swap3A_1311] {strides = array<i32>} : memref<256x64xf32, #tpu.memory_space<vmem>>, vector<1x16xf32>,
        %swap3A_1313 = vector.shape_cast %swap3A_1312 : vector<1x16xf32> to vector<16xf32>
        %swap3A_1314 = vector.shape_cast %get3A_673 : vector<16xf32> to vector<1x16xf32>
        tpu.vector_store %arg9[%swap3A_1310, %swap3A_1311], %swap3A_1314 {strides = array<i32>} : memref<256x64xf32, #tpu.memory_space<vmem>>, vector<1x16xf32>,
        %add3A_1315 = arith.constant 11 : i32
        %add3A_1316 = arith.addi %mul3A_691, %add3A_1315 : i32
        %swap3A_1317 = arith.index_cast %add3A_1316 : i32 to index
        %swap3A_1318 = arith.constant 0 : index
        %swap3A_1319 = tpu.vector_load %arg11[%swap3A_1317, %swap3A_1318] {strides = array<i32>} : memref<256x64xf32, #tpu.memory_space<vmem>>, vector<1x16xf32>,
        %swap3A_1320 = vector.shape_cast %swap3A_1319 : vector<1x16xf32> to vector<16xf32>
        %swap3A_1321 = vector.shape_cast %sub3A_686 : vector<16xf32> to vector<1x16xf32>
        tpu.vector_store %arg11[%swap3A_1317, %swap3A_1318], %swap3A_1321 {strides = array<i32>} : memref<256x64xf32, #tpu.memory_space<vmem>>, vector<1x16xf32>,
        %add3A_1322 = arith.constant 11 : i32
        %add3A_1323 = arith.addi %mul3A_691, %add3A_1322 : i32
        %swap3A_1324 = arith.index_cast %add3A_1323 : i32 to index
        %swap3A_1325 = arith.constant 16 : index
        %swap3A_1326 = tpu.vector_load %arg9[%swap3A_1324, %swap3A_1325] {strides = array<i32>} : memref<256x64xf32, #tpu.memory_space<vmem>>, vector<1x16xf32>,
        %swap3A_1327 = vector.shape_cast %swap3A_1326 : vector<1x16xf32> to vector<16xf32>
        %swap3A_1328 = vector.shape_cast %get3A_677 : vector<16xf32> to vector<1x16xf32>
        tpu.vector_store %arg9[%swap3A_1324, %swap3A_1325], %swap3A_1328 {strides = array<i32>} : memref<256x64xf32, #tpu.memory_space<vmem>>, vector<1x16xf32>,
        %add3A_1329 = arith.constant 11 : i32
        %add3A_1330 = arith.addi %mul3A_691, %add3A_1329 : i32
        %swap3A_1331 = arith.index_cast %add3A_1330 : i32 to index
        %swap3A_1332 = arith.constant 16 : index
        %swap3A_1333 = tpu.vector_load %arg11[%swap3A_1331, %swap3A_1332] {strides = array<i32>} : memref<256x64xf32, #tpu.memory_space<vmem>>, vector<1x16xf32>,
        %swap3A_1334 = vector.shape_cast %swap3A_1333 : vector<1x16xf32> to vector<16xf32>
        %swap3A_1335 = vector.shape_cast %sub3A_687 : vector<16xf32> to vector<1x16xf32>
        tpu.vector_store %arg11[%swap3A_1331, %swap3A_1332], %swap3A_1335 {strides = array<i32>} : memref<256x64xf32, #tpu.memory_space<vmem>>, vector<1x16xf32>,
        %add3A_1336 = arith.constant 11 : i32
        %add3A_1337 = arith.addi %mul3A_691, %add3A_1336 : i32
        %swap3A_1338 = arith.index_cast %add3A_1337 : i32 to index
        %swap3A_1339 = arith.constant 32 : index
        %swap3A_1340 = tpu.vector_load %arg9[%swap3A_1338, %swap3A_1339] {strides = array<i32>} : memref<256x64xf32, #tpu.memory_space<vmem>>, vector<1x16xf32>,
        %swap3A_1341 = vector.shape_cast %swap3A_1340 : vector<1x16xf32> to vector<16xf32>
        %swap3A_1342 = vector.shape_cast %get3A_681 : vector<16xf32> to vector<1x16xf32>
        tpu.vector_store %arg9[%swap3A_1338, %swap3A_1339], %swap3A_1342 {strides = array<i32>} : memref<256x64xf32, #tpu.memory_space<vmem>>, vector<1x16xf32>,
        %add3A_1343 = arith.constant 11 : i32
        %add3A_1344 = arith.addi %mul3A_691, %add3A_1343 : i32
        %swap3A_1345 = arith.index_cast %add3A_1344 : i32 to index
        %swap3A_1346 = arith.constant 32 : index
        %swap3A_1347 = tpu.vector_load %arg11[%swap3A_1345, %swap3A_1346] {strides = array<i32>} : memref<256x64xf32, #tpu.memory_space<vmem>>, vector<1x16xf32>,
        %swap3A_1348 = vector.shape_cast %swap3A_1347 : vector<1x16xf32> to vector<16xf32>
        %swap3A_1349 = vector.shape_cast %sub3A_688 : vector<16xf32> to vector<1x16xf32>
        tpu.vector_store %arg11[%swap3A_1345, %swap3A_1346], %swap3A_1349 {strides = array<i32>} : memref<256x64xf32, #tpu.memory_space<vmem>>, vector<1x16xf32>,
        %add3A_1350 = arith.constant 11 : i32
        %add3A_1351 = arith.addi %mul3A_691, %add3A_1350 : i32
        %swap3A_1352 = arith.index_cast %add3A_1351 : i32 to index
        %swap3A_1353 = arith.constant 48 : index
        %swap3A_1354 = tpu.vector_load %arg9[%swap3A_1352, %swap3A_1353] {strides = array<i32>} : memref<256x64xf32, #tpu.memory_space<vmem>>, vector<1x16xf32>,
        %swap3A_1355 = vector.shape_cast %swap3A_1354 : vector<1x16xf32> to vector<16xf32>
        %swap3A_1356 = vector.shape_cast %get3A_685 : vector<16xf32> to vector<1x16xf32>
        tpu.vector_store %arg9[%swap3A_1352, %swap3A_1353], %swap3A_1356 {strides = array<i32>} : memref<256x64xf32, #tpu.memory_space<vmem>>, vector<1x16xf32>,
        %add3A_1357 = arith.constant 11 : i32
        %add3A_1358 = arith.addi %mul3A_691, %add3A_1357 : i32
        %swap3A_1359 = arith.index_cast %add3A_1358 : i32 to index
        %swap3A_1360 = arith.constant 48 : index
        %swap3A_1361 = tpu.vector_load %arg11[%swap3A_1359, %swap3A_1360] {strides = array<i32>} : memref<256x64xf32, #tpu.memory_space<vmem>>, vector<1x16xf32>,
        %swap3A_1362 = vector.shape_cast %swap3A_1361 : vector<1x16xf32> to vector<16xf32>
        %swap3A_1363 = vector.shape_cast %sub3A_689 : vector<16xf32> to vector<1x16xf32>
        tpu.vector_store %arg11[%swap3A_1359, %swap3A_1360], %swap3A_1363 {strides = array<i32>} : memref<256x64xf32, #tpu.memory_space<vmem>>, vector<1x16xf32>,
        %add3A_1364 = arith.constant 12 : i32
        %add3A_1365 = arith.addi %mul3A_691, %add3A_1364 : i32
        %swap3A_1366 = arith.index_cast %add3A_1365 : i32 to index
        %swap3A_1367 = arith.constant 0 : index
        %swap3A_1368 = tpu.vector_load %arg9[%swap3A_1366, %swap3A_1367] {strides = array<i32>} : memref<256x64xf32, #tpu.memory_space<vmem>>, vector<1x16xf32>,
        %swap3A_1369 = vector.shape_cast %swap3A_1368 : vector<1x16xf32> to vector<16xf32>
        %swap3A_1370 = vector.shape_cast %get3A_673 : vector<16xf32> to vector<1x16xf32>
        tpu.vector_store %arg9[%swap3A_1366, %swap3A_1367], %swap3A_1370 {strides = array<i32>} : memref<256x64xf32, #tpu.memory_space<vmem>>, vector<1x16xf32>,
        %add3A_1371 = arith.constant 12 : i32
        %add3A_1372 = arith.addi %mul3A_691, %add3A_1371 : i32
        %swap3A_1373 = arith.index_cast %add3A_1372 : i32 to index
        %swap3A_1374 = arith.constant 0 : index
        %swap3A_1375 = tpu.vector_load %arg11[%swap3A_1373, %swap3A_1374] {strides = array<i32>} : memref<256x64xf32, #tpu.memory_space<vmem>>, vector<1x16xf32>,
        %swap3A_1376 = vector.shape_cast %swap3A_1375 : vector<1x16xf32> to vector<16xf32>
        %swap3A_1377 = vector.shape_cast %sub3A_686 : vector<16xf32> to vector<1x16xf32>
        tpu.vector_store %arg11[%swap3A_1373, %swap3A_1374], %swap3A_1377 {strides = array<i32>} : memref<256x64xf32, #tpu.memory_space<vmem>>, vector<1x16xf32>,
        %add3A_1378 = arith.constant 12 : i32
        %add3A_1379 = arith.addi %mul3A_691, %add3A_1378 : i32
        %swap3A_1380 = arith.index_cast %add3A_1379 : i32 to index
        %swap3A_1381 = arith.constant 16 : index
        %swap3A_1382 = tpu.vector_load %arg9[%swap3A_1380, %swap3A_1381] {strides = array<i32>} : memref<256x64xf32, #tpu.memory_space<vmem>>, vector<1x16xf32>,
        %swap3A_1383 = vector.shape_cast %swap3A_1382 : vector<1x16xf32> to vector<16xf32>
        %swap3A_1384 = vector.shape_cast %get3A_677 : vector<16xf32> to vector<1x16xf32>
        tpu.vector_store %arg9[%swap3A_1380, %swap3A_1381], %swap3A_1384 {strides = array<i32>} : memref<256x64xf32, #tpu.memory_space<vmem>>, vector<1x16xf32>,
        %add3A_1385 = arith.constant 12 : i32
        %add3A_1386 = arith.addi %mul3A_691, %add3A_1385 : i32
        %swap3A_1387 = arith.index_cast %add3A_1386 : i32 to index
        %swap3A_1388 = arith.constant 16 : index
        %swap3A_1389 = tpu.vector_load %arg11[%swap3A_1387, %swap3A_1388] {strides = array<i32>} : memref<256x64xf32, #tpu.memory_space<vmem>>, vector<1x16xf32>,
        %swap3A_1390 = vector.shape_cast %swap3A_1389 : vector<1x16xf32> to vector<16xf32>
        %swap3A_1391 = vector.shape_cast %sub3A_687 : vector<16xf32> to vector<1x16xf32>
        tpu.vector_store %arg11[%swap3A_1387, %swap3A_1388], %swap3A_1391 {strides = array<i32>} : memref<256x64xf32, #tpu.memory_space<vmem>>, vector<1x16xf32>,
        %add3A_1392 = arith.constant 12 : i32
        %add3A_1393 = arith.addi %mul3A_691, %add3A_1392 : i32
        %swap3A_1394 = arith.index_cast %add3A_1393 : i32 to index
        %swap3A_1395 = arith.constant 32 : index
        %swap3A_1396 = tpu.vector_load %arg9[%swap3A_1394, %swap3A_1395] {strides = array<i32>} : memref<256x64xf32, #tpu.memory_space<vmem>>, vector<1x16xf32>,
        %swap3A_1397 = vector.shape_cast %swap3A_1396 : vector<1x16xf32> to vector<16xf32>
        %swap3A_1398 = vector.shape_cast %get3A_681 : vector<16xf32> to vector<1x16xf32>
        tpu.vector_store %arg9[%swap3A_1394, %swap3A_1395], %swap3A_1398 {strides = array<i32>} : memref<256x64xf32, #tpu.memory_space<vmem>>, vector<1x16xf32>,
        %add3A_1399 = arith.constant 12 : i32
        %add3A_1400 = arith.addi %mul3A_691, %add3A_1399 : i32
        %swap3A_1401 = arith.index_cast %add3A_1400 : i32 to index
        %swap3A_1402 = arith.constant 32 : index
        %swap3A_1403 = tpu.vector_load %arg11[%swap3A_1401, %swap3A_1402] {strides = array<i32>} : memref<256x64xf32, #tpu.memory_space<vmem>>, vector<1x16xf32>,
        %swap3A_1404 = vector.shape_cast %swap3A_1403 : vector<1x16xf32> to vector<16xf32>
        %swap3A_1405 = vector.shape_cast %sub3A_688 : vector<16xf32> to vector<1x16xf32>
        tpu.vector_store %arg11[%swap3A_1401, %swap3A_1402], %swap3A_1405 {strides = array<i32>} : memref<256x64xf32, #tpu.memory_space<vmem>>, vector<1x16xf32>,
        %add3A_1406 = arith.constant 12 : i32
        %add3A_1407 = arith.addi %mul3A_691, %add3A_1406 : i32
        %swap3A_1408 = arith.index_cast %add3A_1407 : i32 to index
        %swap3A_1409 = arith.constant 48 : index
        %swap3A_1410 = tpu.vector_load %arg9[%swap3A_1408, %swap3A_1409] {strides = array<i32>} : memref<256x64xf32, #tpu.memory_space<vmem>>, vector<1x16xf32>,
        %swap3A_1411 = vector.shape_cast %swap3A_1410 : vector<1x16xf32> to vector<16xf32>
        %swap3A_1412 = vector.shape_cast %get3A_685 : vector<16xf32> to vector<1x16xf32>
        tpu.vector_store %arg9[%swap3A_1408, %swap3A_1409], %swap3A_1412 {strides = array<i32>} : memref<256x64xf32, #tpu.memory_space<vmem>>, vector<1x16xf32>,
        %add3A_1413 = arith.constant 12 : i32
        %add3A_1414 = arith.addi %mul3A_691, %add3A_1413 : i32
        %swap3A_1415 = arith.index_cast %add3A_1414 : i32 to index
        %swap3A_1416 = arith.constant 48 : index
        %swap3A_1417 = tpu.vector_load %arg11[%swap3A_1415, %swap3A_1416] {strides = array<i32>} : memref<256x64xf32, #tpu.memory_space<vmem>>, vector<1x16xf32>,
        %swap3A_1418 = vector.shape_cast %swap3A_1417 : vector<1x16xf32> to vector<16xf32>
        %swap3A_1419 = vector.shape_cast %sub3A_689 : vector<16xf32> to vector<1x16xf32>
        tpu.vector_store %arg11[%swap3A_1415, %swap3A_1416], %swap3A_1419 {strides = array<i32>} : memref<256x64xf32, #tpu.memory_space<vmem>>, vector<1x16xf32>,
        %add3A_1420 = arith.constant 13 : i32
        %add3A_1421 = arith.addi %mul3A_691, %add3A_1420 : i32
        %swap3A_1422 = arith.index_cast %add3A_1421 : i32 to index
        %swap3A_1423 = arith.constant 0 : index
        %swap3A_1424 = tpu.vector_load %arg9[%swap3A_1422, %swap3A_1423] {strides = array<i32>} : memref<256x64xf32, #tpu.memory_space<vmem>>, vector<1x16xf32>,
        %swap3A_1425 = vector.shape_cast %swap3A_1424 : vector<1x16xf32> to vector<16xf32>
        %swap3A_1426 = vector.shape_cast %get3A_673 : vector<16xf32> to vector<1x16xf32>
        tpu.vector_store %arg9[%swap3A_1422, %swap3A_1423], %swap3A_1426 {strides = array<i32>} : memref<256x64xf32, #tpu.memory_space<vmem>>, vector<1x16xf32>,
        %add3A_1427 = arith.constant 13 : i32
        %add3A_1428 = arith.addi %mul3A_691, %add3A_1427 : i32
        %swap3A_1429 = arith.index_cast %add3A_1428 : i32 to index
        %swap3A_1430 = arith.constant 0 : index
        %swap3A_1431 = tpu.vector_load %arg11[%swap3A_1429, %swap3A_1430] {strides = array<i32>} : memref<256x64xf32, #tpu.memory_space<vmem>>, vector<1x16xf32>,
        %swap3A_1432 = vector.shape_cast %swap3A_1431 : vector<1x16xf32> to vector<16xf32>
        %swap3A_1433 = vector.shape_cast %sub3A_686 : vector<16xf32> to vector<1x16xf32>
        tpu.vector_store %arg11[%swap3A_1429, %swap3A_1430], %swap3A_1433 {strides = array<i32>} : memref<256x64xf32, #tpu.memory_space<vmem>>, vector<1x16xf32>,
        %add3A_1434 = arith.constant 13 : i32
        %add3A_1435 = arith.addi %mul3A_691, %add3A_1434 : i32
        %swap3A_1436 = arith.index_cast %add3A_1435 : i32 to index
        %swap3A_1437 = arith.constant 16 : index
        %swap3A_1438 = tpu.vector_load %arg9[%swap3A_1436, %swap3A_1437] {strides = array<i32>} : memref<256x64xf32, #tpu.memory_space<vmem>>, vector<1x16xf32>,
        %swap3A_1439 = vector.shape_cast %swap3A_1438 : vector<1x16xf32> to vector<16xf32>
        %swap3A_1440 = vector.shape_cast %get3A_677 : vector<16xf32> to vector<1x16xf32>
        tpu.vector_store %arg9[%swap3A_1436, %swap3A_1437], %swap3A_1440 {strides = array<i32>} : memref<256x64xf32, #tpu.memory_space<vmem>>, vector<1x16xf32>,
        %add3A_1441 = arith.constant 13 : i32
        %add3A_1442 = arith.addi %mul3A_691, %add3A_1441 : i32
        %swap3A_1443 = arith.index_cast %add3A_1442 : i32 to index
        %swap3A_1444 = arith.constant 16 : index
        %swap3A_1445 = tpu.vector_load %arg11[%swap3A_1443, %swap3A_1444] {strides = array<i32>} : memref<256x64xf32, #tpu.memory_space<vmem>>, vector<1x16xf32>,
        %swap3A_1446 = vector.shape_cast %swap3A_1445 : vector<1x16xf32> to vector<16xf32>
        %swap3A_1447 = vector.shape_cast %sub3A_687 : vector<16xf32> to vector<1x16xf32>
        tpu.vector_store %arg11[%swap3A_1443, %swap3A_1444], %swap3A_1447 {strides = array<i32>} : memref<256x64xf32, #tpu.memory_space<vmem>>, vector<1x16xf32>,
        %add3A_1448 = arith.constant 13 : i32
        %add3A_1449 = arith.addi %mul3A_691, %add3A_1448 : i32
        %swap3A_1450 = arith.index_cast %add3A_1449 : i32 to index
        %swap3A_1451 = arith.constant 32 : index
        %swap3A_1452 = tpu.vector_load %arg9[%swap3A_1450, %swap3A_1451] {strides = array<i32>} : memref<256x64xf32, #tpu.memory_space<vmem>>, vector<1x16xf32>,
        %swap3A_1453 = vector.shape_cast %swap3A_1452 : vector<1x16xf32> to vector<16xf32>
        %swap3A_1454 = vector.shape_cast %get3A_681 : vector<16xf32> to vector<1x16xf32>
        tpu.vector_store %arg9[%swap3A_1450, %swap3A_1451], %swap3A_1454 {strides = array<i32>} : memref<256x64xf32, #tpu.memory_space<vmem>>, vector<1x16xf32>,
        %add3A_1455 = arith.constant 13 : i32
        %add3A_1456 = arith.addi %mul3A_691, %add3A_1455 : i32
        %swap3A_1457 = arith.index_cast %add3A_1456 : i32 to index
        %swap3A_1458 = arith.constant 32 : index
        %swap3A_1459 = tpu.vector_load %arg11[%swap3A_1457, %swap3A_1458] {strides = array<i32>} : memref<256x64xf32, #tpu.memory_space<vmem>>, vector<1x16xf32>,
        %swap3A_1460 = vector.shape_cast %swap3A_1459 : vector<1x16xf32> to vector<16xf32>
        %swap3A_1461 = vector.shape_cast %sub3A_688 : vector<16xf32> to vector<1x16xf32>
        tpu.vector_store %arg11[%swap3A_1457, %swap3A_1458], %swap3A_1461 {strides = array<i32>} : memref<256x64xf32, #tpu.memory_space<vmem>>, vector<1x16xf32>,
        %add3A_1462 = arith.constant 13 : i32
        %add3A_1463 = arith.addi %mul3A_691, %add3A_1462 : i32
        %swap3A_1464 = arith.index_cast %add3A_1463 : i32 to index
        %swap3A_1465 = arith.constant 48 : index
        %swap3A_1466 = tpu.vector_load %arg9[%swap3A_1464, %swap3A_1465] {strides = array<i32>} : memref<256x64xf32, #tpu.memory_space<vmem>>, vector<1x16xf32>,
        %swap3A_1467 = vector.shape_cast %swap3A_1466 : vector<1x16xf32> to vector<16xf32>
        %swap3A_1468 = vector.shape_cast %get3A_685 : vector<16xf32> to vector<1x16xf32>
        tpu.vector_store %arg9[%swap3A_1464, %swap3A_1465], %swap3A_1468 {strides = array<i32>} : memref<256x64xf32, #tpu.memory_space<vmem>>, vector<1x16xf32>,
        %add3A_1469 = arith.constant 13 : i32
        %add3A_1470 = arith.addi %mul3A_691, %add3A_1469 : i32
        %swap3A_1471 = arith.index_cast %add3A_1470 : i32 to index
        %swap3A_1472 = arith.constant 48 : index
        %swap3A_1473 = tpu.vector_load %arg11[%swap3A_1471, %swap3A_1472] {strides = array<i32>} : memref<256x64xf32, #tpu.memory_space<vmem>>, vector<1x16xf32>,
        %swap3A_1474 = vector.shape_cast %swap3A_1473 : vector<1x16xf32> to vector<16xf32>
        %swap3A_1475 = vector.shape_cast %sub3A_689 : vector<16xf32> to vector<1x16xf32>
        tpu.vector_store %arg11[%swap3A_1471, %swap3A_1472], %swap3A_1475 {strides = array<i32>} : memref<256x64xf32, #tpu.memory_space<vmem>>, vector<1x16xf32>,
        %add3A_1476 = arith.constant 14 : i32
        %add3A_1477 = arith.addi %mul3A_691, %add3A_1476 : i32
        %swap3A_1478 = arith.index_cast %add3A_1477 : i32 to index
        %swap3A_1479 = arith.constant 0 : index
        %swap3A_1480 = tpu.vector_load %arg9[%swap3A_1478, %swap3A_1479] {strides = array<i32>} : memref<256x64xf32, #tpu.memory_space<vmem>>, vector<1x16xf32>,
        %swap3A_1481 = vector.shape_cast %swap3A_1480 : vector<1x16xf32> to vector<16xf32>
        %swap3A_1482 = vector.shape_cast %get3A_673 : vector<16xf32> to vector<1x16xf32>
        tpu.vector_store %arg9[%swap3A_1478, %swap3A_1479], %swap3A_1482 {strides = array<i32>} : memref<256x64xf32, #tpu.memory_space<vmem>>, vector<1x16xf32>,
        %add3A_1483 = arith.constant 14 : i32
        %add3A_1484 = arith.addi %mul3A_691, %add3A_1483 : i32
        %swap3A_1485 = arith.index_cast %add3A_1484 : i32 to index
        %swap3A_1486 = arith.constant 0 : index
        %swap3A_1487 = tpu.vector_load %arg11[%swap3A_1485, %swap3A_1486] {strides = array<i32>} : memref<256x64xf32, #tpu.memory_space<vmem>>, vector<1x16xf32>,
        %swap3A_1488 = vector.shape_cast %swap3A_1487 : vector<1x16xf32> to vector<16xf32>
        %swap3A_1489 = vector.shape_cast %sub3A_686 : vector<16xf32> to vector<1x16xf32>
        tpu.vector_store %arg11[%swap3A_1485, %swap3A_1486], %swap3A_1489 {strides = array<i32>} : memref<256x64xf32, #tpu.memory_space<vmem>>, vector<1x16xf32>,
        %add3A_1490 = arith.constant 14 : i32
        %add3A_1491 = arith.addi %mul3A_691, %add3A_1490 : i32
        %swap3A_1492 = arith.index_cast %add3A_1491 : i32 to index
        %swap3A_1493 = arith.constant 16 : index
        %swap3A_1494 = tpu.vector_load %arg9[%swap3A_1492, %swap3A_1493] {strides = array<i32>} : memref<256x64xf32, #tpu.memory_space<vmem>>, vector<1x16xf32>,
        %swap3A_1495 = vector.shape_cast %swap3A_1494 : vector<1x16xf32> to vector<16xf32>
        %swap3A_1496 = vector.shape_cast %get3A_677 : vector<16xf32> to vector<1x16xf32>
        tpu.vector_store %arg9[%swap3A_1492, %swap3A_1493], %swap3A_1496 {strides = array<i32>} : memref<256x64xf32, #tpu.memory_space<vmem>>, vector<1x16xf32>,
        %add3A_1497 = arith.constant 14 : i32
        %add3A_1498 = arith.addi %mul3A_691, %add3A_1497 : i32
        %swap3A_1499 = arith.index_cast %add3A_1498 : i32 to index
        %swap3A_1500 = arith.constant 16 : index
        %swap3A_1501 = tpu.vector_load %arg11[%swap3A_1499, %swap3A_1500] {strides = array<i32>} : memref<256x64xf32, #tpu.memory_space<vmem>>, vector<1x16xf32>,
        %swap3A_1502 = vector.shape_cast %swap3A_1501 : vector<1x16xf32> to vector<16xf32>
        %swap3A_1503 = vector.shape_cast %sub3A_687 : vector<16xf32> to vector<1x16xf32>
        tpu.vector_store %arg11[%swap3A_1499, %swap3A_1500], %swap3A_1503 {strides = array<i32>} : memref<256x64xf32, #tpu.memory_space<vmem>>, vector<1x16xf32>,
        %add3A_1504 = arith.constant 14 : i32
        %add3A_1505 = arith.addi %mul3A_691, %add3A_1504 : i32
        %swap3A_1506 = arith.index_cast %add3A_1505 : i32 to index
        %swap3A_1507 = arith.constant 32 : index
        %swap3A_1508 = tpu.vector_load %arg9[%swap3A_1506, %swap3A_1507] {strides = array<i32>} : memref<256x64xf32, #tpu.memory_space<vmem>>, vector<1x16xf32>,
        %swap3A_1509 = vector.shape_cast %swap3A_1508 : vector<1x16xf32> to vector<16xf32>
        %swap3A_1510 = vector.shape_cast %get3A_681 : vector<16xf32> to vector<1x16xf32>
        tpu.vector_store %arg9[%swap3A_1506, %swap3A_1507], %swap3A_1510 {strides = array<i32>} : memref<256x64xf32, #tpu.memory_space<vmem>>, vector<1x16xf32>,
        %add3A_1511 = arith.constant 14 : i32
        %add3A_1512 = arith.addi %mul3A_691, %add3A_1511 : i32
        %swap3A_1513 = arith.index_cast %add3A_1512 : i32 to index
        %swap3A_1514 = arith.constant 32 : index
        %swap3A_1515 = tpu.vector_load %arg11[%swap3A_1513, %swap3A_1514] {strides = array<i32>} : memref<256x64xf32, #tpu.memory_space<vmem>>, vector<1x16xf32>,
        %swap3A_1516 = vector.shape_cast %swap3A_1515 : vector<1x16xf32> to vector<16xf32>
        %swap3A_1517 = vector.shape_cast %sub3A_688 : vector<16xf32> to vector<1x16xf32>
        tpu.vector_store %arg11[%swap3A_1513, %swap3A_1514], %swap3A_1517 {strides = array<i32>} : memref<256x64xf32, #tpu.memory_space<vmem>>, vector<1x16xf32>,
        %add3A_1518 = arith.constant 14 : i32
        %add3A_1519 = arith.addi %mul3A_691, %add3A_1518 : i32
        %swap3A_1520 = arith.index_cast %add3A_1519 : i32 to index
        %swap3A_1521 = arith.constant 48 : index
        %swap3A_1522 = tpu.vector_load %arg9[%swap3A_1520, %swap3A_1521] {strides = array<i32>} : memref<256x64xf32, #tpu.memory_space<vmem>>, vector<1x16xf32>,
        %swap3A_1523 = vector.shape_cast %swap3A_1522 : vector<1x16xf32> to vector<16xf32>
        %swap3A_1524 = vector.shape_cast %get3A_685 : vector<16xf32> to vector<1x16xf32>
        tpu.vector_store %arg9[%swap3A_1520, %swap3A_1521], %swap3A_1524 {strides = array<i32>} : memref<256x64xf32, #tpu.memory_space<vmem>>, vector<1x16xf32>,
        %add3A_1525 = arith.constant 14 : i32
        %add3A_1526 = arith.addi %mul3A_691, %add3A_1525 : i32
        %swap3A_1527 = arith.index_cast %add3A_1526 : i32 to index
        %swap3A_1528 = arith.constant 48 : index
        %swap3A_1529 = tpu.vector_load %arg11[%swap3A_1527, %swap3A_1528] {strides = array<i32>} : memref<256x64xf32, #tpu.memory_space<vmem>>, vector<1x16xf32>,
        %swap3A_1530 = vector.shape_cast %swap3A_1529 : vector<1x16xf32> to vector<16xf32>
        %swap3A_1531 = vector.shape_cast %sub3A_689 : vector<16xf32> to vector<1x16xf32>
        tpu.vector_store %arg11[%swap3A_1527, %swap3A_1528], %swap3A_1531 {strides = array<i32>} : memref<256x64xf32, #tpu.memory_space<vmem>>, vector<1x16xf32>,
        %add3A_1532 = arith.constant 15 : i32
        %add3A_1533 = arith.addi %mul3A_691, %add3A_1532 : i32
        %swap3A_1534 = arith.index_cast %add3A_1533 : i32 to index
        %swap3A_1535 = arith.constant 0 : index
        %swap3A_1536 = tpu.vector_load %arg9[%swap3A_1534, %swap3A_1535] {strides = array<i32>} : memref<256x64xf32, #tpu.memory_space<vmem>>, vector<1x16xf32>,
        %swap3A_1537 = vector.shape_cast %swap3A_1536 : vector<1x16xf32> to vector<16xf32>
        %swap3A_1538 = vector.shape_cast %get3A_673 : vector<16xf32> to vector<1x16xf32>
        tpu.vector_store %arg9[%swap3A_1534, %swap3A_1535], %swap3A_1538 {strides = array<i32>} : memref<256x64xf32, #tpu.memory_space<vmem>>, vector<1x16xf32>,
        %add3A_1539 = arith.constant 15 : i32
        %add3A_1540 = arith.addi %mul3A_691, %add3A_1539 : i32
        %swap3A_1541 = arith.index_cast %add3A_1540 : i32 to index
        %swap3A_1542 = arith.constant 0 : index
        %swap3A_1543 = tpu.vector_load %arg11[%swap3A_1541, %swap3A_1542] {strides = array<i32>} : memref<256x64xf32, #tpu.memory_space<vmem>>, vector<1x16xf32>,
        %swap3A_1544 = vector.shape_cast %swap3A_1543 : vector<1x16xf32> to vector<16xf32>
        %swap3A_1545 = vector.shape_cast %sub3A_686 : vector<16xf32> to vector<1x16xf32>
        tpu.vector_store %arg11[%swap3A_1541, %swap3A_1542], %swap3A_1545 {strides = array<i32>} : memref<256x64xf32, #tpu.memory_space<vmem>>, vector<1x16xf32>,
        %add3A_1546 = arith.constant 15 : i32
        %add3A_1547 = arith.addi %mul3A_691, %add3A_1546 : i32
        %swap3A_1548 = arith.index_cast %add3A_1547 : i32 to index
        %swap3A_1549 = arith.constant 16 : index
        %swap3A_1550 = tpu.vector_load %arg9[%swap3A_1548, %swap3A_1549] {strides = array<i32>} : memref<256x64xf32, #tpu.memory_space<vmem>>, vector<1x16xf32>,
        %swap3A_1551 = vector.shape_cast %swap3A_1550 : vector<1x16xf32> to vector<16xf32>
        %swap3A_1552 = vector.shape_cast %get3A_677 : vector<16xf32> to vector<1x16xf32>
        tpu.vector_store %arg9[%swap3A_1548, %swap3A_1549], %swap3A_1552 {strides = array<i32>} : memref<256x64xf32, #tpu.memory_space<vmem>>, vector<1x16xf32>,
        %add3A_1553 = arith.constant 15 : i32
        %add3A_1554 = arith.addi %mul3A_691, %add3A_1553 : i32
        %swap3A_1555 = arith.index_cast %add3A_1554 : i32 to index
        %swap3A_1556 = arith.constant 16 : index
        %swap3A_1557 = tpu.vector_load %arg11[%swap3A_1555, %swap3A_1556] {strides = array<i32>} : memref<256x64xf32, #tpu.memory_space<vmem>>, vector<1x16xf32>,
        %swap3A_1558 = vector.shape_cast %swap3A_1557 : vector<1x16xf32> to vector<16xf32>
        %swap3A_1559 = vector.shape_cast %sub3A_687 : vector<16xf32> to vector<1x16xf32>
        tpu.vector_store %arg11[%swap3A_1555, %swap3A_1556], %swap3A_1559 {strides = array<i32>} : memref<256x64xf32, #tpu.memory_space<vmem>>, vector<1x16xf32>,
        %add3A_1560 = arith.constant 15 : i32
        %add3A_1561 = arith.addi %mul3A_691, %add3A_1560 : i32
        %swap3A_1562 = arith.index_cast %add3A_1561 : i32 to index
        %swap3A_1563 = arith.constant 32 : index
        %swap3A_1564 = tpu.vector_load %arg9[%swap3A_1562, %swap3A_1563] {strides = array<i32>} : memref<256x64xf32, #tpu.memory_space<vmem>>, vector<1x16xf32>,
        %swap3A_1565 = vector.shape_cast %swap3A_1564 : vector<1x16xf32> to vector<16xf32>
        %swap3A_1566 = vector.shape_cast %get3A_681 : vector<16xf32> to vector<1x16xf32>
        tpu.vector_store %arg9[%swap3A_1562, %swap3A_1563], %swap3A_1566 {strides = array<i32>} : memref<256x64xf32, #tpu.memory_space<vmem>>, vector<1x16xf32>,
        %add3A_1567 = arith.constant 15 : i32
        %add3A_1568 = arith.addi %mul3A_691, %add3A_1567 : i32
        %swap3A_1569 = arith.index_cast %add3A_1568 : i32 to index
        %swap3A_1570 = arith.constant 32 : index
        %swap3A_1571 = tpu.vector_load %arg11[%swap3A_1569, %swap3A_1570] {strides = array<i32>} : memref<256x64xf32, #tpu.memory_space<vmem>>, vector<1x16xf32>,
        %swap3A_1572 = vector.shape_cast %swap3A_1571 : vector<1x16xf32> to vector<16xf32>
        %swap3A_1573 = vector.shape_cast %sub3A_688 : vector<16xf32> to vector<1x16xf32>
        tpu.vector_store %arg11[%swap3A_1569, %swap3A_1570], %swap3A_1573 {strides = array<i32>} : memref<256x64xf32, #tpu.memory_space<vmem>>, vector<1x16xf32>,
        %add3A_1574 = arith.constant 15 : i32
        %add3A_1575 = arith.addi %mul3A_691, %add3A_1574 : i32
        %swap3A_1576 = arith.index_cast %add3A_1575 : i32 to index
        %swap3A_1577 = arith.constant 48 : index
        %swap3A_1578 = tpu.vector_load %arg9[%swap3A_1576, %swap3A_1577] {strides = array<i32>} : memref<256x64xf32, #tpu.memory_space<vmem>>, vector<1x16xf32>,
        %swap3A_1579 = vector.shape_cast %swap3A_1578 : vector<1x16xf32> to vector<16xf32>
        %swap3A_1580 = vector.shape_cast %get3A_685 : vector<16xf32> to vector<1x16xf32>
        tpu.vector_store %arg9[%swap3A_1576, %swap3A_1577], %swap3A_1580 {strides = array<i32>} : memref<256x64xf32, #tpu.memory_space<vmem>>, vector<1x16xf32>,
        %add3A_1581 = arith.constant 15 : i32
        %add3A_1582 = arith.addi %mul3A_691, %add3A_1581 : i32
        %swap3A_1583 = arith.index_cast %add3A_1582 : i32 to index
        %swap3A_1584 = arith.constant 48 : index
        %swap3A_1585 = tpu.vector_load %arg11[%swap3A_1583, %swap3A_1584] {strides = array<i32>} : memref<256x64xf32, #tpu.memory_space<vmem>>, vector<1x16xf32>,
        %swap3A_1586 = vector.shape_cast %swap3A_1585 : vector<1x16xf32> to vector<16xf32>
        %swap3A_1587 = vector.shape_cast %sub3A_689 : vector<16xf32> to vector<1x16xf32>
        tpu.vector_store %arg11[%swap3A_1583, %swap3A_1584], %swap3A_1587 {strides = array<i32>} : memref<256x64xf32, #tpu.memory_space<vmem>>, vector<1x16xf32>,
      }
      %scan3A_375 = arith.constant 16 : i32
      %dma_start3A_376 = arith.constant 0 : i32
      %dma_start3A_377 = arith.constant 0 : i32
      %dma_start3A_378 = arith.constant 0 : i32
      %dma_start3A_379 = tpu.memref_slice %arg11[%dma_start3A_377, %dma_start3A_378] : memref<256x64xf32, #tpu.memory_space<vmem>> -> memref<128x64xf32, #tpu.memory_space<vmem>>
      %dma_start3A_380 = arith.constant 0 : i32
      %dma_start3A_381 = tpu.memref_slice %arg5[%dma_start3A_376, %dma_start3A_380] : memref<2x128xi32, #tpu.memory_space<vmem>> -> memref<1x128xi32, #tpu.memory_space<vmem>>
      %dma_start3A_382 = tpu.memref_squeeze %dma_start3A_381 : memref<1x128xi32, #tpu.memory_space<vmem>> -> memref<128xi32, #tpu.memory_space<vmem>>
      %dma_start3A_383 = arith.constant 0 : i32
      %dma_start3A_384 = arith.constant 0 : i32
      %dma_start3A_385 = tpu.memref_slice %arg2[%dma_start3A_383, %dma_start3A_384] : memref<32768x64xf32, #tpu.memory_space<hbm>> -> memref<32768x64xf32, #tpu.memory_space<hbm>>
      tpu.enqueue_indirect_dma source(%dma_start3A_385 : memref<32768x64xf32, #tpu.memory_space<hbm>>) target(%dma_start3A_379 : memref<128x64xf32, #tpu.memory_space<vmem>>) offsets(%dma_start3A_382 : memref<128xi32, #tpu.memory_space<vmem>>) semaphore(%arg17 : memref<!tpu.dma_semaphore, #tpu.memory_space<semaphore_mem>>) {add = true}
      %dma_start3A_386 = arith.constant 1 : i32
      %dma_start3A_387 = arith.constant 128 : i32
      %dma_start3A_388 = arith.constant 0 : i32
      %dma_start3A_389 = tpu.memref_slice %arg11[%dma_start3A_387, %dma_start3A_388] : memref<256x64xf32, #tpu.memory_space<vmem>> -> memref<128x64xf32, #tpu.memory_space<vmem>>
      %dma_start3A_390 = arith.constant 0 : i32
      %dma_start3A_391 = tpu.memref_slice %arg5[%dma_start3A_386, %dma_start3A_390] : memref<2x128xi32, #tpu.memory_space<vmem>> -> memref<1x128xi32, #tpu.memory_space<vmem>>
      %dma_start3A_392 = tpu.memref_squeeze %dma_start3A_391 : memref<1x128xi32, #tpu.memory_space<vmem>> -> memref<128xi32, #tpu.memory_space<vmem>>
      %dma_start3A_393 = arith.constant 0 : i32
      %dma_start3A_394 = arith.constant 0 : i32
      %dma_start3A_395 = tpu.memref_slice %arg2[%dma_start3A_393, %dma_start3A_394] : memref<32768x64xf32, #tpu.memory_space<hbm>> -> memref<32768x64xf32, #tpu.memory_space<hbm>>
      tpu.enqueue_indirect_dma source(%dma_start3A_395 : memref<32768x64xf32, #tpu.memory_space<hbm>>) target(%dma_start3A_389 : memref<128x64xf32, #tpu.memory_space<vmem>>) offsets(%dma_start3A_392 : memref<128xi32, #tpu.memory_space<vmem>>) semaphore(%arg17 : memref<!tpu.dma_semaphore, #tpu.memory_space<semaphore_mem>>) {add = true}
      %ge3A_396 = arith.constant 1 : i32
      %ge3A_397 = arith.cmpi sge, %mul3A_142, %ge3A_396 : i32
      %convert_element_type3A_398 = arith.extui %ge3A_397 : i1 to i32
      %cond3A_399 = arith.constant 0 : i32
      %cond3A_400 = arith.cmpi ne, %convert_element_type3A_398, %cond3A_399 : i32
      scf.if %cond3A_400 {
        %sub3A_669 = arith.constant 1 : i32
        %sub3A_670 = arith.subi %mul3A_142, %sub3A_669 : i32
        %dma_wait3A_671 = arith.constant 0 : i32
        %dma_wait3A_672 = arith.constant 0 : i32
        %dma_wait3A_673 = arith.constant 0 : i32
        %dma_wait3A_674 = tpu.memref_slice %arg12[%dma_wait3A_672, %dma_wait3A_673] : memref<256x64xf32, #tpu.memory_space<vmem>> -> memref<128x64xf32, #tpu.memory_space<vmem>>
        %dma_wait3A_675 = arith.constant 0 : i32
        %dma_wait3A_676 = tpu.memref_slice %arg6[%dma_wait3A_671, %dma_wait3A_675] : memref<2x128xi32, #tpu.memory_space<vmem>> -> memref<1x128xi32, #tpu.memory_space<vmem>>
        %dma_wait3A_677 = tpu.memref_squeeze %dma_wait3A_676 : memref<1x128xi32, #tpu.memory_space<vmem>> -> memref<128xi32, #tpu.memory_space<vmem>>
        %dma_wait3A_678 = arith.constant 0 : i32
        %dma_wait3A_679 = arith.constant 0 : i32
        %dma_wait3A_680 = tpu.memref_slice %arg2[%dma_wait3A_678, %dma_wait3A_679] : memref<32768x64xf32, #tpu.memory_space<hbm>> -> memref<32768x64xf32, #tpu.memory_space<hbm>>
        tpu.wait_indirect_dma semaphore(%arg18 : memref<!tpu.dma_semaphore, #tpu.memory_space<semaphore_mem>>) src(%dma_wait3A_680 : memref<32768x64xf32, #tpu.memory_space<hbm>>) dst(%dma_wait3A_674 : memref<128x64xf32, #tpu.memory_space<vmem>>)
        %sub3A_681 = arith.constant 1 : i32
        %sub3A_682 = arith.subi %mul3A_142, %sub3A_681 : i32
        %dma_wait3A_683 = arith.constant 1 : i32
        %dma_wait3A_684 = arith.constant 128 : i32
        %dma_wait3A_685 = arith.constant 0 : i32
        %dma_wait3A_686 = tpu.memref_slice %arg12[%dma_wait3A_684, %dma_wait3A_685] : memref<256x64xf32, #tpu.memory_space<vmem>> -> memref<128x64xf32, #tpu.memory_space<vmem>>
        %dma_wait3A_687 = arith.constant 0 : i32
        %dma_wait3A_688 = tpu.memref_slice %arg6[%dma_wait3A_683, %dma_wait3A_687] : memref<2x128xi32, #tpu.memory_space<vmem>> -> memref<1x128xi32, #tpu.memory_space<vmem>>
        %dma_wait3A_689 = tpu.memref_squeeze %dma_wait3A_688 : memref<1x128xi32, #tpu.memory_space<vmem>> -> memref<128xi32, #tpu.memory_space<vmem>>
        %dma_wait3A_690 = arith.constant 0 : i32
        %dma_wait3A_691 = arith.constant 0 : i32
        %dma_wait3A_692 = tpu.memref_slice %arg2[%dma_wait3A_690, %dma_wait3A_691] : memref<32768x64xf32, #tpu.memory_space<hbm>> -> memref<32768x64xf32, #tpu.memory_space<hbm>>
        tpu.wait_indirect_dma semaphore(%arg18 : memref<!tpu.dma_semaphore, #tpu.memory_space<semaphore_mem>>) src(%dma_wait3A_692 : memref<32768x64xf32, #tpu.memory_space<hbm>>) dst(%dma_wait3A_686 : memref<128x64xf32, #tpu.memory_space<vmem>>)
        %sub3A_693 = arith.constant 1 : i32
        %sub3A_694 = arith.subi %mul3A_142, %sub3A_693 : i32
        %mul3A_695 = arith.constant 16384 : i32
        %mul3A_696 = arith.muli %add3A, %mul3A_695 : i32
        %mul3A_697 = arith.constant 256 : i32
        %mul3A_698 = arith.muli %sub3A_694, %mul3A_697 : i32
        %add3A_699 = arith.addi %mul3A_696, %mul3A_698 : i32
        %dma_start3A_700 = arith.constant 0 : i32
        %dma_start3A_701 = arith.constant 0 : i32
        %dma_start3A_702 = tpu.memref_slice %arg4[%add3A_699, %dma_start3A_700, %dma_start3A_701] : memref<524288x2x64xf32, #tpu.memory_space<hbm>> -> memref<256x1x64xf32, #tpu.memory_space<hbm>>
        %dma_start3A_703 = tpu.memref_squeeze %dma_start3A_702 : memref<256x1x64xf32, #tpu.memory_space<hbm>> -> memref<256x64xf32, #tpu.memory_space<hbm>>
        %dma_start3A_704 = arith.constant 0 : i32
        %dma_start3A_705 = tpu.memref_slice %arg4[%add3A_699, %dma_start3A_700, %dma_start3A_704] : memref<524288x2x64xf32, #tpu.memory_space<hbm>> -> memref<256x1x64xf32, #tpu.memory_space<hbm>>
        %dma_start3A_706 = tpu.memref_squeeze %dma_start3A_705 : memref<256x1x64xf32, #tpu.memory_space<hbm>> -> memref<256x64xf32, #tpu.memory_space<hbm>>
        tpu.enqueue_dma source(%arg10 : memref<256x64xf32, #tpu.memory_space<vmem>>) target(%dma_start3A_706 : memref<256x64xf32, #tpu.memory_space<hbm>>) target_semaphore(%arg20 : memref<!tpu.dma_semaphore, #tpu.memory_space<semaphore_mem>>)
        %sub3A_707 = arith.constant 1 : i32
        %sub3A_708 = arith.subi %mul3A_142, %sub3A_707 : i32
        %mul3A_709 = arith.constant 16384 : i32
        %mul3A_710 = arith.muli %add3A, %mul3A_709 : i32
        %mul3A_711 = arith.constant 256 : i32
        %mul3A_712 = arith.muli %sub3A_708, %mul3A_711 : i32
        %add3A_713 = arith.addi %mul3A_710, %mul3A_712 : i32
        %dma_start3A_714 = arith.constant 1 : i32
        %dma_start3A_715 = arith.constant 0 : i32
        %dma_start3A_716 = tpu.memref_slice %arg4[%add3A_713, %dma_start3A_714, %dma_start3A_715] : memref<524288x2x64xf32, #tpu.memory_space<hbm>> -> memref<256x1x64xf32, #tpu.memory_space<hbm>>
        %dma_start3A_717 = tpu.memref_squeeze %dma_start3A_716 : memref<256x1x64xf32, #tpu.memory_space<hbm>> -> memref<256x64xf32, #tpu.memory_space<hbm>>
        %dma_start3A_718 = arith.constant 0 : i32
        %dma_start3A_719 = tpu.memref_slice %arg4[%add3A_713, %dma_start3A_714, %dma_start3A_718] : memref<524288x2x64xf32, #tpu.memory_space<hbm>> -> memref<256x1x64xf32, #tpu.memory_space<hbm>>
        %dma_start3A_720 = tpu.memref_squeeze %dma_start3A_719 : memref<256x1x64xf32, #tpu.memory_space<hbm>> -> memref<256x64xf32, #tpu.memory_space<hbm>>
        tpu.enqueue_dma source(%arg12 : memref<256x64xf32, #tpu.memory_space<vmem>>) target(%dma_start3A_720 : memref<256x64xf32, #tpu.memory_space<hbm>>) target_semaphore(%arg22 : memref<!tpu.dma_semaphore, #tpu.memory_space<semaphore_mem>>)
        %add3A_721 = arith.constant 1 : i32
        %add3A_722 = arith.addi %mul3A_142, %add3A_721 : i32
        %lt3A = arith.constant 64 : i32
        %lt3A_723 = arith.cmpi slt, %add3A_722, %lt3A : i32
        %convert_element_type3A_724 = arith.extui %lt3A_723 : i1 to i32
        %cond3A_725 = arith.constant 0 : i32
        %cond3A_726 = arith.cmpi ne, %convert_element_type3A_724, %cond3A_725 : i32
        scf.if %cond3A_726 {
          %add3A_727 = arith.constant 1 : i32
          %add3A_728 = arith.addi %mul3A_142, %add3A_727 : i32
          %mul3A_729 = arith.constant 128 : i32
          %mul3A_730 = arith.muli %add3A, %mul3A_729 : i32
          %mul3A_731 = arith.constant 2 : i32
          %mul3A_732 = arith.muli %add3A_728, %mul3A_731 : i32
          %add3A_733 = arith.addi %mul3A_730, %mul3A_732 : i32
          %dma_start3A_734 = arith.constant 0 : i32
          %dma_start3A_735 = tpu.memref_slice %arg3[%add3A_733, %dma_start3A_734] : memref<4096x128xi32, #tpu.memory_space<hbm>> -> memref<2x128xi32, #tpu.memory_space<hbm>>
          %dma_start3A_736 = arith.constant 0 : i32
          %dma_start3A_737 = tpu.memref_slice %arg3[%add3A_733, %dma_start3A_736] : memref<4096x128xi32, #tpu.memory_space<hbm>> -> memref<2x128xi32, #tpu.memory_space<hbm>>
          tpu.enqueue_dma source(%dma_start3A_737 : memref<2x128xi32, #tpu.memory_space<hbm>>) target(%arg6 : memref<2x128xi32, #tpu.memory_space<vmem>>) target_semaphore(%arg14 : memref<!tpu.dma_semaphore, #tpu.memory_space<semaphore_mem>>)
          %mul3A_738 = arith.constant 1024 : i32
          %mul3A_739 = arith.muli %add3A, %mul3A_738 : i32
          %mul3A_740 = arith.constant 16 : i32
          %mul3A_741 = arith.muli %add3A_728, %mul3A_740 : i32
          %add3A_742 = arith.addi %mul3A_739, %mul3A_741 : i32
          %dma_start3A_743 = arith.constant 0 : i32
          %dma_start3A_744 = tpu.memref_slice %arg2[%add3A_742, %dma_start3A_743] : memref<32768x64xf32, #tpu.memory_space<hbm>> -> memref<16x64xf32, #tpu.memory_space<hbm>>
          %dma_start3A_745 = arith.constant 0 : i32
          %dma_start3A_746 = tpu.memref_slice %arg2[%add3A_742, %dma_start3A_745] : memref<32768x64xf32, #tpu.memory_space<hbm>> -> memref<16x64xf32, #tpu.memory_space<hbm>>
          tpu.enqueue_dma source(%dma_start3A_746 : memref<16x64xf32, #tpu.memory_space<hbm>>) target(%arg8 : memref<16x64xf32, #tpu.memory_space<vmem>>) target_semaphore(%arg16 : memref<!tpu.dma_semaphore, #tpu.memory_space<semaphore_mem>>)
        } else {
        }
      } else {
      }
      %mul3A_401 = arith.constant 2 : i32
      %mul3A_402 = arith.muli %mul3A_401, %scan3A_140 : i32
      %add3A_403 = arith.constant 1 : i32
      %add3A_404 = arith.addi %mul3A_402, %add3A_403 : i32
      %ge3A_405 = arith.constant 2 : i32
      %ge3A_406 = arith.cmpi sge, %add3A_404, %ge3A_405 : i32
      %convert_element_type3A_407 = arith.extui %ge3A_406 : i1 to i32
      %cond3A_408 = arith.constant 0 : i32
      %cond3A_409 = arith.cmpi ne, %convert_element_type3A_407, %cond3A_408 : i32
      scf.if %cond3A_409 {
        %sub3A_669 = arith.constant 2 : i32
        %sub3A_670 = arith.subi %add3A_404, %sub3A_669 : i32
        %mul3A_671 = arith.constant 16384 : i32
        %mul3A_672 = arith.muli %add3A, %mul3A_671 : i32
        %mul3A_673 = arith.constant 256 : i32
        %mul3A_674 = arith.muli %sub3A_670, %mul3A_673 : i32
        %add3A_675 = arith.addi %mul3A_672, %mul3A_674 : i32
        %dma_wait3A_676 = arith.constant 0 : i32
        %dma_wait3A_677 = arith.constant 0 : i32
        %dma_wait3A_678 = tpu.memref_slice %arg4[%add3A_675, %dma_wait3A_676, %dma_wait3A_677] : memref<524288x2x64xf32, #tpu.memory_space<hbm>> -> memref<256x1x64xf32, #tpu.memory_space<hbm>>
        %dma_wait3A_679 = tpu.memref_squeeze %dma_wait3A_678 : memref<256x1x64xf32, #tpu.memory_space<hbm>> -> memref<256x64xf32, #tpu.memory_space<hbm>>
        %dma_wait3A_680 = arith.constant 0 : i32
        %dma_wait3A_681 = tpu.memref_slice %arg4[%add3A_675, %dma_wait3A_676, %dma_wait3A_680] : memref<524288x2x64xf32, #tpu.memory_space<hbm>> -> memref<256x1x64xf32, #tpu.memory_space<hbm>>
        %dma_wait3A_682 = tpu.memref_squeeze %dma_wait3A_681 : memref<256x1x64xf32, #tpu.memory_space<hbm>> -> memref<256x64xf32, #tpu.memory_space<hbm>>
        tpu.wait_dma2 semaphore(%arg20 : memref<!tpu.dma_semaphore, #tpu.memory_space<semaphore_mem>>) src(%arg10 : memref<256x64xf32, #tpu.memory_space<vmem>>) dst(%dma_wait3A_682 : memref<256x64xf32, #tpu.memory_space<hbm>>)
        %sub3A_683 = arith.constant 2 : i32
        %sub3A_684 = arith.subi %add3A_404, %sub3A_683 : i32
        %mul3A_685 = arith.constant 16384 : i32
        %mul3A_686 = arith.muli %add3A, %mul3A_685 : i32
        %mul3A_687 = arith.constant 256 : i32
        %mul3A_688 = arith.muli %sub3A_684, %mul3A_687 : i32
        %add3A_689 = arith.addi %mul3A_686, %mul3A_688 : i32
        %dma_wait3A_690 = arith.constant 1 : i32
        %dma_wait3A_691 = arith.constant 0 : i32
        %dma_wait3A_692 = tpu.memref_slice %arg4[%add3A_689, %dma_wait3A_690, %dma_wait3A_691] : memref<524288x2x64xf32, #tpu.memory_space<hbm>> -> memref<256x1x64xf32, #tpu.memory_space<hbm>>
        %dma_wait3A_693 = tpu.memref_squeeze %dma_wait3A_692 : memref<256x1x64xf32, #tpu.memory_space<hbm>> -> memref<256x64xf32, #tpu.memory_space<hbm>>
        %dma_wait3A_694 = arith.constant 0 : i32
        %dma_wait3A_695 = tpu.memref_slice %arg4[%add3A_689, %dma_wait3A_690, %dma_wait3A_694] : memref<524288x2x64xf32, #tpu.memory_space<hbm>> -> memref<256x1x64xf32, #tpu.memory_space<hbm>>
        %dma_wait3A_696 = tpu.memref_squeeze %dma_wait3A_695 : memref<256x1x64xf32, #tpu.memory_space<hbm>> -> memref<256x64xf32, #tpu.memory_space<hbm>>
        tpu.wait_dma2 semaphore(%arg22 : memref<!tpu.dma_semaphore, #tpu.memory_space<semaphore_mem>>) src(%arg12 : memref<256x64xf32, #tpu.memory_space<vmem>>) dst(%dma_wait3A_696 : memref<256x64xf32, #tpu.memory_space<hbm>>)
      } else {
      }
      %mul3A_410 = arith.constant 128 : i32
      %mul3A_411 = arith.muli %add3A, %mul3A_410 : i32
      %mul3A_412 = arith.constant 2 : i32
      %mul3A_413 = arith.muli %add3A_404, %mul3A_412 : i32
      %add3A_414 = arith.addi %mul3A_411, %mul3A_413 : i32
      %dma_wait3A_415 = arith.constant 0 : i32
      %dma_wait3A_416 = tpu.memref_slice %arg3[%add3A_414, %dma_wait3A_415] : memref<4096x128xi32, #tpu.memory_space<hbm>> -> memref<2x128xi32, #tpu.memory_space<hbm>>
      %dma_wait3A_417 = arith.constant 0 : i32
      %dma_wait3A_418 = tpu.memref_slice %arg3[%add3A_414, %dma_wait3A_417] : memref<4096x128xi32, #tpu.memory_space<hbm>> -> memref<2x128xi32, #tpu.memory_space<hbm>>
      tpu.wait_dma2 semaphore(%arg14 : memref<!tpu.dma_semaphore, #tpu.memory_space<semaphore_mem>>) src(%dma_wait3A_418 : memref<2x128xi32, #tpu.memory_space<hbm>>) dst(%arg6 : memref<2x128xi32, #tpu.memory_space<vmem>>)
      %get3A_419 = arith.constant 0 : i32
      %get3A_420 = arith.index_cast %get3A_419 : i32 to index
      %get3A_421 = arith.constant 0 : index
      %get3A_422 = tpu.vector_load %arg6[%get3A_420, %get3A_421] {strides = array<i32>} : memref<2x128xi32, #tpu.memory_space<vmem>>, vector<1x16xi32>,
      %get3A_423 = vector.shape_cast %get3A_422 : vector<1x16xi32> to vector<16xi32>
      %add3A_424 = vector.broadcast %mul3A_18 : i32 to vector<16xi32>
      %add3A_425 = arith.addi %get3A_423, %add3A_424 : vector<16xi32>
      %swap3A_426 = arith.constant 0 : i32
      %swap3A_427 = arith.index_cast %swap3A_426 : i32 to index
      %swap3A_428 = arith.constant 0 : index
      %swap3A_429 = tpu.vector_load %arg6[%swap3A_427, %swap3A_428] {strides = array<i32>} : memref<2x128xi32, #tpu.memory_space<vmem>>, vector<1x16xi32>,
      %swap3A_430 = vector.shape_cast %swap3A_429 : vector<1x16xi32> to vector<16xi32>
      %swap3A_431 = vector.shape_cast %add3A_425 : vector<16xi32> to vector<1x16xi32>
      tpu.vector_store %arg6[%swap3A_427, %swap3A_428], %swap3A_431 {strides = array<i32>} : memref<2x128xi32, #tpu.memory_space<vmem>>, vector<1x16xi32>,
      %get3A_432 = arith.constant 0 : i32
      %get3A_433 = arith.index_cast %get3A_432 : i32 to index
      %get3A_434 = arith.constant 16 : index
      %get3A_435 = tpu.vector_load %arg6[%get3A_433, %get3A_434] {strides = array<i32>} : memref<2x128xi32, #tpu.memory_space<vmem>>, vector<1x16xi32>,
      %get3A_436 = vector.shape_cast %get3A_435 : vector<1x16xi32> to vector<16xi32>
      %add3A_437 = vector.broadcast %mul3A_18 : i32 to vector<16xi32>
      %add3A_438 = arith.addi %get3A_436, %add3A_437 : vector<16xi32>
      %swap3A_439 = arith.constant 0 : i32
      %swap3A_440 = arith.index_cast %swap3A_439 : i32 to index
      %swap3A_441 = arith.constant 16 : index
      %swap3A_442 = tpu.vector_load %arg6[%swap3A_440, %swap3A_441] {strides = array<i32>} : memref<2x128xi32, #tpu.memory_space<vmem>>, vector<1x16xi32>,
      %swap3A_443 = vector.shape_cast %swap3A_442 : vector<1x16xi32> to vector<16xi32>
      %swap3A_444 = vector.shape_cast %add3A_438 : vector<16xi32> to vector<1x16xi32>
      tpu.vector_store %arg6[%swap3A_440, %swap3A_441], %swap3A_444 {strides = array<i32>} : memref<2x128xi32, #tpu.memory_space<vmem>>, vector<1x16xi32>,
      %get3A_445 = arith.constant 0 : i32
      %get3A_446 = arith.index_cast %get3A_445 : i32 to index
      %get3A_447 = arith.constant 32 : index
      %get3A_448 = tpu.vector_load %arg6[%get3A_446, %get3A_447] {strides = array<i32>} : memref<2x128xi32, #tpu.memory_space<vmem>>, vector<1x16xi32>,
      %get3A_449 = vector.shape_cast %get3A_448 : vector<1x16xi32> to vector<16xi32>
      %add3A_450 = vector.broadcast %mul3A_18 : i32 to vector<16xi32>
      %add3A_451 = arith.addi %get3A_449, %add3A_450 : vector<16xi32>
      %swap3A_452 = arith.constant 0 : i32
      %swap3A_453 = arith.index_cast %swap3A_452 : i32 to index
      %swap3A_454 = arith.constant 32 : index
      %swap3A_455 = tpu.vector_load %arg6[%swap3A_453, %swap3A_454] {strides = array<i32>} : memref<2x128xi32, #tpu.memory_space<vmem>>, vector<1x16xi32>,
      %swap3A_456 = vector.shape_cast %swap3A_455 : vector<1x16xi32> to vector<16xi32>
      %swap3A_457 = vector.shape_cast %add3A_451 : vector<16xi32> to vector<1x16xi32>
      tpu.vector_store %arg6[%swap3A_453, %swap3A_454], %swap3A_457 {strides = array<i32>} : memref<2x128xi32, #tpu.memory_space<vmem>>, vector<1x16xi32>,
      %get3A_458 = arith.constant 0 : i32
      %get3A_459 = arith.index_cast %get3A_458 : i32 to index
      %get3A_460 = arith.constant 48 : index
      %get3A_461 = tpu.vector_load %arg6[%get3A_459, %get3A_460] {strides = array<i32>} : memref<2x128xi32, #tpu.memory_space<vmem>>, vector<1x16xi32>,
      %get3A_462 = vector.shape_cast %get3A_461 : vector<1x16xi32> to vector<16xi32>
      %add3A_463 = vector.broadcast %mul3A_18 : i32 to vector<16xi32>
      %add3A_464 = arith.addi %get3A_462, %add3A_463 : vector<16xi32>
      %swap3A_465 = arith.constant 0 : i32
      %swap3A_466 = arith.index_cast %swap3A_465 : i32 to index
      %swap3A_467 = arith.constant 48 : index
      %swap3A_468 = tpu.vector_load %arg6[%swap3A_466, %swap3A_467] {strides = array<i32>} : memref<2x128xi32, #tpu.memory_space<vmem>>, vector<1x16xi32>,
      %swap3A_469 = vector.shape_cast %swap3A_468 : vector<1x16xi32> to vector<16xi32>
      %swap3A_470 = vector.shape_cast %add3A_464 : vector<16xi32> to vector<1x16xi32>
      tpu.vector_store %arg6[%swap3A_466, %swap3A_467], %swap3A_470 {strides = array<i32>} : memref<2x128xi32, #tpu.memory_space<vmem>>, vector<1x16xi32>,
      %get3A_471 = arith.constant 0 : i32
      %get3A_472 = arith.index_cast %get3A_471 : i32 to index
      %get3A_473 = arith.constant 64 : index
      %get3A_474 = tpu.vector_load %arg6[%get3A_472, %get3A_473] {strides = array<i32>} : memref<2x128xi32, #tpu.memory_space<vmem>>, vector<1x16xi32>,
      %get3A_475 = vector.shape_cast %get3A_474 : vector<1x16xi32> to vector<16xi32>
      %add3A_476 = vector.broadcast %mul3A_18 : i32 to vector<16xi32>
      %add3A_477 = arith.addi %get3A_475, %add3A_476 : vector<16xi32>
      %swap3A_478 = arith.constant 0 : i32
      %swap3A_479 = arith.index_cast %swap3A_478 : i32 to index
      %swap3A_480 = arith.constant 64 : index
      %swap3A_481 = tpu.vector_load %arg6[%swap3A_479, %swap3A_480] {strides = array<i32>} : memref<2x128xi32, #tpu.memory_space<vmem>>, vector<1x16xi32>,
      %swap3A_482 = vector.shape_cast %swap3A_481 : vector<1x16xi32> to vector<16xi32>
      %swap3A_483 = vector.shape_cast %add3A_477 : vector<16xi32> to vector<1x16xi32>
      tpu.vector_store %arg6[%swap3A_479, %swap3A_480], %swap3A_483 {strides = array<i32>} : memref<2x128xi32, #tpu.memory_space<vmem>>, vector<1x16xi32>,
      %get3A_484 = arith.constant 0 : i32
      %get3A_485 = arith.index_cast %get3A_484 : i32 to index
      %get3A_486 = arith.constant 80 : index
      %get3A_487 = tpu.vector_load %arg6[%get3A_485, %get3A_486] {strides = array<i32>} : memref<2x128xi32, #tpu.memory_space<vmem>>, vector<1x16xi32>,
      %get3A_488 = vector.shape_cast %get3A_487 : vector<1x16xi32> to vector<16xi32>
      %add3A_489 = vector.broadcast %mul3A_18 : i32 to vector<16xi32>
      %add3A_490 = arith.addi %get3A_488, %add3A_489 : vector<16xi32>
      %swap3A_491 = arith.constant 0 : i32
      %swap3A_492 = arith.index_cast %swap3A_491 : i32 to index
      %swap3A_493 = arith.constant 80 : index
      %swap3A_494 = tpu.vector_load %arg6[%swap3A_492, %swap3A_493] {strides = array<i32>} : memref<2x128xi32, #tpu.memory_space<vmem>>, vector<1x16xi32>,
      %swap3A_495 = vector.shape_cast %swap3A_494 : vector<1x16xi32> to vector<16xi32>
      %swap3A_496 = vector.shape_cast %add3A_490 : vector<16xi32> to vector<1x16xi32>
      tpu.vector_store %arg6[%swap3A_492, %swap3A_493], %swap3A_496 {strides = array<i32>} : memref<2x128xi32, #tpu.memory_space<vmem>>, vector<1x16xi32>,
      %get3A_497 = arith.constant 0 : i32
      %get3A_498 = arith.index_cast %get3A_497 : i32 to index
      %get3A_499 = arith.constant 96 : index
      %get3A_500 = tpu.vector_load %arg6[%get3A_498, %get3A_499] {strides = array<i32>} : memref<2x128xi32, #tpu.memory_space<vmem>>, vector<1x16xi32>,
      %get3A_501 = vector.shape_cast %get3A_500 : vector<1x16xi32> to vector<16xi32>
      %add3A_502 = vector.broadcast %mul3A_18 : i32 to vector<16xi32>
      %add3A_503 = arith.addi %get3A_501, %add3A_502 : vector<16xi32>
      %swap3A_504 = arith.constant 0 : i32
      %swap3A_505 = arith.index_cast %swap3A_504 : i32 to index
      %swap3A_506 = arith.constant 96 : index
      %swap3A_507 = tpu.vector_load %arg6[%swap3A_505, %swap3A_506] {strides = array<i32>} : memref<2x128xi32, #tpu.memory_space<vmem>>, vector<1x16xi32>,
      %swap3A_508 = vector.shape_cast %swap3A_507 : vector<1x16xi32> to vector<16xi32>
      %swap3A_509 = vector.shape_cast %add3A_503 : vector<16xi32> to vector<1x16xi32>
      tpu.vector_store %arg6[%swap3A_505, %swap3A_506], %swap3A_509 {strides = array<i32>} : memref<2x128xi32, #tpu.memory_space<vmem>>, vector<1x16xi32>,
      %get3A_510 = arith.constant 0 : i32
      %get3A_511 = arith.index_cast %get3A_510 : i32 to index
      %get3A_512 = arith.constant 112 : index
      %get3A_513 = tpu.vector_load %arg6[%get3A_511, %get3A_512] {strides = array<i32>} : memref<2x128xi32, #tpu.memory_space<vmem>>, vector<1x16xi32>,
      %get3A_514 = vector.shape_cast %get3A_513 : vector<1x16xi32> to vector<16xi32>
      %add3A_515 = vector.broadcast %mul3A_18 : i32 to vector<16xi32>
      %add3A_516 = arith.addi %get3A_514, %add3A_515 : vector<16xi32>
      %swap3A_517 = arith.constant 0 : i32
      %swap3A_518 = arith.index_cast %swap3A_517 : i32 to index
      %swap3A_519 = arith.constant 112 : index
      %swap3A_520 = tpu.vector_load %arg6[%swap3A_518, %swap3A_519] {strides = array<i32>} : memref<2x128xi32, #tpu.memory_space<vmem>>, vector<1x16xi32>,
      %swap3A_521 = vector.shape_cast %swap3A_520 : vector<1x16xi32> to vector<16xi32>
      %swap3A_522 = vector.shape_cast %add3A_516 : vector<16xi32> to vector<1x16xi32>
      tpu.vector_store %arg6[%swap3A_518, %swap3A_519], %swap3A_522 {strides = array<i32>} : memref<2x128xi32, #tpu.memory_space<vmem>>, vector<1x16xi32>,
      %get3A_523 = arith.constant 1 : i32
      %get3A_524 = arith.index_cast %get3A_523 : i32 to index
      %get3A_525 = arith.constant 0 : index
      %get3A_526 = tpu.vector_load %arg6[%get3A_524, %get3A_525] {strides = array<i32>} : memref<2x128xi32, #tpu.memory_space<vmem>>, vector<1x16xi32>,
      %get3A_527 = vector.shape_cast %get3A_526 : vector<1x16xi32> to vector<16xi32>
      %add3A_528 = vector.broadcast %mul3A_18 : i32 to vector<16xi32>
      %add3A_529 = arith.addi %get3A_527, %add3A_528 : vector<16xi32>
      %swap3A_530 = arith.constant 1 : i32
      %swap3A_531 = arith.index_cast %swap3A_530 : i32 to index
      %swap3A_532 = arith.constant 0 : index
      %swap3A_533 = tpu.vector_load %arg6[%swap3A_531, %swap3A_532] {strides = array<i32>} : memref<2x128xi32, #tpu.memory_space<vmem>>, vector<1x16xi32>,
      %swap3A_534 = vector.shape_cast %swap3A_533 : vector<1x16xi32> to vector<16xi32>
      %swap3A_535 = vector.shape_cast %add3A_529 : vector<16xi32> to vector<1x16xi32>
      tpu.vector_store %arg6[%swap3A_531, %swap3A_532], %swap3A_535 {strides = array<i32>} : memref<2x128xi32, #tpu.memory_space<vmem>>, vector<1x16xi32>,
      %get3A_536 = arith.constant 1 : i32
      %get3A_537 = arith.index_cast %get3A_536 : i32 to index
      %get3A_538 = arith.constant 16 : index
      %get3A_539 = tpu.vector_load %arg6[%get3A_537, %get3A_538] {strides = array<i32>} : memref<2x128xi32, #tpu.memory_space<vmem>>, vector<1x16xi32>,
      %get3A_540 = vector.shape_cast %get3A_539 : vector<1x16xi32> to vector<16xi32>
      %add3A_541 = vector.broadcast %mul3A_18 : i32 to vector<16xi32>
      %add3A_542 = arith.addi %get3A_540, %add3A_541 : vector<16xi32>
      %swap3A_543 = arith.constant 1 : i32
      %swap3A_544 = arith.index_cast %swap3A_543 : i32 to index
      %swap3A_545 = arith.constant 16 : index
      %swap3A_546 = tpu.vector_load %arg6[%swap3A_544, %swap3A_545] {strides = array<i32>} : memref<2x128xi32, #tpu.memory_space<vmem>>, vector<1x16xi32>,
      %swap3A_547 = vector.shape_cast %swap3A_546 : vector<1x16xi32> to vector<16xi32>
      %swap3A_548 = vector.shape_cast %add3A_542 : vector<16xi32> to vector<1x16xi32>
      tpu.vector_store %arg6[%swap3A_544, %swap3A_545], %swap3A_548 {strides = array<i32>} : memref<2x128xi32, #tpu.memory_space<vmem>>, vector<1x16xi32>,
      %get3A_549 = arith.constant 1 : i32
      %get3A_550 = arith.index_cast %get3A_549 : i32 to index
      %get3A_551 = arith.constant 32 : index
      %get3A_552 = tpu.vector_load %arg6[%get3A_550, %get3A_551] {strides = array<i32>} : memref<2x128xi32, #tpu.memory_space<vmem>>, vector<1x16xi32>,
      %get3A_553 = vector.shape_cast %get3A_552 : vector<1x16xi32> to vector<16xi32>
      %add3A_554 = vector.broadcast %mul3A_18 : i32 to vector<16xi32>
      %add3A_555 = arith.addi %get3A_553, %add3A_554 : vector<16xi32>
      %swap3A_556 = arith.constant 1 : i32
      %swap3A_557 = arith.index_cast %swap3A_556 : i32 to index
      %swap3A_558 = arith.constant 32 : index
      %swap3A_559 = tpu.vector_load %arg6[%swap3A_557, %swap3A_558] {strides = array<i32>} : memref<2x128xi32, #tpu.memory_space<vmem>>, vector<1x16xi32>,
      %swap3A_560 = vector.shape_cast %swap3A_559 : vector<1x16xi32> to vector<16xi32>
      %swap3A_561 = vector.shape_cast %add3A_555 : vector<16xi32> to vector<1x16xi32>
      tpu.vector_store %arg6[%swap3A_557, %swap3A_558], %swap3A_561 {strides = array<i32>} : memref<2x128xi32, #tpu.memory_space<vmem>>, vector<1x16xi32>,
      %get3A_562 = arith.constant 1 : i32
      %get3A_563 = arith.index_cast %get3A_562 : i32 to index
      %get3A_564 = arith.constant 48 : index
      %get3A_565 = tpu.vector_load %arg6[%get3A_563, %get3A_564] {strides = array<i32>} : memref<2x128xi32, #tpu.memory_space<vmem>>, vector<1x16xi32>,
      %get3A_566 = vector.shape_cast %get3A_565 : vector<1x16xi32> to vector<16xi32>
      %add3A_567 = vector.broadcast %mul3A_18 : i32 to vector<16xi32>
      %add3A_568 = arith.addi %get3A_566, %add3A_567 : vector<16xi32>
      %swap3A_569 = arith.constant 1 : i32
      %swap3A_570 = arith.index_cast %swap3A_569 : i32 to index
      %swap3A_571 = arith.constant 48 : index
      %swap3A_572 = tpu.vector_load %arg6[%swap3A_570, %swap3A_571] {strides = array<i32>} : memref<2x128xi32, #tpu.memory_space<vmem>>, vector<1x16xi32>,
      %swap3A_573 = vector.shape_cast %swap3A_572 : vector<1x16xi32> to vector<16xi32>
      %swap3A_574 = vector.shape_cast %add3A_568 : vector<16xi32> to vector<1x16xi32>
      tpu.vector_store %arg6[%swap3A_570, %swap3A_571], %swap3A_574 {strides = array<i32>} : memref<2x128xi32, #tpu.memory_space<vmem>>, vector<1x16xi32>,
      %get3A_575 = arith.constant 1 : i32
      %get3A_576 = arith.index_cast %get3A_575 : i32 to index
      %get3A_577 = arith.constant 64 : index
      %get3A_578 = tpu.vector_load %arg6[%get3A_576, %get3A_577] {strides = array<i32>} : memref<2x128xi32, #tpu.memory_space<vmem>>, vector<1x16xi32>,
      %get3A_579 = vector.shape_cast %get3A_578 : vector<1x16xi32> to vector<16xi32>
      %add3A_580 = vector.broadcast %mul3A_18 : i32 to vector<16xi32>
      %add3A_581 = arith.addi %get3A_579, %add3A_580 : vector<16xi32>
      %swap3A_582 = arith.constant 1 : i32
      %swap3A_583 = arith.index_cast %swap3A_582 : i32 to index
      %swap3A_584 = arith.constant 64 : index
      %swap3A_585 = tpu.vector_load %arg6[%swap3A_583, %swap3A_584] {strides = array<i32>} : memref<2x128xi32, #tpu.memory_space<vmem>>, vector<1x16xi32>,
      %swap3A_586 = vector.shape_cast %swap3A_585 : vector<1x16xi32> to vector<16xi32>
      %swap3A_587 = vector.shape_cast %add3A_581 : vector<16xi32> to vector<1x16xi32>
      tpu.vector_store %arg6[%swap3A_583, %swap3A_584], %swap3A_587 {strides = array<i32>} : memref<2x128xi32, #tpu.memory_space<vmem>>, vector<1x16xi32>,
      %get3A_588 = arith.constant 1 : i32
      %get3A_589 = arith.index_cast %get3A_588 : i32 to index
      %get3A_590 = arith.constant 80 : index
      %get3A_591 = tpu.vector_load %arg6[%get3A_589, %get3A_590] {strides = array<i32>} : memref<2x128xi32, #tpu.memory_space<vmem>>, vector<1x16xi32>,
      %get3A_592 = vector.shape_cast %get3A_591 : vector<1x16xi32> to vector<16xi32>
      %add3A_593 = vector.broadcast %mul3A_18 : i32 to vector<16xi32>
      %add3A_594 = arith.addi %get3A_592, %add3A_593 : vector<16xi32>
      %swap3A_595 = arith.constant 1 : i32
      %swap3A_596 = arith.index_cast %swap3A_595 : i32 to index
      %swap3A_597 = arith.constant 80 : index
      %swap3A_598 = tpu.vector_load %arg6[%swap3A_596, %swap3A_597] {strides = array<i32>} : memref<2x128xi32, #tpu.memory_space<vmem>>, vector<1x16xi32>,
      %swap3A_599 = vector.shape_cast %swap3A_598 : vector<1x16xi32> to vector<16xi32>
      %swap3A_600 = vector.shape_cast %add3A_594 : vector<16xi32> to vector<1x16xi32>
      tpu.vector_store %arg6[%swap3A_596, %swap3A_597], %swap3A_600 {strides = array<i32>} : memref<2x128xi32, #tpu.memory_space<vmem>>, vector<1x16xi32>,
      %get3A_601 = arith.constant 1 : i32
      %get3A_602 = arith.index_cast %get3A_601 : i32 to index
      %get3A_603 = arith.constant 96 : index
      %get3A_604 = tpu.vector_load %arg6[%get3A_602, %get3A_603] {strides = array<i32>} : memref<2x128xi32, #tpu.memory_space<vmem>>, vector<1x16xi32>,
      %get3A_605 = vector.shape_cast %get3A_604 : vector<1x16xi32> to vector<16xi32>
      %add3A_606 = vector.broadcast %mul3A_18 : i32 to vector<16xi32>
      %add3A_607 = arith.addi %get3A_605, %add3A_606 : vector<16xi32>
      %swap3A_608 = arith.constant 1 : i32
      %swap3A_609 = arith.index_cast %swap3A_608 : i32 to index
      %swap3A_610 = arith.constant 96 : index
      %swap3A_611 = tpu.vector_load %arg6[%swap3A_609, %swap3A_610] {strides = array<i32>} : memref<2x128xi32, #tpu.memory_space<vmem>>, vector<1x16xi32>,
      %swap3A_612 = vector.shape_cast %swap3A_611 : vector<1x16xi32> to vector<16xi32>
      %swap3A_613 = vector.shape_cast %add3A_607 : vector<16xi32> to vector<1x16xi32>
      tpu.vector_store %arg6[%swap3A_609, %swap3A_610], %swap3A_613 {strides = array<i32>} : memref<2x128xi32, #tpu.memory_space<vmem>>, vector<1x16xi32>,
      %get3A_614 = arith.constant 1 : i32
      %get3A_615 = arith.index_cast %get3A_614 : i32 to index
      %get3A_616 = arith.constant 112 : index
      %get3A_617 = tpu.vector_load %arg6[%get3A_615, %get3A_616] {strides = array<i32>} : memref<2x128xi32, #tpu.memory_space<vmem>>, vector<1x16xi32>,
      %get3A_618 = vector.shape_cast %get3A_617 : vector<1x16xi32> to vector<16xi32>
      %add3A_619 = vector.broadcast %mul3A_18 : i32 to vector<16xi32>
      %add3A_620 = arith.addi %get3A_618, %add3A_619 : vector<16xi32>
      %swap3A_621 = arith.constant 1 : i32
      %swap3A_622 = arith.index_cast %swap3A_621 : i32 to index
      %swap3A_623 = arith.constant 112 : index
      %swap3A_624 = tpu.vector_load %arg6[%swap3A_622, %swap3A_623] {strides = array<i32>} : memref<2x128xi32, #tpu.memory_space<vmem>>, vector<1x16xi32>,
      %swap3A_625 = vector.shape_cast %swap3A_624 : vector<1x16xi32> to vector<16xi32>
      %swap3A_626 = vector.shape_cast %add3A_620 : vector<16xi32> to vector<1x16xi32>
      tpu.vector_store %arg6[%swap3A_622, %swap3A_623], %swap3A_626 {strides = array<i32>} : memref<2x128xi32, #tpu.memory_space<vmem>>, vector<1x16xi32>,
      %mul3A_627 = arith.constant 1024 : i32
      %mul3A_628 = arith.muli %add3A, %mul3A_627 : i32
      %mul3A_629 = arith.constant 16 : i32
      %mul3A_630 = arith.muli %add3A_404, %mul3A_629 : i32
      %add3A_631 = arith.addi %mul3A_628, %mul3A_630 : i32
      %dma_wait3A_632 = arith.constant 0 : i32
      %dma_wait3A_633 = tpu.memref_slice %arg2[%add3A_631, %dma_wait3A_632] : memref<32768x64xf32, #tpu.memory_space<hbm>> -> memref<16x64xf32, #tpu.memory_space<hbm>>
      %dma_wait3A_634 = arith.constant 0 : i32
      %dma_wait3A_635 = tpu.memref_slice %arg2[%add3A_631, %dma_wait3A_634] : memref<32768x64xf32, #tpu.memory_space<hbm>> -> memref<16x64xf32, #tpu.memory_space<hbm>>
      tpu.wait_dma2 semaphore(%arg16 : memref<!tpu.dma_semaphore, #tpu.memory_space<semaphore_mem>>) src(%dma_wait3A_635 : memref<16x64xf32, #tpu.memory_space<hbm>>) dst(%arg8 : memref<16x64xf32, #tpu.memory_space<vmem>>)
      %broadcast_in_dim3A_636 = arith.constant 0.000000e+00 : f32
      %broadcast_in_dim3A_637 = vector.broadcast %broadcast_in_dim3A_636 : f32 to vector<16xf32>
      %scan3A_638 = arith.constant 0 : i32
      %scan3A_639 = arith.constant 0 : i32
      %scan3A_640 = arith.constant 16 : i32
      %scan3A_641 = arith.addi %scan3A_639, %scan3A_640 : i32
      %scan3A_642 = arith.constant 1 : i32
      scf.for %scan3A_669 = %scan3A_639 to %scan3A_641 step %scan3A_642  : i32 {
        %get3A_670 = arith.index_cast %scan3A_669 : i32 to index
        %get3A_671 = arith.constant 0 : index
        %get3A_672 = tpu.vector_load %arg8[%get3A_670, %get3A_671] {strides = array<i32>} : memref<16x64xf32, #tpu.memory_space<vmem>>, vector<1x16xf32>,
        %get3A_673 = vector.shape_cast %get3A_672 : vector<1x16xf32> to vector<16xf32>
        %get3A_674 = arith.index_cast %scan3A_669 : i32 to index
        %get3A_675 = arith.constant 16 : index
        %get3A_676 = tpu.vector_load %arg8[%get3A_674, %get3A_675] {strides = array<i32>} : memref<16x64xf32, #tpu.memory_space<vmem>>, vector<1x16xf32>,
        %get3A_677 = vector.shape_cast %get3A_676 : vector<1x16xf32> to vector<16xf32>
        %get3A_678 = arith.index_cast %scan3A_669 : i32 to index
        %get3A_679 = arith.constant 32 : index
        %get3A_680 = tpu.vector_load %arg8[%get3A_678, %get3A_679] {strides = array<i32>} : memref<16x64xf32, #tpu.memory_space<vmem>>, vector<1x16xf32>,
        %get3A_681 = vector.shape_cast %get3A_680 : vector<1x16xf32> to vector<16xf32>
        %get3A_682 = arith.index_cast %scan3A_669 : i32 to index
        %get3A_683 = arith.constant 48 : index
        %get3A_684 = tpu.vector_load %arg8[%get3A_682, %get3A_683] {strides = array<i32>} : memref<16x64xf32, #tpu.memory_space<vmem>>, vector<1x16xf32>,
        %get3A_685 = vector.shape_cast %get3A_684 : vector<1x16xf32> to vector<16xf32>
        %sub3A_686 = arith.subf %broadcast_in_dim3A_637, %get3A_673 : vector<16xf32>
        %sub3A_687 = arith.subf %broadcast_in_dim3A_637, %get3A_677 : vector<16xf32>
        %sub3A_688 = arith.subf %broadcast_in_dim3A_637, %get3A_681 : vector<16xf32>
        %sub3A_689 = arith.subf %broadcast_in_dim3A_637, %get3A_685 : vector<16xf32>
        %mul3A_690 = arith.constant 16 : i32
        %mul3A_691 = arith.muli %scan3A_669, %mul3A_690 : i32
        %add3A_692 = arith.constant 0 : i32
        %add3A_693 = arith.addi %mul3A_691, %add3A_692 : i32
        %swap3A_694 = arith.index_cast %add3A_693 : i32 to index
        %swap3A_695 = arith.constant 0 : index
        %swap3A_696 = tpu.vector_load %arg10[%swap3A_694, %swap3A_695] {strides = array<i32>} : memref<256x64xf32, #tpu.memory_space<vmem>>, vector<1x16xf32>,
        %swap3A_697 = vector.shape_cast %swap3A_696 : vector<1x16xf32> to vector<16xf32>
        %swap3A_698 = vector.shape_cast %get3A_673 : vector<16xf32> to vector<1x16xf32>
        tpu.vector_store %arg10[%swap3A_694, %swap3A_695], %swap3A_698 {strides = array<i32>} : memref<256x64xf32, #tpu.memory_space<vmem>>, vector<1x16xf32>,
        %add3A_699 = arith.constant 0 : i32
        %add3A_700 = arith.addi %mul3A_691, %add3A_699 : i32
        %swap3A_701 = arith.index_cast %add3A_700 : i32 to index
        %swap3A_702 = arith.constant 0 : index
        %swap3A_703 = tpu.vector_load %arg12[%swap3A_701, %swap3A_702] {strides = array<i32>} : memref<256x64xf32, #tpu.memory_space<vmem>>, vector<1x16xf32>,
        %swap3A_704 = vector.shape_cast %swap3A_703 : vector<1x16xf32> to vector<16xf32>
        %swap3A_705 = vector.shape_cast %sub3A_686 : vector<16xf32> to vector<1x16xf32>
        tpu.vector_store %arg12[%swap3A_701, %swap3A_702], %swap3A_705 {strides = array<i32>} : memref<256x64xf32, #tpu.memory_space<vmem>>, vector<1x16xf32>,
        %add3A_706 = arith.constant 0 : i32
        %add3A_707 = arith.addi %mul3A_691, %add3A_706 : i32
        %swap3A_708 = arith.index_cast %add3A_707 : i32 to index
        %swap3A_709 = arith.constant 16 : index
        %swap3A_710 = tpu.vector_load %arg10[%swap3A_708, %swap3A_709] {strides = array<i32>} : memref<256x64xf32, #tpu.memory_space<vmem>>, vector<1x16xf32>,
        %swap3A_711 = vector.shape_cast %swap3A_710 : vector<1x16xf32> to vector<16xf32>
        %swap3A_712 = vector.shape_cast %get3A_677 : vector<16xf32> to vector<1x16xf32>
        tpu.vector_store %arg10[%swap3A_708, %swap3A_709], %swap3A_712 {strides = array<i32>} : memref<256x64xf32, #tpu.memory_space<vmem>>, vector<1x16xf32>,
        %add3A_713 = arith.constant 0 : i32
        %add3A_714 = arith.addi %mul3A_691, %add3A_713 : i32
        %swap3A_715 = arith.index_cast %add3A_714 : i32 to index
        %swap3A_716 = arith.constant 16 : index
        %swap3A_717 = tpu.vector_load %arg12[%swap3A_715, %swap3A_716] {strides = array<i32>} : memref<256x64xf32, #tpu.memory_space<vmem>>, vector<1x16xf32>,
        %swap3A_718 = vector.shape_cast %swap3A_717 : vector<1x16xf32> to vector<16xf32>
        %swap3A_719 = vector.shape_cast %sub3A_687 : vector<16xf32> to vector<1x16xf32>
        tpu.vector_store %arg12[%swap3A_715, %swap3A_716], %swap3A_719 {strides = array<i32>} : memref<256x64xf32, #tpu.memory_space<vmem>>, vector<1x16xf32>,
        %add3A_720 = arith.constant 0 : i32
        %add3A_721 = arith.addi %mul3A_691, %add3A_720 : i32
        %swap3A_722 = arith.index_cast %add3A_721 : i32 to index
        %swap3A_723 = arith.constant 32 : index
        %swap3A_724 = tpu.vector_load %arg10[%swap3A_722, %swap3A_723] {strides = array<i32>} : memref<256x64xf32, #tpu.memory_space<vmem>>, vector<1x16xf32>,
        %swap3A_725 = vector.shape_cast %swap3A_724 : vector<1x16xf32> to vector<16xf32>
        %swap3A_726 = vector.shape_cast %get3A_681 : vector<16xf32> to vector<1x16xf32>
        tpu.vector_store %arg10[%swap3A_722, %swap3A_723], %swap3A_726 {strides = array<i32>} : memref<256x64xf32, #tpu.memory_space<vmem>>, vector<1x16xf32>,
        %add3A_727 = arith.constant 0 : i32
        %add3A_728 = arith.addi %mul3A_691, %add3A_727 : i32
        %swap3A_729 = arith.index_cast %add3A_728 : i32 to index
        %swap3A_730 = arith.constant 32 : index
        %swap3A_731 = tpu.vector_load %arg12[%swap3A_729, %swap3A_730] {strides = array<i32>} : memref<256x64xf32, #tpu.memory_space<vmem>>, vector<1x16xf32>,
        %swap3A_732 = vector.shape_cast %swap3A_731 : vector<1x16xf32> to vector<16xf32>
        %swap3A_733 = vector.shape_cast %sub3A_688 : vector<16xf32> to vector<1x16xf32>
        tpu.vector_store %arg12[%swap3A_729, %swap3A_730], %swap3A_733 {strides = array<i32>} : memref<256x64xf32, #tpu.memory_space<vmem>>, vector<1x16xf32>,
        %add3A_734 = arith.constant 0 : i32
        %add3A_735 = arith.addi %mul3A_691, %add3A_734 : i32
        %swap3A_736 = arith.index_cast %add3A_735 : i32 to index
        %swap3A_737 = arith.constant 48 : index
        %swap3A_738 = tpu.vector_load %arg10[%swap3A_736, %swap3A_737] {strides = array<i32>} : memref<256x64xf32, #tpu.memory_space<vmem>>, vector<1x16xf32>,
        %swap3A_739 = vector.shape_cast %swap3A_738 : vector<1x16xf32> to vector<16xf32>
        %swap3A_740 = vector.shape_cast %get3A_685 : vector<16xf32> to vector<1x16xf32>
        tpu.vector_store %arg10[%swap3A_736, %swap3A_737], %swap3A_740 {strides = array<i32>} : memref<256x64xf32, #tpu.memory_space<vmem>>, vector<1x16xf32>,
        %add3A_741 = arith.constant 0 : i32
        %add3A_742 = arith.addi %mul3A_691, %add3A_741 : i32
        %swap3A_743 = arith.index_cast %add3A_742 : i32 to index
        %swap3A_744 = arith.constant 48 : index
        %swap3A_745 = tpu.vector_load %arg12[%swap3A_743, %swap3A_744] {strides = array<i32>} : memref<256x64xf32, #tpu.memory_space<vmem>>, vector<1x16xf32>,
        %swap3A_746 = vector.shape_cast %swap3A_745 : vector<1x16xf32> to vector<16xf32>
        %swap3A_747 = vector.shape_cast %sub3A_689 : vector<16xf32> to vector<1x16xf32>
        tpu.vector_store %arg12[%swap3A_743, %swap3A_744], %swap3A_747 {strides = array<i32>} : memref<256x64xf32, #tpu.memory_space<vmem>>, vector<1x16xf32>,
        %add3A_748 = arith.constant 1 : i32
        %add3A_749 = arith.addi %mul3A_691, %add3A_748 : i32
        %swap3A_750 = arith.index_cast %add3A_749 : i32 to index
        %swap3A_751 = arith.constant 0 : index
        %swap3A_752 = tpu.vector_load %arg10[%swap3A_750, %swap3A_751] {strides = array<i32>} : memref<256x64xf32, #tpu.memory_space<vmem>>, vector<1x16xf32>,
        %swap3A_753 = vector.shape_cast %swap3A_752 : vector<1x16xf32> to vector<16xf32>
        %swap3A_754 = vector.shape_cast %get3A_673 : vector<16xf32> to vector<1x16xf32>
        tpu.vector_store %arg10[%swap3A_750, %swap3A_751], %swap3A_754 {strides = array<i32>} : memref<256x64xf32, #tpu.memory_space<vmem>>, vector<1x16xf32>,
        %add3A_755 = arith.constant 1 : i32
        %add3A_756 = arith.addi %mul3A_691, %add3A_755 : i32
        %swap3A_757 = arith.index_cast %add3A_756 : i32 to index
        %swap3A_758 = arith.constant 0 : index
        %swap3A_759 = tpu.vector_load %arg12[%swap3A_757, %swap3A_758] {strides = array<i32>} : memref<256x64xf32, #tpu.memory_space<vmem>>, vector<1x16xf32>,
        %swap3A_760 = vector.shape_cast %swap3A_759 : vector<1x16xf32> to vector<16xf32>
        %swap3A_761 = vector.shape_cast %sub3A_686 : vector<16xf32> to vector<1x16xf32>
        tpu.vector_store %arg12[%swap3A_757, %swap3A_758], %swap3A_761 {strides = array<i32>} : memref<256x64xf32, #tpu.memory_space<vmem>>, vector<1x16xf32>,
        %add3A_762 = arith.constant 1 : i32
        %add3A_763 = arith.addi %mul3A_691, %add3A_762 : i32
        %swap3A_764 = arith.index_cast %add3A_763 : i32 to index
        %swap3A_765 = arith.constant 16 : index
        %swap3A_766 = tpu.vector_load %arg10[%swap3A_764, %swap3A_765] {strides = array<i32>} : memref<256x64xf32, #tpu.memory_space<vmem>>, vector<1x16xf32>,
        %swap3A_767 = vector.shape_cast %swap3A_766 : vector<1x16xf32> to vector<16xf32>
        %swap3A_768 = vector.shape_cast %get3A_677 : vector<16xf32> to vector<1x16xf32>
        tpu.vector_store %arg10[%swap3A_764, %swap3A_765], %swap3A_768 {strides = array<i32>} : memref<256x64xf32, #tpu.memory_space<vmem>>, vector<1x16xf32>,
        %add3A_769 = arith.constant 1 : i32
        %add3A_770 = arith.addi %mul3A_691, %add3A_769 : i32
        %swap3A_771 = arith.index_cast %add3A_770 : i32 to index
        %swap3A_772 = arith.constant 16 : index
        %swap3A_773 = tpu.vector_load %arg12[%swap3A_771, %swap3A_772] {strides = array<i32>} : memref<256x64xf32, #tpu.memory_space<vmem>>, vector<1x16xf32>,
        %swap3A_774 = vector.shape_cast %swap3A_773 : vector<1x16xf32> to vector<16xf32>
        %swap3A_775 = vector.shape_cast %sub3A_687 : vector<16xf32> to vector<1x16xf32>
        tpu.vector_store %arg12[%swap3A_771, %swap3A_772], %swap3A_775 {strides = array<i32>} : memref<256x64xf32, #tpu.memory_space<vmem>>, vector<1x16xf32>,
        %add3A_776 = arith.constant 1 : i32
        %add3A_777 = arith.addi %mul3A_691, %add3A_776 : i32
        %swap3A_778 = arith.index_cast %add3A_777 : i32 to index
        %swap3A_779 = arith.constant 32 : index
        %swap3A_780 = tpu.vector_load %arg10[%swap3A_778, %swap3A_779] {strides = array<i32>} : memref<256x64xf32, #tpu.memory_space<vmem>>, vector<1x16xf32>,
        %swap3A_781 = vector.shape_cast %swap3A_780 : vector<1x16xf32> to vector<16xf32>
        %swap3A_782 = vector.shape_cast %get3A_681 : vector<16xf32> to vector<1x16xf32>
        tpu.vector_store %arg10[%swap3A_778, %swap3A_779], %swap3A_782 {strides = array<i32>} : memref<256x64xf32, #tpu.memory_space<vmem>>, vector<1x16xf32>,
        %add3A_783 = arith.constant 1 : i32
        %add3A_784 = arith.addi %mul3A_691, %add3A_783 : i32
        %swap3A_785 = arith.index_cast %add3A_784 : i32 to index
        %swap3A_786 = arith.constant 32 : index
        %swap3A_787 = tpu.vector_load %arg12[%swap3A_785, %swap3A_786] {strides = array<i32>} : memref<256x64xf32, #tpu.memory_space<vmem>>, vector<1x16xf32>,
        %swap3A_788 = vector.shape_cast %swap3A_787 : vector<1x16xf32> to vector<16xf32>
        %swap3A_789 = vector.shape_cast %sub3A_688 : vector<16xf32> to vector<1x16xf32>
        tpu.vector_store %arg12[%swap3A_785, %swap3A_786], %swap3A_789 {strides = array<i32>} : memref<256x64xf32, #tpu.memory_space<vmem>>, vector<1x16xf32>,
        %add3A_790 = arith.constant 1 : i32
        %add3A_791 = arith.addi %mul3A_691, %add3A_790 : i32
        %swap3A_792 = arith.index_cast %add3A_791 : i32 to index
        %swap3A_793 = arith.constant 48 : index
        %swap3A_794 = tpu.vector_load %arg10[%swap3A_792, %swap3A_793] {strides = array<i32>} : memref<256x64xf32, #tpu.memory_space<vmem>>, vector<1x16xf32>,
        %swap3A_795 = vector.shape_cast %swap3A_794 : vector<1x16xf32> to vector<16xf32>
        %swap3A_796 = vector.shape_cast %get3A_685 : vector<16xf32> to vector<1x16xf32>
        tpu.vector_store %arg10[%swap3A_792, %swap3A_793], %swap3A_796 {strides = array<i32>} : memref<256x64xf32, #tpu.memory_space<vmem>>, vector<1x16xf32>,
        %add3A_797 = arith.constant 1 : i32
        %add3A_798 = arith.addi %mul3A_691, %add3A_797 : i32
        %swap3A_799 = arith.index_cast %add3A_798 : i32 to index
        %swap3A_800 = arith.constant 48 : index
        %swap3A_801 = tpu.vector_load %arg12[%swap3A_799, %swap3A_800] {strides = array<i32>} : memref<256x64xf32, #tpu.memory_space<vmem>>, vector<1x16xf32>,
        %swap3A_802 = vector.shape_cast %swap3A_801 : vector<1x16xf32> to vector<16xf32>
        %swap3A_803 = vector.shape_cast %sub3A_689 : vector<16xf32> to vector<1x16xf32>
        tpu.vector_store %arg12[%swap3A_799, %swap3A_800], %swap3A_803 {strides = array<i32>} : memref<256x64xf32, #tpu.memory_space<vmem>>, vector<1x16xf32>,
        %add3A_804 = arith.constant 2 : i32
        %add3A_805 = arith.addi %mul3A_691, %add3A_804 : i32
        %swap3A_806 = arith.index_cast %add3A_805 : i32 to index
        %swap3A_807 = arith.constant 0 : index
        %swap3A_808 = tpu.vector_load %arg10[%swap3A_806, %swap3A_807] {strides = array<i32>} : memref<256x64xf32, #tpu.memory_space<vmem>>, vector<1x16xf32>,
        %swap3A_809 = vector.shape_cast %swap3A_808 : vector<1x16xf32> to vector<16xf32>
        %swap3A_810 = vector.shape_cast %get3A_673 : vector<16xf32> to vector<1x16xf32>
        tpu.vector_store %arg10[%swap3A_806, %swap3A_807], %swap3A_810 {strides = array<i32>} : memref<256x64xf32, #tpu.memory_space<vmem>>, vector<1x16xf32>,
        %add3A_811 = arith.constant 2 : i32
        %add3A_812 = arith.addi %mul3A_691, %add3A_811 : i32
        %swap3A_813 = arith.index_cast %add3A_812 : i32 to index
        %swap3A_814 = arith.constant 0 : index
        %swap3A_815 = tpu.vector_load %arg12[%swap3A_813, %swap3A_814] {strides = array<i32>} : memref<256x64xf32, #tpu.memory_space<vmem>>, vector<1x16xf32>,
        %swap3A_816 = vector.shape_cast %swap3A_815 : vector<1x16xf32> to vector<16xf32>
        %swap3A_817 = vector.shape_cast %sub3A_686 : vector<16xf32> to vector<1x16xf32>
        tpu.vector_store %arg12[%swap3A_813, %swap3A_814], %swap3A_817 {strides = array<i32>} : memref<256x64xf32, #tpu.memory_space<vmem>>, vector<1x16xf32>,
        %add3A_818 = arith.constant 2 : i32
        %add3A_819 = arith.addi %mul3A_691, %add3A_818 : i32
        %swap3A_820 = arith.index_cast %add3A_819 : i32 to index
        %swap3A_821 = arith.constant 16 : index
        %swap3A_822 = tpu.vector_load %arg10[%swap3A_820, %swap3A_821] {strides = array<i32>} : memref<256x64xf32, #tpu.memory_space<vmem>>, vector<1x16xf32>,
        %swap3A_823 = vector.shape_cast %swap3A_822 : vector<1x16xf32> to vector<16xf32>
        %swap3A_824 = vector.shape_cast %get3A_677 : vector<16xf32> to vector<1x16xf32>
        tpu.vector_store %arg10[%swap3A_820, %swap3A_821], %swap3A_824 {strides = array<i32>} : memref<256x64xf32, #tpu.memory_space<vmem>>, vector<1x16xf32>,
        %add3A_825 = arith.constant 2 : i32
        %add3A_826 = arith.addi %mul3A_691, %add3A_825 : i32
        %swap3A_827 = arith.index_cast %add3A_826 : i32 to index
        %swap3A_828 = arith.constant 16 : index
        %swap3A_829 = tpu.vector_load %arg12[%swap3A_827, %swap3A_828] {strides = array<i32>} : memref<256x64xf32, #tpu.memory_space<vmem>>, vector<1x16xf32>,
        %swap3A_830 = vector.shape_cast %swap3A_829 : vector<1x16xf32> to vector<16xf32>
        %swap3A_831 = vector.shape_cast %sub3A_687 : vector<16xf32> to vector<1x16xf32>
        tpu.vector_store %arg12[%swap3A_827, %swap3A_828], %swap3A_831 {strides = array<i32>} : memref<256x64xf32, #tpu.memory_space<vmem>>, vector<1x16xf32>,
        %add3A_832 = arith.constant 2 : i32
        %add3A_833 = arith.addi %mul3A_691, %add3A_832 : i32
        %swap3A_834 = arith.index_cast %add3A_833 : i32 to index
        %swap3A_835 = arith.constant 32 : index
        %swap3A_836 = tpu.vector_load %arg10[%swap3A_834, %swap3A_835] {strides = array<i32>} : memref<256x64xf32, #tpu.memory_space<vmem>>, vector<1x16xf32>,
        %swap3A_837 = vector.shape_cast %swap3A_836 : vector<1x16xf32> to vector<16xf32>
        %swap3A_838 = vector.shape_cast %get3A_681 : vector<16xf32> to vector<1x16xf32>
        tpu.vector_store %arg10[%swap3A_834, %swap3A_835], %swap3A_838 {strides = array<i32>} : memref<256x64xf32, #tpu.memory_space<vmem>>, vector<1x16xf32>,
        %add3A_839 = arith.constant 2 : i32
        %add3A_840 = arith.addi %mul3A_691, %add3A_839 : i32
        %swap3A_841 = arith.index_cast %add3A_840 : i32 to index
        %swap3A_842 = arith.constant 32 : index
        %swap3A_843 = tpu.vector_load %arg12[%swap3A_841, %swap3A_842] {strides = array<i32>} : memref<256x64xf32, #tpu.memory_space<vmem>>, vector<1x16xf32>,
        %swap3A_844 = vector.shape_cast %swap3A_843 : vector<1x16xf32> to vector<16xf32>
        %swap3A_845 = vector.shape_cast %sub3A_688 : vector<16xf32> to vector<1x16xf32>
        tpu.vector_store %arg12[%swap3A_841, %swap3A_842], %swap3A_845 {strides = array<i32>} : memref<256x64xf32, #tpu.memory_space<vmem>>, vector<1x16xf32>,
        %add3A_846 = arith.constant 2 : i32
        %add3A_847 = arith.addi %mul3A_691, %add3A_846 : i32
        %swap3A_848 = arith.index_cast %add3A_847 : i32 to index
        %swap3A_849 = arith.constant 48 : index
        %swap3A_850 = tpu.vector_load %arg10[%swap3A_848, %swap3A_849] {strides = array<i32>} : memref<256x64xf32, #tpu.memory_space<vmem>>, vector<1x16xf32>,
        %swap3A_851 = vector.shape_cast %swap3A_850 : vector<1x16xf32> to vector<16xf32>
        %swap3A_852 = vector.shape_cast %get3A_685 : vector<16xf32> to vector<1x16xf32>
        tpu.vector_store %arg10[%swap3A_848, %swap3A_849], %swap3A_852 {strides = array<i32>} : memref<256x64xf32, #tpu.memory_space<vmem>>, vector<1x16xf32>,
        %add3A_853 = arith.constant 2 : i32
        %add3A_854 = arith.addi %mul3A_691, %add3A_853 : i32
        %swap3A_855 = arith.index_cast %add3A_854 : i32 to index
        %swap3A_856 = arith.constant 48 : index
        %swap3A_857 = tpu.vector_load %arg12[%swap3A_855, %swap3A_856] {strides = array<i32>} : memref<256x64xf32, #tpu.memory_space<vmem>>, vector<1x16xf32>,
        %swap3A_858 = vector.shape_cast %swap3A_857 : vector<1x16xf32> to vector<16xf32>
        %swap3A_859 = vector.shape_cast %sub3A_689 : vector<16xf32> to vector<1x16xf32>
        tpu.vector_store %arg12[%swap3A_855, %swap3A_856], %swap3A_859 {strides = array<i32>} : memref<256x64xf32, #tpu.memory_space<vmem>>, vector<1x16xf32>,
        %add3A_860 = arith.constant 3 : i32
        %add3A_861 = arith.addi %mul3A_691, %add3A_860 : i32
        %swap3A_862 = arith.index_cast %add3A_861 : i32 to index
        %swap3A_863 = arith.constant 0 : index
        %swap3A_864 = tpu.vector_load %arg10[%swap3A_862, %swap3A_863] {strides = array<i32>} : memref<256x64xf32, #tpu.memory_space<vmem>>, vector<1x16xf32>,
        %swap3A_865 = vector.shape_cast %swap3A_864 : vector<1x16xf32> to vector<16xf32>
        %swap3A_866 = vector.shape_cast %get3A_673 : vector<16xf32> to vector<1x16xf32>
        tpu.vector_store %arg10[%swap3A_862, %swap3A_863], %swap3A_866 {strides = array<i32>} : memref<256x64xf32, #tpu.memory_space<vmem>>, vector<1x16xf32>,
        %add3A_867 = arith.constant 3 : i32
        %add3A_868 = arith.addi %mul3A_691, %add3A_867 : i32
        %swap3A_869 = arith.index_cast %add3A_868 : i32 to index
        %swap3A_870 = arith.constant 0 : index
        %swap3A_871 = tpu.vector_load %arg12[%swap3A_869, %swap3A_870] {strides = array<i32>} : memref<256x64xf32, #tpu.memory_space<vmem>>, vector<1x16xf32>,
        %swap3A_872 = vector.shape_cast %swap3A_871 : vector<1x16xf32> to vector<16xf32>
        %swap3A_873 = vector.shape_cast %sub3A_686 : vector<16xf32> to vector<1x16xf32>
        tpu.vector_store %arg12[%swap3A_869, %swap3A_870], %swap3A_873 {strides = array<i32>} : memref<256x64xf32, #tpu.memory_space<vmem>>, vector<1x16xf32>,
        %add3A_874 = arith.constant 3 : i32
        %add3A_875 = arith.addi %mul3A_691, %add3A_874 : i32
        %swap3A_876 = arith.index_cast %add3A_875 : i32 to index
        %swap3A_877 = arith.constant 16 : index
        %swap3A_878 = tpu.vector_load %arg10[%swap3A_876, %swap3A_877] {strides = array<i32>} : memref<256x64xf32, #tpu.memory_space<vmem>>, vector<1x16xf32>,
        %swap3A_879 = vector.shape_cast %swap3A_878 : vector<1x16xf32> to vector<16xf32>
        %swap3A_880 = vector.shape_cast %get3A_677 : vector<16xf32> to vector<1x16xf32>
        tpu.vector_store %arg10[%swap3A_876, %swap3A_877], %swap3A_880 {strides = array<i32>} : memref<256x64xf32, #tpu.memory_space<vmem>>, vector<1x16xf32>,
        %add3A_881 = arith.constant 3 : i32
        %add3A_882 = arith.addi %mul3A_691, %add3A_881 : i32
        %swap3A_883 = arith.index_cast %add3A_882 : i32 to index
        %swap3A_884 = arith.constant 16 : index
        %swap3A_885 = tpu.vector_load %arg12[%swap3A_883, %swap3A_884] {strides = array<i32>} : memref<256x64xf32, #tpu.memory_space<vmem>>, vector<1x16xf32>,
        %swap3A_886 = vector.shape_cast %swap3A_885 : vector<1x16xf32> to vector<16xf32>
        %swap3A_887 = vector.shape_cast %sub3A_687 : vector<16xf32> to vector<1x16xf32>
        tpu.vector_store %arg12[%swap3A_883, %swap3A_884], %swap3A_887 {strides = array<i32>} : memref<256x64xf32, #tpu.memory_space<vmem>>, vector<1x16xf32>,
        %add3A_888 = arith.constant 3 : i32
        %add3A_889 = arith.addi %mul3A_691, %add3A_888 : i32
        %swap3A_890 = arith.index_cast %add3A_889 : i32 to index
        %swap3A_891 = arith.constant 32 : index
        %swap3A_892 = tpu.vector_load %arg10[%swap3A_890, %swap3A_891] {strides = array<i32>} : memref<256x64xf32, #tpu.memory_space<vmem>>, vector<1x16xf32>,
        %swap3A_893 = vector.shape_cast %swap3A_892 : vector<1x16xf32> to vector<16xf32>
        %swap3A_894 = vector.shape_cast %get3A_681 : vector<16xf32> to vector<1x16xf32>
        tpu.vector_store %arg10[%swap3A_890, %swap3A_891], %swap3A_894 {strides = array<i32>} : memref<256x64xf32, #tpu.memory_space<vmem>>, vector<1x16xf32>,
        %add3A_895 = arith.constant 3 : i32
        %add3A_896 = arith.addi %mul3A_691, %add3A_895 : i32
        %swap3A_897 = arith.index_cast %add3A_896 : i32 to index
        %swap3A_898 = arith.constant 32 : index
        %swap3A_899 = tpu.vector_load %arg12[%swap3A_897, %swap3A_898] {strides = array<i32>} : memref<256x64xf32, #tpu.memory_space<vmem>>, vector<1x16xf32>,
        %swap3A_900 = vector.shape_cast %swap3A_899 : vector<1x16xf32> to vector<16xf32>
        %swap3A_901 = vector.shape_cast %sub3A_688 : vector<16xf32> to vector<1x16xf32>
        tpu.vector_store %arg12[%swap3A_897, %swap3A_898], %swap3A_901 {strides = array<i32>} : memref<256x64xf32, #tpu.memory_space<vmem>>, vector<1x16xf32>,
        %add3A_902 = arith.constant 3 : i32
        %add3A_903 = arith.addi %mul3A_691, %add3A_902 : i32
        %swap3A_904 = arith.index_cast %add3A_903 : i32 to index
        %swap3A_905 = arith.constant 48 : index
        %swap3A_906 = tpu.vector_load %arg10[%swap3A_904, %swap3A_905] {strides = array<i32>} : memref<256x64xf32, #tpu.memory_space<vmem>>, vector<1x16xf32>,
        %swap3A_907 = vector.shape_cast %swap3A_906 : vector<1x16xf32> to vector<16xf32>
        %swap3A_908 = vector.shape_cast %get3A_685 : vector<16xf32> to vector<1x16xf32>
        tpu.vector_store %arg10[%swap3A_904, %swap3A_905], %swap3A_908 {strides = array<i32>} : memref<256x64xf32, #tpu.memory_space<vmem>>, vector<1x16xf32>,
        %add3A_909 = arith.constant 3 : i32
        %add3A_910 = arith.addi %mul3A_691, %add3A_909 : i32
        %swap3A_911 = arith.index_cast %add3A_910 : i32 to index
        %swap3A_912 = arith.constant 48 : index
        %swap3A_913 = tpu.vector_load %arg12[%swap3A_911, %swap3A_912] {strides = array<i32>} : memref<256x64xf32, #tpu.memory_space<vmem>>, vector<1x16xf32>,
        %swap3A_914 = vector.shape_cast %swap3A_913 : vector<1x16xf32> to vector<16xf32>
        %swap3A_915 = vector.shape_cast %sub3A_689 : vector<16xf32> to vector<1x16xf32>
        tpu.vector_store %arg12[%swap3A_911, %swap3A_912], %swap3A_915 {strides = array<i32>} : memref<256x64xf32, #tpu.memory_space<vmem>>, vector<1x16xf32>,
        %add3A_916 = arith.constant 4 : i32
        %add3A_917 = arith.addi %mul3A_691, %add3A_916 : i32
        %swap3A_918 = arith.index_cast %add3A_917 : i32 to index
        %swap3A_919 = arith.constant 0 : index
        %swap3A_920 = tpu.vector_load %arg10[%swap3A_918, %swap3A_919] {strides = array<i32>} : memref<256x64xf32, #tpu.memory_space<vmem>>, vector<1x16xf32>,
        %swap3A_921 = vector.shape_cast %swap3A_920 : vector<1x16xf32> to vector<16xf32>
        %swap3A_922 = vector.shape_cast %get3A_673 : vector<16xf32> to vector<1x16xf32>
        tpu.vector_store %arg10[%swap3A_918, %swap3A_919], %swap3A_922 {strides = array<i32>} : memref<256x64xf32, #tpu.memory_space<vmem>>, vector<1x16xf32>,
        %add3A_923 = arith.constant 4 : i32
        %add3A_924 = arith.addi %mul3A_691, %add3A_923 : i32
        %swap3A_925 = arith.index_cast %add3A_924 : i32 to index
        %swap3A_926 = arith.constant 0 : index
        %swap3A_927 = tpu.vector_load %arg12[%swap3A_925, %swap3A_926] {strides = array<i32>} : memref<256x64xf32, #tpu.memory_space<vmem>>, vector<1x16xf32>,
        %swap3A_928 = vector.shape_cast %swap3A_927 : vector<1x16xf32> to vector<16xf32>
        %swap3A_929 = vector.shape_cast %sub3A_686 : vector<16xf32> to vector<1x16xf32>
        tpu.vector_store %arg12[%swap3A_925, %swap3A_926], %swap3A_929 {strides = array<i32>} : memref<256x64xf32, #tpu.memory_space<vmem>>, vector<1x16xf32>,
        %add3A_930 = arith.constant 4 : i32
        %add3A_931 = arith.addi %mul3A_691, %add3A_930 : i32
        %swap3A_932 = arith.index_cast %add3A_931 : i32 to index
        %swap3A_933 = arith.constant 16 : index
        %swap3A_934 = tpu.vector_load %arg10[%swap3A_932, %swap3A_933] {strides = array<i32>} : memref<256x64xf32, #tpu.memory_space<vmem>>, vector<1x16xf32>,
        %swap3A_935 = vector.shape_cast %swap3A_934 : vector<1x16xf32> to vector<16xf32>
        %swap3A_936 = vector.shape_cast %get3A_677 : vector<16xf32> to vector<1x16xf32>
        tpu.vector_store %arg10[%swap3A_932, %swap3A_933], %swap3A_936 {strides = array<i32>} : memref<256x64xf32, #tpu.memory_space<vmem>>, vector<1x16xf32>,
        %add3A_937 = arith.constant 4 : i32
        %add3A_938 = arith.addi %mul3A_691, %add3A_937 : i32
        %swap3A_939 = arith.index_cast %add3A_938 : i32 to index
        %swap3A_940 = arith.constant 16 : index
        %swap3A_941 = tpu.vector_load %arg12[%swap3A_939, %swap3A_940] {strides = array<i32>} : memref<256x64xf32, #tpu.memory_space<vmem>>, vector<1x16xf32>,
        %swap3A_942 = vector.shape_cast %swap3A_941 : vector<1x16xf32> to vector<16xf32>
        %swap3A_943 = vector.shape_cast %sub3A_687 : vector<16xf32> to vector<1x16xf32>
        tpu.vector_store %arg12[%swap3A_939, %swap3A_940], %swap3A_943 {strides = array<i32>} : memref<256x64xf32, #tpu.memory_space<vmem>>, vector<1x16xf32>,
        %add3A_944 = arith.constant 4 : i32
        %add3A_945 = arith.addi %mul3A_691, %add3A_944 : i32
        %swap3A_946 = arith.index_cast %add3A_945 : i32 to index
        %swap3A_947 = arith.constant 32 : index
        %swap3A_948 = tpu.vector_load %arg10[%swap3A_946, %swap3A_947] {strides = array<i32>} : memref<256x64xf32, #tpu.memory_space<vmem>>, vector<1x16xf32>,
        %swap3A_949 = vector.shape_cast %swap3A_948 : vector<1x16xf32> to vector<16xf32>
        %swap3A_950 = vector.shape_cast %get3A_681 : vector<16xf32> to vector<1x16xf32>
        tpu.vector_store %arg10[%swap3A_946, %swap3A_947], %swap3A_950 {strides = array<i32>} : memref<256x64xf32, #tpu.memory_space<vmem>>, vector<1x16xf32>,
        %add3A_951 = arith.constant 4 : i32
        %add3A_952 = arith.addi %mul3A_691, %add3A_951 : i32
        %swap3A_953 = arith.index_cast %add3A_952 : i32 to index
        %swap3A_954 = arith.constant 32 : index
        %swap3A_955 = tpu.vector_load %arg12[%swap3A_953, %swap3A_954] {strides = array<i32>} : memref<256x64xf32, #tpu.memory_space<vmem>>, vector<1x16xf32>,
        %swap3A_956 = vector.shape_cast %swap3A_955 : vector<1x16xf32> to vector<16xf32>
        %swap3A_957 = vector.shape_cast %sub3A_688 : vector<16xf32> to vector<1x16xf32>
        tpu.vector_store %arg12[%swap3A_953, %swap3A_954], %swap3A_957 {strides = array<i32>} : memref<256x64xf32, #tpu.memory_space<vmem>>, vector<1x16xf32>,
        %add3A_958 = arith.constant 4 : i32
        %add3A_959 = arith.addi %mul3A_691, %add3A_958 : i32
        %swap3A_960 = arith.index_cast %add3A_959 : i32 to index
        %swap3A_961 = arith.constant 48 : index
        %swap3A_962 = tpu.vector_load %arg10[%swap3A_960, %swap3A_961] {strides = array<i32>} : memref<256x64xf32, #tpu.memory_space<vmem>>, vector<1x16xf32>,
        %swap3A_963 = vector.shape_cast %swap3A_962 : vector<1x16xf32> to vector<16xf32>
        %swap3A_964 = vector.shape_cast %get3A_685 : vector<16xf32> to vector<1x16xf32>
        tpu.vector_store %arg10[%swap3A_960, %swap3A_961], %swap3A_964 {strides = array<i32>} : memref<256x64xf32, #tpu.memory_space<vmem>>, vector<1x16xf32>,
        %add3A_965 = arith.constant 4 : i32
        %add3A_966 = arith.addi %mul3A_691, %add3A_965 : i32
        %swap3A_967 = arith.index_cast %add3A_966 : i32 to index
        %swap3A_968 = arith.constant 48 : index
        %swap3A_969 = tpu.vector_load %arg12[%swap3A_967, %swap3A_968] {strides = array<i32>} : memref<256x64xf32, #tpu.memory_space<vmem>>, vector<1x16xf32>,
        %swap3A_970 = vector.shape_cast %swap3A_969 : vector<1x16xf32> to vector<16xf32>
        %swap3A_971 = vector.shape_cast %sub3A_689 : vector<16xf32> to vector<1x16xf32>
        tpu.vector_store %arg12[%swap3A_967, %swap3A_968], %swap3A_971 {strides = array<i32>} : memref<256x64xf32, #tpu.memory_space<vmem>>, vector<1x16xf32>,
        %add3A_972 = arith.constant 5 : i32
        %add3A_973 = arith.addi %mul3A_691, %add3A_972 : i32
        %swap3A_974 = arith.index_cast %add3A_973 : i32 to index
        %swap3A_975 = arith.constant 0 : index
        %swap3A_976 = tpu.vector_load %arg10[%swap3A_974, %swap3A_975] {strides = array<i32>} : memref<256x64xf32, #tpu.memory_space<vmem>>, vector<1x16xf32>,
        %swap3A_977 = vector.shape_cast %swap3A_976 : vector<1x16xf32> to vector<16xf32>
        %swap3A_978 = vector.shape_cast %get3A_673 : vector<16xf32> to vector<1x16xf32>
        tpu.vector_store %arg10[%swap3A_974, %swap3A_975], %swap3A_978 {strides = array<i32>} : memref<256x64xf32, #tpu.memory_space<vmem>>, vector<1x16xf32>,
        %add3A_979 = arith.constant 5 : i32
        %add3A_980 = arith.addi %mul3A_691, %add3A_979 : i32
        %swap3A_981 = arith.index_cast %add3A_980 : i32 to index
        %swap3A_982 = arith.constant 0 : index
        %swap3A_983 = tpu.vector_load %arg12[%swap3A_981, %swap3A_982] {strides = array<i32>} : memref<256x64xf32, #tpu.memory_space<vmem>>, vector<1x16xf32>,
        %swap3A_984 = vector.shape_cast %swap3A_983 : vector<1x16xf32> to vector<16xf32>
        %swap3A_985 = vector.shape_cast %sub3A_686 : vector<16xf32> to vector<1x16xf32>
        tpu.vector_store %arg12[%swap3A_981, %swap3A_982], %swap3A_985 {strides = array<i32>} : memref<256x64xf32, #tpu.memory_space<vmem>>, vector<1x16xf32>,
        %add3A_986 = arith.constant 5 : i32
        %add3A_987 = arith.addi %mul3A_691, %add3A_986 : i32
        %swap3A_988 = arith.index_cast %add3A_987 : i32 to index
        %swap3A_989 = arith.constant 16 : index
        %swap3A_990 = tpu.vector_load %arg10[%swap3A_988, %swap3A_989] {strides = array<i32>} : memref<256x64xf32, #tpu.memory_space<vmem>>, vector<1x16xf32>,
        %swap3A_991 = vector.shape_cast %swap3A_990 : vector<1x16xf32> to vector<16xf32>
        %swap3A_992 = vector.shape_cast %get3A_677 : vector<16xf32> to vector<1x16xf32>
        tpu.vector_store %arg10[%swap3A_988, %swap3A_989], %swap3A_992 {strides = array<i32>} : memref<256x64xf32, #tpu.memory_space<vmem>>, vector<1x16xf32>,
        %add3A_993 = arith.constant 5 : i32
        %add3A_994 = arith.addi %mul3A_691, %add3A_993 : i32
        %swap3A_995 = arith.index_cast %add3A_994 : i32 to index
        %swap3A_996 = arith.constant 16 : index
        %swap3A_997 = tpu.vector_load %arg12[%swap3A_995, %swap3A_996] {strides = array<i32>} : memref<256x64xf32, #tpu.memory_space<vmem>>, vector<1x16xf32>,
        %swap3A_998 = vector.shape_cast %swap3A_997 : vector<1x16xf32> to vector<16xf32>
        %swap3A_999 = vector.shape_cast %sub3A_687 : vector<16xf32> to vector<1x16xf32>
        tpu.vector_store %arg12[%swap3A_995, %swap3A_996], %swap3A_999 {strides = array<i32>} : memref<256x64xf32, #tpu.memory_space<vmem>>, vector<1x16xf32>,
        %add3A_1000 = arith.constant 5 : i32
        %add3A_1001 = arith.addi %mul3A_691, %add3A_1000 : i32
        %swap3A_1002 = arith.index_cast %add3A_1001 : i32 to index
        %swap3A_1003 = arith.constant 32 : index
        %swap3A_1004 = tpu.vector_load %arg10[%swap3A_1002, %swap3A_1003] {strides = array<i32>} : memref<256x64xf32, #tpu.memory_space<vmem>>, vector<1x16xf32>,
        %swap3A_1005 = vector.shape_cast %swap3A_1004 : vector<1x16xf32> to vector<16xf32>
        %swap3A_1006 = vector.shape_cast %get3A_681 : vector<16xf32> to vector<1x16xf32>
        tpu.vector_store %arg10[%swap3A_1002, %swap3A_1003], %swap3A_1006 {strides = array<i32>} : memref<256x64xf32, #tpu.memory_space<vmem>>, vector<1x16xf32>,
        %add3A_1007 = arith.constant 5 : i32
        %add3A_1008 = arith.addi %mul3A_691, %add3A_1007 : i32
        %swap3A_1009 = arith.index_cast %add3A_1008 : i32 to index
        %swap3A_1010 = arith.constant 32 : index
        %swap3A_1011 = tpu.vector_load %arg12[%swap3A_1009, %swap3A_1010] {strides = array<i32>} : memref<256x64xf32, #tpu.memory_space<vmem>>, vector<1x16xf32>,
        %swap3A_1012 = vector.shape_cast %swap3A_1011 : vector<1x16xf32> to vector<16xf32>
        %swap3A_1013 = vector.shape_cast %sub3A_688 : vector<16xf32> to vector<1x16xf32>
        tpu.vector_store %arg12[%swap3A_1009, %swap3A_1010], %swap3A_1013 {strides = array<i32>} : memref<256x64xf32, #tpu.memory_space<vmem>>, vector<1x16xf32>,
        %add3A_1014 = arith.constant 5 : i32
        %add3A_1015 = arith.addi %mul3A_691, %add3A_1014 : i32
        %swap3A_1016 = arith.index_cast %add3A_1015 : i32 to index
        %swap3A_1017 = arith.constant 48 : index
        %swap3A_1018 = tpu.vector_load %arg10[%swap3A_1016, %swap3A_1017] {strides = array<i32>} : memref<256x64xf32, #tpu.memory_space<vmem>>, vector<1x16xf32>,
        %swap3A_1019 = vector.shape_cast %swap3A_1018 : vector<1x16xf32> to vector<16xf32>
        %swap3A_1020 = vector.shape_cast %get3A_685 : vector<16xf32> to vector<1x16xf32>
        tpu.vector_store %arg10[%swap3A_1016, %swap3A_1017], %swap3A_1020 {strides = array<i32>} : memref<256x64xf32, #tpu.memory_space<vmem>>, vector<1x16xf32>,
        %add3A_1021 = arith.constant 5 : i32
        %add3A_1022 = arith.addi %mul3A_691, %add3A_1021 : i32
        %swap3A_1023 = arith.index_cast %add3A_1022 : i32 to index
        %swap3A_1024 = arith.constant 48 : index
        %swap3A_1025 = tpu.vector_load %arg12[%swap3A_1023, %swap3A_1024] {strides = array<i32>} : memref<256x64xf32, #tpu.memory_space<vmem>>, vector<1x16xf32>,
        %swap3A_1026 = vector.shape_cast %swap3A_1025 : vector<1x16xf32> to vector<16xf32>
        %swap3A_1027 = vector.shape_cast %sub3A_689 : vector<16xf32> to vector<1x16xf32>
        tpu.vector_store %arg12[%swap3A_1023, %swap3A_1024], %swap3A_1027 {strides = array<i32>} : memref<256x64xf32, #tpu.memory_space<vmem>>, vector<1x16xf32>,
        %add3A_1028 = arith.constant 6 : i32
        %add3A_1029 = arith.addi %mul3A_691, %add3A_1028 : i32
        %swap3A_1030 = arith.index_cast %add3A_1029 : i32 to index
        %swap3A_1031 = arith.constant 0 : index
        %swap3A_1032 = tpu.vector_load %arg10[%swap3A_1030, %swap3A_1031] {strides = array<i32>} : memref<256x64xf32, #tpu.memory_space<vmem>>, vector<1x16xf32>,
        %swap3A_1033 = vector.shape_cast %swap3A_1032 : vector<1x16xf32> to vector<16xf32>
        %swap3A_1034 = vector.shape_cast %get3A_673 : vector<16xf32> to vector<1x16xf32>
        tpu.vector_store %arg10[%swap3A_1030, %swap3A_1031], %swap3A_1034 {strides = array<i32>} : memref<256x64xf32, #tpu.memory_space<vmem>>, vector<1x16xf32>,
        %add3A_1035 = arith.constant 6 : i32
        %add3A_1036 = arith.addi %mul3A_691, %add3A_1035 : i32
        %swap3A_1037 = arith.index_cast %add3A_1036 : i32 to index
        %swap3A_1038 = arith.constant 0 : index
        %swap3A_1039 = tpu.vector_load %arg12[%swap3A_1037, %swap3A_1038] {strides = array<i32>} : memref<256x64xf32, #tpu.memory_space<vmem>>, vector<1x16xf32>,
        %swap3A_1040 = vector.shape_cast %swap3A_1039 : vector<1x16xf32> to vector<16xf32>
        %swap3A_1041 = vector.shape_cast %sub3A_686 : vector<16xf32> to vector<1x16xf32>
        tpu.vector_store %arg12[%swap3A_1037, %swap3A_1038], %swap3A_1041 {strides = array<i32>} : memref<256x64xf32, #tpu.memory_space<vmem>>, vector<1x16xf32>,
        %add3A_1042 = arith.constant 6 : i32
        %add3A_1043 = arith.addi %mul3A_691, %add3A_1042 : i32
        %swap3A_1044 = arith.index_cast %add3A_1043 : i32 to index
        %swap3A_1045 = arith.constant 16 : index
        %swap3A_1046 = tpu.vector_load %arg10[%swap3A_1044, %swap3A_1045] {strides = array<i32>} : memref<256x64xf32, #tpu.memory_space<vmem>>, vector<1x16xf32>,
        %swap3A_1047 = vector.shape_cast %swap3A_1046 : vector<1x16xf32> to vector<16xf32>
        %swap3A_1048 = vector.shape_cast %get3A_677 : vector<16xf32> to vector<1x16xf32>
        tpu.vector_store %arg10[%swap3A_1044, %swap3A_1045], %swap3A_1048 {strides = array<i32>} : memref<256x64xf32, #tpu.memory_space<vmem>>, vector<1x16xf32>,
        %add3A_1049 = arith.constant 6 : i32
        %add3A_1050 = arith.addi %mul3A_691, %add3A_1049 : i32
        %swap3A_1051 = arith.index_cast %add3A_1050 : i32 to index
        %swap3A_1052 = arith.constant 16 : index
        %swap3A_1053 = tpu.vector_load %arg12[%swap3A_1051, %swap3A_1052] {strides = array<i32>} : memref<256x64xf32, #tpu.memory_space<vmem>>, vector<1x16xf32>,
        %swap3A_1054 = vector.shape_cast %swap3A_1053 : vector<1x16xf32> to vector<16xf32>
        %swap3A_1055 = vector.shape_cast %sub3A_687 : vector<16xf32> to vector<1x16xf32>
        tpu.vector_store %arg12[%swap3A_1051, %swap3A_1052], %swap3A_1055 {strides = array<i32>} : memref<256x64xf32, #tpu.memory_space<vmem>>, vector<1x16xf32>,
        %add3A_1056 = arith.constant 6 : i32
        %add3A_1057 = arith.addi %mul3A_691, %add3A_1056 : i32
        %swap3A_1058 = arith.index_cast %add3A_1057 : i32 to index
        %swap3A_1059 = arith.constant 32 : index
        %swap3A_1060 = tpu.vector_load %arg10[%swap3A_1058, %swap3A_1059] {strides = array<i32>} : memref<256x64xf32, #tpu.memory_space<vmem>>, vector<1x16xf32>,
        %swap3A_1061 = vector.shape_cast %swap3A_1060 : vector<1x16xf32> to vector<16xf32>
        %swap3A_1062 = vector.shape_cast %get3A_681 : vector<16xf32> to vector<1x16xf32>
        tpu.vector_store %arg10[%swap3A_1058, %swap3A_1059], %swap3A_1062 {strides = array<i32>} : memref<256x64xf32, #tpu.memory_space<vmem>>, vector<1x16xf32>,
        %add3A_1063 = arith.constant 6 : i32
        %add3A_1064 = arith.addi %mul3A_691, %add3A_1063 : i32
        %swap3A_1065 = arith.index_cast %add3A_1064 : i32 to index
        %swap3A_1066 = arith.constant 32 : index
        %swap3A_1067 = tpu.vector_load %arg12[%swap3A_1065, %swap3A_1066] {strides = array<i32>} : memref<256x64xf32, #tpu.memory_space<vmem>>, vector<1x16xf32>,
        %swap3A_1068 = vector.shape_cast %swap3A_1067 : vector<1x16xf32> to vector<16xf32>
        %swap3A_1069 = vector.shape_cast %sub3A_688 : vector<16xf32> to vector<1x16xf32>
        tpu.vector_store %arg12[%swap3A_1065, %swap3A_1066], %swap3A_1069 {strides = array<i32>} : memref<256x64xf32, #tpu.memory_space<vmem>>, vector<1x16xf32>,
        %add3A_1070 = arith.constant 6 : i32
        %add3A_1071 = arith.addi %mul3A_691, %add3A_1070 : i32
        %swap3A_1072 = arith.index_cast %add3A_1071 : i32 to index
        %swap3A_1073 = arith.constant 48 : index
        %swap3A_1074 = tpu.vector_load %arg10[%swap3A_1072, %swap3A_1073] {strides = array<i32>} : memref<256x64xf32, #tpu.memory_space<vmem>>, vector<1x16xf32>,
        %swap3A_1075 = vector.shape_cast %swap3A_1074 : vector<1x16xf32> to vector<16xf32>
        %swap3A_1076 = vector.shape_cast %get3A_685 : vector<16xf32> to vector<1x16xf32>
        tpu.vector_store %arg10[%swap3A_1072, %swap3A_1073], %swap3A_1076 {strides = array<i32>} : memref<256x64xf32, #tpu.memory_space<vmem>>, vector<1x16xf32>,
        %add3A_1077 = arith.constant 6 : i32
        %add3A_1078 = arith.addi %mul3A_691, %add3A_1077 : i32
        %swap3A_1079 = arith.index_cast %add3A_1078 : i32 to index
        %swap3A_1080 = arith.constant 48 : index
        %swap3A_1081 = tpu.vector_load %arg12[%swap3A_1079, %swap3A_1080] {strides = array<i32>} : memref<256x64xf32, #tpu.memory_space<vmem>>, vector<1x16xf32>,
        %swap3A_1082 = vector.shape_cast %swap3A_1081 : vector<1x16xf32> to vector<16xf32>
        %swap3A_1083 = vector.shape_cast %sub3A_689 : vector<16xf32> to vector<1x16xf32>
        tpu.vector_store %arg12[%swap3A_1079, %swap3A_1080], %swap3A_1083 {strides = array<i32>} : memref<256x64xf32, #tpu.memory_space<vmem>>, vector<1x16xf32>,
        %add3A_1084 = arith.constant 7 : i32
        %add3A_1085 = arith.addi %mul3A_691, %add3A_1084 : i32
        %swap3A_1086 = arith.index_cast %add3A_1085 : i32 to index
        %swap3A_1087 = arith.constant 0 : index
        %swap3A_1088 = tpu.vector_load %arg10[%swap3A_1086, %swap3A_1087] {strides = array<i32>} : memref<256x64xf32, #tpu.memory_space<vmem>>, vector<1x16xf32>,
        %swap3A_1089 = vector.shape_cast %swap3A_1088 : vector<1x16xf32> to vector<16xf32>
        %swap3A_1090 = vector.shape_cast %get3A_673 : vector<16xf32> to vector<1x16xf32>
        tpu.vector_store %arg10[%swap3A_1086, %swap3A_1087], %swap3A_1090 {strides = array<i32>} : memref<256x64xf32, #tpu.memory_space<vmem>>, vector<1x16xf32>,
        %add3A_1091 = arith.constant 7 : i32
        %add3A_1092 = arith.addi %mul3A_691, %add3A_1091 : i32
        %swap3A_1093 = arith.index_cast %add3A_1092 : i32 to index
        %swap3A_1094 = arith.constant 0 : index
        %swap3A_1095 = tpu.vector_load %arg12[%swap3A_1093, %swap3A_1094] {strides = array<i32>} : memref<256x64xf32, #tpu.memory_space<vmem>>, vector<1x16xf32>,
        %swap3A_1096 = vector.shape_cast %swap3A_1095 : vector<1x16xf32> to vector<16xf32>
        %swap3A_1097 = vector.shape_cast %sub3A_686 : vector<16xf32> to vector<1x16xf32>
        tpu.vector_store %arg12[%swap3A_1093, %swap3A_1094], %swap3A_1097 {strides = array<i32>} : memref<256x64xf32, #tpu.memory_space<vmem>>, vector<1x16xf32>,
        %add3A_1098 = arith.constant 7 : i32
        %add3A_1099 = arith.addi %mul3A_691, %add3A_1098 : i32
        %swap3A_1100 = arith.index_cast %add3A_1099 : i32 to index
        %swap3A_1101 = arith.constant 16 : index
        %swap3A_1102 = tpu.vector_load %arg10[%swap3A_1100, %swap3A_1101] {strides = array<i32>} : memref<256x64xf32, #tpu.memory_space<vmem>>, vector<1x16xf32>,
        %swap3A_1103 = vector.shape_cast %swap3A_1102 : vector<1x16xf32> to vector<16xf32>
        %swap3A_1104 = vector.shape_cast %get3A_677 : vector<16xf32> to vector<1x16xf32>
        tpu.vector_store %arg10[%swap3A_1100, %swap3A_1101], %swap3A_1104 {strides = array<i32>} : memref<256x64xf32, #tpu.memory_space<vmem>>, vector<1x16xf32>,
        %add3A_1105 = arith.constant 7 : i32
        %add3A_1106 = arith.addi %mul3A_691, %add3A_1105 : i32
        %swap3A_1107 = arith.index_cast %add3A_1106 : i32 to index
        %swap3A_1108 = arith.constant 16 : index
        %swap3A_1109 = tpu.vector_load %arg12[%swap3A_1107, %swap3A_1108] {strides = array<i32>} : memref<256x64xf32, #tpu.memory_space<vmem>>, vector<1x16xf32>,
        %swap3A_1110 = vector.shape_cast %swap3A_1109 : vector<1x16xf32> to vector<16xf32>
        %swap3A_1111 = vector.shape_cast %sub3A_687 : vector<16xf32> to vector<1x16xf32>
        tpu.vector_store %arg12[%swap3A_1107, %swap3A_1108], %swap3A_1111 {strides = array<i32>} : memref<256x64xf32, #tpu.memory_space<vmem>>, vector<1x16xf32>,
        %add3A_1112 = arith.constant 7 : i32
        %add3A_1113 = arith.addi %mul3A_691, %add3A_1112 : i32
        %swap3A_1114 = arith.index_cast %add3A_1113 : i32 to index
        %swap3A_1115 = arith.constant 32 : index
        %swap3A_1116 = tpu.vector_load %arg10[%swap3A_1114, %swap3A_1115] {strides = array<i32>} : memref<256x64xf32, #tpu.memory_space<vmem>>, vector<1x16xf32>,
        %swap3A_1117 = vector.shape_cast %swap3A_1116 : vector<1x16xf32> to vector<16xf32>
        %swap3A_1118 = vector.shape_cast %get3A_681 : vector<16xf32> to vector<1x16xf32>
        tpu.vector_store %arg10[%swap3A_1114, %swap3A_1115], %swap3A_1118 {strides = array<i32>} : memref<256x64xf32, #tpu.memory_space<vmem>>, vector<1x16xf32>,
        %add3A_1119 = arith.constant 7 : i32
        %add3A_1120 = arith.addi %mul3A_691, %add3A_1119 : i32
        %swap3A_1121 = arith.index_cast %add3A_1120 : i32 to index
        %swap3A_1122 = arith.constant 32 : index
        %swap3A_1123 = tpu.vector_load %arg12[%swap3A_1121, %swap3A_1122] {strides = array<i32>} : memref<256x64xf32, #tpu.memory_space<vmem>>, vector<1x16xf32>,
        %swap3A_1124 = vector.shape_cast %swap3A_1123 : vector<1x16xf32> to vector<16xf32>
        %swap3A_1125 = vector.shape_cast %sub3A_688 : vector<16xf32> to vector<1x16xf32>
        tpu.vector_store %arg12[%swap3A_1121, %swap3A_1122], %swap3A_1125 {strides = array<i32>} : memref<256x64xf32, #tpu.memory_space<vmem>>, vector<1x16xf32>,
        %add3A_1126 = arith.constant 7 : i32
        %add3A_1127 = arith.addi %mul3A_691, %add3A_1126 : i32
        %swap3A_1128 = arith.index_cast %add3A_1127 : i32 to index
        %swap3A_1129 = arith.constant 48 : index
        %swap3A_1130 = tpu.vector_load %arg10[%swap3A_1128, %swap3A_1129] {strides = array<i32>} : memref<256x64xf32, #tpu.memory_space<vmem>>, vector<1x16xf32>,
        %swap3A_1131 = vector.shape_cast %swap3A_1130 : vector<1x16xf32> to vector<16xf32>
        %swap3A_1132 = vector.shape_cast %get3A_685 : vector<16xf32> to vector<1x16xf32>
        tpu.vector_store %arg10[%swap3A_1128, %swap3A_1129], %swap3A_1132 {strides = array<i32>} : memref<256x64xf32, #tpu.memory_space<vmem>>, vector<1x16xf32>,
        %add3A_1133 = arith.constant 7 : i32
        %add3A_1134 = arith.addi %mul3A_691, %add3A_1133 : i32
        %swap3A_1135 = arith.index_cast %add3A_1134 : i32 to index
        %swap3A_1136 = arith.constant 48 : index
        %swap3A_1137 = tpu.vector_load %arg12[%swap3A_1135, %swap3A_1136] {strides = array<i32>} : memref<256x64xf32, #tpu.memory_space<vmem>>, vector<1x16xf32>,
        %swap3A_1138 = vector.shape_cast %swap3A_1137 : vector<1x16xf32> to vector<16xf32>
        %swap3A_1139 = vector.shape_cast %sub3A_689 : vector<16xf32> to vector<1x16xf32>
        tpu.vector_store %arg12[%swap3A_1135, %swap3A_1136], %swap3A_1139 {strides = array<i32>} : memref<256x64xf32, #tpu.memory_space<vmem>>, vector<1x16xf32>,
        %add3A_1140 = arith.constant 8 : i32
        %add3A_1141 = arith.addi %mul3A_691, %add3A_1140 : i32
        %swap3A_1142 = arith.index_cast %add3A_1141 : i32 to index
        %swap3A_1143 = arith.constant 0 : index
        %swap3A_1144 = tpu.vector_load %arg10[%swap3A_1142, %swap3A_1143] {strides = array<i32>} : memref<256x64xf32, #tpu.memory_space<vmem>>, vector<1x16xf32>,
        %swap3A_1145 = vector.shape_cast %swap3A_1144 : vector<1x16xf32> to vector<16xf32>
        %swap3A_1146 = vector.shape_cast %get3A_673 : vector<16xf32> to vector<1x16xf32>
        tpu.vector_store %arg10[%swap3A_1142, %swap3A_1143], %swap3A_1146 {strides = array<i32>} : memref<256x64xf32, #tpu.memory_space<vmem>>, vector<1x16xf32>,
        %add3A_1147 = arith.constant 8 : i32
        %add3A_1148 = arith.addi %mul3A_691, %add3A_1147 : i32
        %swap3A_1149 = arith.index_cast %add3A_1148 : i32 to index
        %swap3A_1150 = arith.constant 0 : index
        %swap3A_1151 = tpu.vector_load %arg12[%swap3A_1149, %swap3A_1150] {strides = array<i32>} : memref<256x64xf32, #tpu.memory_space<vmem>>, vector<1x16xf32>,
        %swap3A_1152 = vector.shape_cast %swap3A_1151 : vector<1x16xf32> to vector<16xf32>
        %swap3A_1153 = vector.shape_cast %sub3A_686 : vector<16xf32> to vector<1x16xf32>
        tpu.vector_store %arg12[%swap3A_1149, %swap3A_1150], %swap3A_1153 {strides = array<i32>} : memref<256x64xf32, #tpu.memory_space<vmem>>, vector<1x16xf32>,
        %add3A_1154 = arith.constant 8 : i32
        %add3A_1155 = arith.addi %mul3A_691, %add3A_1154 : i32
        %swap3A_1156 = arith.index_cast %add3A_1155 : i32 to index
        %swap3A_1157 = arith.constant 16 : index
        %swap3A_1158 = tpu.vector_load %arg10[%swap3A_1156, %swap3A_1157] {strides = array<i32>} : memref<256x64xf32, #tpu.memory_space<vmem>>, vector<1x16xf32>,
        %swap3A_1159 = vector.shape_cast %swap3A_1158 : vector<1x16xf32> to vector<16xf32>
        %swap3A_1160 = vector.shape_cast %get3A_677 : vector<16xf32> to vector<1x16xf32>
        tpu.vector_store %arg10[%swap3A_1156, %swap3A_1157], %swap3A_1160 {strides = array<i32>} : memref<256x64xf32, #tpu.memory_space<vmem>>, vector<1x16xf32>,
        %add3A_1161 = arith.constant 8 : i32
        %add3A_1162 = arith.addi %mul3A_691, %add3A_1161 : i32
        %swap3A_1163 = arith.index_cast %add3A_1162 : i32 to index
        %swap3A_1164 = arith.constant 16 : index
        %swap3A_1165 = tpu.vector_load %arg12[%swap3A_1163, %swap3A_1164] {strides = array<i32>} : memref<256x64xf32, #tpu.memory_space<vmem>>, vector<1x16xf32>,
        %swap3A_1166 = vector.shape_cast %swap3A_1165 : vector<1x16xf32> to vector<16xf32>
        %swap3A_1167 = vector.shape_cast %sub3A_687 : vector<16xf32> to vector<1x16xf32>
        tpu.vector_store %arg12[%swap3A_1163, %swap3A_1164], %swap3A_1167 {strides = array<i32>} : memref<256x64xf32, #tpu.memory_space<vmem>>, vector<1x16xf32>,
        %add3A_1168 = arith.constant 8 : i32
        %add3A_1169 = arith.addi %mul3A_691, %add3A_1168 : i32
        %swap3A_1170 = arith.index_cast %add3A_1169 : i32 to index
        %swap3A_1171 = arith.constant 32 : index
        %swap3A_1172 = tpu.vector_load %arg10[%swap3A_1170, %swap3A_1171] {strides = array<i32>} : memref<256x64xf32, #tpu.memory_space<vmem>>, vector<1x16xf32>,
        %swap3A_1173 = vector.shape_cast %swap3A_1172 : vector<1x16xf32> to vector<16xf32>
        %swap3A_1174 = vector.shape_cast %get3A_681 : vector<16xf32> to vector<1x16xf32>
        tpu.vector_store %arg10[%swap3A_1170, %swap3A_1171], %swap3A_1174 {strides = array<i32>} : memref<256x64xf32, #tpu.memory_space<vmem>>, vector<1x16xf32>,
        %add3A_1175 = arith.constant 8 : i32
        %add3A_1176 = arith.addi %mul3A_691, %add3A_1175 : i32
        %swap3A_1177 = arith.index_cast %add3A_1176 : i32 to index
        %swap3A_1178 = arith.constant 32 : index
        %swap3A_1179 = tpu.vector_load %arg12[%swap3A_1177, %swap3A_1178] {strides = array<i32>} : memref<256x64xf32, #tpu.memory_space<vmem>>, vector<1x16xf32>,
        %swap3A_1180 = vector.shape_cast %swap3A_1179 : vector<1x16xf32> to vector<16xf32>
        %swap3A_1181 = vector.shape_cast %sub3A_688 : vector<16xf32> to vector<1x16xf32>
        tpu.vector_store %arg12[%swap3A_1177, %swap3A_1178], %swap3A_1181 {strides = array<i32>} : memref<256x64xf32, #tpu.memory_space<vmem>>, vector<1x16xf32>,
        %add3A_1182 = arith.constant 8 : i32
        %add3A_1183 = arith.addi %mul3A_691, %add3A_1182 : i32
        %swap3A_1184 = arith.index_cast %add3A_1183 : i32 to index
        %swap3A_1185 = arith.constant 48 : index
        %swap3A_1186 = tpu.vector_load %arg10[%swap3A_1184, %swap3A_1185] {strides = array<i32>} : memref<256x64xf32, #tpu.memory_space<vmem>>, vector<1x16xf32>,
        %swap3A_1187 = vector.shape_cast %swap3A_1186 : vector<1x16xf32> to vector<16xf32>
        %swap3A_1188 = vector.shape_cast %get3A_685 : vector<16xf32> to vector<1x16xf32>
        tpu.vector_store %arg10[%swap3A_1184, %swap3A_1185], %swap3A_1188 {strides = array<i32>} : memref<256x64xf32, #tpu.memory_space<vmem>>, vector<1x16xf32>,
        %add3A_1189 = arith.constant 8 : i32
        %add3A_1190 = arith.addi %mul3A_691, %add3A_1189 : i32
        %swap3A_1191 = arith.index_cast %add3A_1190 : i32 to index
        %swap3A_1192 = arith.constant 48 : index
        %swap3A_1193 = tpu.vector_load %arg12[%swap3A_1191, %swap3A_1192] {strides = array<i32>} : memref<256x64xf32, #tpu.memory_space<vmem>>, vector<1x16xf32>,
        %swap3A_1194 = vector.shape_cast %swap3A_1193 : vector<1x16xf32> to vector<16xf32>
        %swap3A_1195 = vector.shape_cast %sub3A_689 : vector<16xf32> to vector<1x16xf32>
        tpu.vector_store %arg12[%swap3A_1191, %swap3A_1192], %swap3A_1195 {strides = array<i32>} : memref<256x64xf32, #tpu.memory_space<vmem>>, vector<1x16xf32>,
        %add3A_1196 = arith.constant 9 : i32
        %add3A_1197 = arith.addi %mul3A_691, %add3A_1196 : i32
        %swap3A_1198 = arith.index_cast %add3A_1197 : i32 to index
        %swap3A_1199 = arith.constant 0 : index
        %swap3A_1200 = tpu.vector_load %arg10[%swap3A_1198, %swap3A_1199] {strides = array<i32>} : memref<256x64xf32, #tpu.memory_space<vmem>>, vector<1x16xf32>,
        %swap3A_1201 = vector.shape_cast %swap3A_1200 : vector<1x16xf32> to vector<16xf32>
        %swap3A_1202 = vector.shape_cast %get3A_673 : vector<16xf32> to vector<1x16xf32>
        tpu.vector_store %arg10[%swap3A_1198, %swap3A_1199], %swap3A_1202 {strides = array<i32>} : memref<256x64xf32, #tpu.memory_space<vmem>>, vector<1x16xf32>,
        %add3A_1203 = arith.constant 9 : i32
        %add3A_1204 = arith.addi %mul3A_691, %add3A_1203 : i32
        %swap3A_1205 = arith.index_cast %add3A_1204 : i32 to index
        %swap3A_1206 = arith.constant 0 : index
        %swap3A_1207 = tpu.vector_load %arg12[%swap3A_1205, %swap3A_1206] {strides = array<i32>} : memref<256x64xf32, #tpu.memory_space<vmem>>, vector<1x16xf32>,
        %swap3A_1208 = vector.shape_cast %swap3A_1207 : vector<1x16xf32> to vector<16xf32>
        %swap3A_1209 = vector.shape_cast %sub3A_686 : vector<16xf32> to vector<1x16xf32>
        tpu.vector_store %arg12[%swap3A_1205, %swap3A_1206], %swap3A_1209 {strides = array<i32>} : memref<256x64xf32, #tpu.memory_space<vmem>>, vector<1x16xf32>,
        %add3A_1210 = arith.constant 9 : i32
        %add3A_1211 = arith.addi %mul3A_691, %add3A_1210 : i32
        %swap3A_1212 = arith.index_cast %add3A_1211 : i32 to index
        %swap3A_1213 = arith.constant 16 : index
        %swap3A_1214 = tpu.vector_load %arg10[%swap3A_1212, %swap3A_1213] {strides = array<i32>} : memref<256x64xf32, #tpu.memory_space<vmem>>, vector<1x16xf32>,
        %swap3A_1215 = vector.shape_cast %swap3A_1214 : vector<1x16xf32> to vector<16xf32>
        %swap3A_1216 = vector.shape_cast %get3A_677 : vector<16xf32> to vector<1x16xf32>
        tpu.vector_store %arg10[%swap3A_1212, %swap3A_1213], %swap3A_1216 {strides = array<i32>} : memref<256x64xf32, #tpu.memory_space<vmem>>, vector<1x16xf32>,
        %add3A_1217 = arith.constant 9 : i32
        %add3A_1218 = arith.addi %mul3A_691, %add3A_1217 : i32
        %swap3A_1219 = arith.index_cast %add3A_1218 : i32 to index
        %swap3A_1220 = arith.constant 16 : index
        %swap3A_1221 = tpu.vector_load %arg12[%swap3A_1219, %swap3A_1220] {strides = array<i32>} : memref<256x64xf32, #tpu.memory_space<vmem>>, vector<1x16xf32>,
        %swap3A_1222 = vector.shape_cast %swap3A_1221 : vector<1x16xf32> to vector<16xf32>
        %swap3A_1223 = vector.shape_cast %sub3A_687 : vector<16xf32> to vector<1x16xf32>
        tpu.vector_store %arg12[%swap3A_1219, %swap3A_1220], %swap3A_1223 {strides = array<i32>} : memref<256x64xf32, #tpu.memory_space<vmem>>, vector<1x16xf32>,
        %add3A_1224 = arith.constant 9 : i32
        %add3A_1225 = arith.addi %mul3A_691, %add3A_1224 : i32
        %swap3A_1226 = arith.index_cast %add3A_1225 : i32 to index
        %swap3A_1227 = arith.constant 32 : index
        %swap3A_1228 = tpu.vector_load %arg10[%swap3A_1226, %swap3A_1227] {strides = array<i32>} : memref<256x64xf32, #tpu.memory_space<vmem>>, vector<1x16xf32>,
        %swap3A_1229 = vector.shape_cast %swap3A_1228 : vector<1x16xf32> to vector<16xf32>
        %swap3A_1230 = vector.shape_cast %get3A_681 : vector<16xf32> to vector<1x16xf32>
        tpu.vector_store %arg10[%swap3A_1226, %swap3A_1227], %swap3A_1230 {strides = array<i32>} : memref<256x64xf32, #tpu.memory_space<vmem>>, vector<1x16xf32>,
        %add3A_1231 = arith.constant 9 : i32
        %add3A_1232 = arith.addi %mul3A_691, %add3A_1231 : i32
        %swap3A_1233 = arith.index_cast %add3A_1232 : i32 to index
        %swap3A_1234 = arith.constant 32 : index
        %swap3A_1235 = tpu.vector_load %arg12[%swap3A_1233, %swap3A_1234] {strides = array<i32>} : memref<256x64xf32, #tpu.memory_space<vmem>>, vector<1x16xf32>,
        %swap3A_1236 = vector.shape_cast %swap3A_1235 : vector<1x16xf32> to vector<16xf32>
        %swap3A_1237 = vector.shape_cast %sub3A_688 : vector<16xf32> to vector<1x16xf32>
        tpu.vector_store %arg12[%swap3A_1233, %swap3A_1234], %swap3A_1237 {strides = array<i32>} : memref<256x64xf32, #tpu.memory_space<vmem>>, vector<1x16xf32>,
        %add3A_1238 = arith.constant 9 : i32
        %add3A_1239 = arith.addi %mul3A_691, %add3A_1238 : i32
        %swap3A_1240 = arith.index_cast %add3A_1239 : i32 to index
        %swap3A_1241 = arith.constant 48 : index
        %swap3A_1242 = tpu.vector_load %arg10[%swap3A_1240, %swap3A_1241] {strides = array<i32>} : memref<256x64xf32, #tpu.memory_space<vmem>>, vector<1x16xf32>,
        %swap3A_1243 = vector.shape_cast %swap3A_1242 : vector<1x16xf32> to vector<16xf32>
        %swap3A_1244 = vector.shape_cast %get3A_685 : vector<16xf32> to vector<1x16xf32>
        tpu.vector_store %arg10[%swap3A_1240, %swap3A_1241], %swap3A_1244 {strides = array<i32>} : memref<256x64xf32, #tpu.memory_space<vmem>>, vector<1x16xf32>,
        %add3A_1245 = arith.constant 9 : i32
        %add3A_1246 = arith.addi %mul3A_691, %add3A_1245 : i32
        %swap3A_1247 = arith.index_cast %add3A_1246 : i32 to index
        %swap3A_1248 = arith.constant 48 : index
        %swap3A_1249 = tpu.vector_load %arg12[%swap3A_1247, %swap3A_1248] {strides = array<i32>} : memref<256x64xf32, #tpu.memory_space<vmem>>, vector<1x16xf32>,
        %swap3A_1250 = vector.shape_cast %swap3A_1249 : vector<1x16xf32> to vector<16xf32>
        %swap3A_1251 = vector.shape_cast %sub3A_689 : vector<16xf32> to vector<1x16xf32>
        tpu.vector_store %arg12[%swap3A_1247, %swap3A_1248], %swap3A_1251 {strides = array<i32>} : memref<256x64xf32, #tpu.memory_space<vmem>>, vector<1x16xf32>,
        %add3A_1252 = arith.constant 10 : i32
        %add3A_1253 = arith.addi %mul3A_691, %add3A_1252 : i32
        %swap3A_1254 = arith.index_cast %add3A_1253 : i32 to index
        %swap3A_1255 = arith.constant 0 : index
        %swap3A_1256 = tpu.vector_load %arg10[%swap3A_1254, %swap3A_1255] {strides = array<i32>} : memref<256x64xf32, #tpu.memory_space<vmem>>, vector<1x16xf32>,
        %swap3A_1257 = vector.shape_cast %swap3A_1256 : vector<1x16xf32> to vector<16xf32>
        %swap3A_1258 = vector.shape_cast %get3A_673 : vector<16xf32> to vector<1x16xf32>
        tpu.vector_store %arg10[%swap3A_1254, %swap3A_1255], %swap3A_1258 {strides = array<i32>} : memref<256x64xf32, #tpu.memory_space<vmem>>, vector<1x16xf32>,
        %add3A_1259 = arith.constant 10 : i32
        %add3A_1260 = arith.addi %mul3A_691, %add3A_1259 : i32
        %swap3A_1261 = arith.index_cast %add3A_1260 : i32 to index
        %swap3A_1262 = arith.constant 0 : index
        %swap3A_1263 = tpu.vector_load %arg12[%swap3A_1261, %swap3A_1262] {strides = array<i32>} : memref<256x64xf32, #tpu.memory_space<vmem>>, vector<1x16xf32>,
        %swap3A_1264 = vector.shape_cast %swap3A_1263 : vector<1x16xf32> to vector<16xf32>
        %swap3A_1265 = vector.shape_cast %sub3A_686 : vector<16xf32> to vector<1x16xf32>
        tpu.vector_store %arg12[%swap3A_1261, %swap3A_1262], %swap3A_1265 {strides = array<i32>} : memref<256x64xf32, #tpu.memory_space<vmem>>, vector<1x16xf32>,
        %add3A_1266 = arith.constant 10 : i32
        %add3A_1267 = arith.addi %mul3A_691, %add3A_1266 : i32
        %swap3A_1268 = arith.index_cast %add3A_1267 : i32 to index
        %swap3A_1269 = arith.constant 16 : index
        %swap3A_1270 = tpu.vector_load %arg10[%swap3A_1268, %swap3A_1269] {strides = array<i32>} : memref<256x64xf32, #tpu.memory_space<vmem>>, vector<1x16xf32>,
        %swap3A_1271 = vector.shape_cast %swap3A_1270 : vector<1x16xf32> to vector<16xf32>
        %swap3A_1272 = vector.shape_cast %get3A_677 : vector<16xf32> to vector<1x16xf32>
        tpu.vector_store %arg10[%swap3A_1268, %swap3A_1269], %swap3A_1272 {strides = array<i32>} : memref<256x64xf32, #tpu.memory_space<vmem>>, vector<1x16xf32>,
        %add3A_1273 = arith.constant 10 : i32
        %add3A_1274 = arith.addi %mul3A_691, %add3A_1273 : i32
        %swap3A_1275 = arith.index_cast %add3A_1274 : i32 to index
        %swap3A_1276 = arith.constant 16 : index
        %swap3A_1277 = tpu.vector_load %arg12[%swap3A_1275, %swap3A_1276] {strides = array<i32>} : memref<256x64xf32, #tpu.memory_space<vmem>>, vector<1x16xf32>,
        %swap3A_1278 = vector.shape_cast %swap3A_1277 : vector<1x16xf32> to vector<16xf32>
        %swap3A_1279 = vector.shape_cast %sub3A_687 : vector<16xf32> to vector<1x16xf32>
        tpu.vector_store %arg12[%swap3A_1275, %swap3A_1276], %swap3A_1279 {strides = array<i32>} : memref<256x64xf32, #tpu.memory_space<vmem>>, vector<1x16xf32>,
        %add3A_1280 = arith.constant 10 : i32
        %add3A_1281 = arith.addi %mul3A_691, %add3A_1280 : i32
        %swap3A_1282 = arith.index_cast %add3A_1281 : i32 to index
        %swap3A_1283 = arith.constant 32 : index
        %swap3A_1284 = tpu.vector_load %arg10[%swap3A_1282, %swap3A_1283] {strides = array<i32>} : memref<256x64xf32, #tpu.memory_space<vmem>>, vector<1x16xf32>,
        %swap3A_1285 = vector.shape_cast %swap3A_1284 : vector<1x16xf32> to vector<16xf32>
        %swap3A_1286 = vector.shape_cast %get3A_681 : vector<16xf32> to vector<1x16xf32>
        tpu.vector_store %arg10[%swap3A_1282, %swap3A_1283], %swap3A_1286 {strides = array<i32>} : memref<256x64xf32, #tpu.memory_space<vmem>>, vector<1x16xf32>,
        %add3A_1287 = arith.constant 10 : i32
        %add3A_1288 = arith.addi %mul3A_691, %add3A_1287 : i32
        %swap3A_1289 = arith.index_cast %add3A_1288 : i32 to index
        %swap3A_1290 = arith.constant 32 : index
        %swap3A_1291 = tpu.vector_load %arg12[%swap3A_1289, %swap3A_1290] {strides = array<i32>} : memref<256x64xf32, #tpu.memory_space<vmem>>, vector<1x16xf32>,
        %swap3A_1292 = vector.shape_cast %swap3A_1291 : vector<1x16xf32> to vector<16xf32>
        %swap3A_1293 = vector.shape_cast %sub3A_688 : vector<16xf32> to vector<1x16xf32>
        tpu.vector_store %arg12[%swap3A_1289, %swap3A_1290], %swap3A_1293 {strides = array<i32>} : memref<256x64xf32, #tpu.memory_space<vmem>>, vector<1x16xf32>,
        %add3A_1294 = arith.constant 10 : i32
        %add3A_1295 = arith.addi %mul3A_691, %add3A_1294 : i32
        %swap3A_1296 = arith.index_cast %add3A_1295 : i32 to index
        %swap3A_1297 = arith.constant 48 : index
        %swap3A_1298 = tpu.vector_load %arg10[%swap3A_1296, %swap3A_1297] {strides = array<i32>} : memref<256x64xf32, #tpu.memory_space<vmem>>, vector<1x16xf32>,
        %swap3A_1299 = vector.shape_cast %swap3A_1298 : vector<1x16xf32> to vector<16xf32>
        %swap3A_1300 = vector.shape_cast %get3A_685 : vector<16xf32> to vector<1x16xf32>
        tpu.vector_store %arg10[%swap3A_1296, %swap3A_1297], %swap3A_1300 {strides = array<i32>} : memref<256x64xf32, #tpu.memory_space<vmem>>, vector<1x16xf32>,
        %add3A_1301 = arith.constant 10 : i32
        %add3A_1302 = arith.addi %mul3A_691, %add3A_1301 : i32
        %swap3A_1303 = arith.index_cast %add3A_1302 : i32 to index
        %swap3A_1304 = arith.constant 48 : index
        %swap3A_1305 = tpu.vector_load %arg12[%swap3A_1303, %swap3A_1304] {strides = array<i32>} : memref<256x64xf32, #tpu.memory_space<vmem>>, vector<1x16xf32>,
        %swap3A_1306 = vector.shape_cast %swap3A_1305 : vector<1x16xf32> to vector<16xf32>
        %swap3A_1307 = vector.shape_cast %sub3A_689 : vector<16xf32> to vector<1x16xf32>
        tpu.vector_store %arg12[%swap3A_1303, %swap3A_1304], %swap3A_1307 {strides = array<i32>} : memref<256x64xf32, #tpu.memory_space<vmem>>, vector<1x16xf32>,
        %add3A_1308 = arith.constant 11 : i32
        %add3A_1309 = arith.addi %mul3A_691, %add3A_1308 : i32
        %swap3A_1310 = arith.index_cast %add3A_1309 : i32 to index
        %swap3A_1311 = arith.constant 0 : index
        %swap3A_1312 = tpu.vector_load %arg10[%swap3A_1310, %swap3A_1311] {strides = array<i32>} : memref<256x64xf32, #tpu.memory_space<vmem>>, vector<1x16xf32>,
        %swap3A_1313 = vector.shape_cast %swap3A_1312 : vector<1x16xf32> to vector<16xf32>
        %swap3A_1314 = vector.shape_cast %get3A_673 : vector<16xf32> to vector<1x16xf32>
        tpu.vector_store %arg10[%swap3A_1310, %swap3A_1311], %swap3A_1314 {strides = array<i32>} : memref<256x64xf32, #tpu.memory_space<vmem>>, vector<1x16xf32>,
        %add3A_1315 = arith.constant 11 : i32
        %add3A_1316 = arith.addi %mul3A_691, %add3A_1315 : i32
        %swap3A_1317 = arith.index_cast %add3A_1316 : i32 to index
        %swap3A_1318 = arith.constant 0 : index
        %swap3A_1319 = tpu.vector_load %arg12[%swap3A_1317, %swap3A_1318] {strides = array<i32>} : memref<256x64xf32, #tpu.memory_space<vmem>>, vector<1x16xf32>,
        %swap3A_1320 = vector.shape_cast %swap3A_1319 : vector<1x16xf32> to vector<16xf32>
        %swap3A_1321 = vector.shape_cast %sub3A_686 : vector<16xf32> to vector<1x16xf32>
        tpu.vector_store %arg12[%swap3A_1317, %swap3A_1318], %swap3A_1321 {strides = array<i32>} : memref<256x64xf32, #tpu.memory_space<vmem>>, vector<1x16xf32>,
        %add3A_1322 = arith.constant 11 : i32
        %add3A_1323 = arith.addi %mul3A_691, %add3A_1322 : i32
        %swap3A_1324 = arith.index_cast %add3A_1323 : i32 to index
        %swap3A_1325 = arith.constant 16 : index
        %swap3A_1326 = tpu.vector_load %arg10[%swap3A_1324, %swap3A_1325] {strides = array<i32>} : memref<256x64xf32, #tpu.memory_space<vmem>>, vector<1x16xf32>,
        %swap3A_1327 = vector.shape_cast %swap3A_1326 : vector<1x16xf32> to vector<16xf32>
        %swap3A_1328 = vector.shape_cast %get3A_677 : vector<16xf32> to vector<1x16xf32>
        tpu.vector_store %arg10[%swap3A_1324, %swap3A_1325], %swap3A_1328 {strides = array<i32>} : memref<256x64xf32, #tpu.memory_space<vmem>>, vector<1x16xf32>,
        %add3A_1329 = arith.constant 11 : i32
        %add3A_1330 = arith.addi %mul3A_691, %add3A_1329 : i32
        %swap3A_1331 = arith.index_cast %add3A_1330 : i32 to index
        %swap3A_1332 = arith.constant 16 : index
        %swap3A_1333 = tpu.vector_load %arg12[%swap3A_1331, %swap3A_1332] {strides = array<i32>} : memref<256x64xf32, #tpu.memory_space<vmem>>, vector<1x16xf32>,
        %swap3A_1334 = vector.shape_cast %swap3A_1333 : vector<1x16xf32> to vector<16xf32>
        %swap3A_1335 = vector.shape_cast %sub3A_687 : vector<16xf32> to vector<1x16xf32>
        tpu.vector_store %arg12[%swap3A_1331, %swap3A_1332], %swap3A_1335 {strides = array<i32>} : memref<256x64xf32, #tpu.memory_space<vmem>>, vector<1x16xf32>,
        %add3A_1336 = arith.constant 11 : i32
        %add3A_1337 = arith.addi %mul3A_691, %add3A_1336 : i32
        %swap3A_1338 = arith.index_cast %add3A_1337 : i32 to index
        %swap3A_1339 = arith.constant 32 : index
        %swap3A_1340 = tpu.vector_load %arg10[%swap3A_1338, %swap3A_1339] {strides = array<i32>} : memref<256x64xf32, #tpu.memory_space<vmem>>, vector<1x16xf32>,
        %swap3A_1341 = vector.shape_cast %swap3A_1340 : vector<1x16xf32> to vector<16xf32>
        %swap3A_1342 = vector.shape_cast %get3A_681 : vector<16xf32> to vector<1x16xf32>
        tpu.vector_store %arg10[%swap3A_1338, %swap3A_1339], %swap3A_1342 {strides = array<i32>} : memref<256x64xf32, #tpu.memory_space<vmem>>, vector<1x16xf32>,
        %add3A_1343 = arith.constant 11 : i32
        %add3A_1344 = arith.addi %mul3A_691, %add3A_1343 : i32
        %swap3A_1345 = arith.index_cast %add3A_1344 : i32 to index
        %swap3A_1346 = arith.constant 32 : index
        %swap3A_1347 = tpu.vector_load %arg12[%swap3A_1345, %swap3A_1346] {strides = array<i32>} : memref<256x64xf32, #tpu.memory_space<vmem>>, vector<1x16xf32>,
        %swap3A_1348 = vector.shape_cast %swap3A_1347 : vector<1x16xf32> to vector<16xf32>
        %swap3A_1349 = vector.shape_cast %sub3A_688 : vector<16xf32> to vector<1x16xf32>
        tpu.vector_store %arg12[%swap3A_1345, %swap3A_1346], %swap3A_1349 {strides = array<i32>} : memref<256x64xf32, #tpu.memory_space<vmem>>, vector<1x16xf32>,
        %add3A_1350 = arith.constant 11 : i32
        %add3A_1351 = arith.addi %mul3A_691, %add3A_1350 : i32
        %swap3A_1352 = arith.index_cast %add3A_1351 : i32 to index
        %swap3A_1353 = arith.constant 48 : index
        %swap3A_1354 = tpu.vector_load %arg10[%swap3A_1352, %swap3A_1353] {strides = array<i32>} : memref<256x64xf32, #tpu.memory_space<vmem>>, vector<1x16xf32>,
        %swap3A_1355 = vector.shape_cast %swap3A_1354 : vector<1x16xf32> to vector<16xf32>
        %swap3A_1356 = vector.shape_cast %get3A_685 : vector<16xf32> to vector<1x16xf32>
        tpu.vector_store %arg10[%swap3A_1352, %swap3A_1353], %swap3A_1356 {strides = array<i32>} : memref<256x64xf32, #tpu.memory_space<vmem>>, vector<1x16xf32>,
        %add3A_1357 = arith.constant 11 : i32
        %add3A_1358 = arith.addi %mul3A_691, %add3A_1357 : i32
        %swap3A_1359 = arith.index_cast %add3A_1358 : i32 to index
        %swap3A_1360 = arith.constant 48 : index
        %swap3A_1361 = tpu.vector_load %arg12[%swap3A_1359, %swap3A_1360] {strides = array<i32>} : memref<256x64xf32, #tpu.memory_space<vmem>>, vector<1x16xf32>,
        %swap3A_1362 = vector.shape_cast %swap3A_1361 : vector<1x16xf32> to vector<16xf32>
        %swap3A_1363 = vector.shape_cast %sub3A_689 : vector<16xf32> to vector<1x16xf32>
        tpu.vector_store %arg12[%swap3A_1359, %swap3A_1360], %swap3A_1363 {strides = array<i32>} : memref<256x64xf32, #tpu.memory_space<vmem>>, vector<1x16xf32>,
        %add3A_1364 = arith.constant 12 : i32
        %add3A_1365 = arith.addi %mul3A_691, %add3A_1364 : i32
        %swap3A_1366 = arith.index_cast %add3A_1365 : i32 to index
        %swap3A_1367 = arith.constant 0 : index
        %swap3A_1368 = tpu.vector_load %arg10[%swap3A_1366, %swap3A_1367] {strides = array<i32>} : memref<256x64xf32, #tpu.memory_space<vmem>>, vector<1x16xf32>,
        %swap3A_1369 = vector.shape_cast %swap3A_1368 : vector<1x16xf32> to vector<16xf32>
        %swap3A_1370 = vector.shape_cast %get3A_673 : vector<16xf32> to vector<1x16xf32>
        tpu.vector_store %arg10[%swap3A_1366, %swap3A_1367], %swap3A_1370 {strides = array<i32>} : memref<256x64xf32, #tpu.memory_space<vmem>>, vector<1x16xf32>,
        %add3A_1371 = arith.constant 12 : i32
        %add3A_1372 = arith.addi %mul3A_691, %add3A_1371 : i32
        %swap3A_1373 = arith.index_cast %add3A_1372 : i32 to index
        %swap3A_1374 = arith.constant 0 : index
        %swap3A_1375 = tpu.vector_load %arg12[%swap3A_1373, %swap3A_1374] {strides = array<i32>} : memref<256x64xf32, #tpu.memory_space<vmem>>, vector<1x16xf32>,
        %swap3A_1376 = vector.shape_cast %swap3A_1375 : vector<1x16xf32> to vector<16xf32>
        %swap3A_1377 = vector.shape_cast %sub3A_686 : vector<16xf32> to vector<1x16xf32>
        tpu.vector_store %arg12[%swap3A_1373, %swap3A_1374], %swap3A_1377 {strides = array<i32>} : memref<256x64xf32, #tpu.memory_space<vmem>>, vector<1x16xf32>,
        %add3A_1378 = arith.constant 12 : i32
        %add3A_1379 = arith.addi %mul3A_691, %add3A_1378 : i32
        %swap3A_1380 = arith.index_cast %add3A_1379 : i32 to index
        %swap3A_1381 = arith.constant 16 : index
        %swap3A_1382 = tpu.vector_load %arg10[%swap3A_1380, %swap3A_1381] {strides = array<i32>} : memref<256x64xf32, #tpu.memory_space<vmem>>, vector<1x16xf32>,
        %swap3A_1383 = vector.shape_cast %swap3A_1382 : vector<1x16xf32> to vector<16xf32>
        %swap3A_1384 = vector.shape_cast %get3A_677 : vector<16xf32> to vector<1x16xf32>
        tpu.vector_store %arg10[%swap3A_1380, %swap3A_1381], %swap3A_1384 {strides = array<i32>} : memref<256x64xf32, #tpu.memory_space<vmem>>, vector<1x16xf32>,
        %add3A_1385 = arith.constant 12 : i32
        %add3A_1386 = arith.addi %mul3A_691, %add3A_1385 : i32
        %swap3A_1387 = arith.index_cast %add3A_1386 : i32 to index
        %swap3A_1388 = arith.constant 16 : index
        %swap3A_1389 = tpu.vector_load %arg12[%swap3A_1387, %swap3A_1388] {strides = array<i32>} : memref<256x64xf32, #tpu.memory_space<vmem>>, vector<1x16xf32>,
        %swap3A_1390 = vector.shape_cast %swap3A_1389 : vector<1x16xf32> to vector<16xf32>
        %swap3A_1391 = vector.shape_cast %sub3A_687 : vector<16xf32> to vector<1x16xf32>
        tpu.vector_store %arg12[%swap3A_1387, %swap3A_1388], %swap3A_1391 {strides = array<i32>} : memref<256x64xf32, #tpu.memory_space<vmem>>, vector<1x16xf32>,
        %add3A_1392 = arith.constant 12 : i32
        %add3A_1393 = arith.addi %mul3A_691, %add3A_1392 : i32
        %swap3A_1394 = arith.index_cast %add3A_1393 : i32 to index
        %swap3A_1395 = arith.constant 32 : index
        %swap3A_1396 = tpu.vector_load %arg10[%swap3A_1394, %swap3A_1395] {strides = array<i32>} : memref<256x64xf32, #tpu.memory_space<vmem>>, vector<1x16xf32>,
        %swap3A_1397 = vector.shape_cast %swap3A_1396 : vector<1x16xf32> to vector<16xf32>
        %swap3A_1398 = vector.shape_cast %get3A_681 : vector<16xf32> to vector<1x16xf32>
        tpu.vector_store %arg10[%swap3A_1394, %swap3A_1395], %swap3A_1398 {strides = array<i32>} : memref<256x64xf32, #tpu.memory_space<vmem>>, vector<1x16xf32>,
        %add3A_1399 = arith.constant 12 : i32
        %add3A_1400 = arith.addi %mul3A_691, %add3A_1399 : i32
        %swap3A_1401 = arith.index_cast %add3A_1400 : i32 to index
        %swap3A_1402 = arith.constant 32 : index
        %swap3A_1403 = tpu.vector_load %arg12[%swap3A_1401, %swap3A_1402] {strides = array<i32>} : memref<256x64xf32, #tpu.memory_space<vmem>>, vector<1x16xf32>,
        %swap3A_1404 = vector.shape_cast %swap3A_1403 : vector<1x16xf32> to vector<16xf32>
        %swap3A_1405 = vector.shape_cast %sub3A_688 : vector<16xf32> to vector<1x16xf32>
        tpu.vector_store %arg12[%swap3A_1401, %swap3A_1402], %swap3A_1405 {strides = array<i32>} : memref<256x64xf32, #tpu.memory_space<vmem>>, vector<1x16xf32>,
        %add3A_1406 = arith.constant 12 : i32
        %add3A_1407 = arith.addi %mul3A_691, %add3A_1406 : i32
        %swap3A_1408 = arith.index_cast %add3A_1407 : i32 to index
        %swap3A_1409 = arith.constant 48 : index
        %swap3A_1410 = tpu.vector_load %arg10[%swap3A_1408, %swap3A_1409] {strides = array<i32>} : memref<256x64xf32, #tpu.memory_space<vmem>>, vector<1x16xf32>,
        %swap3A_1411 = vector.shape_cast %swap3A_1410 : vector<1x16xf32> to vector<16xf32>
        %swap3A_1412 = vector.shape_cast %get3A_685 : vector<16xf32> to vector<1x16xf32>
        tpu.vector_store %arg10[%swap3A_1408, %swap3A_1409], %swap3A_1412 {strides = array<i32>} : memref<256x64xf32, #tpu.memory_space<vmem>>, vector<1x16xf32>,
        %add3A_1413 = arith.constant 12 : i32
        %add3A_1414 = arith.addi %mul3A_691, %add3A_1413 : i32
        %swap3A_1415 = arith.index_cast %add3A_1414 : i32 to index
        %swap3A_1416 = arith.constant 48 : index
        %swap3A_1417 = tpu.vector_load %arg12[%swap3A_1415, %swap3A_1416] {strides = array<i32>} : memref<256x64xf32, #tpu.memory_space<vmem>>, vector<1x16xf32>,
        %swap3A_1418 = vector.shape_cast %swap3A_1417 : vector<1x16xf32> to vector<16xf32>
        %swap3A_1419 = vector.shape_cast %sub3A_689 : vector<16xf32> to vector<1x16xf32>
        tpu.vector_store %arg12[%swap3A_1415, %swap3A_1416], %swap3A_1419 {strides = array<i32>} : memref<256x64xf32, #tpu.memory_space<vmem>>, vector<1x16xf32>,
        %add3A_1420 = arith.constant 13 : i32
        %add3A_1421 = arith.addi %mul3A_691, %add3A_1420 : i32
        %swap3A_1422 = arith.index_cast %add3A_1421 : i32 to index
        %swap3A_1423 = arith.constant 0 : index
        %swap3A_1424 = tpu.vector_load %arg10[%swap3A_1422, %swap3A_1423] {strides = array<i32>} : memref<256x64xf32, #tpu.memory_space<vmem>>, vector<1x16xf32>,
        %swap3A_1425 = vector.shape_cast %swap3A_1424 : vector<1x16xf32> to vector<16xf32>
        %swap3A_1426 = vector.shape_cast %get3A_673 : vector<16xf32> to vector<1x16xf32>
        tpu.vector_store %arg10[%swap3A_1422, %swap3A_1423], %swap3A_1426 {strides = array<i32>} : memref<256x64xf32, #tpu.memory_space<vmem>>, vector<1x16xf32>,
        %add3A_1427 = arith.constant 13 : i32
        %add3A_1428 = arith.addi %mul3A_691, %add3A_1427 : i32
        %swap3A_1429 = arith.index_cast %add3A_1428 : i32 to index
        %swap3A_1430 = arith.constant 0 : index
        %swap3A_1431 = tpu.vector_load %arg12[%swap3A_1429, %swap3A_1430] {strides = array<i32>} : memref<256x64xf32, #tpu.memory_space<vmem>>, vector<1x16xf32>,
        %swap3A_1432 = vector.shape_cast %swap3A_1431 : vector<1x16xf32> to vector<16xf32>
        %swap3A_1433 = vector.shape_cast %sub3A_686 : vector<16xf32> to vector<1x16xf32>
        tpu.vector_store %arg12[%swap3A_1429, %swap3A_1430], %swap3A_1433 {strides = array<i32>} : memref<256x64xf32, #tpu.memory_space<vmem>>, vector<1x16xf32>,
        %add3A_1434 = arith.constant 13 : i32
        %add3A_1435 = arith.addi %mul3A_691, %add3A_1434 : i32
        %swap3A_1436 = arith.index_cast %add3A_1435 : i32 to index
        %swap3A_1437 = arith.constant 16 : index
        %swap3A_1438 = tpu.vector_load %arg10[%swap3A_1436, %swap3A_1437] {strides = array<i32>} : memref<256x64xf32, #tpu.memory_space<vmem>>, vector<1x16xf32>,
        %swap3A_1439 = vector.shape_cast %swap3A_1438 : vector<1x16xf32> to vector<16xf32>
        %swap3A_1440 = vector.shape_cast %get3A_677 : vector<16xf32> to vector<1x16xf32>
        tpu.vector_store %arg10[%swap3A_1436, %swap3A_1437], %swap3A_1440 {strides = array<i32>} : memref<256x64xf32, #tpu.memory_space<vmem>>, vector<1x16xf32>,
        %add3A_1441 = arith.constant 13 : i32
        %add3A_1442 = arith.addi %mul3A_691, %add3A_1441 : i32
        %swap3A_1443 = arith.index_cast %add3A_1442 : i32 to index
        %swap3A_1444 = arith.constant 16 : index
        %swap3A_1445 = tpu.vector_load %arg12[%swap3A_1443, %swap3A_1444] {strides = array<i32>} : memref<256x64xf32, #tpu.memory_space<vmem>>, vector<1x16xf32>,
        %swap3A_1446 = vector.shape_cast %swap3A_1445 : vector<1x16xf32> to vector<16xf32>
        %swap3A_1447 = vector.shape_cast %sub3A_687 : vector<16xf32> to vector<1x16xf32>
        tpu.vector_store %arg12[%swap3A_1443, %swap3A_1444], %swap3A_1447 {strides = array<i32>} : memref<256x64xf32, #tpu.memory_space<vmem>>, vector<1x16xf32>,
        %add3A_1448 = arith.constant 13 : i32
        %add3A_1449 = arith.addi %mul3A_691, %add3A_1448 : i32
        %swap3A_1450 = arith.index_cast %add3A_1449 : i32 to index
        %swap3A_1451 = arith.constant 32 : index
        %swap3A_1452 = tpu.vector_load %arg10[%swap3A_1450, %swap3A_1451] {strides = array<i32>} : memref<256x64xf32, #tpu.memory_space<vmem>>, vector<1x16xf32>,
        %swap3A_1453 = vector.shape_cast %swap3A_1452 : vector<1x16xf32> to vector<16xf32>
        %swap3A_1454 = vector.shape_cast %get3A_681 : vector<16xf32> to vector<1x16xf32>
        tpu.vector_store %arg10[%swap3A_1450, %swap3A_1451], %swap3A_1454 {strides = array<i32>} : memref<256x64xf32, #tpu.memory_space<vmem>>, vector<1x16xf32>,
        %add3A_1455 = arith.constant 13 : i32
        %add3A_1456 = arith.addi %mul3A_691, %add3A_1455 : i32
        %swap3A_1457 = arith.index_cast %add3A_1456 : i32 to index
        %swap3A_1458 = arith.constant 32 : index
        %swap3A_1459 = tpu.vector_load %arg12[%swap3A_1457, %swap3A_1458] {strides = array<i32>} : memref<256x64xf32, #tpu.memory_space<vmem>>, vector<1x16xf32>,
        %swap3A_1460 = vector.shape_cast %swap3A_1459 : vector<1x16xf32> to vector<16xf32>
        %swap3A_1461 = vector.shape_cast %sub3A_688 : vector<16xf32> to vector<1x16xf32>
        tpu.vector_store %arg12[%swap3A_1457, %swap3A_1458], %swap3A_1461 {strides = array<i32>} : memref<256x64xf32, #tpu.memory_space<vmem>>, vector<1x16xf32>,
        %add3A_1462 = arith.constant 13 : i32
        %add3A_1463 = arith.addi %mul3A_691, %add3A_1462 : i32
        %swap3A_1464 = arith.index_cast %add3A_1463 : i32 to index
        %swap3A_1465 = arith.constant 48 : index
        %swap3A_1466 = tpu.vector_load %arg10[%swap3A_1464, %swap3A_1465] {strides = array<i32>} : memref<256x64xf32, #tpu.memory_space<vmem>>, vector<1x16xf32>,
        %swap3A_1467 = vector.shape_cast %swap3A_1466 : vector<1x16xf32> to vector<16xf32>
        %swap3A_1468 = vector.shape_cast %get3A_685 : vector<16xf32> to vector<1x16xf32>
        tpu.vector_store %arg10[%swap3A_1464, %swap3A_1465], %swap3A_1468 {strides = array<i32>} : memref<256x64xf32, #tpu.memory_space<vmem>>, vector<1x16xf32>,
        %add3A_1469 = arith.constant 13 : i32
        %add3A_1470 = arith.addi %mul3A_691, %add3A_1469 : i32
        %swap3A_1471 = arith.index_cast %add3A_1470 : i32 to index
        %swap3A_1472 = arith.constant 48 : index
        %swap3A_1473 = tpu.vector_load %arg12[%swap3A_1471, %swap3A_1472] {strides = array<i32>} : memref<256x64xf32, #tpu.memory_space<vmem>>, vector<1x16xf32>,
        %swap3A_1474 = vector.shape_cast %swap3A_1473 : vector<1x16xf32> to vector<16xf32>
        %swap3A_1475 = vector.shape_cast %sub3A_689 : vector<16xf32> to vector<1x16xf32>
        tpu.vector_store %arg12[%swap3A_1471, %swap3A_1472], %swap3A_1475 {strides = array<i32>} : memref<256x64xf32, #tpu.memory_space<vmem>>, vector<1x16xf32>,
        %add3A_1476 = arith.constant 14 : i32
        %add3A_1477 = arith.addi %mul3A_691, %add3A_1476 : i32
        %swap3A_1478 = arith.index_cast %add3A_1477 : i32 to index
        %swap3A_1479 = arith.constant 0 : index
        %swap3A_1480 = tpu.vector_load %arg10[%swap3A_1478, %swap3A_1479] {strides = array<i32>} : memref<256x64xf32, #tpu.memory_space<vmem>>, vector<1x16xf32>,
        %swap3A_1481 = vector.shape_cast %swap3A_1480 : vector<1x16xf32> to vector<16xf32>
        %swap3A_1482 = vector.shape_cast %get3A_673 : vector<16xf32> to vector<1x16xf32>
        tpu.vector_store %arg10[%swap3A_1478, %swap3A_1479], %swap3A_1482 {strides = array<i32>} : memref<256x64xf32, #tpu.memory_space<vmem>>, vector<1x16xf32>,
        %add3A_1483 = arith.constant 14 : i32
        %add3A_1484 = arith.addi %mul3A_691, %add3A_1483 : i32
        %swap3A_1485 = arith.index_cast %add3A_1484 : i32 to index
        %swap3A_1486 = arith.constant 0 : index
        %swap3A_1487 = tpu.vector_load %arg12[%swap3A_1485, %swap3A_1486] {strides = array<i32>} : memref<256x64xf32, #tpu.memory_space<vmem>>, vector<1x16xf32>,
        %swap3A_1488 = vector.shape_cast %swap3A_1487 : vector<1x16xf32> to vector<16xf32>
        %swap3A_1489 = vector.shape_cast %sub3A_686 : vector<16xf32> to vector<1x16xf32>
        tpu.vector_store %arg12[%swap3A_1485, %swap3A_1486], %swap3A_1489 {strides = array<i32>} : memref<256x64xf32, #tpu.memory_space<vmem>>, vector<1x16xf32>,
        %add3A_1490 = arith.constant 14 : i32
        %add3A_1491 = arith.addi %mul3A_691, %add3A_1490 : i32
        %swap3A_1492 = arith.index_cast %add3A_1491 : i32 to index
        %swap3A_1493 = arith.constant 16 : index
        %swap3A_1494 = tpu.vector_load %arg10[%swap3A_1492, %swap3A_1493] {strides = array<i32>} : memref<256x64xf32, #tpu.memory_space<vmem>>, vector<1x16xf32>,
        %swap3A_1495 = vector.shape_cast %swap3A_1494 : vector<1x16xf32> to vector<16xf32>
        %swap3A_1496 = vector.shape_cast %get3A_677 : vector<16xf32> to vector<1x16xf32>
        tpu.vector_store %arg10[%swap3A_1492, %swap3A_1493], %swap3A_1496 {strides = array<i32>} : memref<256x64xf32, #tpu.memory_space<vmem>>, vector<1x16xf32>,
        %add3A_1497 = arith.constant 14 : i32
        %add3A_1498 = arith.addi %mul3A_691, %add3A_1497 : i32
        %swap3A_1499 = arith.index_cast %add3A_1498 : i32 to index
        %swap3A_1500 = arith.constant 16 : index
        %swap3A_1501 = tpu.vector_load %arg12[%swap3A_1499, %swap3A_1500] {strides = array<i32>} : memref<256x64xf32, #tpu.memory_space<vmem>>, vector<1x16xf32>,
        %swap3A_1502 = vector.shape_cast %swap3A_1501 : vector<1x16xf32> to vector<16xf32>
        %swap3A_1503 = vector.shape_cast %sub3A_687 : vector<16xf32> to vector<1x16xf32>
        tpu.vector_store %arg12[%swap3A_1499, %swap3A_1500], %swap3A_1503 {strides = array<i32>} : memref<256x64xf32, #tpu.memory_space<vmem>>, vector<1x16xf32>,
        %add3A_1504 = arith.constant 14 : i32
        %add3A_1505 = arith.addi %mul3A_691, %add3A_1504 : i32
        %swap3A_1506 = arith.index_cast %add3A_1505 : i32 to index
        %swap3A_1507 = arith.constant 32 : index
        %swap3A_1508 = tpu.vector_load %arg10[%swap3A_1506, %swap3A_1507] {strides = array<i32>} : memref<256x64xf32, #tpu.memory_space<vmem>>, vector<1x16xf32>,
        %swap3A_1509 = vector.shape_cast %swap3A_1508 : vector<1x16xf32> to vector<16xf32>
        %swap3A_1510 = vector.shape_cast %get3A_681 : vector<16xf32> to vector<1x16xf32>
        tpu.vector_store %arg10[%swap3A_1506, %swap3A_1507], %swap3A_1510 {strides = array<i32>} : memref<256x64xf32, #tpu.memory_space<vmem>>, vector<1x16xf32>,
        %add3A_1511 = arith.constant 14 : i32
        %add3A_1512 = arith.addi %mul3A_691, %add3A_1511 : i32
        %swap3A_1513 = arith.index_cast %add3A_1512 : i32 to index
        %swap3A_1514 = arith.constant 32 : index
        %swap3A_1515 = tpu.vector_load %arg12[%swap3A_1513, %swap3A_1514] {strides = array<i32>} : memref<256x64xf32, #tpu.memory_space<vmem>>, vector<1x16xf32>,
        %swap3A_1516 = vector.shape_cast %swap3A_1515 : vector<1x16xf32> to vector<16xf32>
        %swap3A_1517 = vector.shape_cast %sub3A_688 : vector<16xf32> to vector<1x16xf32>
        tpu.vector_store %arg12[%swap3A_1513, %swap3A_1514], %swap3A_1517 {strides = array<i32>} : memref<256x64xf32, #tpu.memory_space<vmem>>, vector<1x16xf32>,
        %add3A_1518 = arith.constant 14 : i32
        %add3A_1519 = arith.addi %mul3A_691, %add3A_1518 : i32
        %swap3A_1520 = arith.index_cast %add3A_1519 : i32 to index
        %swap3A_1521 = arith.constant 48 : index
        %swap3A_1522 = tpu.vector_load %arg10[%swap3A_1520, %swap3A_1521] {strides = array<i32>} : memref<256x64xf32, #tpu.memory_space<vmem>>, vector<1x16xf32>,
        %swap3A_1523 = vector.shape_cast %swap3A_1522 : vector<1x16xf32> to vector<16xf32>
        %swap3A_1524 = vector.shape_cast %get3A_685 : vector<16xf32> to vector<1x16xf32>
        tpu.vector_store %arg10[%swap3A_1520, %swap3A_1521], %swap3A_1524 {strides = array<i32>} : memref<256x64xf32, #tpu.memory_space<vmem>>, vector<1x16xf32>,
        %add3A_1525 = arith.constant 14 : i32
        %add3A_1526 = arith.addi %mul3A_691, %add3A_1525 : i32
        %swap3A_1527 = arith.index_cast %add3A_1526 : i32 to index
        %swap3A_1528 = arith.constant 48 : index
        %swap3A_1529 = tpu.vector_load %arg12[%swap3A_1527, %swap3A_1528] {strides = array<i32>} : memref<256x64xf32, #tpu.memory_space<vmem>>, vector<1x16xf32>,
        %swap3A_1530 = vector.shape_cast %swap3A_1529 : vector<1x16xf32> to vector<16xf32>
        %swap3A_1531 = vector.shape_cast %sub3A_689 : vector<16xf32> to vector<1x16xf32>
        tpu.vector_store %arg12[%swap3A_1527, %swap3A_1528], %swap3A_1531 {strides = array<i32>} : memref<256x64xf32, #tpu.memory_space<vmem>>, vector<1x16xf32>,
        %add3A_1532 = arith.constant 15 : i32
        %add3A_1533 = arith.addi %mul3A_691, %add3A_1532 : i32
        %swap3A_1534 = arith.index_cast %add3A_1533 : i32 to index
        %swap3A_1535 = arith.constant 0 : index
        %swap3A_1536 = tpu.vector_load %arg10[%swap3A_1534, %swap3A_1535] {strides = array<i32>} : memref<256x64xf32, #tpu.memory_space<vmem>>, vector<1x16xf32>,
        %swap3A_1537 = vector.shape_cast %swap3A_1536 : vector<1x16xf32> to vector<16xf32>
        %swap3A_1538 = vector.shape_cast %get3A_673 : vector<16xf32> to vector<1x16xf32>
        tpu.vector_store %arg10[%swap3A_1534, %swap3A_1535], %swap3A_1538 {strides = array<i32>} : memref<256x64xf32, #tpu.memory_space<vmem>>, vector<1x16xf32>,
        %add3A_1539 = arith.constant 15 : i32
        %add3A_1540 = arith.addi %mul3A_691, %add3A_1539 : i32
        %swap3A_1541 = arith.index_cast %add3A_1540 : i32 to index
        %swap3A_1542 = arith.constant 0 : index
        %swap3A_1543 = tpu.vector_load %arg12[%swap3A_1541, %swap3A_1542] {strides = array<i32>} : memref<256x64xf32, #tpu.memory_space<vmem>>, vector<1x16xf32>,
        %swap3A_1544 = vector.shape_cast %swap3A_1543 : vector<1x16xf32> to vector<16xf32>
        %swap3A_1545 = vector.shape_cast %sub3A_686 : vector<16xf32> to vector<1x16xf32>
        tpu.vector_store %arg12[%swap3A_1541, %swap3A_1542], %swap3A_1545 {strides = array<i32>} : memref<256x64xf32, #tpu.memory_space<vmem>>, vector<1x16xf32>,
        %add3A_1546 = arith.constant 15 : i32
        %add3A_1547 = arith.addi %mul3A_691, %add3A_1546 : i32
        %swap3A_1548 = arith.index_cast %add3A_1547 : i32 to index
        %swap3A_1549 = arith.constant 16 : index
        %swap3A_1550 = tpu.vector_load %arg10[%swap3A_1548, %swap3A_1549] {strides = array<i32>} : memref<256x64xf32, #tpu.memory_space<vmem>>, vector<1x16xf32>,
        %swap3A_1551 = vector.shape_cast %swap3A_1550 : vector<1x16xf32> to vector<16xf32>
        %swap3A_1552 = vector.shape_cast %get3A_677 : vector<16xf32> to vector<1x16xf32>
        tpu.vector_store %arg10[%swap3A_1548, %swap3A_1549], %swap3A_1552 {strides = array<i32>} : memref<256x64xf32, #tpu.memory_space<vmem>>, vector<1x16xf32>,
        %add3A_1553 = arith.constant 15 : i32
        %add3A_1554 = arith.addi %mul3A_691, %add3A_1553 : i32
        %swap3A_1555 = arith.index_cast %add3A_1554 : i32 to index
        %swap3A_1556 = arith.constant 16 : index
        %swap3A_1557 = tpu.vector_load %arg12[%swap3A_1555, %swap3A_1556] {strides = array<i32>} : memref<256x64xf32, #tpu.memory_space<vmem>>, vector<1x16xf32>,
        %swap3A_1558 = vector.shape_cast %swap3A_1557 : vector<1x16xf32> to vector<16xf32>
        %swap3A_1559 = vector.shape_cast %sub3A_687 : vector<16xf32> to vector<1x16xf32>
        tpu.vector_store %arg12[%swap3A_1555, %swap3A_1556], %swap3A_1559 {strides = array<i32>} : memref<256x64xf32, #tpu.memory_space<vmem>>, vector<1x16xf32>,
        %add3A_1560 = arith.constant 15 : i32
        %add3A_1561 = arith.addi %mul3A_691, %add3A_1560 : i32
        %swap3A_1562 = arith.index_cast %add3A_1561 : i32 to index
        %swap3A_1563 = arith.constant 32 : index
        %swap3A_1564 = tpu.vector_load %arg10[%swap3A_1562, %swap3A_1563] {strides = array<i32>} : memref<256x64xf32, #tpu.memory_space<vmem>>, vector<1x16xf32>,
        %swap3A_1565 = vector.shape_cast %swap3A_1564 : vector<1x16xf32> to vector<16xf32>
        %swap3A_1566 = vector.shape_cast %get3A_681 : vector<16xf32> to vector<1x16xf32>
        tpu.vector_store %arg10[%swap3A_1562, %swap3A_1563], %swap3A_1566 {strides = array<i32>} : memref<256x64xf32, #tpu.memory_space<vmem>>, vector<1x16xf32>,
        %add3A_1567 = arith.constant 15 : i32
        %add3A_1568 = arith.addi %mul3A_691, %add3A_1567 : i32
        %swap3A_1569 = arith.index_cast %add3A_1568 : i32 to index
        %swap3A_1570 = arith.constant 32 : index
        %swap3A_1571 = tpu.vector_load %arg12[%swap3A_1569, %swap3A_1570] {strides = array<i32>} : memref<256x64xf32, #tpu.memory_space<vmem>>, vector<1x16xf32>,
        %swap3A_1572 = vector.shape_cast %swap3A_1571 : vector<1x16xf32> to vector<16xf32>
        %swap3A_1573 = vector.shape_cast %sub3A_688 : vector<16xf32> to vector<1x16xf32>
        tpu.vector_store %arg12[%swap3A_1569, %swap3A_1570], %swap3A_1573 {strides = array<i32>} : memref<256x64xf32, #tpu.memory_space<vmem>>, vector<1x16xf32>,
        %add3A_1574 = arith.constant 15 : i32
        %add3A_1575 = arith.addi %mul3A_691, %add3A_1574 : i32
        %swap3A_1576 = arith.index_cast %add3A_1575 : i32 to index
        %swap3A_1577 = arith.constant 48 : index
        %swap3A_1578 = tpu.vector_load %arg10[%swap3A_1576, %swap3A_1577] {strides = array<i32>} : memref<256x64xf32, #tpu.memory_space<vmem>>, vector<1x16xf32>,
        %swap3A_1579 = vector.shape_cast %swap3A_1578 : vector<1x16xf32> to vector<16xf32>
        %swap3A_1580 = vector.shape_cast %get3A_685 : vector<16xf32> to vector<1x16xf32>
        tpu.vector_store %arg10[%swap3A_1576, %swap3A_1577], %swap3A_1580 {strides = array<i32>} : memref<256x64xf32, #tpu.memory_space<vmem>>, vector<1x16xf32>,
        %add3A_1581 = arith.constant 15 : i32
        %add3A_1582 = arith.addi %mul3A_691, %add3A_1581 : i32
        %swap3A_1583 = arith.index_cast %add3A_1582 : i32 to index
        %swap3A_1584 = arith.constant 48 : index
        %swap3A_1585 = tpu.vector_load %arg12[%swap3A_1583, %swap3A_1584] {strides = array<i32>} : memref<256x64xf32, #tpu.memory_space<vmem>>, vector<1x16xf32>,
        %swap3A_1586 = vector.shape_cast %swap3A_1585 : vector<1x16xf32> to vector<16xf32>
        %swap3A_1587 = vector.shape_cast %sub3A_689 : vector<16xf32> to vector<1x16xf32>
        tpu.vector_store %arg12[%swap3A_1583, %swap3A_1584], %swap3A_1587 {strides = array<i32>} : memref<256x64xf32, #tpu.memory_space<vmem>>, vector<1x16xf32>,
      }
      %scan3A_643 = arith.constant 16 : i32
      %dma_start3A_644 = arith.constant 0 : i32
      %dma_start3A_645 = arith.constant 0 : i32
      %dma_start3A_646 = arith.constant 0 : i32
      %dma_start3A_647 = tpu.memref_slice %arg12[%dma_start3A_645, %dma_start3A_646] : memref<256x64xf32, #tpu.memory_space<vmem>> -> memref<128x64xf32, #tpu.memory_space<vmem>>
      %dma_start3A_648 = arith.constant 0 : i32
      %dma_start3A_649 = tpu.memref_slice %arg6[%dma_start3A_644, %dma_start3A_648] : memref<2x128xi32, #tpu.memory_space<vmem>> -> memref<1x128xi32, #tpu.memory_space<vmem>>
      %dma_start3A_650 = tpu.memref_squeeze %dma_start3A_649 : memref<1x128xi32, #tpu.memory_space<vmem>> -> memref<128xi32, #tpu.memory_space<vmem>>
      %dma_start3A_651 = arith.constant 0 : i32
      %dma_start3A_652 = arith.constant 0 : i32
      %dma_start3A_653 = tpu.memref_slice %arg2[%dma_start3A_651, %dma_start3A_652] : memref<32768x64xf32, #tpu.memory_space<hbm>> -> memref<32768x64xf32, #tpu.memory_space<hbm>>
      tpu.enqueue_indirect_dma source(%dma_start3A_653 : memref<32768x64xf32, #tpu.memory_space<hbm>>) target(%dma_start3A_647 : memref<128x64xf32, #tpu.memory_space<vmem>>) offsets(%dma_start3A_650 : memref<128xi32, #tpu.memory_space<vmem>>) semaphore(%arg18 : memref<!tpu.dma_semaphore, #tpu.memory_space<semaphore_mem>>) {add = true}
      %dma_start3A_654 = arith.constant 1 : i32
      %dma_start3A_655 = arith.constant 128 : i32
      %dma_start3A_656 = arith.constant 0 : i32
      %dma_start3A_657 = tpu.memref_slice %arg12[%dma_start3A_655, %dma_start3A_656] : memref<256x64xf32, #tpu.memory_space<vmem>> -> memref<128x64xf32, #tpu.memory_space<vmem>>
      %dma_start3A_658 = arith.constant 0 : i32
      %dma_start3A_659 = tpu.memref_slice %arg6[%dma_start3A_654, %dma_start3A_658] : memref<2x128xi32, #tpu.memory_space<vmem>> -> memref<1x128xi32, #tpu.memory_space<vmem>>
      %dma_start3A_660 = tpu.memref_squeeze %dma_start3A_659 : memref<1x128xi32, #tpu.memory_space<vmem>> -> memref<128xi32, #tpu.memory_space<vmem>>
      %dma_start3A_661 = arith.constant 0 : i32
      %dma_start3A_662 = arith.constant 0 : i32
      %dma_start3A_663 = tpu.memref_slice %arg2[%dma_start3A_661, %dma_start3A_662] : memref<32768x64xf32, #tpu.memory_space<hbm>> -> memref<32768x64xf32, #tpu.memory_space<hbm>>
      tpu.enqueue_indirect_dma source(%dma_start3A_663 : memref<32768x64xf32, #tpu.memory_space<hbm>>) target(%dma_start3A_657 : memref<128x64xf32, #tpu.memory_space<vmem>>) offsets(%dma_start3A_660 : memref<128xi32, #tpu.memory_space<vmem>>) semaphore(%arg18 : memref<!tpu.dma_semaphore, #tpu.memory_space<semaphore_mem>>) {add = true}
      %ge3A_664 = arith.constant 1 : i32
      %ge3A_665 = arith.cmpi sge, %add3A_404, %ge3A_664 : i32
      %convert_element_type3A_666 = arith.extui %ge3A_665 : i1 to i32
      %cond3A_667 = arith.constant 0 : i32
      %cond3A_668 = arith.cmpi ne, %convert_element_type3A_666, %cond3A_667 : i32
      scf.if %cond3A_668 {
        %sub3A_669 = arith.constant 1 : i32
        %sub3A_670 = arith.subi %add3A_404, %sub3A_669 : i32
        %dma_wait3A_671 = arith.constant 0 : i32
        %dma_wait3A_672 = arith.constant 0 : i32
        %dma_wait3A_673 = arith.constant 0 : i32
        %dma_wait3A_674 = tpu.memref_slice %arg11[%dma_wait3A_672, %dma_wait3A_673] : memref<256x64xf32, #tpu.memory_space<vmem>> -> memref<128x64xf32, #tpu.memory_space<vmem>>
        %dma_wait3A_675 = arith.constant 0 : i32
        %dma_wait3A_676 = tpu.memref_slice %arg5[%dma_wait3A_671, %dma_wait3A_675] : memref<2x128xi32, #tpu.memory_space<vmem>> -> memref<1x128xi32, #tpu.memory_space<vmem>>
        %dma_wait3A_677 = tpu.memref_squeeze %dma_wait3A_676 : memref<1x128xi32, #tpu.memory_space<vmem>> -> memref<128xi32, #tpu.memory_space<vmem>>
        %dma_wait3A_678 = arith.constant 0 : i32
        %dma_wait3A_679 = arith.constant 0 : i32
        %dma_wait3A_680 = tpu.memref_slice %arg2[%dma_wait3A_678, %dma_wait3A_679] : memref<32768x64xf32, #tpu.memory_space<hbm>> -> memref<32768x64xf32, #tpu.memory_space<hbm>>
        tpu.wait_indirect_dma semaphore(%arg17 : memref<!tpu.dma_semaphore, #tpu.memory_space<semaphore_mem>>) src(%dma_wait3A_680 : memref<32768x64xf32, #tpu.memory_space<hbm>>) dst(%dma_wait3A_674 : memref<128x64xf32, #tpu.memory_space<vmem>>)
        %sub3A_681 = arith.constant 1 : i32
        %sub3A_682 = arith.subi %add3A_404, %sub3A_681 : i32
        %dma_wait3A_683 = arith.constant 1 : i32
        %dma_wait3A_684 = arith.constant 128 : i32
        %dma_wait3A_685 = arith.constant 0 : i32
        %dma_wait3A_686 = tpu.memref_slice %arg11[%dma_wait3A_684, %dma_wait3A_685] : memref<256x64xf32, #tpu.memory_space<vmem>> -> memref<128x64xf32, #tpu.memory_space<vmem>>
        %dma_wait3A_687 = arith.constant 0 : i32
        %dma_wait3A_688 = tpu.memref_slice %arg5[%dma_wait3A_683, %dma_wait3A_687] : memref<2x128xi32, #tpu.memory_space<vmem>> -> memref<1x128xi32, #tpu.memory_space<vmem>>
        %dma_wait3A_689 = tpu.memref_squeeze %dma_wait3A_688 : memref<1x128xi32, #tpu.memory_space<vmem>> -> memref<128xi32, #tpu.memory_space<vmem>>
        %dma_wait3A_690 = arith.constant 0 : i32
        %dma_wait3A_691 = arith.constant 0 : i32
        %dma_wait3A_692 = tpu.memref_slice %arg2[%dma_wait3A_690, %dma_wait3A_691] : memref<32768x64xf32, #tpu.memory_space<hbm>> -> memref<32768x64xf32, #tpu.memory_space<hbm>>
        tpu.wait_indirect_dma semaphore(%arg17 : memref<!tpu.dma_semaphore, #tpu.memory_space<semaphore_mem>>) src(%dma_wait3A_692 : memref<32768x64xf32, #tpu.memory_space<hbm>>) dst(%dma_wait3A_686 : memref<128x64xf32, #tpu.memory_space<vmem>>)
        %sub3A_693 = arith.constant 1 : i32
        %sub3A_694 = arith.subi %add3A_404, %sub3A_693 : i32
        %mul3A_695 = arith.constant 16384 : i32
        %mul3A_696 = arith.muli %add3A, %mul3A_695 : i32
        %mul3A_697 = arith.constant 256 : i32
        %mul3A_698 = arith.muli %sub3A_694, %mul3A_697 : i32
        %add3A_699 = arith.addi %mul3A_696, %mul3A_698 : i32
        %dma_start3A_700 = arith.constant 0 : i32
        %dma_start3A_701 = arith.constant 0 : i32
        %dma_start3A_702 = tpu.memref_slice %arg4[%add3A_699, %dma_start3A_700, %dma_start3A_701] : memref<524288x2x64xf32, #tpu.memory_space<hbm>> -> memref<256x1x64xf32, #tpu.memory_space<hbm>>
        %dma_start3A_703 = tpu.memref_squeeze %dma_start3A_702 : memref<256x1x64xf32, #tpu.memory_space<hbm>> -> memref<256x64xf32, #tpu.memory_space<hbm>>
        %dma_start3A_704 = arith.constant 0 : i32
        %dma_start3A_705 = tpu.memref_slice %arg4[%add3A_699, %dma_start3A_700, %dma_start3A_704] : memref<524288x2x64xf32, #tpu.memory_space<hbm>> -> memref<256x1x64xf32, #tpu.memory_space<hbm>>
        %dma_start3A_706 = tpu.memref_squeeze %dma_start3A_705 : memref<256x1x64xf32, #tpu.memory_space<hbm>> -> memref<256x64xf32, #tpu.memory_space<hbm>>
        tpu.enqueue_dma source(%arg9 : memref<256x64xf32, #tpu.memory_space<vmem>>) target(%dma_start3A_706 : memref<256x64xf32, #tpu.memory_space<hbm>>) target_semaphore(%arg19 : memref<!tpu.dma_semaphore, #tpu.memory_space<semaphore_mem>>)
        %sub3A_707 = arith.constant 1 : i32
        %sub3A_708 = arith.subi %add3A_404, %sub3A_707 : i32
        %mul3A_709 = arith.constant 16384 : i32
        %mul3A_710 = arith.muli %add3A, %mul3A_709 : i32
        %mul3A_711 = arith.constant 256 : i32
        %mul3A_712 = arith.muli %sub3A_708, %mul3A_711 : i32
        %add3A_713 = arith.addi %mul3A_710, %mul3A_712 : i32
        %dma_start3A_714 = arith.constant 1 : i32
        %dma_start3A_715 = arith.constant 0 : i32
        %dma_start3A_716 = tpu.memref_slice %arg4[%add3A_713, %dma_start3A_714, %dma_start3A_715] : memref<524288x2x64xf32, #tpu.memory_space<hbm>> -> memref<256x1x64xf32, #tpu.memory_space<hbm>>
        %dma_start3A_717 = tpu.memref_squeeze %dma_start3A_716 : memref<256x1x64xf32, #tpu.memory_space<hbm>> -> memref<256x64xf32, #tpu.memory_space<hbm>>
        %dma_start3A_718 = arith.constant 0 : i32
        %dma_start3A_719 = tpu.memref_slice %arg4[%add3A_713, %dma_start3A_714, %dma_start3A_718] : memref<524288x2x64xf32, #tpu.memory_space<hbm>> -> memref<256x1x64xf32, #tpu.memory_space<hbm>>
        %dma_start3A_720 = tpu.memref_squeeze %dma_start3A_719 : memref<256x1x64xf32, #tpu.memory_space<hbm>> -> memref<256x64xf32, #tpu.memory_space<hbm>>
        tpu.enqueue_dma source(%arg11 : memref<256x64xf32, #tpu.memory_space<vmem>>) target(%dma_start3A_720 : memref<256x64xf32, #tpu.memory_space<hbm>>) target_semaphore(%arg21 : memref<!tpu.dma_semaphore, #tpu.memory_space<semaphore_mem>>)
        %add3A_721 = arith.constant 1 : i32
        %add3A_722 = arith.addi %add3A_404, %add3A_721 : i32
        %lt3A = arith.constant 64 : i32
        %lt3A_723 = arith.cmpi slt, %add3A_722, %lt3A : i32
        %convert_element_type3A_724 = arith.extui %lt3A_723 : i1 to i32
        %cond3A_725 = arith.constant 0 : i32
        %cond3A_726 = arith.cmpi ne, %convert_element_type3A_724, %cond3A_725 : i32
        scf.if %cond3A_726 {
          %add3A_727 = arith.constant 1 : i32
          %add3A_728 = arith.addi %add3A_404, %add3A_727 : i32
          %mul3A_729 = arith.constant 128 : i32
          %mul3A_730 = arith.muli %add3A, %mul3A_729 : i32
          %mul3A_731 = arith.constant 2 : i32
          %mul3A_732 = arith.muli %add3A_728, %mul3A_731 : i32
          %add3A_733 = arith.addi %mul3A_730, %mul3A_732 : i32
          %dma_start3A_734 = arith.constant 0 : i32
          %dma_start3A_735 = tpu.memref_slice %arg3[%add3A_733, %dma_start3A_734] : memref<4096x128xi32, #tpu.memory_space<hbm>> -> memref<2x128xi32, #tpu.memory_space<hbm>>
          %dma_start3A_736 = arith.constant 0 : i32
          %dma_start3A_737 = tpu.memref_slice %arg3[%add3A_733, %dma_start3A_736] : memref<4096x128xi32, #tpu.memory_space<hbm>> -> memref<2x128xi32, #tpu.memory_space<hbm>>
          tpu.enqueue_dma source(%dma_start3A_737 : memref<2x128xi32, #tpu.memory_space<hbm>>) target(%arg5 : memref<2x128xi32, #tpu.memory_space<vmem>>) target_semaphore(%arg13 : memref<!tpu.dma_semaphore, #tpu.memory_space<semaphore_mem>>)
          %mul3A_738 = arith.constant 1024 : i32
          %mul3A_739 = arith.muli %add3A, %mul3A_738 : i32
          %mul3A_740 = arith.constant 16 : i32
          %mul3A_741 = arith.muli %add3A_728, %mul3A_740 : i32
          %add3A_742 = arith.addi %mul3A_739, %mul3A_741 : i32
          %dma_start3A_743 = arith.constant 0 : i32
          %dma_start3A_744 = tpu.memref_slice %arg2[%add3A_742, %dma_start3A_743] : memref<32768x64xf32, #tpu.memory_space<hbm>> -> memref<16x64xf32, #tpu.memory_space<hbm>>
          %dma_start3A_745 = arith.constant 0 : i32
          %dma_start3A_746 = tpu.memref_slice %arg2[%add3A_742, %dma_start3A_745] : memref<32768x64xf32, #tpu.memory_space<hbm>> -> memref<16x64xf32, #tpu.memory_space<hbm>>
          tpu.enqueue_dma source(%dma_start3A_746 : memref<16x64xf32, #tpu.memory_space<hbm>>) target(%arg7 : memref<16x64xf32, #tpu.memory_space<vmem>>) target_semaphore(%arg15 : memref<!tpu.dma_semaphore, #tpu.memory_space<semaphore_mem>>)
        } else {
        }
      } else {
      }
    }
    %scan3A_54 = arith.constant 32 : i32
    %dma_wait3A = arith.constant 0 : i32
    %dma_wait3A_55 = arith.constant 0 : i32
    %dma_wait3A_56 = arith.constant 0 : i32
    %dma_wait3A_57 = tpu.memref_slice %arg12[%dma_wait3A_55, %dma_wait3A_56] : memref<256x64xf32, #tpu.memory_space<vmem>> -> memref<128x64xf32, #tpu.memory_space<vmem>>
    %dma_wait3A_58 = arith.constant 0 : i32
    %dma_wait3A_59 = tpu.memref_slice %arg6[%dma_wait3A, %dma_wait3A_58] : memref<2x128xi32, #tpu.memory_space<vmem>> -> memref<1x128xi32, #tpu.memory_space<vmem>>
    %dma_wait3A_60 = tpu.memref_squeeze %dma_wait3A_59 : memref<1x128xi32, #tpu.memory_space<vmem>> -> memref<128xi32, #tpu.memory_space<vmem>>
    %dma_wait3A_61 = arith.constant 0 : i32
    %dma_wait3A_62 = arith.constant 0 : i32
    %dma_wait3A_63 = tpu.memref_slice %arg2[%dma_wait3A_61, %dma_wait3A_62] : memref<32768x64xf32, #tpu.memory_space<hbm>> -> memref<32768x64xf32, #tpu.memory_space<hbm>>
    tpu.wait_indirect_dma semaphore(%arg18 : memref<!tpu.dma_semaphore, #tpu.memory_space<semaphore_mem>>) src(%dma_wait3A_63 : memref<32768x64xf32, #tpu.memory_space<hbm>>) dst(%dma_wait3A_57 : memref<128x64xf32, #tpu.memory_space<vmem>>)
    %dma_wait3A_64 = arith.constant 1 : i32
    %dma_wait3A_65 = arith.constant 128 : i32
    %dma_wait3A_66 = arith.constant 0 : i32
    %dma_wait3A_67 = tpu.memref_slice %arg12[%dma_wait3A_65, %dma_wait3A_66] : memref<256x64xf32, #tpu.memory_space<vmem>> -> memref<128x64xf32, #tpu.memory_space<vmem>>
    %dma_wait3A_68 = arith.constant 0 : i32
    %dma_wait3A_69 = tpu.memref_slice %arg6[%dma_wait3A_64, %dma_wait3A_68] : memref<2x128xi32, #tpu.memory_space<vmem>> -> memref<1x128xi32, #tpu.memory_space<vmem>>
    %dma_wait3A_70 = tpu.memref_squeeze %dma_wait3A_69 : memref<1x128xi32, #tpu.memory_space<vmem>> -> memref<128xi32, #tpu.memory_space<vmem>>
    %dma_wait3A_71 = arith.constant 0 : i32
    %dma_wait3A_72 = arith.constant 0 : i32
    %dma_wait3A_73 = tpu.memref_slice %arg2[%dma_wait3A_71, %dma_wait3A_72] : memref<32768x64xf32, #tpu.memory_space<hbm>> -> memref<32768x64xf32, #tpu.memory_space<hbm>>
    tpu.wait_indirect_dma semaphore(%arg18 : memref<!tpu.dma_semaphore, #tpu.memory_space<semaphore_mem>>) src(%dma_wait3A_73 : memref<32768x64xf32, #tpu.memory_space<hbm>>) dst(%dma_wait3A_67 : memref<128x64xf32, #tpu.memory_space<vmem>>)
    %mul3A_74 = arith.constant 16384 : i32
    %mul3A_75 = arith.muli %add3A, %mul3A_74 : i32
    %add3A_76 = arith.constant 16128 : i32
    %add3A_77 = arith.addi %mul3A_75, %add3A_76 : i32
    %dma_start3A_78 = arith.constant 0 : i32
    %dma_start3A_79 = arith.constant 0 : i32
    %dma_start3A_80 = tpu.memref_slice %arg4[%add3A_77, %dma_start3A_78, %dma_start3A_79] : memref<524288x2x64xf32, #tpu.memory_space<hbm>> -> memref<256x1x64xf32, #tpu.memory_space<hbm>>
    %dma_start3A_81 = tpu.memref_squeeze %dma_start3A_80 : memref<256x1x64xf32, #tpu.memory_space<hbm>> -> memref<256x64xf32, #tpu.memory_space<hbm>>
    %dma_start3A_82 = arith.constant 0 : i32
    %dma_start3A_83 = tpu.memref_slice %arg4[%add3A_77, %dma_start3A_78, %dma_start3A_82] : memref<524288x2x64xf32, #tpu.memory_space<hbm>> -> memref<256x1x64xf32, #tpu.memory_space<hbm>>
    %dma_start3A_84 = tpu.memref_squeeze %dma_start3A_83 : memref<256x1x64xf32, #tpu.memory_space<hbm>> -> memref<256x64xf32, #tpu.memory_space<hbm>>
    tpu.enqueue_dma source(%arg10 : memref<256x64xf32, #tpu.memory_space<vmem>>) target(%dma_start3A_84 : memref<256x64xf32, #tpu.memory_space<hbm>>) target_semaphore(%arg20 : memref<!tpu.dma_semaphore, #tpu.memory_space<semaphore_mem>>)
    %mul3A_85 = arith.constant 16384 : i32
    %mul3A_86 = arith.muli %add3A, %mul3A_85 : i32
    %add3A_87 = arith.constant 16128 : i32
    %add3A_88 = arith.addi %mul3A_86, %add3A_87 : i32
    %dma_start3A_89 = arith.constant 1 : i32
    %dma_start3A_90 = arith.constant 0 : i32
    %dma_start3A_91 = tpu.memref_slice %arg4[%add3A_88, %dma_start3A_89, %dma_start3A_90] : memref<524288x2x64xf32, #tpu.memory_space<hbm>> -> memref<256x1x64xf32, #tpu.memory_space<hbm>>
    %dma_start3A_92 = tpu.memref_squeeze %dma_start3A_91 : memref<256x1x64xf32, #tpu.memory_space<hbm>> -> memref<256x64xf32, #tpu.memory_space<hbm>>
    %dma_start3A_93 = arith.constant 0 : i32
    %dma_start3A_94 = tpu.memref_slice %arg4[%add3A_88, %dma_start3A_89, %dma_start3A_93] : memref<524288x2x64xf32, #tpu.memory_space<hbm>> -> memref<256x1x64xf32, #tpu.memory_space<hbm>>
    %dma_start3A_95 = tpu.memref_squeeze %dma_start3A_94 : memref<256x1x64xf32, #tpu.memory_space<hbm>> -> memref<256x64xf32, #tpu.memory_space<hbm>>
    tpu.enqueue_dma source(%arg12 : memref<256x64xf32, #tpu.memory_space<vmem>>) target(%dma_start3A_95 : memref<256x64xf32, #tpu.memory_space<hbm>>) target_semaphore(%arg22 : memref<!tpu.dma_semaphore, #tpu.memory_space<semaphore_mem>>)
    %mul3A_96 = arith.constant 16384 : i32
    %mul3A_97 = arith.muli %add3A, %mul3A_96 : i32
    %add3A_98 = arith.constant 15872 : i32
    %add3A_99 = arith.addi %mul3A_97, %add3A_98 : i32
    %dma_wait3A_100 = arith.constant 0 : i32
    %dma_wait3A_101 = arith.constant 0 : i32
    %dma_wait3A_102 = tpu.memref_slice %arg4[%add3A_99, %dma_wait3A_100, %dma_wait3A_101] : memref<524288x2x64xf32, #tpu.memory_space<hbm>> -> memref<256x1x64xf32, #tpu.memory_space<hbm>>
    %dma_wait3A_103 = tpu.memref_squeeze %dma_wait3A_102 : memref<256x1x64xf32, #tpu.memory_space<hbm>> -> memref<256x64xf32, #tpu.memory_space<hbm>>
    %dma_wait3A_104 = arith.constant 0 : i32
    %dma_wait3A_105 = tpu.memref_slice %arg4[%add3A_99, %dma_wait3A_100, %dma_wait3A_104] : memref<524288x2x64xf32, #tpu.memory_space<hbm>> -> memref<256x1x64xf32, #tpu.memory_space<hbm>>
    %dma_wait3A_106 = tpu.memref_squeeze %dma_wait3A_105 : memref<256x1x64xf32, #tpu.memory_space<hbm>> -> memref<256x64xf32, #tpu.memory_space<hbm>>
    tpu.wait_dma2 semaphore(%arg19 : memref<!tpu.dma_semaphore, #tpu.memory_space<semaphore_mem>>) src(%arg9 : memref<256x64xf32, #tpu.memory_space<vmem>>) dst(%dma_wait3A_106 : memref<256x64xf32, #tpu.memory_space<hbm>>)
    %mul3A_107 = arith.constant 16384 : i32
    %mul3A_108 = arith.muli %add3A, %mul3A_107 : i32
    %add3A_109 = arith.constant 15872 : i32
    %add3A_110 = arith.addi %mul3A_108, %add3A_109 : i32
    %dma_wait3A_111 = arith.constant 1 : i32
    %dma_wait3A_112 = arith.constant 0 : i32
    %dma_wait3A_113 = tpu.memref_slice %arg4[%add3A_110, %dma_wait3A_111, %dma_wait3A_112] : memref<524288x2x64xf32, #tpu.memory_space<hbm>> -> memref<256x1x64xf32, #tpu.memory_space<hbm>>
    %dma_wait3A_114 = tpu.memref_squeeze %dma_wait3A_113 : memref<256x1x64xf32, #tpu.memory_space<hbm>> -> memref<256x64xf32, #tpu.memory_space<hbm>>
    %dma_wait3A_115 = arith.constant 0 : i32
    %dma_wait3A_116 = tpu.memref_slice %arg4[%add3A_110, %dma_wait3A_111, %dma_wait3A_115] : memref<524288x2x64xf32, #tpu.memory_space<hbm>> -> memref<256x1x64xf32, #tpu.memory_space<hbm>>
    %dma_wait3A_117 = tpu.memref_squeeze %dma_wait3A_116 : memref<256x1x64xf32, #tpu.memory_space<hbm>> -> memref<256x64xf32, #tpu.memory_space<hbm>>
    tpu.wait_dma2 semaphore(%arg21 : memref<!tpu.dma_semaphore, #tpu.memory_space<semaphore_mem>>) src(%arg11 : memref<256x64xf32, #tpu.memory_space<vmem>>) dst(%dma_wait3A_117 : memref<256x64xf32, #tpu.memory_space<hbm>>)
    %mul3A_118 = arith.constant 16384 : i32
    %mul3A_119 = arith.muli %add3A, %mul3A_118 : i32
    %add3A_120 = arith.constant 16128 : i32
    %add3A_121 = arith.addi %mul3A_119, %add3A_120 : i32
    %dma_wait3A_122 = arith.constant 0 : i32
    %dma_wait3A_123 = arith.constant 0 : i32
    %dma_wait3A_124 = tpu.memref_slice %arg4[%add3A_121, %dma_wait3A_122, %dma_wait3A_123] : memref<524288x2x64xf32, #tpu.memory_space<hbm>> -> memref<256x1x64xf32, #tpu.memory_space<hbm>>
    %dma_wait3A_125 = tpu.memref_squeeze %dma_wait3A_124 : memref<256x1x64xf32, #tpu.memory_space<hbm>> -> memref<256x64xf32, #tpu.memory_space<hbm>>
    %dma_wait3A_126 = arith.constant 0 : i32
    %dma_wait3A_127 = tpu.memref_slice %arg4[%add3A_121, %dma_wait3A_122, %dma_wait3A_126] : memref<524288x2x64xf32, #tpu.memory_space<hbm>> -> memref<256x1x64xf32, #tpu.memory_space<hbm>>
    %dma_wait3A_128 = tpu.memref_squeeze %dma_wait3A_127 : memref<256x1x64xf32, #tpu.memory_space<hbm>> -> memref<256x64xf32, #tpu.memory_space<hbm>>
    tpu.wait_dma2 semaphore(%arg20 : memref<!tpu.dma_semaphore, #tpu.memory_space<semaphore_mem>>) src(%arg10 : memref<256x64xf32, #tpu.memory_space<vmem>>) dst(%dma_wait3A_128 : memref<256x64xf32, #tpu.memory_space<hbm>>)
    %mul3A_129 = arith.constant 16384 : i32
    %mul3A_130 = arith.muli %add3A, %mul3A_129 : i32
    %add3A_131 = arith.constant 16128 : i32
    %add3A_132 = arith.addi %mul3A_130, %add3A_131 : i32
    %dma_wait3A_133 = arith.constant 1 : i32
    %dma_wait3A_134 = arith.constant 0 : i32
    %dma_wait3A_135 = tpu.memref_slice %arg4[%add3A_132, %dma_wait3A_133, %dma_wait3A_134] : memref<524288x2x64xf32, #tpu.memory_space<hbm>> -> memref<256x1x64xf32, #tpu.memory_space<hbm>>
    %dma_wait3A_136 = tpu.memref_squeeze %dma_wait3A_135 : memref<256x1x64xf32, #tpu.memory_space<hbm>> -> memref<256x64xf32, #tpu.memory_space<hbm>>
    %dma_wait3A_137 = arith.constant 0 : i32
    %dma_wait3A_138 = tpu.memref_slice %arg4[%add3A_132, %dma_wait3A_133, %dma_wait3A_137] : memref<524288x2x64xf32, #tpu.memory_space<hbm>> -> memref<256x1x64xf32, #tpu.memory_space<hbm>>
    %dma_wait3A_139 = tpu.memref_squeeze %dma_wait3A_138 : memref<256x1x64xf32, #tpu.memory_space<hbm>> -> memref<256x64xf32, #tpu.memory_space<hbm>>
    tpu.wait_dma2 semaphore(%arg22 : memref<!tpu.dma_semaphore, #tpu.memory_space<semaphore_mem>>) src(%arg12 : memref<256x64xf32, #tpu.memory_space<vmem>>) dst(%dma_wait3A_139 : memref<256x64xf32, #tpu.memory_space<hbm>>)
    return
  }
}

</mosaic_0001>

<sc_bundles>
// kernel: kernel.3.cloned.1.call-start
scs
__scs_entry_jumppad:
0x0: {  	(pc) =	sbr.rel $0x88, $3  }
0x1: {  	(tag) =	ssettag $0x0;
	lr =	simm.s32 $0x1  }
0x2: {  	[smem:$0x3F9F] =	sst lr;
	_ =	strace $0xD0000000  }
0x3: {  	_ = 	snop  }
0x4: {  	_ = 	snop  }
0x5: {  	_ = 	snop  }
0x6: {  	_ = 	snop  }
0x7: {  	_ = 	snop  }
__scs_overlays_trampoline_lowered:
0x8: {  	[smem:$0x3FAE] =	sst s0  }
0x9: {  	[smem:$0x3FAF] =	sst s1  }
0xa: {  	[smem:$0x3FB0] =	sst s2  }
0xb: {  	[smem:$0x3FB1] =	sst s3  }
0xc: {  	[smem:$0x3FB2] =	sst s4  }
0xd: {  	[smem:$0x3FB3] =	sst s5  }
0xe: {  	[smem:$0x3FB4] =	sst s6  }
0xf: {  	[smem:$0x3FB5] =	sst s7  }
0x10: {  	[smem:$0x3FB6] =	sst s8  }
0x11: {  	[smem:$0x3FB7] =	sst s9;
	s0 =	simm.s32 @!p0 $0x0  }
0x12: {  	s1 =	sld [smem:$0x3F9D];
	s0 =	simm.s32 @p0 $0x1  }
0x13: {  	[smem:$0x3FB8] =	sst s0;
	s0 =	simm.s32 @!p1 $0x0  }
0x14: {  	s2 =	sld [smem:$0x3F9C];
	s0 =	simm.s32 @p1 $0x1  }
0x15: {  	[smem:$0x3FB9] =	sst s0;
	s0 =	simm.s32 @!p2 $0x0  }
0x16: {  	s3 =	sld [smem:$0x3FDB];
	s0 =	simm.s32 @p2 $0x1  }
0x17: {  	s4 =	simm.s32 $0x1BF5;
	[smem:$0x3FBB] =	sst s0  }
0x18: {  	s0 =	sld [smem:$0x3F9E];
	_ =	swait.ge [sflag:s4], $0x0  }
0x19: {  	s7 =	sld [smem:$0x3F9F]  }
0x1a: {  	s8 =	sadd.s32 $0xFFFFE003, lr  }
0x1b: {  	s9 =	sadd.s32 $0xFFFFFEF7, lr;
	s5 =	simm.s32 $0xFFFFFFFF;
	p2 =	slt.u32 s8, $0xFFFFF086  }
0x1c: {  	p1 =	slt.u32 s9, $0xF7A;
	s5 =	simm.s32 @!p2 $0x0  }
0x1d: {  	s5 =	simm.s32 @p1 $0x1;
	p0 =	seq.s32 s7, s2  }
0x1e: {  	s7 =	smul.u32 @!p0 $0xF7A, s2;
	p2 =	seq.s32 @!p0 s5, $0x0  }
0x1f: {  	s9 =	smul.u32 $0xF7A, s1;
	s8 =	simm.s32 @!p0 $0x1BF5;
	p2 =	por !p2, p0  }
0x20: {  	[sflag:s8] =	ssyncset.s32 @!p0 $0xFFFFF086;
	s6 =	sadd.s32 @!p0 s3, s7;
	s7 =	simm.s32 @!p0 $0x108  }
0x21: {  	s3 =	sadd.s32 s3, s9;
	s6 =	sadd.s32 @!p0 $0x88, s6;
	s7 =	simm.s32 @p2 $0x1082  }
0x22: {  	[simem:s7], [sflag:s8] =	dma.local @!p0 [hbm:s6], $0xF7A  }
0x23: {  	s9 =	sor.u32 $0xD0000000, s2;
	s6 =	simm.s32 $0x108;
	_ =	swait.ge @!p0 [sflag:s8], $0x0  }
0x24: {  	s3 =	sadd.s32 $0x88, s3;
	s6 =	simm.s32 @!p1 $0x1082;
	[sflag:s4] =	ssyncset.s32 $0xFFFFF086  }
0x25: {  	[simem:s6], [sflag:s4] =	dma.local [hbm:s3], $0xF7A  }
0x26: {  	[smem:$0x3F9F] =	sst s1;
	(tag) =	ssettag s2;
	_ =	strace s9  }
0x27: {  	s1 =	sld [smem:$0x3FAF]  }
0x28: {  	s2 =	sld [smem:$0x3FB0]  }
0x29: {  	s4 =	sld [smem:$0x3FB2]  }
0x2a: {  	p0 =	seq.s32 s5, $0x0;
	s5 =	sld [smem:$0x3FB3]  }
0x2b: {  	s6 =	sld [smem:$0x3FB4]  }
0x2c: {  	s7 =	sld [smem:$0x3FB5]  }
0x2d: {  	s3 =	simm.s32 $0x108;
	s8 =	sld [smem:$0x3FB6]  }
0x2e: {  	s3 =	simm.s32 @!p0 $0x1082;
	s9 =	sld [smem:$0x3FB7]  }
0x2f: {  	lr =	sadd.s32 s0, s3;
	s0 =	sld [smem:$0x3FAE]  }
0x30: {  	s3 =	sld [smem:$0x3FB1]  }
0x31: {  	[smem:$0x3FBA] =	sst s10  }
0x32: {  	s10 =	sld [smem:$0x3FB8];
	_ =	sdelay $0x3  }
0x33: {  	p0 =	seq.s32 s10, $0x1;
	s10 =	sld [smem:$0x3FBA];
	_ =	sdelay $0x3  }
0x34: {  	[smem:$0x3FBA] =	sst s10  }
0x35: {  	s10 =	sld [smem:$0x3FB9];
	_ =	sdelay $0x3  }
0x36: {  	p1 =	seq.s32 s10, $0x1;
	s10 =	sld [smem:$0x3FBA];
	_ =	sdelay $0x3  }
0x37: {  	[smem:$0x3FBA] =	sst s10  }
0x38: {  	s10 =	sld [smem:$0x3FBB]  }
0x39: {  	_ = 	snop;
	(pc) =	sbr.ind lr, $3  }
0x3a: {  	_ = 	snop  }
0x3b: {  	_ = 	snop  }
0x3c: {  	p2 =	seq.s32 s10, $0x1;
	s10 =	sld [smem:$0x3FBA]  }
0x3d: {  	_ =	shalt  }
0x3e: {  	_ =	shalt  }
0x3f: {  	_ =	shalt  }
0x40: {  	_ =	shalt  }
0x41: {  	_ =	shalt  }
0x42: {  	_ =	shalt  }
0x43: {  	_ =	shalt  }
0x44: {  	_ =	shalt  }
0x45: {  	_ =	shalt  }
0x46: {  	_ =	shalt  }
0x47: {  	_ =	shalt  }
0x48: {  	_ =	shalt  }
0x49: {  	_ =	shalt  }
0x4a: {  	_ =	shalt  }
0x4b: {  	_ =	shalt  }
0x4c: {  	_ =	shalt  }
0x4d: {  	_ =	shalt  }
0x4e: {  	_ =	shalt  }
0x4f: {  	_ =	shalt  }
0x50: {  	_ =	shalt  }
0x51: {  	_ =	shalt  }
0x52: {  	_ =	shalt  }
0x53: {  	_ =	shalt  }
0x54: {  	_ =	shalt  }
0x55: {  	_ =	shalt  }
0x56: {  	_ =	shalt  }
0x57: {  	_ =	shalt  }
0x58: {  	_ =	shalt  }
0x59: {  	_ =	shalt  }
0x5a: {  	_ =	shalt  }
0x5b: {  	_ =	shalt  }
0x5c: {  	_ =	shalt  }
0x5d: {  	_ =	shalt  }
0x5e: {  	_ =	shalt  }
0x5f: {  	_ =	shalt  }
0x60: {  	_ =	shalt  }
0x61: {  	_ =	shalt  }
0x62: {  	_ =	shalt  }
0x63: {  	_ =	shalt  }
0x64: {  	_ =	shalt  }
0x65: {  	_ =	shalt  }
0x66: {  	_ =	shalt  }
0x67: {  	_ =	shalt  }
0x68: {  	_ =	shalt  }
0x69: {  	_ =	shalt  }
0x6a: {  	_ =	shalt  }
0x6b: {  	_ =	shalt  }
0x6c: {  	_ =	shalt  }
0x6d: {  	_ =	shalt  }
0x6e: {  	_ =	shalt  }
0x6f: {  	_ =	shalt  }
0x70: {  	_ =	shalt  }
0x71: {  	_ =	shalt  }
0x72: {  	_ =	shalt  }
0x73: {  	_ =	shalt  }
0x74: {  	_ =	shalt  }
0x75: {  	_ =	shalt  }
0x76: {  	_ =	shalt  }
0x77: {  	_ =	shalt  }
0x78: {  	_ =	shalt  }
0x79: {  	_ =	shalt  }
0x7a: {  	_ =	shalt  }
0x7b: {  	_ =	shalt  }
0x7c: {  	_ =	shalt  }
0x7d: {  	_ =	shalt  }
0x7e: {  	_ =	shalt  }
0x7f: {  	_ =	shalt  }
0x80: {  	_ =	shalt  }
0x81: {  	_ =	shalt  }
0x82: {  	_ =	shalt  }
0x83: {  	_ =	shalt  }
0x84: {  	_ =	shalt  }
0x85: {  	_ =	shalt  }
0x86: {  	_ =	shalt  }
0x87: {  	_ =	shalt  }
.Lfunc_end0:
.L_simem_size_0:
called_computation_lowered:
.L_overlay_start_0:
0x88: {  	s2 =	sld [smem:$0x3FD9]  }
0x89: {  	s3 =	sld [smem:$0x3FFE];
	_ =	sdelay $0x1  }
0x8a: {  	s1 =	srdreg.scid  }
0x8b: {  	s0 =	sand.u32 $0x1, s1  }
0x8c: {  	s17 =	sshll.u32 s0, $0xA;
	s2 =	sadd.s32 s3, s2  }
0x8d: {  	s2 =	sadd.s32 s2, s17  }
0x8e: {  	[smem:$0x3FC6] =	sst s2  }
0x8f: {  	_ = 	snop  }
0x90: {  	s2 =	sld [smem:$0x3FD0];
	(tm) =	ssettm $0x1  }
0x91: {  	s18 =	sld [smem:$0x3FFB];
	_ =	sdelay $0x3  }
0x92: {  	_ =	strace s18  }
0x93: {  	s3 =	sld [smem:$0x3FFC];
	_ =	sdelay $0x3  }
0x94: {  	_ =	strace s3  }
0x95: {  	s3 =	sld [smem:$0x3FFD];
	_ =	sdelay $0x3  }
0x96: {  	_ =	strace s3  }
0x97: {  	_ =	strace $0x8FFFFFFF  }
0x98: {  	s19 =	sld [smem:$0x3FDB];
	_ =	sdelay $0x1  }
0x99: {  	s4 =	simm.s32 $_scs_section_size  }
0x9a: {  	s5 =	simm.s32 $_size__tile_overlayer_lowered;
	s6 =	simm.s32 $_tile_overlayer_lowered  }
0x9b: {  	s22 =	simm.s32 $0x1BFF;
	s21 =	sshll.u32 s6, $0x1;
	s3 =	sadd.s32 s4, s19  }
0x9c: {  	s7 =	simm.s32 $0x0;
	s20 =	sshll.u32 s5, $0x1;
	s5 =	sadd.s32 s21, s3  }
0x9d: {  	[timem:s7], [sflag:s22] =	dma.local [hbm:s5], s20  }
0x9e: {  	_ =	swait.ge [sflag:s22], s20  }
0x9f: {  	s4 =	ssub.s32 $0x0, s20;
	[sflag:s22] =	ssyncset.done $0x0  }
0xa0: {  	[sflag:s22] =	ssyncadd.s32 s4;
	_ =	sdelay $0x1  }
0xa1: {  	s23 =	simm.s32 $0x1B8B  }
0xa2: {  	_ =	swait.ge [sflag:s23], $0x1  }
0xa3: {  	[sflag:s23] =	ssyncset.done $0x0  }
0xa4: {  	s25 =	simm.s32 $0x1B8E;
	s24 =	sld [smem:$0x3FFE];
	[sflag:s23] =	ssyncadd.s32 $0xFFFFFFFF  }
0xa5: {  	s26 =	simm.s32 $execute0_lowered;
	[smem:$0x3FD2] =	sst s25  }
0xa6: {  	s5 =	sshll.u32 s26, $0x1;
	_ =	strace $0x80000046;
	[dreg:$0x1] =	wrdreg $0xFFFFFFFF  }
0xa7: {  	s28 =	simm.s32 $_size_execute0_lowered;
	s3 =	sadd.s32 s3, s5;
	[dreg:$0x0] =	wrdreg $0x0  }
0xa8: {  	s5 =	sshll.u32 s28, $0x1;
	[dreg:$0x2] =	wrdreg s3  }
0xa9: {  	[dreg:$0x3] =	wrdreg s5  }
0xaa: {  	[dreg:$0x4] =	wrdreg $0xC0  }
0xab: {  	_ =	task [dreg:s7], $0x5FFFF  }
0xac: {  	[dreg:$0x1] =	wrdreg $0xFFFFFFFF  }
0xad: {  	[dreg:$0x0] =	wrdreg $0x60  }
0xae: {  	[dreg:$0x2] =	wrdreg s24  }
0xaf: {  	[dreg:$0x3] =	wrdreg s2  }
0xb0: {  	[dreg:$0x4] =	wrdreg $0x9  }
0xb1: {  	_ =	task.clear_ibuf [dreg:s7], $0x5FFFF;
	_ =	strace $0x90000046  }
0xb2: {  	s29 =	simm.s32 $0x9;
	_ =	strace $0x80000048  }
0xb3: {  	_ =	swait.ge [sflag:s29], $0x1  }
0xb4: {  	[sflag:s29] =	ssyncadd.s32 $0xFFFFFFFF  }
0xb5: {  	_ =	strace $0x90000048  }
0xb6: {  	_ =	sfence  }
0xb7: {  	s30 =	sld [smem:$0x0];
	_ =	sdelay $0x2  }
0xb8: {  	s31 =	sshll.u32 s1, $0xD;
	s1 =	sshrl.u32 s1, $0x2  }
0xb9: {  	s3 =	sand.u32 $0x4000, s31;
	s1 =	sadd.s32 s1, s30  }
0xba: {  	s0 =	sor.u32 s3, s0;
	s1 =	sshll.u32 s1, $0x11  }
0xbb: {  	s0 =	sor.u32 s1, s0  }
0xbc: {  	s0 =	sadd.s32 $0x8F2B, s0  }
0xbd: {  	[sflag:s0] =	ssyncadd.remote.s32 $0x1  }
0xbe: {  	_ =	sfence.sel $0xFFFF  }
0xbf: {  	[dreg:$0x0] =	wrdreg $0xFFFFFFFF;
	(pc) =	sbr.abs _section_cstart, $3  }
0xc0: {  	[dreg:$0x1] =	wrdreg $0xFFFFFFFF  }
0xc1: {  	_ =	task.clear_ibuf [dreg:s7], $0x2FFFF;
	_ =	strace $0x9FFFFFFF  }
0xc2: {  	(tm) =	ssettm $0x7FFFFFFF  }
0xc3: {  	_ =	shalt  }
tec
execute0_lowered:
.L_overlay_start_1:
0x0: {  	(tag) =	ssettag $0x1  }
0x1: {  	s0 =	rddreg [dreg:$0x0]  }
0x2: {  	s2 =	rddreg [dreg:$0x1]  }
0x3: {  	s1 =	srdreg.scid;
	s6 =	stileid.u32;
	s3 =	simm.s32 $0x0  }
0x4: {  	s15 =	simm.s32 $0x200;
	s16 =	simm.s32 $0x100;
	s18 =	simm.s32 $0x1  }
0x5: {  	s28 =	simm.s32 $0xEA00;
	s29 =	simm.s32 $0x5;
	s30 =	simm.s32 $0x40  }
0x6: {  	s31 =	simm.s32 $0xA00;
	s12 =	simm.s32 $0x0;
	s1 =	sand.u32 $0x1, s1  }
0x7: {  	s4 =	sshll.u32 s6, $0x1;
	[smem:$0x7FF] =	sst s3;
	s20 =	sshll.u32 s6, $0xB  }
0x8: {  	s11 =	sadd.s32 $0x8, s2;
	s7 =	sor.u32 s1, s4;
	_ =	strace $0x80000047  }
0x9: {  	s1 =	ssub.s32 $0x2, s1;
	s4 =	sadd.s32 $0x600, s0;
	s9 =	sand.u32 $0x7000, s20  }
0xa: {  	s20 =	simm.s32 $0x80;
	s5 =	sshll.u32 s7, $0xB;
	s19 =	sshrl.u32 s1, $0x1  }
0xb: {  	s21 =	sshll.u32 s7, $0xD;
	s22 =	sshll.u32 s7, $0x15;
	s8 =	sshll.u32 s7, $0x12  }
0xc: {  	s0 =	sadd.s32 s5, s0;
	s1 =	ssub.s32 s1, s19;
	s6 =	sadd.s32 s4, s21  }
0xd: {  	s10 =	sadd.s32 $0xFFFF8000, s22;
	s24 =	sadd.s32 s8, s2;
	s19 =	simm.s32 $0x3  }
0xe: {  	s21 =	simm.s32 $0x8A00;
	s5 =	sadd.s32 $0x40600, s0;
	s0 =	sadd.s32 $0x40620, s0  }
.Ltmp0:
0xf: {  	s23 =	sadd.s32 $0x80, s6;
	[dreg:$0x3] =	wrdreg s0;
	(pc) =	sbr.rel .LBB2_1-.Ltmp0, $4  }
0x10: {  	s22 =	simm.s32 $0xAA00;
	s25 =	sadd.s32 $0x3F000, s24;
	[dreg:$0x4] =	wrdreg s23  }
0x11: {  	s26 =	smax.u32 s1, $0x1;
	[dreg:$0x5] =	wrdreg s25;
	s0 =	sadd.s32 $0x3F008, s24  }
0x12: {  	[dreg:$0x7] =	wrdreg s26;
	s23 =	simm.s32 $0x2;
	s24 =	simm.s32 $0x4  }
0x13: {  	v0 =	vmov s9;
	s25 =	simm.s32 $0xCA00;
	s26 =	simm.s32 $0x180;
	[dreg:$0x6] =	wrdreg s0  }
.LBB2_8:
0x14: {  	s0 =	simm.s32 $0x6  }
0x15: {  	_ =	swait.ge [sflag:s0], $0x2000  }
0x16: {  	[sflag:s0] =	ssyncset.done $0x0  }
0x17: {  	[sflag:s0] =	ssyncadd.s32 $0xFFFFE000  }
0x18: {  	_ =	swait.ge [sflag:s0], $0x2000  }
0x19: {  	[sflag:s0] =	ssyncset.done $0x0  }
0x1a: {  	s1 =	simm.s32 $0x4A00;
	s17 =	rddreg [dreg:$0x5];
	[sflag:s0] =	ssyncadd.s32 $0xFFFFE000  }
0x1b: {  	[hbm4b:s17+s30] =	stream.strided.scatter [tilespmem:s1], [sflag:$0x8], $0x4000, s20, s30, $0x38;
	[tilespmem:$0x10A00] =	vst v63  }
0x1c: {  	s7 =	simm.s32 $0x7;
	s1 =	rddreg [dreg:$0x6]  }
0x1d: {  	[hbm4b:s1+s30] =	stream.strided.scatter [tilespmem:s25], [sflag:$0xA], $0x4000, s20, s30, $0x38;
	[tilespmem:$0x10A00] =	vst v63  }
0x1e: {  	_ =	swait.ge [sflag:s7], $0x4000  }
0x1f: {  	[sflag:s7] =	ssyncset.done $0x0  }
0x20: {  	s9 =	simm.s32 $0x9;
	[sflag:s7] =	ssyncadd.s32 $0xFFFFC000  }
0x21: {  	_ =	swait.ge [sflag:s9], $0x4000  }
0x22: {  	[sflag:s9] =	ssyncset.done $0x0  }
0x23: {  	s13 =	simm.s32 $0x8;
	[sflag:s9] =	ssyncadd.s32 $0xFFFFC000  }
0x24: {  	_ =	swait.ge [sflag:s13], $0x4000  }
0x25: {  	[sflag:s13] =	ssyncset.done $0x0  }
0x26: {  	s14 =	simm.s32 $0xA;
	[sflag:s13] =	ssyncadd.s32 $0xFFFFC000  }
0x27: {  	_ =	swait.ge [sflag:s14], $0x4000  }
0x28: {  	s12 =	sadd.s32 $0x1, s12;
	s17 =	rddreg [dreg:$0x7]  }
0x29: {  	p0 =	sne.s32 s12, s17  }
.Ltmp1:
0x2a: {  	_ = 	snop;
	(pc) =	sbr.rel @!p0 .LBB2_9-.Ltmp1, $3  }
0x2b: {  	_ =	sdelay $0x1  }
0x2c: {  	[sflag:s14] =	ssyncset.done $0x0  }
0x2d: {  	[sflag:s14] =	ssyncadd.s32 $0xFFFFC000  }
.LBB2_1:
0x2e: {  	[tilespmem:s3], [sflag:$0x1] =	stream.linear.gather [hbm4b:s5+s3], $0x100, $0x38;
	[tilespmem:$0x10A00] =	vst v63  }
0x2f: {  	_ = 	snop  }
0x30: {  	[tilespmem:s15], [sflag:$0x3] =	stream.linear.gather [hbm4b:s6+s3], $0x400, $0x38;
	[tilespmem:$0x10A00] =	vst v63  }
0x31: {  	s0 =	rddreg [dreg:$0x3]  }
0x32: {  	[tilespmem:s16], [sflag:$0x2] =	stream.linear.gather [hbm4b:s0+s3], $0x100, $0x38;
	[tilespmem:$0x10A00] =	vst v63  }
0x33: {  	s17 =	rddreg [dreg:$0x4];
	s1 =	simm.s32 $0x600;
	s13 =	simm.s32 $0x0  }
0x34: {  	[tilespmem:s1], [sflag:$0x4] =	stream.linear.gather [hbm4b:s17+s3], $0x400, $0x38;
	[tilespmem:$0x10A00] =	vst v63  }
.LBB2_2:
0x35: {  	p0 =	seq.s32 s13, $0x0  }
0x36: {  	s1 =	simm.s32 @!p0 $0x7  }
0x37: {  	_ =	swait.ge @!p0 [sflag:s1], $0x4000  }
0x38: {  	[sflag:s1] =	ssyncset.done @!p0 $0x0  }
0x39: {  	[sflag:s1] =	ssyncadd.s32 @!p0 $0xFFFFC000;
	s1 =	simm.s32 @!p0 $0x9  }
0x3a: {  	_ =	swait.ge @!p0 [sflag:s1], $0x4000  }
0x3b: {  	[sflag:s1] =	ssyncset.done @!p0 $0x0  }
0x3c: {  	[sflag:s1] =	ssyncadd.s32 @!p0 $0xFFFFC000  }
0x3d: {  	_ =	swait.ge [sflag:s18], $0x100  }
0x3e: {  	[sflag:s18] =	ssyncset.done $0x0  }
0x3f: {  	[sflag:s18] =	ssyncadd.s32 $0xFFFFFF00  }
0x40: {  	v1 =	vld [tilespmem:$0x0]  }
0x41: {  	v2 =	vld [tilespmem:$0x10]  }
0x42: {  	v3 =	vld [tilespmem:$0x20]  }
0x43: {  	v4 =	vld [tilespmem:$0x30]  }
0x44: {  	v5 =	vld [tilespmem:$0x40]  }
0x45: {  	v6 =	vld [tilespmem:$0x50];
	v1 =	vadd.s32 v0, v1  }
0x46: {  	[tilespmem:$0x0] =	vst v1;
	v1 =	vadd.s32 v0, v2;
	v2 =	vld [tilespmem:$0x60]  }
0x47: {  	[tilespmem:$0x10] =	vst v1;
	v1 =	vadd.s32 v0, v3;
	v3 =	vld [tilespmem:$0x70]  }
0x48: {  	v58 =	vld [tilespmem:$0x80];
	[tilespmem:$0x20] =	vst v1;
	v1 =	vadd.s32 v0, v4  }
0x49: {  	v59 =	vld [tilespmem:$0x90];
	[tilespmem:$0x30] =	vst v1;
	v1 =	vadd.s32 v0, v5  }
0x4a: {  	v60 =	vld [tilespmem:$0xA0];
	[tilespmem:$0x40] =	vst v1;
	v1 =	vadd.s32 v0, v6  }
0x4b: {  	[tilespmem:$0x50] =	vst v1;
	v1 =	vadd.s32 v0, v2;
	v2 =	vld [tilespmem:$0xB0]  }
0x4c: {  	[tilespmem:$0x60] =	vst v1;
	v1 =	vadd.s32 v0, v3;
	v3 =	vld [tilespmem:$0xC0]  }
0x4d: {  	v61 =	vld [tilespmem:$0xD0];
	[tilespmem:$0x70] =	vst v1;
	v1 =	vadd.s32 v0, v58  }
0x4e: {  	v62 =	vld [tilespmem:$0xE0];
	[tilespmem:$0x80] =	vst v1;
	v1 =	vadd.s32 v0, v59  }
0x4f: {  	v63 =	vld [tilespmem:$0xF0];
	[tilespmem:$0x90] =	vst v1;
	v1 =	vadd.s32 v0, v60  }
0x50: {  	[tilespmem:$0xA0] =	vst v1;
	v1 =	vadd.s32 v0, v2  }
0x51: {  	[tilespmem:$0xB0] =	vst v1;
	v1 =	vadd.s32 v0, v3  }
0x52: {  	[tilespmem:$0xC0] =	vst v1;
	v1 =	vadd.s32 v0, v61  }
0x53: {  	[tilespmem:$0xD0] =	vst v1;
	v1 =	vadd.s32 v0, v62  }
0x54: {  	[tilespmem:$0xE0] =	vst v1;
	v1 =	vadd.s32 v0, v63  }
0x55: {  	[tilespmem:$0xF0] =	vst v1  }
0x56: {  	_ =	swait.ge [sflag:s19], $0x400  }
0x57: {  	[sflag:s19] =	ssyncset.done $0x0  }
0x58: {  	s17 =	simm.s32 $0x220;
	[sflag:s19] =	ssyncadd.s32 $0xFFFFFC00  }
0x59: {  	s14 =	sshll.u32 s13, $0x1;
	s7 =	simm.s32 $0x1000;
	s1 =	simm.s32 $0x0;
	v1 =	vld [tilespmem:s17+$0x10]  }
.LBB2_3:
0x5a: {  	p1 =	sne.s32 s7, $0xF000;
	_ =	sdelay $0x3  }
0x5b: {  	v4 =	vld [tilespmem:s17+$0xFFFFFFE0];
	v3 =	vsub.f32 $0.0e+00, v1  }
0x5c: {  	s9 =	sshra.s32 s1, $0x2;
	s1 =	smov.u32 s7;
	v5 =	vld [tilespmem:s17+$0xFFFFFFF0]  }
0x5d: {  	v2 =	vld [tilespmem:s17+$0x0];
	[tilespmem:s9+$0x8DF0] =	vst v3  }
0x5e: {  	[tilespmem:s9+$0x8A30] =	vst v3  }
0x5f: {  	[tilespmem:s9+$0xA30] =	vst v1  }
0x60: {  	v7 =	vsub.f32 $0.0e+00, v4;
	[tilespmem:s9+$0xA00] =	vst v4  }
0x61: {  	v8 =	vsub.f32 $0.0e+00, v5;
	[tilespmem:s9+$0xA50] =	vst v5  }
0x62: {  	v6 =	vsub.f32 $0.0e+00, v2;
	[tilespmem:s9+$0x8A40] =	vst v7  }
0x63: {  	[tilespmem:s9+$0x8A10] =	vst v8  }
0x64: {  	[tilespmem:s9+$0x8A00] =	vst v7  }
0x65: {  	[tilespmem:s9+$0x8DD0] =	vst v8  }
0x66: {  	[tilespmem:s9+$0x8D90] =	vst v8  }
0x67: {  	[tilespmem:s9+$0x8D50] =	vst v8  }
0x68: {  	[tilespmem:s9+$0x8D10] =	vst v8  }
0x69: {  	[tilespmem:s9+$0x8CD0] =	vst v8  }
0x6a: {  	[tilespmem:s9+$0x8C90] =	vst v8  }
0x6b: {  	[tilespmem:s9+$0x8C50] =	vst v8  }
0x6c: {  	[tilespmem:s9+$0x8C10] =	vst v8  }
0x6d: {  	[tilespmem:s9+$0x8BD0] =	vst v8  }
0x6e: {  	[tilespmem:s9+$0x8B90] =	vst v8  }
0x6f: {  	[tilespmem:s9+$0x8B50] =	vst v8  }
0x70: {  	[tilespmem:s9+$0x8B10] =	vst v8  }
0x71: {  	[tilespmem:s9+$0x8AD0] =	vst v8  }
0x72: {  	[tilespmem:s9+$0x8A90] =	vst v8  }
0x73: {  	[tilespmem:s9+$0x8A50] =	vst v8  }
0x74: {  	[tilespmem:s9+$0xA40] =	vst v4  }
0x75: {  	[tilespmem:s9+$0x8A20] =	vst v6  }
0x76: {  	[tilespmem:s9+$0xA20] =	vst v2  }
0x77: {  	[tilespmem:s9+$0xA10] =	vst v5  }
0x78: {  	[tilespmem:s9+$0x8DC0] =	vst v7  }
0x79: {  	[tilespmem:s9+$0x8D80] =	vst v7  }
0x7a: {  	[tilespmem:s9+$0x8D40] =	vst v7  }
0x7b: {  	[tilespmem:s9+$0x8D00] =	vst v7  }
0x7c: {  	[tilespmem:s9+$0x8CC0] =	vst v7  }
0x7d: {  	[tilespmem:s9+$0x8C80] =	vst v7  }
0x7e: {  	[tilespmem:s9+$0x8C40] =	vst v7  }
0x7f: {  	[tilespmem:s9+$0x8C00] =	vst v7  }
0x80: {  	[tilespmem:s9+$0x8BC0] =	vst v7  }
0x81: {  	[tilespmem:s9+$0x8B80] =	vst v7  }
0x82: {  	[tilespmem:s9+$0x8B40] =	vst v7  }
0x83: {  	[tilespmem:s9+$0x8B00] =	vst v7  }
0x84: {  	[tilespmem:s9+$0x8AC0] =	vst v7  }
0x85: {  	[tilespmem:s9+$0x8A80] =	vst v7  }
0x86: {  	[tilespmem:s9+$0xDF0] =	vst v1  }
0x87: {  	[tilespmem:s9+$0x8DE0] =	vst v6  }
0x88: {  	[tilespmem:s9+$0xDE0] =	vst v2  }
0x89: {  	[tilespmem:s9+$0xDD0] =	vst v5  }
0x8a: {  	[tilespmem:s9+$0xDC0] =	vst v4  }
0x8b: {  	[tilespmem:s9+$0x8DB0] =	vst v3  }
0x8c: {  	[tilespmem:s9+$0xDB0] =	vst v1  }
0x8d: {  	[tilespmem:s9+$0x8DA0] =	vst v6  }
0x8e: {  	[tilespmem:s9+$0xDA0] =	vst v2  }
0x8f: {  	[tilespmem:s9+$0xD90] =	vst v5  }
0x90: {  	[tilespmem:s9+$0xD80] =	vst v4  }
0x91: {  	[tilespmem:s9+$0x8D70] =	vst v3  }
0x92: {  	[tilespmem:s9+$0xD70] =	vst v1  }
0x93: {  	[tilespmem:s9+$0x8D60] =	vst v6  }
0x94: {  	[tilespmem:s9+$0xD60] =	vst v2  }
0x95: {  	[tilespmem:s9+$0xD50] =	vst v5  }
0x96: {  	[tilespmem:s9+$0xD40] =	vst v4  }
0x97: {  	[tilespmem:s9+$0x8D30] =	vst v3  }
0x98: {  	[tilespmem:s9+$0xD30] =	vst v1  }
0x99: {  	[tilespmem:s9+$0x8D20] =	vst v6  }
0x9a: {  	[tilespmem:s9+$0xD20] =	vst v2  }
0x9b: {  	[tilespmem:s9+$0xD10] =	vst v5  }
0x9c: {  	[tilespmem:s9+$0xD00] =	vst v4  }
0x9d: {  	[tilespmem:s9+$0x8CF0] =	vst v3  }
0x9e: {  	[tilespmem:s9+$0xCF0] =	vst v1  }
0x9f: {  	[tilespmem:s9+$0x8CE0] =	vst v6  }
0xa0: {  	[tilespmem:s9+$0xCE0] =	vst v2  }
0xa1: {  	[tilespmem:s9+$0xCD0] =	vst v5  }
0xa2: {  	[tilespmem:s9+$0xCC0] =	vst v4  }
0xa3: {  	[tilespmem:s9+$0x8CB0] =	vst v3  }
0xa4: {  	[tilespmem:s9+$0xCB0] =	vst v1  }
0xa5: {  	[tilespmem:s9+$0x8CA0] =	vst v6  }
0xa6: {  	[tilespmem:s9+$0xCA0] =	vst v2  }
0xa7: {  	[tilespmem:s9+$0xC90] =	vst v5  }
0xa8: {  	[tilespmem:s9+$0xC80] =	vst v4  }
0xa9: {  	[tilespmem:s9+$0x8C70] =	vst v3  }
0xaa: {  	[tilespmem:s9+$0xC70] =	vst v1  }
0xab: {  	[tilespmem:s9+$0x8C60] =	vst v6  }
0xac: {  	[tilespmem:s9+$0xC60] =	vst v2  }
0xad: {  	[tilespmem:s9+$0xC50] =	vst v5  }
0xae: {  	[tilespmem:s9+$0xC40] =	vst v4  }
0xaf: {  	[tilespmem:s9+$0x8C30] =	vst v3  }
0xb0: {  	[tilespmem:s9+$0xC30] =	vst v1  }
0xb1: {  	[tilespmem:s9+$0x8C20] =	vst v6  }
0xb2: {  	[tilespmem:s9+$0xC20] =	vst v2  }
0xb3: {  	[tilespmem:s9+$0xC10] =	vst v5  }
0xb4: {  	[tilespmem:s9+$0xC00] =	vst v4  }
0xb5: {  	[tilespmem:s9+$0x8BF0] =	vst v3  }
0xb6: {  	[tilespmem:s9+$0xBF0] =	vst v1  }
0xb7: {  	[tilespmem:s9+$0x8BE0] =	vst v6  }
0xb8: {  	[tilespmem:s9+$0xBE0] =	vst v2  }
0xb9: {  	[tilespmem:s9+$0xBD0] =	vst v5  }
0xba: {  	[tilespmem:s9+$0xBC0] =	vst v4  }
0xbb: {  	[tilespmem:s9+$0x8BB0] =	vst v3  }
0xbc: {  	[tilespmem:s9+$0xBB0] =	vst v1  }
0xbd: {  	[tilespmem:s9+$0x8BA0] =	vst v6  }
0xbe: {  	[tilespmem:s9+$0xBA0] =	vst v2  }
0xbf: {  	[tilespmem:s9+$0xB90] =	vst v5  }
0xc0: {  	[tilespmem:s9+$0xB80] =	vst v4  }
0xc1: {  	[tilespmem:s9+$0x8B70] =	vst v3  }
0xc2: {  	[tilespmem:s9+$0xB70] =	vst v1  }
0xc3: {  	[tilespmem:s9+$0x8B60] =	vst v6  }
0xc4: {  	[tilespmem:s9+$0xB60] =	vst v2  }
0xc5: {  	[tilespmem:s9+$0xB50] =	vst v5  }
0xc6: {  	[tilespmem:s9+$0xB40] =	vst v4  }
0xc7: {  	[tilespmem:s9+$0x8B30] =	vst v3  }
0xc8: {  	[tilespmem:s9+$0xB30] =	vst v1  }
0xc9: {  	[tilespmem:s9+$0x8B20] =	vst v6  }
0xca: {  	[tilespmem:s9+$0xB20] =	vst v2  }
0xcb: {  	[tilespmem:s9+$0xB10] =	vst v5  }
0xcc: {  	[tilespmem:s9+$0xB00] =	vst v4  }
0xcd: {  	[tilespmem:s9+$0x8AF0] =	vst v3  }
0xce: {  	[tilespmem:s9+$0xAF0] =	vst v1  }
0xcf: {  	[tilespmem:s9+$0x8AE0] =	vst v6  }
0xd0: {  	[tilespmem:s9+$0xAE0] =	vst v2  }
0xd1: {  	[tilespmem:s9+$0xAD0] =	vst v5  }
0xd2: {  	[tilespmem:s9+$0xAC0] =	vst v4  }
0xd3: {  	[tilespmem:s9+$0x8AB0] =	vst v3  }
0xd4: {  	[tilespmem:s9+$0xAB0] =	vst v1  }
0xd5: {  	[tilespmem:s9+$0x8AA0] =	vst v6  }
0xd6: {  	[tilespmem:s9+$0xAA0] =	vst v2  }
0xd7: {  	[tilespmem:s9+$0xA90] =	vst v5  }
0xd8: {  	[tilespmem:s9+$0xA80] =	vst v4  }
.Ltmp2:
0xd9: {  	[tilespmem:s9+$0x8A70] =	vst v3;
	(pc) =	sbr.rel @p1 .LBB2_3-.Ltmp2, $4  }
0xda: {  	[tilespmem:s9+$0xA70] =	vst v1  }
0xdb: {  	[tilespmem:s9+$0x8A60] =	vst v6  }
0xdc: {  	s17 =	sadd.s32 $0x40, s17;
	[tilespmem:s9+$0xA60] =	vst v2  }
0xdd: {  	s7 =	sadd.s32 $0x1000, s7;
	v1 =	vld [tilespmem:s17+$0x10]  }
0xde: {  	_ =	sdelay $0x1  }
0xdf: {  	v2 =	vld [tilespmem:s17+$0xFFFFFFE0]  }
0xe0: {  	v5 =	vld [tilespmem:s17+$0xFFFFFFF0];
	s1 =	sshra.s32 s1, $0x2  }
0xe1: {  	v4 =	vld [tilespmem:s17+$0x0];
	[tilespmem:s1+$0xA30] =	vst v1  }
0xe2: {  	[tilespmem:s1+$0xDF0] =	vst v1  }
0xe3: {  	[tilespmem:s1+$0xDB0] =	vst v1  }
0xe4: {  	[tilespmem:s1+$0xD70] =	vst v1  }
0xe5: {  	[tilespmem:s1+$0xD30] =	vst v1  }
0xe6: {  	[tilespmem:s1+$0xCF0] =	vst v1  }
0xe7: {  	[tilespmem:s1+$0xCB0] =	vst v1  }
0xe8: {  	[tilespmem:s1+$0xC70] =	vst v1  }
0xe9: {  	[tilespmem:s1+$0xC30] =	vst v1  }
0xea: {  	[tilespmem:s1+$0xBF0] =	vst v1  }
0xeb: {  	[tilespmem:s1+$0xBB0] =	vst v1  }
0xec: {  	[tilespmem:s1+$0xB70] =	vst v1  }
0xed: {  	[tilespmem:s1+$0xB30] =	vst v1  }
0xee: {  	[tilespmem:s1+$0xAF0] =	vst v1  }
0xef: {  	[tilespmem:s1+$0xAB0] =	vst v1  }
0xf0: {  	[tilespmem:s1+$0xA70] =	vst v1  }
0xf1: {  	[tilespmem:s1+$0xA00] =	vst v2  }
0xf2: {  	[tilespmem:s1+$0xA50] =	vst v5  }
0xf3: {  	[tilespmem:s1+$0xA40] =	vst v2  }
0xf4: {  	[tilespmem:s1+$0xA20] =	vst v4  }
0xf5: {  	[tilespmem:s1+$0xA10] =	vst v5  }
0xf6: {  	[tilespmem:s1+$0xDE0] =	vst v4  }
0xf7: {  	[tilespmem:s1+$0xDD0] =	vst v5  }
0xf8: {  	[tilespmem:s1+$0xDC0] =	vst v2  }
0xf9: {  	[tilespmem:s1+$0xDA0] =	vst v4  }
0xfa: {  	[tilespmem:s1+$0xD90] =	vst v5  }
0xfb: {  	[tilespmem:s1+$0xD80] =	vst v2  }
0xfc: {  	[tilespmem:s1+$0xD60] =	vst v4  }
0xfd: {  	[tilespmem:s1+$0xD50] =	vst v5  }
0xfe: {  	[tilespmem:s1+$0xD40] =	vst v2  }
0xff: {  	[tilespmem:s1+$0xD20] =	vst v4  }
0x100: {  	[tilespmem:s1+$0xD10] =	vst v5  }
0x101: {  	[tilespmem:s1+$0xD00] =	vst v2  }
0x102: {  	[tilespmem:s1+$0xCE0] =	vst v4  }
0x103: {  	[tilespmem:s1+$0xCD0] =	vst v5  }
0x104: {  	[tilespmem:s1+$0xCC0] =	vst v2  }
0x105: {  	[tilespmem:s1+$0xCA0] =	vst v4  }
0x106: {  	[tilespmem:s1+$0xC90] =	vst v5  }
0x107: {  	[tilespmem:s1+$0xC80] =	vst v2  }
0x108: {  	[tilespmem:s1+$0xC60] =	vst v4  }
0x109: {  	[tilespmem:s1+$0xC50] =	vst v5  }
0x10a: {  	[tilespmem:s1+$0xC40] =	vst v2  }
0x10b: {  	[tilespmem:s1+$0xC20] =	vst v4  }
0x10c: {  	[tilespmem:s1+$0xC10] =	vst v5  }
0x10d: {  	[tilespmem:s1+$0xC00] =	vst v2  }
0x10e: {  	[tilespmem:s1+$0xBE0] =	vst v4  }
0x10f: {  	[tilespmem:s1+$0xBD0] =	vst v5  }
0x110: {  	[tilespmem:s1+$0xBC0] =	vst v2  }
0x111: {  	[tilespmem:s1+$0xBA0] =	vst v4  }
0x112: {  	[tilespmem:s1+$0xB90] =	vst v5  }
0x113: {  	[tilespmem:s1+$0xB80] =	vst v2  }
0x114: {  	[tilespmem:s1+$0xB60] =	vst v4  }
0x115: {  	[tilespmem:s1+$0xB50] =	vst v5  }
0x116: {  	[tilespmem:s1+$0xB40] =	vst v2  }
0x117: {  	[tilespmem:s1+$0xB20] =	vst v4  }
0x118: {  	[tilespmem:s1+$0xB10] =	vst v5  }
0x119: {  	[tilespmem:s1+$0xB00] =	vst v2  }
0x11a: {  	[tilespmem:s1+$0xAE0] =	vst v4  }
0x11b: {  	[tilespmem:s1+$0xAD0] =	vst v5  }
0x11c: {  	[tilespmem:s1+$0xAC0] =	vst v2  }
0x11d: {  	[tilespmem:s1+$0xAA0] =	vst v4  }
0x11e: {  	[tilespmem:s1+$0xA90] =	vst v5  }
0x11f: {  	v3 =	vsub.f32 $0.0e+00, v1;
	[tilespmem:s1+$0xA80] =	vst v2  }
0x120: {  	[tilespmem:s1+$0xA60] =	vst v4  }
0x121: {  	[tilespmem:s1+$0x8DF0] =	vst v3  }
0x122: {  	[tilespmem:s1+$0x8A30] =	vst v3  }
0x123: {  	[tilespmem:s1+$0x8DB0] =	vst v3  }
0x124: {  	[tilespmem:s1+$0x8D70] =	vst v3  }
0x125: {  	[tilespmem:s1+$0x8D30] =	vst v3  }
0x126: {  	[tilespmem:s1+$0x8CF0] =	vst v3  }
0x127: {  	[tilespmem:s1+$0x8CB0] =	vst v3  }
0x128: {  	[tilespmem:s1+$0x8C70] =	vst v3  }
0x129: {  	[tilespmem:s1+$0x8C30] =	vst v3  }
0x12a: {  	[tilespmem:s1+$0x8BF0] =	vst v3  }
0x12b: {  	[tilespmem:s1+$0x8BB0] =	vst v3  }
0x12c: {  	[tilespmem:s1+$0x8B70] =	vst v3  }
0x12d: {  	[tilespmem:s1+$0x8B30] =	vst v3  }
0x12e: {  	[tilespmem:s1+$0x8AF0] =	vst v3  }
0x12f: {  	v6 =	vsub.f32 $0.0e+00, v2;
	[tilespmem:s1+$0x8AB0] =	vst v3  }
0x130: {  	v7 =	vsub.f32 $0.0e+00, v5;
	[tilespmem:s1+$0x8A70] =	vst v3  }
0x131: {  	[tilespmem:s1+$0x8A40] =	vst v6  }
0x132: {  	[tilespmem:s1+$0x8A10] =	vst v7  }
0x133: {  	[tilespmem:s1+$0x8A00] =	vst v6  }
0x134: {  	[tilespmem:s1+$0x8DD0] =	vst v7  }
0x135: {  	[tilespmem:s1+$0x8D90] =	vst v7  }
0x136: {  	[tilespmem:s1+$0x8D50] =	vst v7  }
0x137: {  	[tilespmem:s1+$0x8D10] =	vst v7  }
0x138: {  	[tilespmem:s1+$0x8CD0] =	vst v7  }
0x139: {  	[tilespmem:s1+$0x8C90] =	vst v7  }
0x13a: {  	[tilespmem:s1+$0x8C50] =	vst v7  }
0x13b: {  	[tilespmem:s1+$0x8C10] =	vst v7  }
0x13c: {  	[tilespmem:s1+$0x8BD0] =	vst v7  }
0x13d: {  	[tilespmem:s1+$0x8B90] =	vst v7  }
0x13e: {  	[tilespmem:s1+$0x8B50] =	vst v7  }
0x13f: {  	[tilespmem:s1+$0x8B10] =	vst v7  }
0x140: {  	[tilespmem:s1+$0x8AD0] =	vst v7  }
0x141: {  	v8 =	vsub.f32 $0.0e+00, v4;
	[tilespmem:s1+$0x8A90] =	vst v7  }
0x142: {  	[tilespmem:s1+$0x8A50] =	vst v7  }
0x143: {  	[tilespmem:s1+$0x8A20] =	vst v8  }
0x144: {  	[tilespmem:s1+$0x8DC0] =	vst v6  }
0x145: {  	[tilespmem:s1+$0x8D80] =	vst v6  }
0x146: {  	[tilespmem:s1+$0x8D40] =	vst v6  }
0x147: {  	[tilespmem:s1+$0x8D00] =	vst v6  }
0x148: {  	[tilespmem:s1+$0x8CC0] =	vst v6  }
0x149: {  	[tilespmem:s1+$0x8C80] =	vst v6  }
0x14a: {  	[tilespmem:s1+$0x8C40] =	vst v6  }
0x14b: {  	[tilespmem:s1+$0x8C00] =	vst v6  }
0x14c: {  	[tilespmem:s1+$0x8BC0] =	vst v6  }
0x14d: {  	[tilespmem:s1+$0x8B80] =	vst v6  }
0x14e: {  	[tilespmem:s1+$0x8B40] =	vst v6  }
0x14f: {  	[tilespmem:s1+$0x8B00] =	vst v6  }
0x150: {  	[tilespmem:s1+$0x8AC0] =	vst v6  }
0x151: {  	[tilespmem:s1+$0x8A80] =	vst v6  }
0x152: {  	[tilespmem:s1+$0x8DE0] =	vst v8  }
0x153: {  	[tilespmem:s1+$0x8DA0] =	vst v8  }
0x154: {  	[tilespmem:s1+$0x8D60] =	vst v8  }
0x155: {  	[tilespmem:s1+$0x8D20] =	vst v8  }
0x156: {  	[tilespmem:s1+$0x8CE0] =	vst v8  }
0x157: {  	[tilespmem:s1+$0x8CA0] =	vst v8  }
0x158: {  	[tilespmem:s1+$0x8C60] =	vst v8  }
0x159: {  	[tilespmem:s1+$0x8C20] =	vst v8  }
0x15a: {  	[tilespmem:s1+$0x8BE0] =	vst v8  }
0x15b: {  	[tilespmem:s1+$0x8BA0] =	vst v8  }
0x15c: {  	[tilespmem:s1+$0x8B60] =	vst v8  }
0x15d: {  	[tilespmem:s1+$0x8B20] =	vst v8  }
0x15e: {  	[tilespmem:s1+$0x8AE0] =	vst v8  }
0x15f: {  	[tilespmem:s1+$0x8AA0] =	vst v8  }
0x160: {  	[tilespmem:s1+$0x8A60] =	vst v8  }
0x161: {  	[tilespmem:s21], [sflag:$0x5] =	stream.indirect.gather.add.f32 [hbm:s4], $0x40, s3, s20, $0xb8;
	[tilespmem:$0x10A00] =	vst v63  }
0x162: {  	s1 =	simm.s32 @!p0 $0x6  }
0x163: {  	[tilespmem:s22], [sflag:$0x5] =	stream.indirect.gather.add.f32 [hbm:s4], $0x40, s20, s20, $0xb8;
	[tilespmem:$0x10A00] =	vst v63  }
0x164: {  	_ =	swait.ge @!p0 [sflag:s1], $0x2000  }
0x165: {  	[sflag:s1] =	ssyncset.done @!p0 $0x0  }
0x166: {  	s7 =	sshll.u32 @!p0 s13, $0x10;
	[sflag:s1] =	ssyncadd.s32 @!p0 $0xFFFFE000  }
0x167: {  	s9 =	simm.s32 @!p0 $0x40;
	s7 =	sadd.s32 @!p0 s7, s10;
	_ =	swait.ge @!p0 [sflag:s1], $0x2000  }
0x168: {  	s17 =	simm.s32 @!p0 $0x80;
	s7 =	sshrl.u32 @!p0 s7, $0x3;
	[sflag:s1] =	ssyncset.done @!p0 $0x0  }
0x169: {  	s0 =	simm.s32 @!p0 $0x4A00;
	[sflag:s1] =	ssyncadd.s32 @!p0 $0xFFFFE000;
	s1 =	sadd.s32 @!p0 s2, s7  }
0x16a: {  	[hbm4b:s1+s9] =	stream.strided.scatter @!p0 [tilespmem:s0], [sflag:$0x8], $0x4000, s17, s9, $0x38;
	[tilespmem:$0x10A00] =	vst v63  }
0x16b: {  	s0 =	sadd.s32 @!p0 s7, s11;
	s1 =	simm.s32 @!p0 $0xCA00  }
0x16c: {  	[hbm4b:s0+s9] =	stream.strided.scatter @!p0 [tilespmem:s1], [sflag:$0xA], $0x4000, s17, s9, $0x38;
	[tilespmem:$0x10A00] =	vst v63  }
0x16d: {  	s0 =	sor.u32 @!p0 $0x1, s14  }
0x16e: {  	s7 =	simm.s32 @!p0 $0x0;
	s1 =	sshll.u32 @!p0 s0, $0x5  }
0x16f: {  	s9 =	simm.s32 @!p0 $0x100;
	s0 =	sshll.u32 @!p0 s0, $0x7;
	s1 =	sadd.s32 @!p0 s1, s5  }
0x170: {  	[tilespmem:s9], [sflag:$0x2] =	stream.linear.gather @!p0 [hbm4b:s1+s7], $0x100, $0x38;
	[tilespmem:$0x10A00] =	vst v63  }
0x171: {  	s0 =	sadd.s32 @!p0 s0, s6;
	s1 =	simm.s32 @!p0 $0x600  }
0x172: {  	[tilespmem:s1], [sflag:$0x4] =	stream.linear.gather @!p0 [hbm4b:s0+s7], $0x400, $0x38;
	[tilespmem:$0x10A00] =	vst v63  }
0x173: {  	s0 =	simm.s32 @!p0 $0x8  }
0x174: {  	_ =	swait.ge @!p0 [sflag:s0], $0x4000  }
0x175: {  	[sflag:s0] =	ssyncset.done @!p0 $0x0  }
0x176: {  	[sflag:s0] =	ssyncadd.s32 @!p0 $0xFFFFC000;
	s0 =	simm.s32 @!p0 $0xA  }
0x177: {  	_ =	swait.ge @!p0 [sflag:s0], $0x4000  }
0x178: {  	[sflag:s0] =	ssyncset.done @!p0 $0x0  }
0x179: {  	[sflag:s0] =	ssyncadd.s32 @!p0 $0xFFFFC000  }
0x17a: {  	_ =	swait.ge [sflag:s23], $0x100  }
0x17b: {  	[sflag:s23] =	ssyncset.done $0x0  }
0x17c: {  	[sflag:s23] =	ssyncadd.s32 $0xFFFFFF00  }
0x17d: {  	v1 =	vld [tilespmem:$0x100]  }
0x17e: {  	v2 =	vld [tilespmem:$0x110]  }
0x17f: {  	v3 =	vld [tilespmem:$0x120]  }
0x180: {  	v55 =	vld [tilespmem:$0x130]  }
0x181: {  	v56 =	vld [tilespmem:$0x140]  }
0x182: {  	v57 =	vld [tilespmem:$0x150];
	v1 =	vadd.s32 v0, v1  }
0x183: {  	[tilespmem:$0x100] =	vst v1;
	v1 =	vadd.s32 v0, v2;
	v2 =	vld [tilespmem:$0x160]  }
0x184: {  	[tilespmem:$0x110] =	vst v1;
	v1 =	vadd.s32 v0, v3;
	v3 =	vld [tilespmem:$0x170]  }
0x185: {  	v58 =	vld [tilespmem:$0x180];
	[tilespmem:$0x120] =	vst v1;
	v1 =	vadd.s32 v0, v55  }
0x186: {  	v59 =	vld [tilespmem:$0x190];
	[tilespmem:$0x130] =	vst v1;
	v1 =	vadd.s32 v0, v56  }
0x187: {  	v60 =	vld [tilespmem:$0x1A0];
	[tilespmem:$0x140] =	vst v1;
	v1 =	vadd.s32 v0, v57  }
0x188: {  	[tilespmem:$0x150] =	vst v1;
	v1 =	vadd.s32 v0, v2;
	v2 =	vld [tilespmem:$0x1B0]  }
0x189: {  	[tilespmem:$0x160] =	vst v1;
	v1 =	vadd.s32 v0, v3;
	v3 =	vld [tilespmem:$0x1C0]  }
0x18a: {  	v61 =	vld [tilespmem:$0x1D0];
	[tilespmem:$0x170] =	vst v1;
	v1 =	vadd.s32 v0, v58  }
0x18b: {  	v62 =	vld [tilespmem:$0x1E0];
	[tilespmem:$0x180] =	vst v1;
	v1 =	vadd.s32 v0, v59  }
0x18c: {  	v63 =	vld [tilespmem:$0x1F0];
	[tilespmem:$0x190] =	vst v1;
	v1 =	vadd.s32 v0, v60  }
0x18d: {  	[tilespmem:$0x1A0] =	vst v1;
	v1 =	vadd.s32 v0, v2  }
0x18e: {  	[tilespmem:$0x1B0] =	vst v1;
	v1 =	vadd.s32 v0, v3  }
0x18f: {  	[tilespmem:$0x1C0] =	vst v1;
	v1 =	vadd.s32 v0, v61  }
0x190: {  	[tilespmem:$0x1D0] =	vst v1;
	v1 =	vadd.s32 v0, v62  }
0x191: {  	[tilespmem:$0x1E0] =	vst v1;
	v1 =	vadd.s32 v0, v63  }
0x192: {  	[tilespmem:$0x1F0] =	vst v1  }
0x193: {  	_ =	swait.ge [sflag:s24], $0x400  }
0x194: {  	[sflag:s24] =	ssyncset.done $0x0  }
0x195: {  	s17 =	simm.s32 $0x620;
	[sflag:s24] =	ssyncadd.s32 $0xFFFFFC00  }
0x196: {  	s1 =	simm.s32 $0x0;
	s7 =	simm.s32 $0x1000;
	v1 =	vld [tilespmem:s17+$0x10]  }
.LBB2_5:
0x197: {  	p0 =	sne.s32 s7, $0xF000;
	_ =	sdelay $0x3  }
0x198: {  	v4 =	vld [tilespmem:s17+$0xFFFFFFE0];
	v3 =	vsub.f32 $0.0e+00, v1  }
0x199: {  	s9 =	sshra.s32 s1, $0x2;
	s1 =	smov.u32 s7;
	v5 =	vld [tilespmem:s17+$0xFFFFFFF0]  }
0x19a: {  	v2 =	vld [tilespmem:s17+$0x0];
	[tilespmem:s9+$0xCDF0] =	vst v3  }
0x19b: {  	[tilespmem:s9+$0xCA30] =	vst v3  }
0x19c: {  	[tilespmem:s9+$0x4A30] =	vst v1  }
0x19d: {  	v7 =	vsub.f32 $0.0e+00, v4;
	[tilespmem:s9+$0x4A00] =	vst v4  }
0x19e: {  	v8 =	vsub.f32 $0.0e+00, v5;
	[tilespmem:s9+$0x4A50] =	vst v5  }
0x19f: {  	v6 =	vsub.f32 $0.0e+00, v2;
	[tilespmem:s9+$0xCA40] =	vst v7  }
0x1a0: {  	[tilespmem:s9+$0xCA10] =	vst v8  }
0x1a1: {  	[tilespmem:s9+$0xCA00] =	vst v7  }
0x1a2: {  	[tilespmem:s9+$0xCDD0] =	vst v8  }
0x1a3: {  	[tilespmem:s9+$0xCD90] =	vst v8  }
0x1a4: {  	[tilespmem:s9+$0xCD50] =	vst v8  }
0x1a5: {  	[tilespmem:s9+$0xCD10] =	vst v8  }
0x1a6: {  	[tilespmem:s9+$0xCCD0] =	vst v8  }
0x1a7: {  	[tilespmem:s9+$0xCC90] =	vst v8  }
0x1a8: {  	[tilespmem:s9+$0xCC50] =	vst v8  }
0x1a9: {  	[tilespmem:s9+$0xCC10] =	vst v8  }
0x1aa: {  	[tilespmem:s9+$0xCBD0] =	vst v8  }
0x1ab: {  	[tilespmem:s9+$0xCB90] =	vst v8  }
0x1ac: {  	[tilespmem:s9+$0xCB50] =	vst v8  }
0x1ad: {  	[tilespmem:s9+$0xCB10] =	vst v8  }
0x1ae: {  	[tilespmem:s9+$0xCAD0] =	vst v8  }
0x1af: {  	[tilespmem:s9+$0xCA90] =	vst v8  }
0x1b0: {  	[tilespmem:s9+$0xCA50] =	vst v8  }
0x1b1: {  	[tilespmem:s9+$0x4A40] =	vst v4  }
0x1b2: {  	[tilespmem:s9+$0xCA20] =	vst v6  }
0x1b3: {  	[tilespmem:s9+$0x4A20] =	vst v2  }
0x1b4: {  	[tilespmem:s9+$0x4A10] =	vst v5  }
0x1b5: {  	[tilespmem:s9+$0xCDC0] =	vst v7  }
0x1b6: {  	[tilespmem:s9+$0xCD80] =	vst v7  }
0x1b7: {  	[tilespmem:s9+$0xCD40] =	vst v7  }
0x1b8: {  	[tilespmem:s9+$0xCD00] =	vst v7  }
0x1b9: {  	[tilespmem:s9+$0xCCC0] =	vst v7  }
0x1ba: {  	[tilespmem:s9+$0xCC80] =	vst v7  }
0x1bb: {  	[tilespmem:s9+$0xCC40] =	vst v7  }
0x1bc: {  	[tilespmem:s9+$0xCC00] =	vst v7  }
0x1bd: {  	[tilespmem:s9+$0xCBC0] =	vst v7  }
0x1be: {  	[tilespmem:s9+$0xCB80] =	vst v7  }
0x1bf: {  	[tilespmem:s9+$0xCB40] =	vst v7  }
0x1c0: {  	[tilespmem:s9+$0xCB00] =	vst v7  }
0x1c1: {  	[tilespmem:s9+$0xCAC0] =	vst v7  }
0x1c2: {  	[tilespmem:s9+$0xCA80] =	vst v7  }
0x1c3: {  	[tilespmem:s9+$0x4DF0] =	vst v1  }
0x1c4: {  	[tilespmem:s9+$0xCDE0] =	vst v6  }
0x1c5: {  	[tilespmem:s9+$0x4DE0] =	vst v2  }
0x1c6: {  	[tilespmem:s9+$0x4DD0] =	vst v5  }
0x1c7: {  	[tilespmem:s9+$0x4DC0] =	vst v4  }
0x1c8: {  	[tilespmem:s9+$0xCDB0] =	vst v3  }
0x1c9: {  	[tilespmem:s9+$0x4DB0] =	vst v1  }
0x1ca: {  	[tilespmem:s9+$0xCDA0] =	vst v6  }
0x1cb: {  	[tilespmem:s9+$0x4DA0] =	vst v2  }
0x1cc: {  	[tilespmem:s9+$0x4D90] =	vst v5  }
0x1cd: {  	[tilespmem:s9+$0x4D80] =	vst v4  }
0x1ce: {  	[tilespmem:s9+$0xCD70] =	vst v3  }
0x1cf: {  	[tilespmem:s9+$0x4D70] =	vst v1  }
0x1d0: {  	[tilespmem:s9+$0xCD60] =	vst v6  }
0x1d1: {  	[tilespmem:s9+$0x4D60] =	vst v2  }
0x1d2: {  	[tilespmem:s9+$0x4D50] =	vst v5  }
0x1d3: {  	[tilespmem:s9+$0x4D40] =	vst v4  }
0x1d4: {  	[tilespmem:s9+$0xCD30] =	vst v3  }
0x1d5: {  	[tilespmem:s9+$0x4D30] =	vst v1  }
0x1d6: {  	[tilespmem:s9+$0xCD20] =	vst v6  }
0x1d7: {  	[tilespmem:s9+$0x4D20] =	vst v2  }
0x1d8: {  	[tilespmem:s9+$0x4D10] =	vst v5  }
0x1d9: {  	[tilespmem:s9+$0x4D00] =	vst v4  }
0x1da: {  	[tilespmem:s9+$0xCCF0] =	vst v3  }
0x1db: {  	[tilespmem:s9+$0x4CF0] =	vst v1  }
0x1dc: {  	[tilespmem:s9+$0xCCE0] =	vst v6  }
0x1dd: {  	[tilespmem:s9+$0x4CE0] =	vst v2  }
0x1de: {  	[tilespmem:s9+$0x4CD0] =	vst v5  }
0x1df: {  	[tilespmem:s9+$0x4CC0] =	vst v4  }
0x1e0: {  	[tilespmem:s9+$0xCCB0] =	vst v3  }
0x1e1: {  	[tilespmem:s9+$0x4CB0] =	vst v1  }
0x1e2: {  	[tilespmem:s9+$0xCCA0] =	vst v6  }
0x1e3: {  	[tilespmem:s9+$0x4CA0] =	vst v2  }
0x1e4: {  	[tilespmem:s9+$0x4C90] =	vst v5  }
0x1e5: {  	[tilespmem:s9+$0x4C80] =	vst v4  }
0x1e6: {  	[tilespmem:s9+$0xCC70] =	vst v3  }
0x1e7: {  	[tilespmem:s9+$0x4C70] =	vst v1  }
0x1e8: {  	[tilespmem:s9+$0xCC60] =	vst v6  }
0x1e9: {  	[tilespmem:s9+$0x4C60] =	vst v2  }
0x1ea: {  	[tilespmem:s9+$0x4C50] =	vst v5  }
0x1eb: {  	[tilespmem:s9+$0x4C40] =	vst v4  }
0x1ec: {  	[tilespmem:s9+$0xCC30] =	vst v3  }
0x1ed: {  	[tilespmem:s9+$0x4C30] =	vst v1  }
0x1ee: {  	[tilespmem:s9+$0xCC20] =	vst v6  }
0x1ef: {  	[tilespmem:s9+$0x4C20] =	vst v2  }
0x1f0: {  	[tilespmem:s9+$0x4C10] =	vst v5  }
0x1f1: {  	[tilespmem:s9+$0x4C00] =	vst v4  }
0x1f2: {  	[tilespmem:s9+$0xCBF0] =	vst v3  }
0x1f3: {  	[tilespmem:s9+$0x4BF0] =	vst v1  }
0x1f4: {  	[tilespmem:s9+$0xCBE0] =	vst v6  }
0x1f5: {  	[tilespmem:s9+$0x4BE0] =	vst v2  }
0x1f6: {  	[tilespmem:s9+$0x4BD0] =	vst v5  }
0x1f7: {  	[tilespmem:s9+$0x4BC0] =	vst v4  }
0x1f8: {  	[tilespmem:s9+$0xCBB0] =	vst v3  }
0x1f9: {  	[tilespmem:s9+$0x4BB0] =	vst v1  }
0x1fa: {  	[tilespmem:s9+$0xCBA0] =	vst v6  }
0x1fb: {  	[tilespmem:s9+$0x4BA0] =	vst v2  }
0x1fc: {  	[tilespmem:s9+$0x4B90] =	vst v5  }
0x1fd: {  	[tilespmem:s9+$0x4B80] =	vst v4  }
0x1fe: {  	[tilespmem:s9+$0xCB70] =	vst v3  }
0x1ff: {  	[tilespmem:s9+$0x4B70] =	vst v1  }
0x200: {  	[tilespmem:s9+$0xCB60] =	vst v6  }
0x201: {  	[tilespmem:s9+$0x4B60] =	vst v2  }
0x202: {  	[tilespmem:s9+$0x4B50] =	vst v5  }
0x203: {  	[tilespmem:s9+$0x4B40] =	vst v4  }
0x204: {  	[tilespmem:s9+$0xCB30] =	vst v3  }
0x205: {  	[tilespmem:s9+$0x4B30] =	vst v1  }
0x206: {  	[tilespmem:s9+$0xCB20] =	vst v6  }
0x207: {  	[tilespmem:s9+$0x4B20] =	vst v2  }
0x208: {  	[tilespmem:s9+$0x4B10] =	vst v5  }
0x209: {  	[tilespmem:s9+$0x4B00] =	vst v4  }
0x20a: {  	[tilespmem:s9+$0xCAF0] =	vst v3  }
0x20b: {  	[tilespmem:s9+$0x4AF0] =	vst v1  }
0x20c: {  	[tilespmem:s9+$0xCAE0] =	vst v6  }
0x20d: {  	[tilespmem:s9+$0x4AE0] =	vst v2  }
0x20e: {  	[tilespmem:s9+$0x4AD0] =	vst v5  }
0x20f: {  	[tilespmem:s9+$0x4AC0] =	vst v4  }
0x210: {  	[tilespmem:s9+$0xCAB0] =	vst v3  }
0x211: {  	[tilespmem:s9+$0x4AB0] =	vst v1  }
0x212: {  	[tilespmem:s9+$0xCAA0] =	vst v6  }
0x213: {  	[tilespmem:s9+$0x4AA0] =	vst v2  }
0x214: {  	[tilespmem:s9+$0x4A90] =	vst v5  }
0x215: {  	[tilespmem:s9+$0x4A80] =	vst v4  }
.Ltmp3:
0x216: {  	[tilespmem:s9+$0xCA70] =	vst v3;
	(pc) =	sbr.rel @p0 .LBB2_5-.Ltmp3, $4  }
0x217: {  	[tilespmem:s9+$0x4A70] =	vst v1  }
0x218: {  	[tilespmem:s9+$0xCA60] =	vst v6  }
0x219: {  	s17 =	sadd.s32 $0x40, s17;
	[tilespmem:s9+$0x4A60] =	vst v2  }
0x21a: {  	s7 =	sadd.s32 $0x1000, s7;
	v1 =	vld [tilespmem:s17+$0x10]  }
0x21b: {  	_ =	sdelay $0x1  }
0x21c: {  	v2 =	vld [tilespmem:s17+$0xFFFFFFE0]  }
0x21d: {  	v5 =	vld [tilespmem:s17+$0xFFFFFFF0];
	s1 =	sshra.s32 s1, $0x2  }
0x21e: {  	v4 =	vld [tilespmem:s17+$0x0];
	[tilespmem:s1+$0x4A30] =	vst v1  }
0x21f: {  	[tilespmem:s1+$0x4DF0] =	vst v1  }
0x220: {  	[tilespmem:s1+$0x4DB0] =	vst v1  }
0x221: {  	[tilespmem:s1+$0x4D70] =	vst v1  }
0x222: {  	[tilespmem:s1+$0x4D30] =	vst v1  }
0x223: {  	[tilespmem:s1+$0x4CF0] =	vst v1  }
0x224: {  	[tilespmem:s1+$0x4CB0] =	vst v1  }
0x225: {  	[tilespmem:s1+$0x4C70] =	vst v1  }
0x226: {  	[tilespmem:s1+$0x4C30] =	vst v1  }
0x227: {  	[tilespmem:s1+$0x4BF0] =	vst v1  }
0x228: {  	[tilespmem:s1+$0x4BB0] =	vst v1  }
0x229: {  	[tilespmem:s1+$0x4B70] =	vst v1  }
0x22a: {  	[tilespmem:s1+$0x4B30] =	vst v1  }
0x22b: {  	[tilespmem:s1+$0x4AF0] =	vst v1  }
0x22c: {  	[tilespmem:s1+$0x4AB0] =	vst v1  }
0x22d: {  	[tilespmem:s1+$0x4A70] =	vst v1  }
0x22e: {  	[tilespmem:s1+$0x4A00] =	vst v2  }
0x22f: {  	[tilespmem:s1+$0x4A50] =	vst v5  }
0x230: {  	[tilespmem:s1+$0x4A40] =	vst v2  }
0x231: {  	[tilespmem:s1+$0x4A20] =	vst v4  }
0x232: {  	[tilespmem:s1+$0x4A10] =	vst v5  }
0x233: {  	[tilespmem:s1+$0x4DE0] =	vst v4  }
0x234: {  	[tilespmem:s1+$0x4DD0] =	vst v5  }
0x235: {  	[tilespmem:s1+$0x4DC0] =	vst v2  }
0x236: {  	[tilespmem:s1+$0x4DA0] =	vst v4  }
0x237: {  	[tilespmem:s1+$0x4D90] =	vst v5  }
0x238: {  	[tilespmem:s1+$0x4D80] =	vst v2  }
0x239: {  	[tilespmem:s1+$0x4D60] =	vst v4  }
0x23a: {  	[tilespmem:s1+$0x4D50] =	vst v5  }
0x23b: {  	[tilespmem:s1+$0x4D40] =	vst v2  }
0x23c: {  	[tilespmem:s1+$0x4D20] =	vst v4  }
0x23d: {  	[tilespmem:s1+$0x4D10] =	vst v5  }
0x23e: {  	[tilespmem:s1+$0x4D00] =	vst v2  }
0x23f: {  	[tilespmem:s1+$0x4CE0] =	vst v4  }
0x240: {  	[tilespmem:s1+$0x4CD0] =	vst v5  }
0x241: {  	[tilespmem:s1+$0x4CC0] =	vst v2  }
0x242: {  	[tilespmem:s1+$0x4CA0] =	vst v4  }
0x243: {  	[tilespmem:s1+$0x4C90] =	vst v5  }
0x244: {  	[tilespmem:s1+$0x4C80] =	vst v2  }
0x245: {  	[tilespmem:s1+$0x4C60] =	vst v4  }
0x246: {  	[tilespmem:s1+$0x4C50] =	vst v5  }
0x247: {  	[tilespmem:s1+$0x4C40] =	vst v2  }
0x248: {  	[tilespmem:s1+$0x4C20] =	vst v4  }
0x249: {  	[tilespmem:s1+$0x4C10] =	vst v5  }
0x24a: {  	[tilespmem:s1+$0x4C00] =	vst v2  }
0x24b: {  	[tilespmem:s1+$0x4BE0] =	vst v4  }
0x24c: {  	[tilespmem:s1+$0x4BD0] =	vst v5  }
0x24d: {  	[tilespmem:s1+$0x4BC0] =	vst v2  }
0x24e: {  	[tilespmem:s1+$0x4BA0] =	vst v4  }
0x24f: {  	[tilespmem:s1+$0x4B90] =	vst v5  }
0x250: {  	[tilespmem:s1+$0x4B80] =	vst v2  }
0x251: {  	[tilespmem:s1+$0x4B60] =	vst v4  }
0x252: {  	[tilespmem:s1+$0x4B50] =	vst v5  }
0x253: {  	[tilespmem:s1+$0x4B40] =	vst v2  }
0x254: {  	[tilespmem:s1+$0x4B20] =	vst v4  }
0x255: {  	[tilespmem:s1+$0x4B10] =	vst v5  }
0x256: {  	[tilespmem:s1+$0x4B00] =	vst v2  }
0x257: {  	[tilespmem:s1+$0x4AE0] =	vst v4  }
0x258: {  	[tilespmem:s1+$0x4AD0] =	vst v5  }
0x259: {  	[tilespmem:s1+$0x4AC0] =	vst v2  }
0x25a: {  	[tilespmem:s1+$0x4AA0] =	vst v4  }
0x25b: {  	[tilespmem:s1+$0x4A90] =	vst v5  }
0x25c: {  	v3 =	vsub.f32 $0.0e+00, v1;
	[tilespmem:s1+$0x4A80] =	vst v2  }
0x25d: {  	[tilespmem:s1+$0x4A60] =	vst v4  }
0x25e: {  	[tilespmem:s1+$0xCDF0] =	vst v3  }
0x25f: {  	[tilespmem:s1+$0xCA30] =	vst v3  }
0x260: {  	[tilespmem:s1+$0xCDB0] =	vst v3  }
0x261: {  	[tilespmem:s1+$0xCD70] =	vst v3  }
0x262: {  	[tilespmem:s1+$0xCD30] =	vst v3  }
0x263: {  	[tilespmem:s1+$0xCCF0] =	vst v3  }
0x264: {  	[tilespmem:s1+$0xCCB0] =	vst v3  }
0x265: {  	[tilespmem:s1+$0xCC70] =	vst v3  }
0x266: {  	[tilespmem:s1+$0xCC30] =	vst v3  }
0x267: {  	[tilespmem:s1+$0xCBF0] =	vst v3  }
0x268: {  	[tilespmem:s1+$0xCBB0] =	vst v3  }
0x269: {  	[tilespmem:s1+$0xCB70] =	vst v3  }
0x26a: {  	[tilespmem:s1+$0xCB30] =	vst v3  }
0x26b: {  	[tilespmem:s1+$0xCAF0] =	vst v3  }
0x26c: {  	v6 =	vsub.f32 $0.0e+00, v2;
	[tilespmem:s1+$0xCAB0] =	vst v3  }
0x26d: {  	v7 =	vsub.f32 $0.0e+00, v5;
	[tilespmem:s1+$0xCA70] =	vst v3  }
0x26e: {  	[tilespmem:s1+$0xCA40] =	vst v6  }
0x26f: {  	[tilespmem:s1+$0xCA10] =	vst v7  }
0x270: {  	[tilespmem:s1+$0xCA00] =	vst v6  }
0x271: {  	[tilespmem:s1+$0xCDD0] =	vst v7  }
0x272: {  	[tilespmem:s1+$0xCD90] =	vst v7  }
0x273: {  	[tilespmem:s1+$0xCD50] =	vst v7  }
0x274: {  	[tilespmem:s1+$0xCD10] =	vst v7  }
0x275: {  	[tilespmem:s1+$0xCCD0] =	vst v7  }
0x276: {  	[tilespmem:s1+$0xCC90] =	vst v7  }
0x277: {  	[tilespmem:s1+$0xCC50] =	vst v7  }
0x278: {  	[tilespmem:s1+$0xCC10] =	vst v7  }
0x279: {  	[tilespmem:s1+$0xCBD0] =	vst v7  }
0x27a: {  	[tilespmem:s1+$0xCB90] =	vst v7  }
0x27b: {  	[tilespmem:s1+$0xCB50] =	vst v7  }
0x27c: {  	[tilespmem:s1+$0xCB10] =	vst v7  }
0x27d: {  	[tilespmem:s1+$0xCAD0] =	vst v7  }
0x27e: {  	v8 =	vsub.f32 $0.0e+00, v4;
	[tilespmem:s1+$0xCA90] =	vst v7  }
0x27f: {  	[tilespmem:s1+$0xCA50] =	vst v7  }
0x280: {  	[tilespmem:s1+$0xCA20] =	vst v8  }
0x281: {  	[tilespmem:s1+$0xCDC0] =	vst v6  }
0x282: {  	[tilespmem:s1+$0xCD80] =	vst v6  }
0x283: {  	[tilespmem:s1+$0xCD40] =	vst v6  }
0x284: {  	[tilespmem:s1+$0xCD00] =	vst v6  }
0x285: {  	[tilespmem:s1+$0xCCC0] =	vst v6  }
0x286: {  	[tilespmem:s1+$0xCC80] =	vst v6  }
0x287: {  	[tilespmem:s1+$0xCC40] =	vst v6  }
0x288: {  	[tilespmem:s1+$0xCC00] =	vst v6  }
0x289: {  	[tilespmem:s1+$0xCBC0] =	vst v6  }
0x28a: {  	[tilespmem:s1+$0xCB80] =	vst v6  }
0x28b: {  	[tilespmem:s1+$0xCB40] =	vst v6  }
0x28c: {  	[tilespmem:s1+$0xCB00] =	vst v6  }
0x28d: {  	[tilespmem:s1+$0xCAC0] =	vst v6  }
0x28e: {  	[tilespmem:s1+$0xCA80] =	vst v6  }
0x28f: {  	[tilespmem:s1+$0xCDE0] =	vst v8  }
0x290: {  	[tilespmem:s1+$0xCDA0] =	vst v8  }
0x291: {  	[tilespmem:s1+$0xCD60] =	vst v8  }
0x292: {  	[tilespmem:s1+$0xCD20] =	vst v8  }
0x293: {  	[tilespmem:s1+$0xCCE0] =	vst v8  }
0x294: {  	[tilespmem:s1+$0xCCA0] =	vst v8  }
0x295: {  	[tilespmem:s1+$0xCC60] =	vst v8  }
0x296: {  	[tilespmem:s1+$0xCC20] =	vst v8  }
0x297: {  	[tilespmem:s1+$0xCBE0] =	vst v8  }
0x298: {  	[tilespmem:s1+$0xCBA0] =	vst v8  }
0x299: {  	[tilespmem:s1+$0xCB60] =	vst v8  }
0x29a: {  	[tilespmem:s1+$0xCB20] =	vst v8  }
0x29b: {  	[tilespmem:s1+$0xCAE0] =	vst v8  }
0x29c: {  	[tilespmem:s1+$0xCAA0] =	vst v8  }
0x29d: {  	[tilespmem:s1+$0xCA60] =	vst v8  }
0x29e: {  	[tilespmem:s25], [sflag:$0x6] =	stream.indirect.gather.add.f32 [hbm:s4], $0x40, s16, s20, $0xb8;
	[tilespmem:$0x10A00] =	vst v63  }
0x29f: {  	_ = 	snop  }
0x2a0: {  	[tilespmem:s28], [sflag:$0x6] =	stream.indirect.gather.add.f32 [hbm:s4], $0x40, s26, s20, $0xb8;
	[tilespmem:$0x10A00] =	vst v63  }
0x2a1: {  	_ =	swait.ge [sflag:s29], $0x2000  }
0x2a2: {  	[sflag:s29] =	ssyncset.done $0x0  }
0x2a3: {  	[sflag:s29] =	ssyncadd.s32 $0xFFFFE000  }
0x2a4: {  	s0 =	sshll.u32 s13, $0xD;
	p0 =	seq.s32 s13, $0x1F;
	_ =	swait.ge [sflag:s29], $0x2000  }
.Ltmp4:
0x2a5: {  	s0 =	sadd.s32 s8, s0;
	[sflag:s29] =	ssyncset.done $0x0;
	(pc) =	sbr.rel @p0 .LBB2_8-.Ltmp4, $4  }
0x2a6: {  	s17 =	sadd.s32 s2, s0;
	[sflag:s29] =	ssyncadd.s32 $0xFFFFE000  }
0x2a7: {  	[hbm4b:s17+s30] =	stream.strided.scatter [tilespmem:s31], [sflag:$0x7], $0x4000, s20, s30, $0x38;
	[tilespmem:$0x10A00] =	vst v63  }
0x2a8: {  	s0 =	sadd.s32 s0, s11  }
0x2a9: {  	[hbm4b:s0+s30] =	stream.strided.scatter [tilespmem:s21], [sflag:$0x9], $0x4000, s20, s30, $0x38;
	[tilespmem:$0x10A00] =	vst v63  }
0x2aa: {  	s0 =	sadd.s32 $0x2, s14  }
.Ltmp5:
0x2ab: {  	s1 =	sshll.u32 s0, $0x5;
	(pc) =	sbr.rel .LBB2_2-.Ltmp5, $4  }
0x2ac: {  	s0 =	sshll.u32 s0, $0x7;
	s1 =	sadd.s32 s1, s5  }
0x2ad: {  	[tilespmem:s3], [sflag:$0x1] =	stream.linear.gather [hbm4b:s1+s3], $0x100, $0x38;
	[tilespmem:$0x10A00] =	vst v63  }
0x2ae: {  	s13 =	sadd.s32 $0x1, s13;
	s0 =	sadd.s32 s0, s6  }
0x2af: {  	[tilespmem:s15], [sflag:$0x3] =	stream.linear.gather [hbm4b:s0+s3], $0x400, $0x38;
	[tilespmem:$0x10A00] =	vst v63  }
.LBB2_9:
0x2b0: {  	_ =	sfence.sel $0x180000  }
0x2b1: {  	[bflag:$0x0] =	sbarrier.arrive $0xFFFF  }
0x2b2: {  	_ =	strace $0x90000047  }
0x2b3: {  	s0 =	stileid.u32;
	[bflag:$0x2] =	sbarrier.arrive $0xFFFF  }
0x2b4: {  	p0 =	sne.s32 s0, $0x0;
	s0 =	rddreg [dreg:$0x2]  }
0x2b5: {  	s0 =	sadd.s32 @!p0 $0x100000, s0  }
0x2b6: {  	[sflag:s0] =	ssyncadd.tile.s32 @!p0 $0x1;
	_ =	shalt  }
.Lfunc_end2:
_tile_overlayer_lowered:
.L_overlay_start_2:
0x2b7: {  	(tag) =	ssettag $0x2  }
0x2b8: {  	s0 =	rddreg [dreg:$0x0];
	s2 =	stileid.u32  }
0x2b9: {  	s1 =	rddreg [dreg:$0x1];
	p0 =	sne.s32 s2, $0x0  }
0x2ba: {  	s3 =	rddreg [dreg:$0x2];
	[bflag:$0x3] =	sbarrier.arrive $0xFFFF;
	s2 =	simm.s32 @!p0 $0x1C0B  }
0x2bb: {  	[timem:s3], [sflag:s2] =	dma.local @!p0 [hbm:s0], s1  }
0x2bc: {  	s0 =	simm.s32 @!p0 $0xB  }
0x2bd: {  	_ =	swait.ge @!p0 [sflag:s0], s1  }
0x2be: {  	s1 =	ssub.s32 @!p0 $0x0, s1;
	[sflag:s0] =	ssyncset.done @!p0 $0x0  }
0x2bf: {  	[sflag:s0] =	ssyncadd.s32 @!p0 s1  }
0x2c0: {  	[bflag:$0x3] =	sbarrier.arrive $0xFFFF  }
0x2c1: {  	_ =	shalt  }

</sc_bundles>
